<compile_context>
chip_gen: v7x
topology: tpu7x:2x2x1
jax: 0.10.2.dev20260603
libtpu: 0.0.44.dev20260713+nightly
codegen_flags: <defaults>
</compile_context>

<pallas_src>
import functools
import math

import jax
import jax.numpy as jnp
from jax import lax
from jax.experimental import pallas as pl
from jax.experimental.pallas import tpu as pltpu
from jax.experimental.pallas import tpu_sc as plsc

N = 10000
C = 256
K = 16
H = 8
DH = C // H
FF = 512
OUT = 256


_NB_A = 1000


def _proj_body(vf_ref, cp_ref, wqp_ref, bqp_ref, wkp_ref, bkp_ref,
               wq_ref, bq_ref, wk_ref, bk_ref, wv_ref, bv_ref,
               q_ref, kv_ref):
    vf = vf_ref[...]
    cp = cp_ref[...]
    posq = jnp.maximum(
        jnp.dot(cp, wqp_ref[...], preferred_element_type=jnp.float32)
        + bqp_ref[...], 0.0)
    posk = jnp.maximum(
        jnp.dot(cp, wkp_ref[...], preferred_element_type=jnp.float32)
        + bkp_ref[...], 0.0)
    qf = vf + posq
    kf = vf + posk
    q_ref[...] = (jnp.dot(qf, wq_ref[...], preferred_element_type=jnp.float32)
                  + bq_ref[...])
    kmat = (jnp.dot(kf, wk_ref[...], preferred_element_type=jnp.float32)
            + bk_ref[...])
    vmat = (jnp.dot(kf, wv_ref[...], preferred_element_type=jnp.float32)
            + bv_ref[...])

    def bf16_bits(x):
        u = jax.lax.bitcast_convert_type(x, jnp.uint32)
        lsb = (u >> 16) & jnp.uint32(1)
        return (u + jnp.uint32(0x7FFF) + lsb) >> 16

    packed = (bf16_bits(vmat) << 16) | bf16_bits(kmat)
    kv_ref[...] = jax.lax.bitcast_convert_type(packed, jnp.int32)


def _stage_a(vf, cp, wqp, bqp, wkp, bkp, wq, bq, wk, bk, wv, bv):
    nsteps = N // _NB_A

    def full(shape):
        return pl.BlockSpec(shape, lambda i: tuple(0 for _ in shape))

    return pl.pallas_call(
        _proj_body,
        grid=(nsteps,),
        in_specs=[
            pl.BlockSpec((_NB_A, C), lambda i: (i, 0)),
            pl.BlockSpec((_NB_A, 8), lambda i: (i, 0)),
            full((8, C)), full((1, C)),
            full((8, C)), full((1, C)),
            full((C, C)), full((1, C)),
            full((C, C)), full((1, C)),
            full((C, C)), full((1, C)),
        ],
        out_specs=[
            pl.BlockSpec((_NB_A, C), lambda i: (i, 0)),
            pl.BlockSpec((_NB_A, C), lambda i: (i, 0)),
        ],
        out_shape=[
            jax.ShapeDtypeStruct((N, C), jnp.float32),
            jax.ShapeDtypeStruct((N, C), jnp.int32),
        ],
    )(vf, cp, wqp, bqp, wkp, bkp, wq, bq, wk, bk, wv, bv)



_NW = 32


def _sc_gather(table, idx):
    nrows = idx.shape[0]
    rw = nrows // _NW
    ch = max(c for c in range(8, 248, 8) if rw % c == 0)
    nch = rw // ch
    assert rw % 8 == 0
    mesh = plsc.VectorSubcoreMesh(core_axis_name="c", subcore_axis_name="s")

    @functools.partial(
        pl.kernel,
        out_type=jax.ShapeDtypeStruct((nrows, C), jnp.int32),
        mesh=mesh,
        scratch_types=[
            pltpu.VMEM((rw,), jnp.int32),
            pltpu.VMEM((ch, C), jnp.int32),
            pltpu.VMEM((ch, C), jnp.int32),
            pltpu.SemaphoreType.DMA,
            pltpu.SemaphoreType.DMA,
            pltpu.SemaphoreType.DMA,
            pltpu.SemaphoreType.DMA,
        ],
    )
    def gather_kernel(table_hbm, idx_hbm, out_hbm, idx_all, buf0, buf1,
                      gsem0, gsem1, ssem0, ssem1):
        wid = lax.axis_index("s") * 2 + lax.axis_index("c")
        base = wid * rw
        pltpu.sync_copy(idx_hbm.at[pl.ds(base, rw)], idx_all)
        bufs = (buf0, buf1)
        gsems = (gsem0, gsem1)
        ssems = (ssem0, ssem1)
        stores = [None, None]
        for i in range(nch):
            b = i % 2
            if stores[b] is not None:
                stores[b].wait()
            g = pltpu.async_copy(
                table_hbm.at[idx_all.at[pl.ds(i * ch, ch)]],
                bufs[b], gsems[b])
            g.wait()
            stores[b] = pltpu.async_copy(
                bufs[b], out_hbm.at[pl.ds(base + i * ch, ch)], ssems[b])
        stores[0].wait()
        stores[1].wait()

    return gather_kernel(table, idx)



_NB_C = 400


def _attn_body(q_ref, kvg_ref, mask_ref, vf_ref, wo_ref, bo_ref,
               x1_ref, st_ref):
    nb = _NB_C
    q = q_ref[...]
    p = kvg_ref[...]
    kg = jax.lax.bitcast_convert_type(p << 16, jnp.float32)
    vg = jax.lax.bitcast_convert_type(p & jnp.int32(-65536), jnp.float32)
    q3 = jnp.broadcast_to(q[:, None, :], (nb, K, C)).reshape(nb * K, C)
    prod = q3 * kg
    ci = lax.broadcasted_iota(jnp.int32, (C, H), 0)
    hi = lax.broadcasted_iota(jnp.int32, (C, H), 1)
    bmat = ((ci // DH == hi).astype(jnp.float32)
            * jnp.float32(1.0 / math.sqrt(DH)))
    s0 = jnp.dot(prod, bmat, preferred_element_type=jnp.float32)
    s3 = s0.reshape(nb, K, H)
    mask = mask_ref[...]
    s3 = jnp.where(mask[:, :, None] != 0.0, jnp.float32(-86.0), s3)
    e = jnp.exp(s3)
    attn = e / jnp.sum(e, axis=1, keepdims=True)
    hj = lax.broadcasted_iota(jnp.int32, (H, C), 0)
    cj = lax.broadcasted_iota(jnp.int32, (H, C), 1)
    bmat_t = (cj // DH == hj).astype(jnp.float32)
    ae = jnp.dot(attn.reshape(nb * K, H), bmat_t,
                 preferred_element_type=jnp.float32)
    attend = jnp.sum((ae * vg).reshape(nb, K, C), axis=1)
    x1 = (vf_ref[...]
          + jnp.dot(attend, wo_ref[...], preferred_element_type=jnp.float32)
          + bo_ref[...])
    x1_ref[...] = x1

    @pl.when(pl.program_id(0) == 0)
    def _():
        st_ref[...] = jnp.zeros_like(st_ref)

    st_ref[0:1, :] += jnp.sum(x1, axis=0, keepdims=True)
    st_ref[1:2, :] += jnp.sum(x1 * x1, axis=0, keepdims=True)


def _stage_c(q, kvg, maskf, vf, wo, bo, v_start, v_count):
    nsteps = v_count // _NB_C
    b0 = v_start // _NB_C

    def full(shape):
        return pl.BlockSpec(shape, lambda i: tuple(0 for _ in shape))

    return pl.pallas_call(
        _attn_body,
        grid=(nsteps,),
        in_specs=[
            pl.BlockSpec((_NB_C, C), lambda i: (b0 + i, 0)),
            pl.BlockSpec((_NB_C * K, C), lambda i: (i, 0)),
            pl.BlockSpec((_NB_C, K), lambda i: (b0 + i, 0)),
            pl.BlockSpec((_NB_C, C), lambda i: (b0 + i, 0)),
            full((C, C)), full((1, C)),
        ],
        out_specs=[
            pl.BlockSpec((_NB_C, C), lambda i: (i, 0)),
            full((8, C)),
        ],
        out_shape=[
            jax.ShapeDtypeStruct((v_count, C), jnp.float32),
            jax.ShapeDtypeStruct((8, C), jnp.float32),
        ],
    )(q, kvg, maskf, vf, wo, bo)



_NB_D = 1000


def _ffn_body(x1_ref, s1_ref, g1_ref, be1_ref, w1_ref, b1_ref, w2_ref, b2_ref,
              x2_ref, st_ref):
    invn = jnp.float32(1.0 / N)
    mean = s1_ref[0:1, :] * invn
    var = s1_ref[1:2, :] * invn - mean * mean
    inv = lax.rsqrt(var + 1e-5)
    x1n = (x1_ref[...] - mean) * inv * g1_ref[...] + be1_ref[...]
    hmid = jnp.maximum(
        jnp.dot(x1n, w1_ref[...], preferred_element_type=jnp.float32)
        + b1_ref[...], 0.0)
    ff = (jnp.dot(hmid, w2_ref[...], preferred_element_type=jnp.float32)
          + b2_ref[...])
    x2 = x1n + ff
    x2_ref[...] = x2

    @pl.when(pl.program_id(0) == 0)
    def _():
        st_ref[...] = jnp.zeros_like(st_ref)

    st_ref[0:1, :] += jnp.sum(x2, axis=0, keepdims=True)
    st_ref[1:2, :] += jnp.sum(x2 * x2, axis=0, keepdims=True)


def _stage_d(x1, s1, g1, be1, w1, b1, w2, b2):
    nsteps = N // _NB_D

    def full(shape):
        return pl.BlockSpec(shape, lambda i: tuple(0 for _ in shape))

    return pl.pallas_call(
        _ffn_body,
        grid=(nsteps,),
        in_specs=[
            pl.BlockSpec((_NB_D, C), lambda i: (i, 0)),
            full((8, C)), full((1, C)), full((1, C)),
            full((C, FF)), full((1, FF)),
            full((FF, C)), full((1, C)),
        ],
        out_specs=[
            pl.BlockSpec((_NB_D, C), lambda i: (i, 0)),
            full((8, C)),
        ],
        out_shape=[
            jax.ShapeDtypeStruct((N, C), jnp.float32),
            jax.ShapeDtypeStruct((8, C), jnp.float32),
        ],
    )(x1, s1, g1, be1, w1, b1, w2, b2)




def _outproj_body(x2_ref, s2_ref, g2_ref, be2_ref, wout_ref, bout_ref,
                  y_ref, st_ref):
    invn = jnp.float32(1.0 / N)
    mean = s2_ref[0:1, :] * invn
    var = s2_ref[1:2, :] * invn - mean * mean
    inv = lax.rsqrt(var + 1e-5)
    x2n = (x2_ref[...] - mean) * inv * g2_ref[...] + be2_ref[...]
    y = (jnp.dot(x2n, wout_ref[...], preferred_element_type=jnp.float32)
         + bout_ref[...])
    y_ref[...] = y

    @pl.when(pl.program_id(0) == 0)
    def _():
        st_ref[...] = jnp.zeros_like(st_ref)

    st_ref[0:1, :] += jnp.sum(y, axis=0, keepdims=True)
    st_ref[1:2, :] += jnp.sum(y * y, axis=0, keepdims=True)


def _stage_e(x2, s2, g2, be2, wout, bout):
    nsteps = N // _NB_D

    def full(shape):
        return pl.BlockSpec(shape, lambda i: tuple(0 for _ in shape))

    return pl.pallas_call(
        _outproj_body,
        grid=(nsteps,),
        in_specs=[
            pl.BlockSpec((_NB_D, C), lambda i: (i, 0)),
            full((8, C)), full((1, C)), full((1, C)),
            full((C, OUT)), full((1, OUT)),
        ],
        out_specs=[
            pl.BlockSpec((_NB_D, OUT), lambda i: (i, 0)),
            full((8, OUT)),
        ],
        out_shape=[
            jax.ShapeDtypeStruct((N, OUT), jnp.float32),
            jax.ShapeDtypeStruct((8, OUT), jnp.float32),
        ],
    )(x2, s2, g2, be2, wout, bout)




def _final_body(y_ref, s3_ref, gout_ref, beout_ref, out_ref):
    invn = jnp.float32(1.0 / N)
    mean = s3_ref[0:1, :] * invn
    var = s3_ref[1:2, :] * invn - mean * mean
    inv = lax.rsqrt(var + 1e-5)
    yn = (y_ref[...] - mean) * inv * gout_ref[...] + beout_ref[...]
    out_ref[...] = jnp.maximum(yn, 0.0)


def _stage_f(y, s3, gout, beout):
    nsteps = N // _NB_D

    def full(shape):
        return pl.BlockSpec(shape, lambda i: tuple(0 for _ in shape))

    return pl.pallas_call(
        _final_body,
        grid=(nsteps,),
        in_specs=[
            pl.BlockSpec((_NB_D, OUT), lambda i: (i, 0)),
            full((8, OUT)), full((1, OUT)), full((1, OUT)),
        ],
        out_specs=pl.BlockSpec((_NB_D, OUT), lambda i: (i, 0)),
        out_shape=jax.ShapeDtypeStruct((N, OUT), jnp.float32),
    )(y, s3, gout, beout)




def kernel(voxel_features, voxel_coords, key_indices, key_mask, Wq, bq, Wk, bk,
           Wv, bv, Wo, bo, W1, b1, W2, b2, Wqp, bqp, Wkp, bkp, Wout, bout,
           g1, be1, g2, be2, gout, beout):
    cp = jnp.pad(voxel_coords, ((0, 0), (0, 5)))
    wqp = jnp.pad(Wqp, ((0, 5), (0, 0)))
    wkp = jnp.pad(Wkp, ((0, 5), (0, 0)))
    r = lambda b: b.reshape(1, -1)

    q, kv = _stage_a(voxel_features, cp, wqp, r(bqp), wkp, r(bkp),
                     Wq, r(bq), Wk, r(bk), Wv, r(bv))
    idx = key_indices.reshape(-1).astype(jnp.int32)
    splits = [(0, N)]
    kvgs = [_sc_gather(kv, idx[s * K:(s + c) * K]) for s, c in splits]
    maskf = key_mask.astype(jnp.float32)
    parts = [_stage_c(q, kvg, maskf, voxel_features, Wo, r(bo), s, c)
             for kvg, (s, c) in zip(kvgs, splits)]
    x1 = (parts[0][0] if len(parts) == 1
          else jnp.concatenate([p[0] for p in parts], axis=0))
    s1 = parts[0][1]
    for p in parts[1:]:
        s1 = s1 + p[1]
    x2, s2 = _stage_d(x1, s1, g1.reshape(1, -1), be1.reshape(1, -1),
                      W1, r(b1), W2, r(b2))
    y, s3 = _stage_e(x2, s2, g2.reshape(1, -1), be2.reshape(1, -1),
                     Wout, r(bout))
    return _stage_f(y, s3, gout.reshape(1, -1), beout.reshape(1, -1))

# --- scband reference (transcript-rebuilt; emitter-appended) ---
"""Pipeline reference for scband-dada3d-58128087384154 (READ-ONLY COPY).

The authoritative reference and input builder live on the scoring server;
editing this copy changes nothing except your own understanding.
"""

import jax, jax.numpy as jnp
import numpy as np

C = 256
FF = 512
H = 8
OUT = 256
N = 10000
K = 16


def _bn(x, g, b):
    mu = jnp.mean(x, axis=0, keepdims=True)
    var = jnp.var(x, axis=0, keepdims=True)
    return (x - mu) / jnp.sqrt(var + 1e-5) * g + b


def setup_inputs(seed: int = 0):
    key = jax.random.key(seed)
    ks = jax.random.split(key, 20)
    s = 0.02
    inp = {}
    inp["voxel_features"] = jax.random.normal(ks[0], (N, C), dtype=jnp.float32)
    inp["voxel_coords"] = jax.random.uniform(ks[1], (N, 3), dtype=jnp.float32) * 70.0
    inp["key_indices"] = jax.random.randint(ks[2], (N, K), 0, N)
    inp["key_mask"] = jax.random.randint(ks[3], (N, K), 0, 2).astype(bool)
    inp["Wq"] = jax.random.normal(ks[4], (C, C), dtype=jnp.float32) * s
    inp["bq"] = jnp.zeros((C,), jnp.float32)
    inp["Wk"] = jax.random.normal(ks[5], (C, C), dtype=jnp.float32) * s
    inp["bk"] = jnp.zeros((C,), jnp.float32)
    inp["Wv"] = jax.random.normal(ks[6], (C, C), dtype=jnp.float32) * s
    inp["bv"] = jnp.zeros((C,), jnp.float32)
    inp["Wo"] = jax.random.normal(ks[7], (C, C), dtype=jnp.float32) * s
    inp["bo"] = jnp.zeros((C,), jnp.float32)
    inp["W1"] = jax.random.normal(ks[8], (C, FF), dtype=jnp.float32) * s
    inp["b1"] = jnp.zeros((FF,), jnp.float32)
    inp["W2"] = jax.random.normal(ks[9], (FF, C), dtype=jnp.float32) * s
    inp["b2"] = jnp.zeros((C,), jnp.float32)
    inp["Wqp"] = jax.random.normal(ks[10], (3, C), dtype=jnp.float32) * s
    inp["bqp"] = jnp.zeros((C,), jnp.float32)
    inp["Wkp"] = jax.random.normal(ks[11], (3, C), dtype=jnp.float32) * s
    inp["bkp"] = jnp.zeros((C,), jnp.float32)
    inp["Wout"] = jax.random.normal(ks[12], (C, OUT), dtype=jnp.float32) * s
    inp["bout"] = jnp.zeros((OUT,), jnp.float32)
    inp["g1"] = jnp.ones((C,), jnp.float32)
    inp["be1"] = jnp.zeros((C,), jnp.float32)
    inp["g2"] = jnp.ones((C,), jnp.float32)
    inp["be2"] = jnp.zeros((C,), jnp.float32)
    inp["gout"] = jnp.ones((OUT,), jnp.float32)
    inp["beout"] = jnp.zeros((OUT,), jnp.float32)
    return inp


def reference(voxel_features, voxel_coords, key_indices, key_mask, Wq, bq, Wk, bk, Wv, bv, Wo, bo, W1, b1, W2, b2, Wqp, bqp, Wkp, bkp, Wout, bout, g1, be1, g2, be2, gout, beout):
    dh = C // H
    # grouping_operation(voxel_features, v_bs_cnt, key_indices, k_bs_cnt) -> gather
    key_feats = jnp.take(voxel_features, key_indices, axis=0)      # [N, K, C]
    key_coords = jnp.take(voxel_coords, key_indices, axis=0)       # [N, K, 3]
    # k_pos_proj: Conv1d(3, C, 1) + ReLU == pointwise linear over coord dim
    key_feats = key_feats + jax.nn.relu(key_coords @ Wkp + bkp)
    # q_pos_proj: Linear(3, C) + ReLU
    q_feats = voxel_features + jax.nn.relu(voxel_coords @ Wqp + bqp)
    q = (q_feats @ Wq + bq).reshape(N, H, dh)
    k = (key_feats @ Wk + bk).reshape(N, K, H, dh)
    v = (key_feats @ Wv + bv).reshape(N, K, H, dh)
    scores = jnp.einsum("nhd,nkhd->nhk", q, k) / jnp.sqrt(jnp.float32(dh))
    scores = jnp.where(key_mask[:, None, :], jnp.float32(-1e9), scores)
    attn = jax.nn.softmax(scores, axis=-1)
    attend = jnp.einsum("nhk,nkhd->nhd", attn, v).reshape(N, C) @ Wo + bo
    x = voxel_features + attend          # residual (dropout is identity at p applied in eval/0.0)
    x = _bn(x, g1, be1)                  # norm1 (BatchNorm1d, batch stats)
    ff = jax.nn.relu(x @ W1 + b1) @ W2 + b2
    x = _bn(x + ff, g2, be2)             # norm2
    out = jax.nn.relu(_bn(x @ Wout + bout, gout, beout))  # output_layer: Linear+BN+ReLU
    return out

if __name__ == "__main__":
    import jax
    _d = setup_inputs()
    print(jax.jit(kernel)(*tuple(_d.values())))

</pallas_src>

<mosaic_0001>
#map = affine_map<(d0, d1) -> (0, 0)>
#map1 = affine_map<(d0, d1) -> (0)>
module attributes {stable_mosaic.version = 14 : i64} {
  func.func @gather_kernel(%arg0: i32, %arg1: i32, %arg2: memref<10000x256xi32, #tpu.memory_space<hbm>>, %arg3: memref<160000xi32, #tpu.memory_space<hbm>>, %arg4: memref<160000x256xi32, #tpu.memory_space<hbm>>, %arg5: memref<5000xi32, #tpu.memory_space<vmem>>, %arg6: memref<200x256xi32, #tpu.memory_space<vmem>>, %arg7: memref<200x256xi32, #tpu.memory_space<vmem>>, %arg8: memref<!tpu.dma_semaphore, #tpu.memory_space<semaphore_mem>>, %arg9: memref<!tpu.dma_semaphore, #tpu.memory_space<semaphore_mem>>, %arg10: memref<!tpu.dma_semaphore, #tpu.memory_space<semaphore_mem>>, %arg11: memref<!tpu.dma_semaphore, #tpu.memory_space<semaphore_mem>>) attributes {dimension_semantics = [#tpu.dimension_semantics<core_parallel>, #tpu.dimension_semantics<subcore_parallel>], iteration_bounds = array<i64: 2, 16>, scalar_prefetch = 0 : i64, scratch_operands = 7 : i64, tpu.core_type = #tpu.core_type<sc_vector_subcore>, window_params = [{transform_indices = #map}, {transform_indices = #map1}, {transform_indices = #map}]} {
    %mul3A = arith.constant 2 : i32
    %mul3A_0 = arith.muli %arg1, %mul3A : i32
    %add3A = arith.addi %mul3A_0, %arg0 : i32
    %mul3A_1 = arith.constant 5000 : i32
    %mul3A_2 = arith.muli %add3A, %mul3A_1 : i32
    "tpu.region"() ({
      %run_scoped3A = tpu.sem_alloc : memref<!tpu.dma_semaphore, #tpu.memory_space<semaphore_mem>>
      %dma_start3A_501 = tpu.memref_slice %arg3[%mul3A_2] : memref<160000xi32, #tpu.memory_space<hbm>> -> memref<5000xi32, #tpu.memory_space<hbm>>
      %dma_start3A_502 = tpu.memref_slice %arg3[%mul3A_2] : memref<160000xi32, #tpu.memory_space<hbm>> -> memref<5000xi32, #tpu.memory_space<hbm>>
      tpu.enqueue_dma source(%dma_start3A_502 : memref<5000xi32, #tpu.memory_space<hbm>>) target(%arg5 : memref<5000xi32, #tpu.memory_space<vmem>>) target_semaphore(%run_scoped3A : memref<!tpu.dma_semaphore, #tpu.memory_space<semaphore_mem>>)
      %dma_wait3A_503 = tpu.memref_slice %arg3[%mul3A_2] : memref<160000xi32, #tpu.memory_space<hbm>> -> memref<5000xi32, #tpu.memory_space<hbm>>
      %dma_wait3A_504 = tpu.memref_slice %arg3[%mul3A_2] : memref<160000xi32, #tpu.memory_space<hbm>> -> memref<5000xi32, #tpu.memory_space<hbm>>
      tpu.wait_dma2 semaphore(%run_scoped3A : memref<!tpu.dma_semaphore, #tpu.memory_space<semaphore_mem>>) src(%dma_wait3A_504 : memref<5000xi32, #tpu.memory_space<hbm>>) dst(%arg5 : memref<5000xi32, #tpu.memory_space<vmem>>)
      tpu.yield
    }) : () -> ()
    %dma_start3A = arith.constant 0 : i32
    %dma_start3A_3 = tpu.memref_slice %arg5[%dma_start3A] : memref<5000xi32, #tpu.memory_space<vmem>> -> memref<200xi32, #tpu.memory_space<vmem>>
    %dma_start3A_4 = arith.constant 0 : i32
    %dma_start3A_5 = arith.constant 0 : i32
    %dma_start3A_6 = tpu.memref_slice %arg2[%dma_start3A_4, %dma_start3A_5] : memref<10000x256xi32, #tpu.memory_space<hbm>> -> memref<10000x256xi32, #tpu.memory_space<hbm>>
    tpu.enqueue_indirect_dma source(%dma_start3A_6 : memref<10000x256xi32, #tpu.memory_space<hbm>>) target(%arg6 : memref<200x256xi32, #tpu.memory_space<vmem>>) offsets(%dma_start3A_3 : memref<200xi32, #tpu.memory_space<vmem>>) semaphore(%arg8 : memref<!tpu.dma_semaphore, #tpu.memory_space<semaphore_mem>>)
    %dma_wait3A = arith.constant 0 : i32
    %dma_wait3A_7 = tpu.memref_slice %arg5[%dma_wait3A] : memref<5000xi32, #tpu.memory_space<vmem>> -> memref<200xi32, #tpu.memory_space<vmem>>
    %dma_wait3A_8 = arith.constant 0 : i32
    %dma_wait3A_9 = arith.constant 0 : i32
    %dma_wait3A_10 = tpu.memref_slice %arg2[%dma_wait3A_8, %dma_wait3A_9] : memref<10000x256xi32, #tpu.memory_space<hbm>> -> memref<10000x256xi32, #tpu.memory_space<hbm>>
    tpu.wait_indirect_dma semaphore(%arg8 : memref<!tpu.dma_semaphore, #tpu.memory_space<semaphore_mem>>) src(%dma_wait3A_10 : memref<10000x256xi32, #tpu.memory_space<hbm>>) dst(%arg6 : memref<200x256xi32, #tpu.memory_space<vmem>>)
    %add3A_11 = arith.constant 0 : i32
    %add3A_12 = arith.addi %mul3A_2, %add3A_11 : i32
    %dma_start3A_13 = arith.constant 0 : i32
    %dma_start3A_14 = tpu.memref_slice %arg4[%add3A_12, %dma_start3A_13] : memref<160000x256xi32, #tpu.memory_space<hbm>> -> memref<200x256xi32, #tpu.memory_space<hbm>>
    %dma_start3A_15 = arith.constant 0 : i32
    %dma_start3A_16 = tpu.memref_slice %arg4[%add3A_12, %dma_start3A_15] : memref<160000x256xi32, #tpu.memory_space<hbm>> -> memref<200x256xi32, #tpu.memory_space<hbm>>
    tpu.enqueue_dma source(%arg6 : memref<200x256xi32, #tpu.memory_space<vmem>>) target(%dma_start3A_16 : memref<200x256xi32, #tpu.memory_space<hbm>>) target_semaphore(%arg10 : memref<!tpu.dma_semaphore, #tpu.memory_space<semaphore_mem>>)
    %dma_start3A_17 = arith.constant 200 : i32
    %dma_start3A_18 = tpu.memref_slice %arg5[%dma_start3A_17] : memref<5000xi32, #tpu.memory_space<vmem>> -> memref<200xi32, #tpu.memory_space<vmem>>
    %dma_start3A_19 = arith.constant 0 : i32
    %dma_start3A_20 = arith.constant 0 : i32
    %dma_start3A_21 = tpu.memref_slice %arg2[%dma_start3A_19, %dma_start3A_20] : memref<10000x256xi32, #tpu.memory_space<hbm>> -> memref<10000x256xi32, #tpu.memory_space<hbm>>
    tpu.enqueue_indirect_dma source(%dma_start3A_21 : memref<10000x256xi32, #tpu.memory_space<hbm>>) target(%arg7 : memref<200x256xi32, #tpu.memory_space<vmem>>) offsets(%dma_start3A_18 : memref<200xi32, #tpu.memory_space<vmem>>) semaphore(%arg9 : memref<!tpu.dma_semaphore, #tpu.memory_space<semaphore_mem>>)
    %dma_wait3A_22 = arith.constant 200 : i32
    %dma_wait3A_23 = tpu.memref_slice %arg5[%dma_wait3A_22] : memref<5000xi32, #tpu.memory_space<vmem>> -> memref<200xi32, #tpu.memory_space<vmem>>
    %dma_wait3A_24 = arith.constant 0 : i32
    %dma_wait3A_25 = arith.constant 0 : i32
    %dma_wait3A_26 = tpu.memref_slice %arg2[%dma_wait3A_24, %dma_wait3A_25] : memref<10000x256xi32, #tpu.memory_space<hbm>> -> memref<10000x256xi32, #tpu.memory_space<hbm>>
    tpu.wait_indirect_dma semaphore(%arg9 : memref<!tpu.dma_semaphore, #tpu.memory_space<semaphore_mem>>) src(%dma_wait3A_26 : memref<10000x256xi32, #tpu.memory_space<hbm>>) dst(%arg7 : memref<200x256xi32, #tpu.memory_space<vmem>>)
    %add3A_27 = arith.constant 200 : i32
    %add3A_28 = arith.addi %mul3A_2, %add3A_27 : i32
    %dma_start3A_29 = arith.constant 0 : i32
    %dma_start3A_30 = tpu.memref_slice %arg4[%add3A_28, %dma_start3A_29] : memref<160000x256xi32, #tpu.memory_space<hbm>> -> memref<200x256xi32, #tpu.memory_space<hbm>>
    %dma_start3A_31 = arith.constant 0 : i32
    %dma_start3A_32 = tpu.memref_slice %arg4[%add3A_28, %dma_start3A_31] : memref<160000x256xi32, #tpu.memory_space<hbm>> -> memref<200x256xi32, #tpu.memory_space<hbm>>
    tpu.enqueue_dma source(%arg7 : memref<200x256xi32, #tpu.memory_space<vmem>>) target(%dma_start3A_32 : memref<200x256xi32, #tpu.memory_space<hbm>>) target_semaphore(%arg11 : memref<!tpu.dma_semaphore, #tpu.memory_space<semaphore_mem>>)
    %dma_wait3A_33 = arith.constant 0 : i32
    %dma_wait3A_34 = tpu.memref_slice %arg4[%add3A_12, %dma_wait3A_33] : memref<160000x256xi32, #tpu.memory_space<hbm>> -> memref<200x256xi32, #tpu.memory_space<hbm>>
    %dma_wait3A_35 = arith.constant 0 : i32
    %dma_wait3A_36 = tpu.memref_slice %arg4[%add3A_12, %dma_wait3A_35] : memref<160000x256xi32, #tpu.memory_space<hbm>> -> memref<200x256xi32, #tpu.memory_space<hbm>>
    tpu.wait_dma2 semaphore(%arg10 : memref<!tpu.dma_semaphore, #tpu.memory_space<semaphore_mem>>) src(%arg6 : memref<200x256xi32, #tpu.memory_space<vmem>>) dst(%dma_wait3A_36 : memref<200x256xi32, #tpu.memory_space<hbm>>)
    %dma_start3A_37 = arith.constant 400 : i32
    %dma_start3A_38 = tpu.memref_slice %arg5[%dma_start3A_37] : memref<5000xi32, #tpu.memory_space<vmem>> -> memref<200xi32, #tpu.memory_space<vmem>>
    %dma_start3A_39 = arith.constant 0 : i32
    %dma_start3A_40 = arith.constant 0 : i32
    %dma_start3A_41 = tpu.memref_slice %arg2[%dma_start3A_39, %dma_start3A_40] : memref<10000x256xi32, #tpu.memory_space<hbm>> -> memref<10000x256xi32, #tpu.memory_space<hbm>>
    tpu.enqueue_indirect_dma source(%dma_start3A_41 : memref<10000x256xi32, #tpu.memory_space<hbm>>) target(%arg6 : memref<200x256xi32, #tpu.memory_space<vmem>>) offsets(%dma_start3A_38 : memref<200xi32, #tpu.memory_space<vmem>>) semaphore(%arg8 : memref<!tpu.dma_semaphore, #tpu.memory_space<semaphore_mem>>)
    %dma_wait3A_42 = arith.constant 400 : i32
    %dma_wait3A_43 = tpu.memref_slice %arg5[%dma_wait3A_42] : memref<5000xi32, #tpu.memory_space<vmem>> -> memref<200xi32, #tpu.memory_space<vmem>>
    %dma_wait3A_44 = arith.constant 0 : i32
    %dma_wait3A_45 = arith.constant 0 : i32
    %dma_wait3A_46 = tpu.memref_slice %arg2[%dma_wait3A_44, %dma_wait3A_45] : memref<10000x256xi32, #tpu.memory_space<hbm>> -> memref<10000x256xi32, #tpu.memory_space<hbm>>
    tpu.wait_indirect_dma semaphore(%arg8 : memref<!tpu.dma_semaphore, #tpu.memory_space<semaphore_mem>>) src(%dma_wait3A_46 : memref<10000x256xi32, #tpu.memory_space<hbm>>) dst(%arg6 : memref<200x256xi32, #tpu.memory_space<vmem>>)
    %add3A_47 = arith.constant 400 : i32
    %add3A_48 = arith.addi %mul3A_2, %add3A_47 : i32
    %dma_start3A_49 = arith.constant 0 : i32
    %dma_start3A_50 = tpu.memref_slice %arg4[%add3A_48, %dma_start3A_49] : memref<160000x256xi32, #tpu.memory_space<hbm>> -> memref<200x256xi32, #tpu.memory_space<hbm>>
    %dma_start3A_51 = arith.constant 0 : i32
    %dma_start3A_52 = tpu.memref_slice %arg4[%add3A_48, %dma_start3A_51] : memref<160000x256xi32, #tpu.memory_space<hbm>> -> memref<200x256xi32, #tpu.memory_space<hbm>>
    tpu.enqueue_dma source(%arg6 : memref<200x256xi32, #tpu.memory_space<vmem>>) target(%dma_start3A_52 : memref<200x256xi32, #tpu.memory_space<hbm>>) target_semaphore(%arg10 : memref<!tpu.dma_semaphore, #tpu.memory_space<semaphore_mem>>)
    %dma_wait3A_53 = arith.constant 0 : i32
    %dma_wait3A_54 = tpu.memref_slice %arg4[%add3A_28, %dma_wait3A_53] : memref<160000x256xi32, #tpu.memory_space<hbm>> -> memref<200x256xi32, #tpu.memory_space<hbm>>
    %dma_wait3A_55 = arith.constant 0 : i32
    %dma_wait3A_56 = tpu.memref_slice %arg4[%add3A_28, %dma_wait3A_55] : memref<160000x256xi32, #tpu.memory_space<hbm>> -> memref<200x256xi32, #tpu.memory_space<hbm>>
    tpu.wait_dma2 semaphore(%arg11 : memref<!tpu.dma_semaphore, #tpu.memory_space<semaphore_mem>>) src(%arg7 : memref<200x256xi32, #tpu.memory_space<vmem>>) dst(%dma_wait3A_56 : memref<200x256xi32, #tpu.memory_space<hbm>>)
    %dma_start3A_57 = arith.constant 600 : i32
    %dma_start3A_58 = tpu.memref_slice %arg5[%dma_start3A_57] : memref<5000xi32, #tpu.memory_space<vmem>> -> memref<200xi32, #tpu.memory_space<vmem>>
    %dma_start3A_59 = arith.constant 0 : i32
    %dma_start3A_60 = arith.constant 0 : i32
    %dma_start3A_61 = tpu.memref_slice %arg2[%dma_start3A_59, %dma_start3A_60] : memref<10000x256xi32, #tpu.memory_space<hbm>> -> memref<10000x256xi32, #tpu.memory_space<hbm>>
    tpu.enqueue_indirect_dma source(%dma_start3A_61 : memref<10000x256xi32, #tpu.memory_space<hbm>>) target(%arg7 : memref<200x256xi32, #tpu.memory_space<vmem>>) offsets(%dma_start3A_58 : memref<200xi32, #tpu.memory_space<vmem>>) semaphore(%arg9 : memref<!tpu.dma_semaphore, #tpu.memory_space<semaphore_mem>>)
    %dma_wait3A_62 = arith.constant 600 : i32
    %dma_wait3A_63 = tpu.memref_slice %arg5[%dma_wait3A_62] : memref<5000xi32, #tpu.memory_space<vmem>> -> memref<200xi32, #tpu.memory_space<vmem>>
    %dma_wait3A_64 = arith.constant 0 : i32
    %dma_wait3A_65 = arith.constant 0 : i32
    %dma_wait3A_66 = tpu.memref_slice %arg2[%dma_wait3A_64, %dma_wait3A_65] : memref<10000x256xi32, #tpu.memory_space<hbm>> -> memref<10000x256xi32, #tpu.memory_space<hbm>>
    tpu.wait_indirect_dma semaphore(%arg9 : memref<!tpu.dma_semaphore, #tpu.memory_space<semaphore_mem>>) src(%dma_wait3A_66 : memref<10000x256xi32, #tpu.memory_space<hbm>>) dst(%arg7 : memref<200x256xi32, #tpu.memory_space<vmem>>)
    %add3A_67 = arith.constant 600 : i32
    %add3A_68 = arith.addi %mul3A_2, %add3A_67 : i32
    %dma_start3A_69 = arith.constant 0 : i32
    %dma_start3A_70 = tpu.memref_slice %arg4[%add3A_68, %dma_start3A_69] : memref<160000x256xi32, #tpu.memory_space<hbm>> -> memref<200x256xi32, #tpu.memory_space<hbm>>
    %dma_start3A_71 = arith.constant 0 : i32
    %dma_start3A_72 = tpu.memref_slice %arg4[%add3A_68, %dma_start3A_71] : memref<160000x256xi32, #tpu.memory_space<hbm>> -> memref<200x256xi32, #tpu.memory_space<hbm>>
    tpu.enqueue_dma source(%arg7 : memref<200x256xi32, #tpu.memory_space<vmem>>) target(%dma_start3A_72 : memref<200x256xi32, #tpu.memory_space<hbm>>) target_semaphore(%arg11 : memref<!tpu.dma_semaphore, #tpu.memory_space<semaphore_mem>>)
    %dma_wait3A_73 = arith.constant 0 : i32
    %dma_wait3A_74 = tpu.memref_slice %arg4[%add3A_48, %dma_wait3A_73] : memref<160000x256xi32, #tpu.memory_space<hbm>> -> memref<200x256xi32, #tpu.memory_space<hbm>>
    %dma_wait3A_75 = arith.constant 0 : i32
    %dma_wait3A_76 = tpu.memref_slice %arg4[%add3A_48, %dma_wait3A_75] : memref<160000x256xi32, #tpu.memory_space<hbm>> -> memref<200x256xi32, #tpu.memory_space<hbm>>
    tpu.wait_dma2 semaphore(%arg10 : memref<!tpu.dma_semaphore, #tpu.memory_space<semaphore_mem>>) src(%arg6 : memref<200x256xi32, #tpu.memory_space<vmem>>) dst(%dma_wait3A_76 : memref<200x256xi32, #tpu.memory_space<hbm>>)
    %dma_start3A_77 = arith.constant 800 : i32
    %dma_start3A_78 = tpu.memref_slice %arg5[%dma_start3A_77] : memref<5000xi32, #tpu.memory_space<vmem>> -> memref<200xi32, #tpu.memory_space<vmem>>
    %dma_start3A_79 = arith.constant 0 : i32
    %dma_start3A_80 = arith.constant 0 : i32
    %dma_start3A_81 = tpu.memref_slice %arg2[%dma_start3A_79, %dma_start3A_80] : memref<10000x256xi32, #tpu.memory_space<hbm>> -> memref<10000x256xi32, #tpu.memory_space<hbm>>
    tpu.enqueue_indirect_dma source(%dma_start3A_81 : memref<10000x256xi32, #tpu.memory_space<hbm>>) target(%arg6 : memref<200x256xi32, #tpu.memory_space<vmem>>) offsets(%dma_start3A_78 : memref<200xi32, #tpu.memory_space<vmem>>) semaphore(%arg8 : memref<!tpu.dma_semaphore, #tpu.memory_space<semaphore_mem>>)
    %dma_wait3A_82 = arith.constant 800 : i32
    %dma_wait3A_83 = tpu.memref_slice %arg5[%dma_wait3A_82] : memref<5000xi32, #tpu.memory_space<vmem>> -> memref<200xi32, #tpu.memory_space<vmem>>
    %dma_wait3A_84 = arith.constant 0 : i32
    %dma_wait3A_85 = arith.constant 0 : i32
    %dma_wait3A_86 = tpu.memref_slice %arg2[%dma_wait3A_84, %dma_wait3A_85] : memref<10000x256xi32, #tpu.memory_space<hbm>> -> memref<10000x256xi32, #tpu.memory_space<hbm>>
    tpu.wait_indirect_dma semaphore(%arg8 : memref<!tpu.dma_semaphore, #tpu.memory_space<semaphore_mem>>) src(%dma_wait3A_86 : memref<10000x256xi32, #tpu.memory_space<hbm>>) dst(%arg6 : memref<200x256xi32, #tpu.memory_space<vmem>>)
    %add3A_87 = arith.constant 800 : i32
    %add3A_88 = arith.addi %mul3A_2, %add3A_87 : i32
    %dma_start3A_89 = arith.constant 0 : i32
    %dma_start3A_90 = tpu.memref_slice %arg4[%add3A_88, %dma_start3A_89] : memref<160000x256xi32, #tpu.memory_space<hbm>> -> memref<200x256xi32, #tpu.memory_space<hbm>>
    %dma_start3A_91 = arith.constant 0 : i32
    %dma_start3A_92 = tpu.memref_slice %arg4[%add3A_88, %dma_start3A_91] : memref<160000x256xi32, #tpu.memory_space<hbm>> -> memref<200x256xi32, #tpu.memory_space<hbm>>
    tpu.enqueue_dma source(%arg6 : memref<200x256xi32, #tpu.memory_space<vmem>>) target(%dma_start3A_92 : memref<200x256xi32, #tpu.memory_space<hbm>>) target_semaphore(%arg10 : memref<!tpu.dma_semaphore, #tpu.memory_space<semaphore_mem>>)
    %dma_wait3A_93 = arith.constant 0 : i32
    %dma_wait3A_94 = tpu.memref_slice %arg4[%add3A_68, %dma_wait3A_93] : memref<160000x256xi32, #tpu.memory_space<hbm>> -> memref<200x256xi32, #tpu.memory_space<hbm>>
    %dma_wait3A_95 = arith.constant 0 : i32
    %dma_wait3A_96 = tpu.memref_slice %arg4[%add3A_68, %dma_wait3A_95] : memref<160000x256xi32, #tpu.memory_space<hbm>> -> memref<200x256xi32, #tpu.memory_space<hbm>>
    tpu.wait_dma2 semaphore(%arg11 : memref<!tpu.dma_semaphore, #tpu.memory_space<semaphore_mem>>) src(%arg7 : memref<200x256xi32, #tpu.memory_space<vmem>>) dst(%dma_wait3A_96 : memref<200x256xi32, #tpu.memory_space<hbm>>)
    %dma_start3A_97 = arith.constant 1000 : i32
    %dma_start3A_98 = tpu.memref_slice %arg5[%dma_start3A_97] : memref<5000xi32, #tpu.memory_space<vmem>> -> memref<200xi32, #tpu.memory_space<vmem>>
    %dma_start3A_99 = arith.constant 0 : i32
    %dma_start3A_100 = arith.constant 0 : i32
    %dma_start3A_101 = tpu.memref_slice %arg2[%dma_start3A_99, %dma_start3A_100] : memref<10000x256xi32, #tpu.memory_space<hbm>> -> memref<10000x256xi32, #tpu.memory_space<hbm>>
    tpu.enqueue_indirect_dma source(%dma_start3A_101 : memref<10000x256xi32, #tpu.memory_space<hbm>>) target(%arg7 : memref<200x256xi32, #tpu.memory_space<vmem>>) offsets(%dma_start3A_98 : memref<200xi32, #tpu.memory_space<vmem>>) semaphore(%arg9 : memref<!tpu.dma_semaphore, #tpu.memory_space<semaphore_mem>>)
    %dma_wait3A_102 = arith.constant 1000 : i32
    %dma_wait3A_103 = tpu.memref_slice %arg5[%dma_wait3A_102] : memref<5000xi32, #tpu.memory_space<vmem>> -> memref<200xi32, #tpu.memory_space<vmem>>
    %dma_wait3A_104 = arith.constant 0 : i32
    %dma_wait3A_105 = arith.constant 0 : i32
    %dma_wait3A_106 = tpu.memref_slice %arg2[%dma_wait3A_104, %dma_wait3A_105] : memref<10000x256xi32, #tpu.memory_space<hbm>> -> memref<10000x256xi32, #tpu.memory_space<hbm>>
    tpu.wait_indirect_dma semaphore(%arg9 : memref<!tpu.dma_semaphore, #tpu.memory_space<semaphore_mem>>) src(%dma_wait3A_106 : memref<10000x256xi32, #tpu.memory_space<hbm>>) dst(%arg7 : memref<200x256xi32, #tpu.memory_space<vmem>>)
    %add3A_107 = arith.constant 1000 : i32
    %add3A_108 = arith.addi %mul3A_2, %add3A_107 : i32
    %dma_start3A_109 = arith.constant 0 : i32
    %dma_start3A_110 = tpu.memref_slice %arg4[%add3A_108, %dma_start3A_109] : memref<160000x256xi32, #tpu.memory_space<hbm>> -> memref<200x256xi32, #tpu.memory_space<hbm>>
    %dma_start3A_111 = arith.constant 0 : i32
    %dma_start3A_112 = tpu.memref_slice %arg4[%add3A_108, %dma_start3A_111] : memref<160000x256xi32, #tpu.memory_space<hbm>> -> memref<200x256xi32, #tpu.memory_space<hbm>>
    tpu.enqueue_dma source(%arg7 : memref<200x256xi32, #tpu.memory_space<vmem>>) target(%dma_start3A_112 : memref<200x256xi32, #tpu.memory_space<hbm>>) target_semaphore(%arg11 : memref<!tpu.dma_semaphore, #tpu.memory_space<semaphore_mem>>)
    %dma_wait3A_113 = arith.constant 0 : i32
    %dma_wait3A_114 = tpu.memref_slice %arg4[%add3A_88, %dma_wait3A_113] : memref<160000x256xi32, #tpu.memory_space<hbm>> -> memref<200x256xi32, #tpu.memory_space<hbm>>
    %dma_wait3A_115 = arith.constant 0 : i32
    %dma_wait3A_116 = tpu.memref_slice %arg4[%add3A_88, %dma_wait3A_115] : memref<160000x256xi32, #tpu.memory_space<hbm>> -> memref<200x256xi32, #tpu.memory_space<hbm>>
    tpu.wait_dma2 semaphore(%arg10 : memref<!tpu.dma_semaphore, #tpu.memory_space<semaphore_mem>>) src(%arg6 : memref<200x256xi32, #tpu.memory_space<vmem>>) dst(%dma_wait3A_116 : memref<200x256xi32, #tpu.memory_space<hbm>>)
    %dma_start3A_117 = arith.constant 1200 : i32
    %dma_start3A_118 = tpu.memref_slice %arg5[%dma_start3A_117] : memref<5000xi32, #tpu.memory_space<vmem>> -> memref<200xi32, #tpu.memory_space<vmem>>
    %dma_start3A_119 = arith.constant 0 : i32
    %dma_start3A_120 = arith.constant 0 : i32
    %dma_start3A_121 = tpu.memref_slice %arg2[%dma_start3A_119, %dma_start3A_120] : memref<10000x256xi32, #tpu.memory_space<hbm>> -> memref<10000x256xi32, #tpu.memory_space<hbm>>
    tpu.enqueue_indirect_dma source(%dma_start3A_121 : memref<10000x256xi32, #tpu.memory_space<hbm>>) target(%arg6 : memref<200x256xi32, #tpu.memory_space<vmem>>) offsets(%dma_start3A_118 : memref<200xi32, #tpu.memory_space<vmem>>) semaphore(%arg8 : memref<!tpu.dma_semaphore, #tpu.memory_space<semaphore_mem>>)
    %dma_wait3A_122 = arith.constant 1200 : i32
    %dma_wait3A_123 = tpu.memref_slice %arg5[%dma_wait3A_122] : memref<5000xi32, #tpu.memory_space<vmem>> -> memref<200xi32, #tpu.memory_space<vmem>>
    %dma_wait3A_124 = arith.constant 0 : i32
    %dma_wait3A_125 = arith.constant 0 : i32
    %dma_wait3A_126 = tpu.memref_slice %arg2[%dma_wait3A_124, %dma_wait3A_125] : memref<10000x256xi32, #tpu.memory_space<hbm>> -> memref<10000x256xi32, #tpu.memory_space<hbm>>
    tpu.wait_indirect_dma semaphore(%arg8 : memref<!tpu.dma_semaphore, #tpu.memory_space<semaphore_mem>>) src(%dma_wait3A_126 : memref<10000x256xi32, #tpu.memory_space<hbm>>) dst(%arg6 : memref<200x256xi32, #tpu.memory_space<vmem>>)
    %add3A_127 = arith.constant 1200 : i32
    %add3A_128 = arith.addi %mul3A_2, %add3A_127 : i32
    %dma_start3A_129 = arith.constant 0 : i32
    %dma_start3A_130 = tpu.memref_slice %arg4[%add3A_128, %dma_start3A_129] : memref<160000x256xi32, #tpu.memory_space<hbm>> -> memref<200x256xi32, #tpu.memory_space<hbm>>
    %dma_start3A_131 = arith.constant 0 : i32
    %dma_start3A_132 = tpu.memref_slice %arg4[%add3A_128, %dma_start3A_131] : memref<160000x256xi32, #tpu.memory_space<hbm>> -> memref<200x256xi32, #tpu.memory_space<hbm>>
    tpu.enqueue_dma source(%arg6 : memref<200x256xi32, #tpu.memory_space<vmem>>) target(%dma_start3A_132 : memref<200x256xi32, #tpu.memory_space<hbm>>) target_semaphore(%arg10 : memref<!tpu.dma_semaphore, #tpu.memory_space<semaphore_mem>>)
    %dma_wait3A_133 = arith.constant 0 : i32
    %dma_wait3A_134 = tpu.memref_slice %arg4[%add3A_108, %dma_wait3A_133] : memref<160000x256xi32, #tpu.memory_space<hbm>> -> memref<200x256xi32, #tpu.memory_space<hbm>>
    %dma_wait3A_135 = arith.constant 0 : i32
    %dma_wait3A_136 = tpu.memref_slice %arg4[%add3A_108, %dma_wait3A_135] : memref<160000x256xi32, #tpu.memory_space<hbm>> -> memref<200x256xi32, #tpu.memory_space<hbm>>
    tpu.wait_dma2 semaphore(%arg11 : memref<!tpu.dma_semaphore, #tpu.memory_space<semaphore_mem>>) src(%arg7 : memref<200x256xi32, #tpu.memory_space<vmem>>) dst(%dma_wait3A_136 : memref<200x256xi32, #tpu.memory_space<hbm>>)
    %dma_start3A_137 = arith.constant 1400 : i32
    %dma_start3A_138 = tpu.memref_slice %arg5[%dma_start3A_137] : memref<5000xi32, #tpu.memory_space<vmem>> -> memref<200xi32, #tpu.memory_space<vmem>>
    %dma_start3A_139 = arith.constant 0 : i32
    %dma_start3A_140 = arith.constant 0 : i32
    %dma_start3A_141 = tpu.memref_slice %arg2[%dma_start3A_139, %dma_start3A_140] : memref<10000x256xi32, #tpu.memory_space<hbm>> -> memref<10000x256xi32, #tpu.memory_space<hbm>>
    tpu.enqueue_indirect_dma source(%dma_start3A_141 : memref<10000x256xi32, #tpu.memory_space<hbm>>) target(%arg7 : memref<200x256xi32, #tpu.memory_space<vmem>>) offsets(%dma_start3A_138 : memref<200xi32, #tpu.memory_space<vmem>>) semaphore(%arg9 : memref<!tpu.dma_semaphore, #tpu.memory_space<semaphore_mem>>)
    %dma_wait3A_142 = arith.constant 1400 : i32
    %dma_wait3A_143 = tpu.memref_slice %arg5[%dma_wait3A_142] : memref<5000xi32, #tpu.memory_space<vmem>> -> memref<200xi32, #tpu.memory_space<vmem>>
    %dma_wait3A_144 = arith.constant 0 : i32
    %dma_wait3A_145 = arith.constant 0 : i32
    %dma_wait3A_146 = tpu.memref_slice %arg2[%dma_wait3A_144, %dma_wait3A_145] : memref<10000x256xi32, #tpu.memory_space<hbm>> -> memref<10000x256xi32, #tpu.memory_space<hbm>>
    tpu.wait_indirect_dma semaphore(%arg9 : memref<!tpu.dma_semaphore, #tpu.memory_space<semaphore_mem>>) src(%dma_wait3A_146 : memref<10000x256xi32, #tpu.memory_space<hbm>>) dst(%arg7 : memref<200x256xi32, #tpu.memory_space<vmem>>)
    %add3A_147 = arith.constant 1400 : i32
    %add3A_148 = arith.addi %mul3A_2, %add3A_147 : i32
    %dma_start3A_149 = arith.constant 0 : i32
    %dma_start3A_150 = tpu.memref_slice %arg4[%add3A_148, %dma_start3A_149] : memref<160000x256xi32, #tpu.memory_space<hbm>> -> memref<200x256xi32, #tpu.memory_space<hbm>>
    %dma_start3A_151 = arith.constant 0 : i32
    %dma_start3A_152 = tpu.memref_slice %arg4[%add3A_148, %dma_start3A_151] : memref<160000x256xi32, #tpu.memory_space<hbm>> -> memref<200x256xi32, #tpu.memory_space<hbm>>
    tpu.enqueue_dma source(%arg7 : memref<200x256xi32, #tpu.memory_space<vmem>>) target(%dma_start3A_152 : memref<200x256xi32, #tpu.memory_space<hbm>>) target_semaphore(%arg11 : memref<!tpu.dma_semaphore, #tpu.memory_space<semaphore_mem>>)
    %dma_wait3A_153 = arith.constant 0 : i32
    %dma_wait3A_154 = tpu.memref_slice %arg4[%add3A_128, %dma_wait3A_153] : memref<160000x256xi32, #tpu.memory_space<hbm>> -> memref<200x256xi32, #tpu.memory_space<hbm>>
    %dma_wait3A_155 = arith.constant 0 : i32
    %dma_wait3A_156 = tpu.memref_slice %arg4[%add3A_128, %dma_wait3A_155] : memref<160000x256xi32, #tpu.memory_space<hbm>> -> memref<200x256xi32, #tpu.memory_space<hbm>>
    tpu.wait_dma2 semaphore(%arg10 : memref<!tpu.dma_semaphore, #tpu.memory_space<semaphore_mem>>) src(%arg6 : memref<200x256xi32, #tpu.memory_space<vmem>>) dst(%dma_wait3A_156 : memref<200x256xi32, #tpu.memory_space<hbm>>)
    %dma_start3A_157 = arith.constant 1600 : i32
    %dma_start3A_158 = tpu.memref_slice %arg5[%dma_start3A_157] : memref<5000xi32, #tpu.memory_space<vmem>> -> memref<200xi32, #tpu.memory_space<vmem>>
    %dma_start3A_159 = arith.constant 0 : i32
    %dma_start3A_160 = arith.constant 0 : i32
    %dma_start3A_161 = tpu.memref_slice %arg2[%dma_start3A_159, %dma_start3A_160] : memref<10000x256xi32, #tpu.memory_space<hbm>> -> memref<10000x256xi32, #tpu.memory_space<hbm>>
    tpu.enqueue_indirect_dma source(%dma_start3A_161 : memref<10000x256xi32, #tpu.memory_space<hbm>>) target(%arg6 : memref<200x256xi32, #tpu.memory_space<vmem>>) offsets(%dma_start3A_158 : memref<200xi32, #tpu.memory_space<vmem>>) semaphore(%arg8 : memref<!tpu.dma_semaphore, #tpu.memory_space<semaphore_mem>>)
    %dma_wait3A_162 = arith.constant 1600 : i32
    %dma_wait3A_163 = tpu.memref_slice %arg5[%dma_wait3A_162] : memref<5000xi32, #tpu.memory_space<vmem>> -> memref<200xi32, #tpu.memory_space<vmem>>
    %dma_wait3A_164 = arith.constant 0 : i32
    %dma_wait3A_165 = arith.constant 0 : i32
    %dma_wait3A_166 = tpu.memref_slice %arg2[%dma_wait3A_164, %dma_wait3A_165] : memref<10000x256xi32, #tpu.memory_space<hbm>> -> memref<10000x256xi32, #tpu.memory_space<hbm>>
    tpu.wait_indirect_dma semaphore(%arg8 : memref<!tpu.dma_semaphore, #tpu.memory_space<semaphore_mem>>) src(%dma_wait3A_166 : memref<10000x256xi32, #tpu.memory_space<hbm>>) dst(%arg6 : memref<200x256xi32, #tpu.memory_space<vmem>>)
    %add3A_167 = arith.constant 1600 : i32
    %add3A_168 = arith.addi %mul3A_2, %add3A_167 : i32
    %dma_start3A_169 = arith.constant 0 : i32
    %dma_start3A_170 = tpu.memref_slice %arg4[%add3A_168, %dma_start3A_169] : memref<160000x256xi32, #tpu.memory_space<hbm>> -> memref<200x256xi32, #tpu.memory_space<hbm>>
    %dma_start3A_171 = arith.constant 0 : i32
    %dma_start3A_172 = tpu.memref_slice %arg4[%add3A_168, %dma_start3A_171] : memref<160000x256xi32, #tpu.memory_space<hbm>> -> memref<200x256xi32, #tpu.memory_space<hbm>>
    tpu.enqueue_dma source(%arg6 : memref<200x256xi32, #tpu.memory_space<vmem>>) target(%dma_start3A_172 : memref<200x256xi32, #tpu.memory_space<hbm>>) target_semaphore(%arg10 : memref<!tpu.dma_semaphore, #tpu.memory_space<semaphore_mem>>)
    %dma_wait3A_173 = arith.constant 0 : i32
    %dma_wait3A_174 = tpu.memref_slice %arg4[%add3A_148, %dma_wait3A_173] : memref<160000x256xi32, #tpu.memory_space<hbm>> -> memref<200x256xi32, #tpu.memory_space<hbm>>
    %dma_wait3A_175 = arith.constant 0 : i32
    %dma_wait3A_176 = tpu.memref_slice %arg4[%add3A_148, %dma_wait3A_175] : memref<160000x256xi32, #tpu.memory_space<hbm>> -> memref<200x256xi32, #tpu.memory_space<hbm>>
    tpu.wait_dma2 semaphore(%arg11 : memref<!tpu.dma_semaphore, #tpu.memory_space<semaphore_mem>>) src(%arg7 : memref<200x256xi32, #tpu.memory_space<vmem>>) dst(%dma_wait3A_176 : memref<200x256xi32, #tpu.memory_space<hbm>>)
    %dma_start3A_177 = arith.constant 1800 : i32
    %dma_start3A_178 = tpu.memref_slice %arg5[%dma_start3A_177] : memref<5000xi32, #tpu.memory_space<vmem>> -> memref<200xi32, #tpu.memory_space<vmem>>
    %dma_start3A_179 = arith.constant 0 : i32
    %dma_start3A_180 = arith.constant 0 : i32
    %dma_start3A_181 = tpu.memref_slice %arg2[%dma_start3A_179, %dma_start3A_180] : memref<10000x256xi32, #tpu.memory_space<hbm>> -> memref<10000x256xi32, #tpu.memory_space<hbm>>
    tpu.enqueue_indirect_dma source(%dma_start3A_181 : memref<10000x256xi32, #tpu.memory_space<hbm>>) target(%arg7 : memref<200x256xi32, #tpu.memory_space<vmem>>) offsets(%dma_start3A_178 : memref<200xi32, #tpu.memory_space<vmem>>) semaphore(%arg9 : memref<!tpu.dma_semaphore, #tpu.memory_space<semaphore_mem>>)
    %dma_wait3A_182 = arith.constant 1800 : i32
    %dma_wait3A_183 = tpu.memref_slice %arg5[%dma_wait3A_182] : memref<5000xi32, #tpu.memory_space<vmem>> -> memref<200xi32, #tpu.memory_space<vmem>>
    %dma_wait3A_184 = arith.constant 0 : i32
    %dma_wait3A_185 = arith.constant 0 : i32
    %dma_wait3A_186 = tpu.memref_slice %arg2[%dma_wait3A_184, %dma_wait3A_185] : memref<10000x256xi32, #tpu.memory_space<hbm>> -> memref<10000x256xi32, #tpu.memory_space<hbm>>
    tpu.wait_indirect_dma semaphore(%arg9 : memref<!tpu.dma_semaphore, #tpu.memory_space<semaphore_mem>>) src(%dma_wait3A_186 : memref<10000x256xi32, #tpu.memory_space<hbm>>) dst(%arg7 : memref<200x256xi32, #tpu.memory_space<vmem>>)
    %add3A_187 = arith.constant 1800 : i32
    %add3A_188 = arith.addi %mul3A_2, %add3A_187 : i32
    %dma_start3A_189 = arith.constant 0 : i32
    %dma_start3A_190 = tpu.memref_slice %arg4[%add3A_188, %dma_start3A_189] : memref<160000x256xi32, #tpu.memory_space<hbm>> -> memref<200x256xi32, #tpu.memory_space<hbm>>
    %dma_start3A_191 = arith.constant 0 : i32
    %dma_start3A_192 = tpu.memref_slice %arg4[%add3A_188, %dma_start3A_191] : memref<160000x256xi32, #tpu.memory_space<hbm>> -> memref<200x256xi32, #tpu.memory_space<hbm>>
    tpu.enqueue_dma source(%arg7 : memref<200x256xi32, #tpu.memory_space<vmem>>) target(%dma_start3A_192 : memref<200x256xi32, #tpu.memory_space<hbm>>) target_semaphore(%arg11 : memref<!tpu.dma_semaphore, #tpu.memory_space<semaphore_mem>>)
    %dma_wait3A_193 = arith.constant 0 : i32
    %dma_wait3A_194 = tpu.memref_slice %arg4[%add3A_168, %dma_wait3A_193] : memref<160000x256xi32, #tpu.memory_space<hbm>> -> memref<200x256xi32, #tpu.memory_space<hbm>>
    %dma_wait3A_195 = arith.constant 0 : i32
    %dma_wait3A_196 = tpu.memref_slice %arg4[%add3A_168, %dma_wait3A_195] : memref<160000x256xi32, #tpu.memory_space<hbm>> -> memref<200x256xi32, #tpu.memory_space<hbm>>
    tpu.wait_dma2 semaphore(%arg10 : memref<!tpu.dma_semaphore, #tpu.memory_space<semaphore_mem>>) src(%arg6 : memref<200x256xi32, #tpu.memory_space<vmem>>) dst(%dma_wait3A_196 : memref<200x256xi32, #tpu.memory_space<hbm>>)
    %dma_start3A_197 = arith.constant 2000 : i32
    %dma_start3A_198 = tpu.memref_slice %arg5[%dma_start3A_197] : memref<5000xi32, #tpu.memory_space<vmem>> -> memref<200xi32, #tpu.memory_space<vmem>>
    %dma_start3A_199 = arith.constant 0 : i32
    %dma_start3A_200 = arith.constant 0 : i32
    %dma_start3A_201 = tpu.memref_slice %arg2[%dma_start3A_199, %dma_start3A_200] : memref<10000x256xi32, #tpu.memory_space<hbm>> -> memref<10000x256xi32, #tpu.memory_space<hbm>>
    tpu.enqueue_indirect_dma source(%dma_start3A_201 : memref<10000x256xi32, #tpu.memory_space<hbm>>) target(%arg6 : memref<200x256xi32, #tpu.memory_space<vmem>>) offsets(%dma_start3A_198 : memref<200xi32, #tpu.memory_space<vmem>>) semaphore(%arg8 : memref<!tpu.dma_semaphore, #tpu.memory_space<semaphore_mem>>)
    %dma_wait3A_202 = arith.constant 2000 : i32
    %dma_wait3A_203 = tpu.memref_slice %arg5[%dma_wait3A_202] : memref<5000xi32, #tpu.memory_space<vmem>> -> memref<200xi32, #tpu.memory_space<vmem>>
    %dma_wait3A_204 = arith.constant 0 : i32
    %dma_wait3A_205 = arith.constant 0 : i32
    %dma_wait3A_206 = tpu.memref_slice %arg2[%dma_wait3A_204, %dma_wait3A_205] : memref<10000x256xi32, #tpu.memory_space<hbm>> -> memref<10000x256xi32, #tpu.memory_space<hbm>>
    tpu.wait_indirect_dma semaphore(%arg8 : memref<!tpu.dma_semaphore, #tpu.memory_space<semaphore_mem>>) src(%dma_wait3A_206 : memref<10000x256xi32, #tpu.memory_space<hbm>>) dst(%arg6 : memref<200x256xi32, #tpu.memory_space<vmem>>)
    %add3A_207 = arith.constant 2000 : i32
    %add3A_208 = arith.addi %mul3A_2, %add3A_207 : i32
    %dma_start3A_209 = arith.constant 0 : i32
    %dma_start3A_210 = tpu.memref_slice %arg4[%add3A_208, %dma_start3A_209] : memref<160000x256xi32, #tpu.memory_space<hbm>> -> memref<200x256xi32, #tpu.memory_space<hbm>>
    %dma_start3A_211 = arith.constant 0 : i32
    %dma_start3A_212 = tpu.memref_slice %arg4[%add3A_208, %dma_start3A_211] : memref<160000x256xi32, #tpu.memory_space<hbm>> -> memref<200x256xi32, #tpu.memory_space<hbm>>
    tpu.enqueue_dma source(%arg6 : memref<200x256xi32, #tpu.memory_space<vmem>>) target(%dma_start3A_212 : memref<200x256xi32, #tpu.memory_space<hbm>>) target_semaphore(%arg10 : memref<!tpu.dma_semaphore, #tpu.memory_space<semaphore_mem>>)
    %dma_wait3A_213 = arith.constant 0 : i32
    %dma_wait3A_214 = tpu.memref_slice %arg4[%add3A_188, %dma_wait3A_213] : memref<160000x256xi32, #tpu.memory_space<hbm>> -> memref<200x256xi32, #tpu.memory_space<hbm>>
    %dma_wait3A_215 = arith.constant 0 : i32
    %dma_wait3A_216 = tpu.memref_slice %arg4[%add3A_188, %dma_wait3A_215] : memref<160000x256xi32, #tpu.memory_space<hbm>> -> memref<200x256xi32, #tpu.memory_space<hbm>>
    tpu.wait_dma2 semaphore(%arg11 : memref<!tpu.dma_semaphore, #tpu.memory_space<semaphore_mem>>) src(%arg7 : memref<200x256xi32, #tpu.memory_space<vmem>>) dst(%dma_wait3A_216 : memref<200x256xi32, #tpu.memory_space<hbm>>)
    %dma_start3A_217 = arith.constant 2200 : i32
    %dma_start3A_218 = tpu.memref_slice %arg5[%dma_start3A_217] : memref<5000xi32, #tpu.memory_space<vmem>> -> memref<200xi32, #tpu.memory_space<vmem>>
    %dma_start3A_219 = arith.constant 0 : i32
    %dma_start3A_220 = arith.constant 0 : i32
    %dma_start3A_221 = tpu.memref_slice %arg2[%dma_start3A_219, %dma_start3A_220] : memref<10000x256xi32, #tpu.memory_space<hbm>> -> memref<10000x256xi32, #tpu.memory_space<hbm>>
    tpu.enqueue_indirect_dma source(%dma_start3A_221 : memref<10000x256xi32, #tpu.memory_space<hbm>>) target(%arg7 : memref<200x256xi32, #tpu.memory_space<vmem>>) offsets(%dma_start3A_218 : memref<200xi32, #tpu.memory_space<vmem>>) semaphore(%arg9 : memref<!tpu.dma_semaphore, #tpu.memory_space<semaphore_mem>>)
    %dma_wait3A_222 = arith.constant 2200 : i32
    %dma_wait3A_223 = tpu.memref_slice %arg5[%dma_wait3A_222] : memref<5000xi32, #tpu.memory_space<vmem>> -> memref<200xi32, #tpu.memory_space<vmem>>
    %dma_wait3A_224 = arith.constant 0 : i32
    %dma_wait3A_225 = arith.constant 0 : i32
    %dma_wait3A_226 = tpu.memref_slice %arg2[%dma_wait3A_224, %dma_wait3A_225] : memref<10000x256xi32, #tpu.memory_space<hbm>> -> memref<10000x256xi32, #tpu.memory_space<hbm>>
    tpu.wait_indirect_dma semaphore(%arg9 : memref<!tpu.dma_semaphore, #tpu.memory_space<semaphore_mem>>) src(%dma_wait3A_226 : memref<10000x256xi32, #tpu.memory_space<hbm>>) dst(%arg7 : memref<200x256xi32, #tpu.memory_space<vmem>>)
    %add3A_227 = arith.constant 2200 : i32
    %add3A_228 = arith.addi %mul3A_2, %add3A_227 : i32
    %dma_start3A_229 = arith.constant 0 : i32
    %dma_start3A_230 = tpu.memref_slice %arg4[%add3A_228, %dma_start3A_229] : memref<160000x256xi32, #tpu.memory_space<hbm>> -> memref<200x256xi32, #tpu.memory_space<hbm>>
    %dma_start3A_231 = arith.constant 0 : i32
    %dma_start3A_232 = tpu.memref_slice %arg4[%add3A_228, %dma_start3A_231] : memref<160000x256xi32, #tpu.memory_space<hbm>> -> memref<200x256xi32, #tpu.memory_space<hbm>>
    tpu.enqueue_dma source(%arg7 : memref<200x256xi32, #tpu.memory_space<vmem>>) target(%dma_start3A_232 : memref<200x256xi32, #tpu.memory_space<hbm>>) target_semaphore(%arg11 : memref<!tpu.dma_semaphore, #tpu.memory_space<semaphore_mem>>)
    %dma_wait3A_233 = arith.constant 0 : i32
    %dma_wait3A_234 = tpu.memref_slice %arg4[%add3A_208, %dma_wait3A_233] : memref<160000x256xi32, #tpu.memory_space<hbm>> -> memref<200x256xi32, #tpu.memory_space<hbm>>
    %dma_wait3A_235 = arith.constant 0 : i32
    %dma_wait3A_236 = tpu.memref_slice %arg4[%add3A_208, %dma_wait3A_235] : memref<160000x256xi32, #tpu.memory_space<hbm>> -> memref<200x256xi32, #tpu.memory_space<hbm>>
    tpu.wait_dma2 semaphore(%arg10 : memref<!tpu.dma_semaphore, #tpu.memory_space<semaphore_mem>>) src(%arg6 : memref<200x256xi32, #tpu.memory_space<vmem>>) dst(%dma_wait3A_236 : memref<200x256xi32, #tpu.memory_space<hbm>>)
    %dma_start3A_237 = arith.constant 2400 : i32
    %dma_start3A_238 = tpu.memref_slice %arg5[%dma_start3A_237] : memref<5000xi32, #tpu.memory_space<vmem>> -> memref<200xi32, #tpu.memory_space<vmem>>
    %dma_start3A_239 = arith.constant 0 : i32
    %dma_start3A_240 = arith.constant 0 : i32
    %dma_start3A_241 = tpu.memref_slice %arg2[%dma_start3A_239, %dma_start3A_240] : memref<10000x256xi32, #tpu.memory_space<hbm>> -> memref<10000x256xi32, #tpu.memory_space<hbm>>
    tpu.enqueue_indirect_dma source(%dma_start3A_241 : memref<10000x256xi32, #tpu.memory_space<hbm>>) target(%arg6 : memref<200x256xi32, #tpu.memory_space<vmem>>) offsets(%dma_start3A_238 : memref<200xi32, #tpu.memory_space<vmem>>) semaphore(%arg8 : memref<!tpu.dma_semaphore, #tpu.memory_space<semaphore_mem>>)
    %dma_wait3A_242 = arith.constant 2400 : i32
    %dma_wait3A_243 = tpu.memref_slice %arg5[%dma_wait3A_242] : memref<5000xi32, #tpu.memory_space<vmem>> -> memref<200xi32, #tpu.memory_space<vmem>>
    %dma_wait3A_244 = arith.constant 0 : i32
    %dma_wait3A_245 = arith.constant 0 : i32
    %dma_wait3A_246 = tpu.memref_slice %arg2[%dma_wait3A_244, %dma_wait3A_245] : memref<10000x256xi32, #tpu.memory_space<hbm>> -> memref<10000x256xi32, #tpu.memory_space<hbm>>
    tpu.wait_indirect_dma semaphore(%arg8 : memref<!tpu.dma_semaphore, #tpu.memory_space<semaphore_mem>>) src(%dma_wait3A_246 : memref<10000x256xi32, #tpu.memory_space<hbm>>) dst(%arg6 : memref<200x256xi32, #tpu.memory_space<vmem>>)
    %add3A_247 = arith.constant 2400 : i32
    %add3A_248 = arith.addi %mul3A_2, %add3A_247 : i32
    %dma_start3A_249 = arith.constant 0 : i32
    %dma_start3A_250 = tpu.memref_slice %arg4[%add3A_248, %dma_start3A_249] : memref<160000x256xi32, #tpu.memory_space<hbm>> -> memref<200x256xi32, #tpu.memory_space<hbm>>
    %dma_start3A_251 = arith.constant 0 : i32
    %dma_start3A_252 = tpu.memref_slice %arg4[%add3A_248, %dma_start3A_251] : memref<160000x256xi32, #tpu.memory_space<hbm>> -> memref<200x256xi32, #tpu.memory_space<hbm>>
    tpu.enqueue_dma source(%arg6 : memref<200x256xi32, #tpu.memory_space<vmem>>) target(%dma_start3A_252 : memref<200x256xi32, #tpu.memory_space<hbm>>) target_semaphore(%arg10 : memref<!tpu.dma_semaphore, #tpu.memory_space<semaphore_mem>>)
    %dma_wait3A_253 = arith.constant 0 : i32
    %dma_wait3A_254 = tpu.memref_slice %arg4[%add3A_228, %dma_wait3A_253] : memref<160000x256xi32, #tpu.memory_space<hbm>> -> memref<200x256xi32, #tpu.memory_space<hbm>>
    %dma_wait3A_255 = arith.constant 0 : i32
    %dma_wait3A_256 = tpu.memref_slice %arg4[%add3A_228, %dma_wait3A_255] : memref<160000x256xi32, #tpu.memory_space<hbm>> -> memref<200x256xi32, #tpu.memory_space<hbm>>
    tpu.wait_dma2 semaphore(%arg11 : memref<!tpu.dma_semaphore, #tpu.memory_space<semaphore_mem>>) src(%arg7 : memref<200x256xi32, #tpu.memory_space<vmem>>) dst(%dma_wait3A_256 : memref<200x256xi32, #tpu.memory_space<hbm>>)
    %dma_start3A_257 = arith.constant 2600 : i32
    %dma_start3A_258 = tpu.memref_slice %arg5[%dma_start3A_257] : memref<5000xi32, #tpu.memory_space<vmem>> -> memref<200xi32, #tpu.memory_space<vmem>>
    %dma_start3A_259 = arith.constant 0 : i32
    %dma_start3A_260 = arith.constant 0 : i32
    %dma_start3A_261 = tpu.memref_slice %arg2[%dma_start3A_259, %dma_start3A_260] : memref<10000x256xi32, #tpu.memory_space<hbm>> -> memref<10000x256xi32, #tpu.memory_space<hbm>>
    tpu.enqueue_indirect_dma source(%dma_start3A_261 : memref<10000x256xi32, #tpu.memory_space<hbm>>) target(%arg7 : memref<200x256xi32, #tpu.memory_space<vmem>>) offsets(%dma_start3A_258 : memref<200xi32, #tpu.memory_space<vmem>>) semaphore(%arg9 : memref<!tpu.dma_semaphore, #tpu.memory_space<semaphore_mem>>)
    %dma_wait3A_262 = arith.constant 2600 : i32
    %dma_wait3A_263 = tpu.memref_slice %arg5[%dma_wait3A_262] : memref<5000xi32, #tpu.memory_space<vmem>> -> memref<200xi32, #tpu.memory_space<vmem>>
    %dma_wait3A_264 = arith.constant 0 : i32
    %dma_wait3A_265 = arith.constant 0 : i32
    %dma_wait3A_266 = tpu.memref_slice %arg2[%dma_wait3A_264, %dma_wait3A_265] : memref<10000x256xi32, #tpu.memory_space<hbm>> -> memref<10000x256xi32, #tpu.memory_space<hbm>>
    tpu.wait_indirect_dma semaphore(%arg9 : memref<!tpu.dma_semaphore, #tpu.memory_space<semaphore_mem>>) src(%dma_wait3A_266 : memref<10000x256xi32, #tpu.memory_space<hbm>>) dst(%arg7 : memref<200x256xi32, #tpu.memory_space<vmem>>)
    %add3A_267 = arith.constant 2600 : i32
    %add3A_268 = arith.addi %mul3A_2, %add3A_267 : i32
    %dma_start3A_269 = arith.constant 0 : i32
    %dma_start3A_270 = tpu.memref_slice %arg4[%add3A_268, %dma_start3A_269] : memref<160000x256xi32, #tpu.memory_space<hbm>> -> memref<200x256xi32, #tpu.memory_space<hbm>>
    %dma_start3A_271 = arith.constant 0 : i32
    %dma_start3A_272 = tpu.memref_slice %arg4[%add3A_268, %dma_start3A_271] : memref<160000x256xi32, #tpu.memory_space<hbm>> -> memref<200x256xi32, #tpu.memory_space<hbm>>
    tpu.enqueue_dma source(%arg7 : memref<200x256xi32, #tpu.memory_space<vmem>>) target(%dma_start3A_272 : memref<200x256xi32, #tpu.memory_space<hbm>>) target_semaphore(%arg11 : memref<!tpu.dma_semaphore, #tpu.memory_space<semaphore_mem>>)
    %dma_wait3A_273 = arith.constant 0 : i32
    %dma_wait3A_274 = tpu.memref_slice %arg4[%add3A_248, %dma_wait3A_273] : memref<160000x256xi32, #tpu.memory_space<hbm>> -> memref<200x256xi32, #tpu.memory_space<hbm>>
    %dma_wait3A_275 = arith.constant 0 : i32
    %dma_wait3A_276 = tpu.memref_slice %arg4[%add3A_248, %dma_wait3A_275] : memref<160000x256xi32, #tpu.memory_space<hbm>> -> memref<200x256xi32, #tpu.memory_space<hbm>>
    tpu.wait_dma2 semaphore(%arg10 : memref<!tpu.dma_semaphore, #tpu.memory_space<semaphore_mem>>) src(%arg6 : memref<200x256xi32, #tpu.memory_space<vmem>>) dst(%dma_wait3A_276 : memref<200x256xi32, #tpu.memory_space<hbm>>)
    %dma_start3A_277 = arith.constant 2800 : i32
    %dma_start3A_278 = tpu.memref_slice %arg5[%dma_start3A_277] : memref<5000xi32, #tpu.memory_space<vmem>> -> memref<200xi32, #tpu.memory_space<vmem>>
    %dma_start3A_279 = arith.constant 0 : i32
    %dma_start3A_280 = arith.constant 0 : i32
    %dma_start3A_281 = tpu.memref_slice %arg2[%dma_start3A_279, %dma_start3A_280] : memref<10000x256xi32, #tpu.memory_space<hbm>> -> memref<10000x256xi32, #tpu.memory_space<hbm>>
    tpu.enqueue_indirect_dma source(%dma_start3A_281 : memref<10000x256xi32, #tpu.memory_space<hbm>>) target(%arg6 : memref<200x256xi32, #tpu.memory_space<vmem>>) offsets(%dma_start3A_278 : memref<200xi32, #tpu.memory_space<vmem>>) semaphore(%arg8 : memref<!tpu.dma_semaphore, #tpu.memory_space<semaphore_mem>>)
    %dma_wait3A_282 = arith.constant 2800 : i32
    %dma_wait3A_283 = tpu.memref_slice %arg5[%dma_wait3A_282] : memref<5000xi32, #tpu.memory_space<vmem>> -> memref<200xi32, #tpu.memory_space<vmem>>
    %dma_wait3A_284 = arith.constant 0 : i32
    %dma_wait3A_285 = arith.constant 0 : i32
    %dma_wait3A_286 = tpu.memref_slice %arg2[%dma_wait3A_284, %dma_wait3A_285] : memref<10000x256xi32, #tpu.memory_space<hbm>> -> memref<10000x256xi32, #tpu.memory_space<hbm>>
    tpu.wait_indirect_dma semaphore(%arg8 : memref<!tpu.dma_semaphore, #tpu.memory_space<semaphore_mem>>) src(%dma_wait3A_286 : memref<10000x256xi32, #tpu.memory_space<hbm>>) dst(%arg6 : memref<200x256xi32, #tpu.memory_space<vmem>>)
    %add3A_287 = arith.constant 2800 : i32
    %add3A_288 = arith.addi %mul3A_2, %add3A_287 : i32
    %dma_start3A_289 = arith.constant 0 : i32
    %dma_start3A_290 = tpu.memref_slice %arg4[%add3A_288, %dma_start3A_289] : memref<160000x256xi32, #tpu.memory_space<hbm>> -> memref<200x256xi32, #tpu.memory_space<hbm>>
    %dma_start3A_291 = arith.constant 0 : i32
    %dma_start3A_292 = tpu.memref_slice %arg4[%add3A_288, %dma_start3A_291] : memref<160000x256xi32, #tpu.memory_space<hbm>> -> memref<200x256xi32, #tpu.memory_space<hbm>>
    tpu.enqueue_dma source(%arg6 : memref<200x256xi32, #tpu.memory_space<vmem>>) target(%dma_start3A_292 : memref<200x256xi32, #tpu.memory_space<hbm>>) target_semaphore(%arg10 : memref<!tpu.dma_semaphore, #tpu.memory_space<semaphore_mem>>)
    %dma_wait3A_293 = arith.constant 0 : i32
    %dma_wait3A_294 = tpu.memref_slice %arg4[%add3A_268, %dma_wait3A_293] : memref<160000x256xi32, #tpu.memory_space<hbm>> -> memref<200x256xi32, #tpu.memory_space<hbm>>
    %dma_wait3A_295 = arith.constant 0 : i32
    %dma_wait3A_296 = tpu.memref_slice %arg4[%add3A_268, %dma_wait3A_295] : memref<160000x256xi32, #tpu.memory_space<hbm>> -> memref<200x256xi32, #tpu.memory_space<hbm>>
    tpu.wait_dma2 semaphore(%arg11 : memref<!tpu.dma_semaphore, #tpu.memory_space<semaphore_mem>>) src(%arg7 : memref<200x256xi32, #tpu.memory_space<vmem>>) dst(%dma_wait3A_296 : memref<200x256xi32, #tpu.memory_space<hbm>>)
    %dma_start3A_297 = arith.constant 3000 : i32
    %dma_start3A_298 = tpu.memref_slice %arg5[%dma_start3A_297] : memref<5000xi32, #tpu.memory_space<vmem>> -> memref<200xi32, #tpu.memory_space<vmem>>
    %dma_start3A_299 = arith.constant 0 : i32
    %dma_start3A_300 = arith.constant 0 : i32
    %dma_start3A_301 = tpu.memref_slice %arg2[%dma_start3A_299, %dma_start3A_300] : memref<10000x256xi32, #tpu.memory_space<hbm>> -> memref<10000x256xi32, #tpu.memory_space<hbm>>
    tpu.enqueue_indirect_dma source(%dma_start3A_301 : memref<10000x256xi32, #tpu.memory_space<hbm>>) target(%arg7 : memref<200x256xi32, #tpu.memory_space<vmem>>) offsets(%dma_start3A_298 : memref<200xi32, #tpu.memory_space<vmem>>) semaphore(%arg9 : memref<!tpu.dma_semaphore, #tpu.memory_space<semaphore_mem>>)
    %dma_wait3A_302 = arith.constant 3000 : i32
    %dma_wait3A_303 = tpu.memref_slice %arg5[%dma_wait3A_302] : memref<5000xi32, #tpu.memory_space<vmem>> -> memref<200xi32, #tpu.memory_space<vmem>>
    %dma_wait3A_304 = arith.constant 0 : i32
    %dma_wait3A_305 = arith.constant 0 : i32
    %dma_wait3A_306 = tpu.memref_slice %arg2[%dma_wait3A_304, %dma_wait3A_305] : memref<10000x256xi32, #tpu.memory_space<hbm>> -> memref<10000x256xi32, #tpu.memory_space<hbm>>
    tpu.wait_indirect_dma semaphore(%arg9 : memref<!tpu.dma_semaphore, #tpu.memory_space<semaphore_mem>>) src(%dma_wait3A_306 : memref<10000x256xi32, #tpu.memory_space<hbm>>) dst(%arg7 : memref<200x256xi32, #tpu.memory_space<vmem>>)
    %add3A_307 = arith.constant 3000 : i32
    %add3A_308 = arith.addi %mul3A_2, %add3A_307 : i32
    %dma_start3A_309 = arith.constant 0 : i32
    %dma_start3A_310 = tpu.memref_slice %arg4[%add3A_308, %dma_start3A_309] : memref<160000x256xi32, #tpu.memory_space<hbm>> -> memref<200x256xi32, #tpu.memory_space<hbm>>
    %dma_start3A_311 = arith.constant 0 : i32
    %dma_start3A_312 = tpu.memref_slice %arg4[%add3A_308, %dma_start3A_311] : memref<160000x256xi32, #tpu.memory_space<hbm>> -> memref<200x256xi32, #tpu.memory_space<hbm>>
    tpu.enqueue_dma source(%arg7 : memref<200x256xi32, #tpu.memory_space<vmem>>) target(%dma_start3A_312 : memref<200x256xi32, #tpu.memory_space<hbm>>) target_semaphore(%arg11 : memref<!tpu.dma_semaphore, #tpu.memory_space<semaphore_mem>>)
    %dma_wait3A_313 = arith.constant 0 : i32
    %dma_wait3A_314 = tpu.memref_slice %arg4[%add3A_288, %dma_wait3A_313] : memref<160000x256xi32, #tpu.memory_space<hbm>> -> memref<200x256xi32, #tpu.memory_space<hbm>>
    %dma_wait3A_315 = arith.constant 0 : i32
    %dma_wait3A_316 = tpu.memref_slice %arg4[%add3A_288, %dma_wait3A_315] : memref<160000x256xi32, #tpu.memory_space<hbm>> -> memref<200x256xi32, #tpu.memory_space<hbm>>
    tpu.wait_dma2 semaphore(%arg10 : memref<!tpu.dma_semaphore, #tpu.memory_space<semaphore_mem>>) src(%arg6 : memref<200x256xi32, #tpu.memory_space<vmem>>) dst(%dma_wait3A_316 : memref<200x256xi32, #tpu.memory_space<hbm>>)
    %dma_start3A_317 = arith.constant 3200 : i32
    %dma_start3A_318 = tpu.memref_slice %arg5[%dma_start3A_317] : memref<5000xi32, #tpu.memory_space<vmem>> -> memref<200xi32, #tpu.memory_space<vmem>>
    %dma_start3A_319 = arith.constant 0 : i32
    %dma_start3A_320 = arith.constant 0 : i32
    %dma_start3A_321 = tpu.memref_slice %arg2[%dma_start3A_319, %dma_start3A_320] : memref<10000x256xi32, #tpu.memory_space<hbm>> -> memref<10000x256xi32, #tpu.memory_space<hbm>>
    tpu.enqueue_indirect_dma source(%dma_start3A_321 : memref<10000x256xi32, #tpu.memory_space<hbm>>) target(%arg6 : memref<200x256xi32, #tpu.memory_space<vmem>>) offsets(%dma_start3A_318 : memref<200xi32, #tpu.memory_space<vmem>>) semaphore(%arg8 : memref<!tpu.dma_semaphore, #tpu.memory_space<semaphore_mem>>)
    %dma_wait3A_322 = arith.constant 3200 : i32
    %dma_wait3A_323 = tpu.memref_slice %arg5[%dma_wait3A_322] : memref<5000xi32, #tpu.memory_space<vmem>> -> memref<200xi32, #tpu.memory_space<vmem>>
    %dma_wait3A_324 = arith.constant 0 : i32
    %dma_wait3A_325 = arith.constant 0 : i32
    %dma_wait3A_326 = tpu.memref_slice %arg2[%dma_wait3A_324, %dma_wait3A_325] : memref<10000x256xi32, #tpu.memory_space<hbm>> -> memref<10000x256xi32, #tpu.memory_space<hbm>>
    tpu.wait_indirect_dma semaphore(%arg8 : memref<!tpu.dma_semaphore, #tpu.memory_space<semaphore_mem>>) src(%dma_wait3A_326 : memref<10000x256xi32, #tpu.memory_space<hbm>>) dst(%arg6 : memref<200x256xi32, #tpu.memory_space<vmem>>)
    %add3A_327 = arith.constant 3200 : i32
    %add3A_328 = arith.addi %mul3A_2, %add3A_327 : i32
    %dma_start3A_329 = arith.constant 0 : i32
    %dma_start3A_330 = tpu.memref_slice %arg4[%add3A_328, %dma_start3A_329] : memref<160000x256xi32, #tpu.memory_space<hbm>> -> memref<200x256xi32, #tpu.memory_space<hbm>>
    %dma_start3A_331 = arith.constant 0 : i32
    %dma_start3A_332 = tpu.memref_slice %arg4[%add3A_328, %dma_start3A_331] : memref<160000x256xi32, #tpu.memory_space<hbm>> -> memref<200x256xi32, #tpu.memory_space<hbm>>
    tpu.enqueue_dma source(%arg6 : memref<200x256xi32, #tpu.memory_space<vmem>>) target(%dma_start3A_332 : memref<200x256xi32, #tpu.memory_space<hbm>>) target_semaphore(%arg10 : memref<!tpu.dma_semaphore, #tpu.memory_space<semaphore_mem>>)
    %dma_wait3A_333 = arith.constant 0 : i32
    %dma_wait3A_334 = tpu.memref_slice %arg4[%add3A_308, %dma_wait3A_333] : memref<160000x256xi32, #tpu.memory_space<hbm>> -> memref<200x256xi32, #tpu.memory_space<hbm>>
    %dma_wait3A_335 = arith.constant 0 : i32
    %dma_wait3A_336 = tpu.memref_slice %arg4[%add3A_308, %dma_wait3A_335] : memref<160000x256xi32, #tpu.memory_space<hbm>> -> memref<200x256xi32, #tpu.memory_space<hbm>>
    tpu.wait_dma2 semaphore(%arg11 : memref<!tpu.dma_semaphore, #tpu.memory_space<semaphore_mem>>) src(%arg7 : memref<200x256xi32, #tpu.memory_space<vmem>>) dst(%dma_wait3A_336 : memref<200x256xi32, #tpu.memory_space<hbm>>)
    %dma_start3A_337 = arith.constant 3400 : i32
    %dma_start3A_338 = tpu.memref_slice %arg5[%dma_start3A_337] : memref<5000xi32, #tpu.memory_space<vmem>> -> memref<200xi32, #tpu.memory_space<vmem>>
    %dma_start3A_339 = arith.constant 0 : i32
    %dma_start3A_340 = arith.constant 0 : i32
    %dma_start3A_341 = tpu.memref_slice %arg2[%dma_start3A_339, %dma_start3A_340] : memref<10000x256xi32, #tpu.memory_space<hbm>> -> memref<10000x256xi32, #tpu.memory_space<hbm>>
    tpu.enqueue_indirect_dma source(%dma_start3A_341 : memref<10000x256xi32, #tpu.memory_space<hbm>>) target(%arg7 : memref<200x256xi32, #tpu.memory_space<vmem>>) offsets(%dma_start3A_338 : memref<200xi32, #tpu.memory_space<vmem>>) semaphore(%arg9 : memref<!tpu.dma_semaphore, #tpu.memory_space<semaphore_mem>>)
    %dma_wait3A_342 = arith.constant 3400 : i32
    %dma_wait3A_343 = tpu.memref_slice %arg5[%dma_wait3A_342] : memref<5000xi32, #tpu.memory_space<vmem>> -> memref<200xi32, #tpu.memory_space<vmem>>
    %dma_wait3A_344 = arith.constant 0 : i32
    %dma_wait3A_345 = arith.constant 0 : i32
    %dma_wait3A_346 = tpu.memref_slice %arg2[%dma_wait3A_344, %dma_wait3A_345] : memref<10000x256xi32, #tpu.memory_space<hbm>> -> memref<10000x256xi32, #tpu.memory_space<hbm>>
    tpu.wait_indirect_dma semaphore(%arg9 : memref<!tpu.dma_semaphore, #tpu.memory_space<semaphore_mem>>) src(%dma_wait3A_346 : memref<10000x256xi32, #tpu.memory_space<hbm>>) dst(%arg7 : memref<200x256xi32, #tpu.memory_space<vmem>>)
    %add3A_347 = arith.constant 3400 : i32
    %add3A_348 = arith.addi %mul3A_2, %add3A_347 : i32
    %dma_start3A_349 = arith.constant 0 : i32
    %dma_start3A_350 = tpu.memref_slice %arg4[%add3A_348, %dma_start3A_349] : memref<160000x256xi32, #tpu.memory_space<hbm>> -> memref<200x256xi32, #tpu.memory_space<hbm>>
    %dma_start3A_351 = arith.constant 0 : i32
    %dma_start3A_352 = tpu.memref_slice %arg4[%add3A_348, %dma_start3A_351] : memref<160000x256xi32, #tpu.memory_space<hbm>> -> memref<200x256xi32, #tpu.memory_space<hbm>>
    tpu.enqueue_dma source(%arg7 : memref<200x256xi32, #tpu.memory_space<vmem>>) target(%dma_start3A_352 : memref<200x256xi32, #tpu.memory_space<hbm>>) target_semaphore(%arg11 : memref<!tpu.dma_semaphore, #tpu.memory_space<semaphore_mem>>)
    %dma_wait3A_353 = arith.constant 0 : i32
    %dma_wait3A_354 = tpu.memref_slice %arg4[%add3A_328, %dma_wait3A_353] : memref<160000x256xi32, #tpu.memory_space<hbm>> -> memref<200x256xi32, #tpu.memory_space<hbm>>
    %dma_wait3A_355 = arith.constant 0 : i32
    %dma_wait3A_356 = tpu.memref_slice %arg4[%add3A_328, %dma_wait3A_355] : memref<160000x256xi32, #tpu.memory_space<hbm>> -> memref<200x256xi32, #tpu.memory_space<hbm>>
    tpu.wait_dma2 semaphore(%arg10 : memref<!tpu.dma_semaphore, #tpu.memory_space<semaphore_mem>>) src(%arg6 : memref<200x256xi32, #tpu.memory_space<vmem>>) dst(%dma_wait3A_356 : memref<200x256xi32, #tpu.memory_space<hbm>>)
    %dma_start3A_357 = arith.constant 3600 : i32
    %dma_start3A_358 = tpu.memref_slice %arg5[%dma_start3A_357] : memref<5000xi32, #tpu.memory_space<vmem>> -> memref<200xi32, #tpu.memory_space<vmem>>
    %dma_start3A_359 = arith.constant 0 : i32
    %dma_start3A_360 = arith.constant 0 : i32
    %dma_start3A_361 = tpu.memref_slice %arg2[%dma_start3A_359, %dma_start3A_360] : memref<10000x256xi32, #tpu.memory_space<hbm>> -> memref<10000x256xi32, #tpu.memory_space<hbm>>
    tpu.enqueue_indirect_dma source(%dma_start3A_361 : memref<10000x256xi32, #tpu.memory_space<hbm>>) target(%arg6 : memref<200x256xi32, #tpu.memory_space<vmem>>) offsets(%dma_start3A_358 : memref<200xi32, #tpu.memory_space<vmem>>) semaphore(%arg8 : memref<!tpu.dma_semaphore, #tpu.memory_space<semaphore_mem>>)
    %dma_wait3A_362 = arith.constant 3600 : i32
    %dma_wait3A_363 = tpu.memref_slice %arg5[%dma_wait3A_362] : memref<5000xi32, #tpu.memory_space<vmem>> -> memref<200xi32, #tpu.memory_space<vmem>>
    %dma_wait3A_364 = arith.constant 0 : i32
    %dma_wait3A_365 = arith.constant 0 : i32
    %dma_wait3A_366 = tpu.memref_slice %arg2[%dma_wait3A_364, %dma_wait3A_365] : memref<10000x256xi32, #tpu.memory_space<hbm>> -> memref<10000x256xi32, #tpu.memory_space<hbm>>
    tpu.wait_indirect_dma semaphore(%arg8 : memref<!tpu.dma_semaphore, #tpu.memory_space<semaphore_mem>>) src(%dma_wait3A_366 : memref<10000x256xi32, #tpu.memory_space<hbm>>) dst(%arg6 : memref<200x256xi32, #tpu.memory_space<vmem>>)
    %add3A_367 = arith.constant 3600 : i32
    %add3A_368 = arith.addi %mul3A_2, %add3A_367 : i32
    %dma_start3A_369 = arith.constant 0 : i32
    %dma_start3A_370 = tpu.memref_slice %arg4[%add3A_368, %dma_start3A_369] : memref<160000x256xi32, #tpu.memory_space<hbm>> -> memref<200x256xi32, #tpu.memory_space<hbm>>
    %dma_start3A_371 = arith.constant 0 : i32
    %dma_start3A_372 = tpu.memref_slice %arg4[%add3A_368, %dma_start3A_371] : memref<160000x256xi32, #tpu.memory_space<hbm>> -> memref<200x256xi32, #tpu.memory_space<hbm>>
    tpu.enqueue_dma source(%arg6 : memref<200x256xi32, #tpu.memory_space<vmem>>) target(%dma_start3A_372 : memref<200x256xi32, #tpu.memory_space<hbm>>) target_semaphore(%arg10 : memref<!tpu.dma_semaphore, #tpu.memory_space<semaphore_mem>>)
    %dma_wait3A_373 = arith.constant 0 : i32
    %dma_wait3A_374 = tpu.memref_slice %arg4[%add3A_348, %dma_wait3A_373] : memref<160000x256xi32, #tpu.memory_space<hbm>> -> memref<200x256xi32, #tpu.memory_space<hbm>>
    %dma_wait3A_375 = arith.constant 0 : i32
    %dma_wait3A_376 = tpu.memref_slice %arg4[%add3A_348, %dma_wait3A_375] : memref<160000x256xi32, #tpu.memory_space<hbm>> -> memref<200x256xi32, #tpu.memory_space<hbm>>
    tpu.wait_dma2 semaphore(%arg11 : memref<!tpu.dma_semaphore, #tpu.memory_space<semaphore_mem>>) src(%arg7 : memref<200x256xi32, #tpu.memory_space<vmem>>) dst(%dma_wait3A_376 : memref<200x256xi32, #tpu.memory_space<hbm>>)
    %dma_start3A_377 = arith.constant 3800 : i32
    %dma_start3A_378 = tpu.memref_slice %arg5[%dma_start3A_377] : memref<5000xi32, #tpu.memory_space<vmem>> -> memref<200xi32, #tpu.memory_space<vmem>>
    %dma_start3A_379 = arith.constant 0 : i32
    %dma_start3A_380 = arith.constant 0 : i32
    %dma_start3A_381 = tpu.memref_slice %arg2[%dma_start3A_379, %dma_start3A_380] : memref<10000x256xi32, #tpu.memory_space<hbm>> -> memref<10000x256xi32, #tpu.memory_space<hbm>>
    tpu.enqueue_indirect_dma source(%dma_start3A_381 : memref<10000x256xi32, #tpu.memory_space<hbm>>) target(%arg7 : memref<200x256xi32, #tpu.memory_space<vmem>>) offsets(%dma_start3A_378 : memref<200xi32, #tpu.memory_space<vmem>>) semaphore(%arg9 : memref<!tpu.dma_semaphore, #tpu.memory_space<semaphore_mem>>)
    %dma_wait3A_382 = arith.constant 3800 : i32
    %dma_wait3A_383 = tpu.memref_slice %arg5[%dma_wait3A_382] : memref<5000xi32, #tpu.memory_space<vmem>> -> memref<200xi32, #tpu.memory_space<vmem>>
    %dma_wait3A_384 = arith.constant 0 : i32
    %dma_wait3A_385 = arith.constant 0 : i32
    %dma_wait3A_386 = tpu.memref_slice %arg2[%dma_wait3A_384, %dma_wait3A_385] : memref<10000x256xi32, #tpu.memory_space<hbm>> -> memref<10000x256xi32, #tpu.memory_space<hbm>>
    tpu.wait_indirect_dma semaphore(%arg9 : memref<!tpu.dma_semaphore, #tpu.memory_space<semaphore_mem>>) src(%dma_wait3A_386 : memref<10000x256xi32, #tpu.memory_space<hbm>>) dst(%arg7 : memref<200x256xi32, #tpu.memory_space<vmem>>)
    %add3A_387 = arith.constant 3800 : i32
    %add3A_388 = arith.addi %mul3A_2, %add3A_387 : i32
    %dma_start3A_389 = arith.constant 0 : i32
    %dma_start3A_390 = tpu.memref_slice %arg4[%add3A_388, %dma_start3A_389] : memref<160000x256xi32, #tpu.memory_space<hbm>> -> memref<200x256xi32, #tpu.memory_space<hbm>>
    %dma_start3A_391 = arith.constant 0 : i32
    %dma_start3A_392 = tpu.memref_slice %arg4[%add3A_388, %dma_start3A_391] : memref<160000x256xi32, #tpu.memory_space<hbm>> -> memref<200x256xi32, #tpu.memory_space<hbm>>
    tpu.enqueue_dma source(%arg7 : memref<200x256xi32, #tpu.memory_space<vmem>>) target(%dma_start3A_392 : memref<200x256xi32, #tpu.memory_space<hbm>>) target_semaphore(%arg11 : memref<!tpu.dma_semaphore, #tpu.memory_space<semaphore_mem>>)
    %dma_wait3A_393 = arith.constant 0 : i32
    %dma_wait3A_394 = tpu.memref_slice %arg4[%add3A_368, %dma_wait3A_393] : memref<160000x256xi32, #tpu.memory_space<hbm>> -> memref<200x256xi32, #tpu.memory_space<hbm>>
    %dma_wait3A_395 = arith.constant 0 : i32
    %dma_wait3A_396 = tpu.memref_slice %arg4[%add3A_368, %dma_wait3A_395] : memref<160000x256xi32, #tpu.memory_space<hbm>> -> memref<200x256xi32, #tpu.memory_space<hbm>>
    tpu.wait_dma2 semaphore(%arg10 : memref<!tpu.dma_semaphore, #tpu.memory_space<semaphore_mem>>) src(%arg6 : memref<200x256xi32, #tpu.memory_space<vmem>>) dst(%dma_wait3A_396 : memref<200x256xi32, #tpu.memory_space<hbm>>)
    %dma_start3A_397 = arith.constant 4000 : i32
    %dma_start3A_398 = tpu.memref_slice %arg5[%dma_start3A_397] : memref<5000xi32, #tpu.memory_space<vmem>> -> memref<200xi32, #tpu.memory_space<vmem>>
    %dma_start3A_399 = arith.constant 0 : i32
    %dma_start3A_400 = arith.constant 0 : i32
    %dma_start3A_401 = tpu.memref_slice %arg2[%dma_start3A_399, %dma_start3A_400] : memref<10000x256xi32, #tpu.memory_space<hbm>> -> memref<10000x256xi32, #tpu.memory_space<hbm>>
    tpu.enqueue_indirect_dma source(%dma_start3A_401 : memref<10000x256xi32, #tpu.memory_space<hbm>>) target(%arg6 : memref<200x256xi32, #tpu.memory_space<vmem>>) offsets(%dma_start3A_398 : memref<200xi32, #tpu.memory_space<vmem>>) semaphore(%arg8 : memref<!tpu.dma_semaphore, #tpu.memory_space<semaphore_mem>>)
    %dma_wait3A_402 = arith.constant 4000 : i32
    %dma_wait3A_403 = tpu.memref_slice %arg5[%dma_wait3A_402] : memref<5000xi32, #tpu.memory_space<vmem>> -> memref<200xi32, #tpu.memory_space<vmem>>
    %dma_wait3A_404 = arith.constant 0 : i32
    %dma_wait3A_405 = arith.constant 0 : i32
    %dma_wait3A_406 = tpu.memref_slice %arg2[%dma_wait3A_404, %dma_wait3A_405] : memref<10000x256xi32, #tpu.memory_space<hbm>> -> memref<10000x256xi32, #tpu.memory_space<hbm>>
    tpu.wait_indirect_dma semaphore(%arg8 : memref<!tpu.dma_semaphore, #tpu.memory_space<semaphore_mem>>) src(%dma_wait3A_406 : memref<10000x256xi32, #tpu.memory_space<hbm>>) dst(%arg6 : memref<200x256xi32, #tpu.memory_space<vmem>>)
    %add3A_407 = arith.constant 4000 : i32
    %add3A_408 = arith.addi %mul3A_2, %add3A_407 : i32
    %dma_start3A_409 = arith.constant 0 : i32
    %dma_start3A_410 = tpu.memref_slice %arg4[%add3A_408, %dma_start3A_409] : memref<160000x256xi32, #tpu.memory_space<hbm>> -> memref<200x256xi32, #tpu.memory_space<hbm>>
    %dma_start3A_411 = arith.constant 0 : i32
    %dma_start3A_412 = tpu.memref_slice %arg4[%add3A_408, %dma_start3A_411] : memref<160000x256xi32, #tpu.memory_space<hbm>> -> memref<200x256xi32, #tpu.memory_space<hbm>>
    tpu.enqueue_dma source(%arg6 : memref<200x256xi32, #tpu.memory_space<vmem>>) target(%dma_start3A_412 : memref<200x256xi32, #tpu.memory_space<hbm>>) target_semaphore(%arg10 : memref<!tpu.dma_semaphore, #tpu.memory_space<semaphore_mem>>)
    %dma_wait3A_413 = arith.constant 0 : i32
    %dma_wait3A_414 = tpu.memref_slice %arg4[%add3A_388, %dma_wait3A_413] : memref<160000x256xi32, #tpu.memory_space<hbm>> -> memref<200x256xi32, #tpu.memory_space<hbm>>
    %dma_wait3A_415 = arith.constant 0 : i32
    %dma_wait3A_416 = tpu.memref_slice %arg4[%add3A_388, %dma_wait3A_415] : memref<160000x256xi32, #tpu.memory_space<hbm>> -> memref<200x256xi32, #tpu.memory_space<hbm>>
    tpu.wait_dma2 semaphore(%arg11 : memref<!tpu.dma_semaphore, #tpu.memory_space<semaphore_mem>>) src(%arg7 : memref<200x256xi32, #tpu.memory_space<vmem>>) dst(%dma_wait3A_416 : memref<200x256xi32, #tpu.memory_space<hbm>>)
    %dma_start3A_417 = arith.constant 4200 : i32
    %dma_start3A_418 = tpu.memref_slice %arg5[%dma_start3A_417] : memref<5000xi32, #tpu.memory_space<vmem>> -> memref<200xi32, #tpu.memory_space<vmem>>
    %dma_start3A_419 = arith.constant 0 : i32
    %dma_start3A_420 = arith.constant 0 : i32
    %dma_start3A_421 = tpu.memref_slice %arg2[%dma_start3A_419, %dma_start3A_420] : memref<10000x256xi32, #tpu.memory_space<hbm>> -> memref<10000x256xi32, #tpu.memory_space<hbm>>
    tpu.enqueue_indirect_dma source(%dma_start3A_421 : memref<10000x256xi32, #tpu.memory_space<hbm>>) target(%arg7 : memref<200x256xi32, #tpu.memory_space<vmem>>) offsets(%dma_start3A_418 : memref<200xi32, #tpu.memory_space<vmem>>) semaphore(%arg9 : memref<!tpu.dma_semaphore, #tpu.memory_space<semaphore_mem>>)
    %dma_wait3A_422 = arith.constant 4200 : i32
    %dma_wait3A_423 = tpu.memref_slice %arg5[%dma_wait3A_422] : memref<5000xi32, #tpu.memory_space<vmem>> -> memref<200xi32, #tpu.memory_space<vmem>>
    %dma_wait3A_424 = arith.constant 0 : i32
    %dma_wait3A_425 = arith.constant 0 : i32
    %dma_wait3A_426 = tpu.memref_slice %arg2[%dma_wait3A_424, %dma_wait3A_425] : memref<10000x256xi32, #tpu.memory_space<hbm>> -> memref<10000x256xi32, #tpu.memory_space<hbm>>
    tpu.wait_indirect_dma semaphore(%arg9 : memref<!tpu.dma_semaphore, #tpu.memory_space<semaphore_mem>>) src(%dma_wait3A_426 : memref<10000x256xi32, #tpu.memory_space<hbm>>) dst(%arg7 : memref<200x256xi32, #tpu.memory_space<vmem>>)
    %add3A_427 = arith.constant 4200 : i32
    %add3A_428 = arith.addi %mul3A_2, %add3A_427 : i32
    %dma_start3A_429 = arith.constant 0 : i32
    %dma_start3A_430 = tpu.memref_slice %arg4[%add3A_428, %dma_start3A_429] : memref<160000x256xi32, #tpu.memory_space<hbm>> -> memref<200x256xi32, #tpu.memory_space<hbm>>
    %dma_start3A_431 = arith.constant 0 : i32
    %dma_start3A_432 = tpu.memref_slice %arg4[%add3A_428, %dma_start3A_431] : memref<160000x256xi32, #tpu.memory_space<hbm>> -> memref<200x256xi32, #tpu.memory_space<hbm>>
    tpu.enqueue_dma source(%arg7 : memref<200x256xi32, #tpu.memory_space<vmem>>) target(%dma_start3A_432 : memref<200x256xi32, #tpu.memory_space<hbm>>) target_semaphore(%arg11 : memref<!tpu.dma_semaphore, #tpu.memory_space<semaphore_mem>>)
    %dma_wait3A_433 = arith.constant 0 : i32
    %dma_wait3A_434 = tpu.memref_slice %arg4[%add3A_408, %dma_wait3A_433] : memref<160000x256xi32, #tpu.memory_space<hbm>> -> memref<200x256xi32, #tpu.memory_space<hbm>>
    %dma_wait3A_435 = arith.constant 0 : i32
    %dma_wait3A_436 = tpu.memref_slice %arg4[%add3A_408, %dma_wait3A_435] : memref<160000x256xi32, #tpu.memory_space<hbm>> -> memref<200x256xi32, #tpu.memory_space<hbm>>
    tpu.wait_dma2 semaphore(%arg10 : memref<!tpu.dma_semaphore, #tpu.memory_space<semaphore_mem>>) src(%arg6 : memref<200x256xi32, #tpu.memory_space<vmem>>) dst(%dma_wait3A_436 : memref<200x256xi32, #tpu.memory_space<hbm>>)
    %dma_start3A_437 = arith.constant 4400 : i32
    %dma_start3A_438 = tpu.memref_slice %arg5[%dma_start3A_437] : memref<5000xi32, #tpu.memory_space<vmem>> -> memref<200xi32, #tpu.memory_space<vmem>>
    %dma_start3A_439 = arith.constant 0 : i32
    %dma_start3A_440 = arith.constant 0 : i32
    %dma_start3A_441 = tpu.memref_slice %arg2[%dma_start3A_439, %dma_start3A_440] : memref<10000x256xi32, #tpu.memory_space<hbm>> -> memref<10000x256xi32, #tpu.memory_space<hbm>>
    tpu.enqueue_indirect_dma source(%dma_start3A_441 : memref<10000x256xi32, #tpu.memory_space<hbm>>) target(%arg6 : memref<200x256xi32, #tpu.memory_space<vmem>>) offsets(%dma_start3A_438 : memref<200xi32, #tpu.memory_space<vmem>>) semaphore(%arg8 : memref<!tpu.dma_semaphore, #tpu.memory_space<semaphore_mem>>)
    %dma_wait3A_442 = arith.constant 4400 : i32
    %dma_wait3A_443 = tpu.memref_slice %arg5[%dma_wait3A_442] : memref<5000xi32, #tpu.memory_space<vmem>> -> memref<200xi32, #tpu.memory_space<vmem>>
    %dma_wait3A_444 = arith.constant 0 : i32
    %dma_wait3A_445 = arith.constant 0 : i32
    %dma_wait3A_446 = tpu.memref_slice %arg2[%dma_wait3A_444, %dma_wait3A_445] : memref<10000x256xi32, #tpu.memory_space<hbm>> -> memref<10000x256xi32, #tpu.memory_space<hbm>>
    tpu.wait_indirect_dma semaphore(%arg8 : memref<!tpu.dma_semaphore, #tpu.memory_space<semaphore_mem>>) src(%dma_wait3A_446 : memref<10000x256xi32, #tpu.memory_space<hbm>>) dst(%arg6 : memref<200x256xi32, #tpu.memory_space<vmem>>)
    %add3A_447 = arith.constant 4400 : i32
    %add3A_448 = arith.addi %mul3A_2, %add3A_447 : i32
    %dma_start3A_449 = arith.constant 0 : i32
    %dma_start3A_450 = tpu.memref_slice %arg4[%add3A_448, %dma_start3A_449] : memref<160000x256xi32, #tpu.memory_space<hbm>> -> memref<200x256xi32, #tpu.memory_space<hbm>>
    %dma_start3A_451 = arith.constant 0 : i32
    %dma_start3A_452 = tpu.memref_slice %arg4[%add3A_448, %dma_start3A_451] : memref<160000x256xi32, #tpu.memory_space<hbm>> -> memref<200x256xi32, #tpu.memory_space<hbm>>
    tpu.enqueue_dma source(%arg6 : memref<200x256xi32, #tpu.memory_space<vmem>>) target(%dma_start3A_452 : memref<200x256xi32, #tpu.memory_space<hbm>>) target_semaphore(%arg10 : memref<!tpu.dma_semaphore, #tpu.memory_space<semaphore_mem>>)
    %dma_wait3A_453 = arith.constant 0 : i32
    %dma_wait3A_454 = tpu.memref_slice %arg4[%add3A_428, %dma_wait3A_453] : memref<160000x256xi32, #tpu.memory_space<hbm>> -> memref<200x256xi32, #tpu.memory_space<hbm>>
    %dma_wait3A_455 = arith.constant 0 : i32
    %dma_wait3A_456 = tpu.memref_slice %arg4[%add3A_428, %dma_wait3A_455] : memref<160000x256xi32, #tpu.memory_space<hbm>> -> memref<200x256xi32, #tpu.memory_space<hbm>>
    tpu.wait_dma2 semaphore(%arg11 : memref<!tpu.dma_semaphore, #tpu.memory_space<semaphore_mem>>) src(%arg7 : memref<200x256xi32, #tpu.memory_space<vmem>>) dst(%dma_wait3A_456 : memref<200x256xi32, #tpu.memory_space<hbm>>)
    %dma_start3A_457 = arith.constant 4600 : i32
    %dma_start3A_458 = tpu.memref_slice %arg5[%dma_start3A_457] : memref<5000xi32, #tpu.memory_space<vmem>> -> memref<200xi32, #tpu.memory_space<vmem>>
    %dma_start3A_459 = arith.constant 0 : i32
    %dma_start3A_460 = arith.constant 0 : i32
    %dma_start3A_461 = tpu.memref_slice %arg2[%dma_start3A_459, %dma_start3A_460] : memref<10000x256xi32, #tpu.memory_space<hbm>> -> memref<10000x256xi32, #tpu.memory_space<hbm>>
    tpu.enqueue_indirect_dma source(%dma_start3A_461 : memref<10000x256xi32, #tpu.memory_space<hbm>>) target(%arg7 : memref<200x256xi32, #tpu.memory_space<vmem>>) offsets(%dma_start3A_458 : memref<200xi32, #tpu.memory_space<vmem>>) semaphore(%arg9 : memref<!tpu.dma_semaphore, #tpu.memory_space<semaphore_mem>>)
    %dma_wait3A_462 = arith.constant 4600 : i32
    %dma_wait3A_463 = tpu.memref_slice %arg5[%dma_wait3A_462] : memref<5000xi32, #tpu.memory_space<vmem>> -> memref<200xi32, #tpu.memory_space<vmem>>
    %dma_wait3A_464 = arith.constant 0 : i32
    %dma_wait3A_465 = arith.constant 0 : i32
    %dma_wait3A_466 = tpu.memref_slice %arg2[%dma_wait3A_464, %dma_wait3A_465] : memref<10000x256xi32, #tpu.memory_space<hbm>> -> memref<10000x256xi32, #tpu.memory_space<hbm>>
    tpu.wait_indirect_dma semaphore(%arg9 : memref<!tpu.dma_semaphore, #tpu.memory_space<semaphore_mem>>) src(%dma_wait3A_466 : memref<10000x256xi32, #tpu.memory_space<hbm>>) dst(%arg7 : memref<200x256xi32, #tpu.memory_space<vmem>>)
    %add3A_467 = arith.constant 4600 : i32
    %add3A_468 = arith.addi %mul3A_2, %add3A_467 : i32
    %dma_start3A_469 = arith.constant 0 : i32
    %dma_start3A_470 = tpu.memref_slice %arg4[%add3A_468, %dma_start3A_469] : memref<160000x256xi32, #tpu.memory_space<hbm>> -> memref<200x256xi32, #tpu.memory_space<hbm>>
    %dma_start3A_471 = arith.constant 0 : i32
    %dma_start3A_472 = tpu.memref_slice %arg4[%add3A_468, %dma_start3A_471] : memref<160000x256xi32, #tpu.memory_space<hbm>> -> memref<200x256xi32, #tpu.memory_space<hbm>>
    tpu.enqueue_dma source(%arg7 : memref<200x256xi32, #tpu.memory_space<vmem>>) target(%dma_start3A_472 : memref<200x256xi32, #tpu.memory_space<hbm>>) target_semaphore(%arg11 : memref<!tpu.dma_semaphore, #tpu.memory_space<semaphore_mem>>)
    %dma_wait3A_473 = arith.constant 0 : i32
    %dma_wait3A_474 = tpu.memref_slice %arg4[%add3A_448, %dma_wait3A_473] : memref<160000x256xi32, #tpu.memory_space<hbm>> -> memref<200x256xi32, #tpu.memory_space<hbm>>
    %dma_wait3A_475 = arith.constant 0 : i32
    %dma_wait3A_476 = tpu.memref_slice %arg4[%add3A_448, %dma_wait3A_475] : memref<160000x256xi32, #tpu.memory_space<hbm>> -> memref<200x256xi32, #tpu.memory_space<hbm>>
    tpu.wait_dma2 semaphore(%arg10 : memref<!tpu.dma_semaphore, #tpu.memory_space<semaphore_mem>>) src(%arg6 : memref<200x256xi32, #tpu.memory_space<vmem>>) dst(%dma_wait3A_476 : memref<200x256xi32, #tpu.memory_space<hbm>>)
    %dma_start3A_477 = arith.constant 4800 : i32
    %dma_start3A_478 = tpu.memref_slice %arg5[%dma_start3A_477] : memref<5000xi32, #tpu.memory_space<vmem>> -> memref<200xi32, #tpu.memory_space<vmem>>
    %dma_start3A_479 = arith.constant 0 : i32
    %dma_start3A_480 = arith.constant 0 : i32
    %dma_start3A_481 = tpu.memref_slice %arg2[%dma_start3A_479, %dma_start3A_480] : memref<10000x256xi32, #tpu.memory_space<hbm>> -> memref<10000x256xi32, #tpu.memory_space<hbm>>
    tpu.enqueue_indirect_dma source(%dma_start3A_481 : memref<10000x256xi32, #tpu.memory_space<hbm>>) target(%arg6 : memref<200x256xi32, #tpu.memory_space<vmem>>) offsets(%dma_start3A_478 : memref<200xi32, #tpu.memory_space<vmem>>) semaphore(%arg8 : memref<!tpu.dma_semaphore, #tpu.memory_space<semaphore_mem>>)
    %dma_wait3A_482 = arith.constant 4800 : i32
    %dma_wait3A_483 = tpu.memref_slice %arg5[%dma_wait3A_482] : memref<5000xi32, #tpu.memory_space<vmem>> -> memref<200xi32, #tpu.memory_space<vmem>>
    %dma_wait3A_484 = arith.constant 0 : i32
    %dma_wait3A_485 = arith.constant 0 : i32
    %dma_wait3A_486 = tpu.memref_slice %arg2[%dma_wait3A_484, %dma_wait3A_485] : memref<10000x256xi32, #tpu.memory_space<hbm>> -> memref<10000x256xi32, #tpu.memory_space<hbm>>
    tpu.wait_indirect_dma semaphore(%arg8 : memref<!tpu.dma_semaphore, #tpu.memory_space<semaphore_mem>>) src(%dma_wait3A_486 : memref<10000x256xi32, #tpu.memory_space<hbm>>) dst(%arg6 : memref<200x256xi32, #tpu.memory_space<vmem>>)
    %add3A_487 = arith.constant 4800 : i32
    %add3A_488 = arith.addi %mul3A_2, %add3A_487 : i32
    %dma_start3A_489 = arith.constant 0 : i32
    %dma_start3A_490 = tpu.memref_slice %arg4[%add3A_488, %dma_start3A_489] : memref<160000x256xi32, #tpu.memory_space<hbm>> -> memref<200x256xi32, #tpu.memory_space<hbm>>
    %dma_start3A_491 = arith.constant 0 : i32
    %dma_start3A_492 = tpu.memref_slice %arg4[%add3A_488, %dma_start3A_491] : memref<160000x256xi32, #tpu.memory_space<hbm>> -> memref<200x256xi32, #tpu.memory_space<hbm>>
    tpu.enqueue_dma source(%arg6 : memref<200x256xi32, #tpu.memory_space<vmem>>) target(%dma_start3A_492 : memref<200x256xi32, #tpu.memory_space<hbm>>) target_semaphore(%arg10 : memref<!tpu.dma_semaphore, #tpu.memory_space<semaphore_mem>>)
    %dma_wait3A_493 = arith.constant 0 : i32
    %dma_wait3A_494 = tpu.memref_slice %arg4[%add3A_488, %dma_wait3A_493] : memref<160000x256xi32, #tpu.memory_space<hbm>> -> memref<200x256xi32, #tpu.memory_space<hbm>>
    %dma_wait3A_495 = arith.constant 0 : i32
    %dma_wait3A_496 = tpu.memref_slice %arg4[%add3A_488, %dma_wait3A_495] : memref<160000x256xi32, #tpu.memory_space<hbm>> -> memref<200x256xi32, #tpu.memory_space<hbm>>
    tpu.wait_dma2 semaphore(%arg10 : memref<!tpu.dma_semaphore, #tpu.memory_space<semaphore_mem>>) src(%arg6 : memref<200x256xi32, #tpu.memory_space<vmem>>) dst(%dma_wait3A_496 : memref<200x256xi32, #tpu.memory_space<hbm>>)
    %dma_wait3A_497 = arith.constant 0 : i32
    %dma_wait3A_498 = tpu.memref_slice %arg4[%add3A_468, %dma_wait3A_497] : memref<160000x256xi32, #tpu.memory_space<hbm>> -> memref<200x256xi32, #tpu.memory_space<hbm>>
    %dma_wait3A_499 = arith.constant 0 : i32
    %dma_wait3A_500 = tpu.memref_slice %arg4[%add3A_468, %dma_wait3A_499] : memref<160000x256xi32, #tpu.memory_space<hbm>> -> memref<200x256xi32, #tpu.memory_space<hbm>>
    tpu.wait_dma2 semaphore(%arg11 : memref<!tpu.dma_semaphore, #tpu.memory_space<semaphore_mem>>) src(%arg7 : memref<200x256xi32, #tpu.memory_space<vmem>>) dst(%dma_wait3A_500 : memref<200x256xi32, #tpu.memory_space<hbm>>)
    return
  }
}

module attributes {stable_mosaic.version = 14 : i64} {
  func.func @_proj_body(%arg0: i32, %arg1: memref<1000x256xf32, #tpu.memory_space<vmem>>, %arg2: memref<1000x8xf32, #tpu.memory_space<vmem>>, %arg3: memref<8x256xf32, #tpu.memory_space<vmem>>, %arg4: memref<1x256xf32, #tpu.memory_space<vmem>>, %arg5: memref<8x256xf32, #tpu.memory_space<vmem>>, %arg6: memref<1x256xf32, #tpu.memory_space<vmem>>, %arg7: memref<256x256xf32, #tpu.memory_space<vmem>>, %arg8: memref<1x256xf32, #tpu.memory_space<vmem>>, %arg9: memref<256x256xf32, #tpu.memory_space<vmem>>, %arg10: memref<1x256xf32, #tpu.memory_space<vmem>>, %arg11: memref<256x256xf32, #tpu.memory_space<vmem>>, %arg12: memref<1x256xf32, #tpu.memory_space<vmem>>, %arg13: memref<1000x256xf32, #tpu.memory_space<vmem>>, %arg14: memref<1000x256xi32, #tpu.memory_space<vmem>>) attributes {dimension_semantics = [#tpu.dimension_semantics<arbitrary>], iteration_bounds = array<i64: 10>, scalar_prefetch = 0 : i64, scratch_operands = 0 : i64, tpu.core_type = #tpu.core_type<tc>, window_params = [{transform_indices = @transform_0, window_bounds = array<i64: 1000, 256>}, {transform_indices = @transform_1, window_bounds = array<i64: 1000, 8>}, {pipeline_mode = #tpu.pipeline_mode<synchronous>, transform_indices = @transform_2, window_bounds = array<i64: 8, 256>}, {pipeline_mode = #tpu.pipeline_mode<synchronous>, transform_indices = @transform_3, window_bounds = array<i64: 1, 256>}, {pipeline_mode = #tpu.pipeline_mode<synchronous>, transform_indices = @transform_4, window_bounds = array<i64: 8, 256>}, {pipeline_mode = #tpu.pipeline_mode<synchronous>, transform_indices = @transform_5, window_bounds = array<i64: 1, 256>}, {pipeline_mode = #tpu.pipeline_mode<synchronous>, transform_indices = @transform_6, window_bounds = array<i64: 256, 256>}, {pipeline_mode = #tpu.pipeline_mode<synchronous>, transform_indices = @transform_7, window_bounds = array<i64: 1, 256>}, {pipeline_mode = #tpu.pipeline_mode<synchronous>, transform_indices = @transform_8, window_bounds = array<i64: 256, 256>}, {pipeline_mode = #tpu.pipeline_mode<synchronous>, transform_indices = @transform_9, window_bounds = array<i64: 1, 256>}, {pipeline_mode = #tpu.pipeline_mode<synchronous>, transform_indices = @transform_10, window_bounds = array<i64: 256, 256>}, {pipeline_mode = #tpu.pipeline_mode<synchronous>, transform_indices = @transform_11, window_bounds = array<i64: 1, 256>}, {transform_indices = @transform_12, window_bounds = array<i64: 1000, 256>}, {transform_indices = @transform_13, window_bounds = array<i64: 1000, 256>}]} {
    %get3A = arith.constant 0 : index
    %get3A_0 = arith.constant 0 : index
    %get3A_1 = vector.load %arg1[%get3A, %get3A_0] : memref<1000x256xf32, #tpu.memory_space<vmem>>, vector<1000x256xf32>
    %get3A_2 = arith.constant 0 : index
    %get3A_3 = arith.constant 0 : index
    %get3A_4 = vector.load %arg2[%get3A_2, %get3A_3] : memref<1000x8xf32, #tpu.memory_space<vmem>>, vector<1000x8xf32>
    %get3A_5 = arith.constant 0 : index
    %get3A_6 = arith.constant 0 : index
    %get3A_7 = vector.load %arg3[%get3A_5, %get3A_6] : memref<8x256xf32, #tpu.memory_space<vmem>>, vector<8x256xf32>
    %dot_general3A = arith.constant dense<0.000000e+00> : vector<1000x256xf32>
    %dot_general3A_8 = tpu.matmul %get3A_4, %get3A_7, %dot_general3A {dimension_numbers = #tpu.dot_dimension_numbers<[1], [0], [0], [1], [0, 0, 1, 1], [], []>, transpose_lhs_hint = false} : vector<1000x8xf32>, vector<8x256xf32>, vector<1000x256xf32> -> vector<1000x256xf32>
    %get3A_9 = arith.constant 0 : index
    %get3A_10 = arith.constant 0 : index
    %get3A_11 = vector.load %arg4[%get3A_9, %get3A_10] : memref<1x256xf32, #tpu.memory_space<vmem>>, vector<1x256xf32>
    %add3A = vector.broadcast %get3A_11 : vector<1x256xf32> to vector<1000x256xf32>
    %add3A_12 = arith.addf %dot_general3A_8, %add3A : vector<1000x256xf32>
    %max3A = arith.constant 0.000000e+00 : f32
    %max3A_13 = vector.broadcast %max3A : f32 to vector<1000x256xf32>
    %max3A_14 = arith.maximumf %add3A_12, %max3A_13 : vector<1000x256xf32>
    %get3A_15 = arith.constant 0 : index
    %get3A_16 = arith.constant 0 : index
    %get3A_17 = vector.load %arg5[%get3A_15, %get3A_16] : memref<8x256xf32, #tpu.memory_space<vmem>>, vector<8x256xf32>
    %dot_general3A_18 = arith.constant dense<0.000000e+00> : vector<1000x256xf32>
    %dot_general3A_19 = tpu.matmul %get3A_4, %get3A_17, %dot_general3A_18 {dimension_numbers = #tpu.dot_dimension_numbers<[1], [0], [0], [1], [0, 0, 1, 1], [], []>, transpose_lhs_hint = false} : vector<1000x8xf32>, vector<8x256xf32>, vector<1000x256xf32> -> vector<1000x256xf32>
    %get3A_20 = arith.constant 0 : index
    %get3A_21 = arith.constant 0 : index
    %get3A_22 = vector.load %arg6[%get3A_20, %get3A_21] : memref<1x256xf32, #tpu.memory_space<vmem>>, vector<1x256xf32>
    %add3A_23 = vector.broadcast %get3A_22 : vector<1x256xf32> to vector<1000x256xf32>
    %add3A_24 = arith.addf %dot_general3A_19, %add3A_23 : vector<1000x256xf32>
    %max3A_25 = arith.constant 0.000000e+00 : f32
    %max3A_26 = vector.broadcast %max3A_25 : f32 to vector<1000x256xf32>
    %max3A_27 = arith.maximumf %add3A_24, %max3A_26 : vector<1000x256xf32>
    %add3A_28 = arith.addf %get3A_1, %max3A_14 : vector<1000x256xf32>
    %add3A_29 = arith.addf %get3A_1, %max3A_27 : vector<1000x256xf32>
    %get3A_30 = arith.constant 0 : index
    %get3A_31 = arith.constant 0 : index
    %get3A_32 = vector.load %arg7[%get3A_30, %get3A_31] : memref<256x256xf32, #tpu.memory_space<vmem>>, vector<256x256xf32>
    %dot_general3A_33 = arith.constant dense<0.000000e+00> : vector<1000x256xf32>
    %dot_general3A_34 = tpu.matmul %add3A_28, %get3A_32, %dot_general3A_33 {dimension_numbers = #tpu.dot_dimension_numbers<[1], [0], [0], [1], [0, 0, 1, 1], [], []>, transpose_lhs_hint = false} : vector<1000x256xf32>, vector<256x256xf32>, vector<1000x256xf32> -> vector<1000x256xf32>
    %get3A_35 = arith.constant 0 : index
    %get3A_36 = arith.constant 0 : index
    %get3A_37 = vector.load %arg8[%get3A_35, %get3A_36] : memref<1x256xf32, #tpu.memory_space<vmem>>, vector<1x256xf32>
    %add3A_38 = vector.broadcast %get3A_37 : vector<1x256xf32> to vector<1000x256xf32>
    %add3A_39 = arith.addf %dot_general3A_34, %add3A_38 : vector<1000x256xf32>
    %swap3A = arith.constant 0 : index
    %swap3A_40 = arith.constant 0 : index
    %swap3A_41 = vector.load %arg13[%swap3A, %swap3A_40] : memref<1000x256xf32, #tpu.memory_space<vmem>>, vector<1000x256xf32>
    tpu.vector_store %arg13[%swap3A, %swap3A_40], %add3A_39 {strides = array<i32>} : memref<1000x256xf32, #tpu.memory_space<vmem>>, vector<1000x256xf32>,
    %get3A_42 = arith.constant 0 : index
    %get3A_43 = arith.constant 0 : index
    %get3A_44 = vector.load %arg9[%get3A_42, %get3A_43] : memref<256x256xf32, #tpu.memory_space<vmem>>, vector<256x256xf32>
    %dot_general3A_45 = arith.constant dense<0.000000e+00> : vector<1000x256xf32>
    %dot_general3A_46 = tpu.matmul %add3A_29, %get3A_44, %dot_general3A_45 {dimension_numbers = #tpu.dot_dimension_numbers<[1], [0], [0], [1], [0, 0, 1, 1], [], []>, transpose_lhs_hint = false} : vector<1000x256xf32>, vector<256x256xf32>, vector<1000x256xf32> -> vector<1000x256xf32>
    %get3A_47 = arith.constant 0 : index
    %get3A_48 = arith.constant 0 : index
    %get3A_49 = vector.load %arg10[%get3A_47, %get3A_48] : memref<1x256xf32, #tpu.memory_space<vmem>>, vector<1x256xf32>
    %add3A_50 = vector.broadcast %get3A_49 : vector<1x256xf32> to vector<1000x256xf32>
    %add3A_51 = arith.addf %dot_general3A_46, %add3A_50 : vector<1000x256xf32>
    %get3A_52 = arith.constant 0 : index
    %get3A_53 = arith.constant 0 : index
    %get3A_54 = vector.load %arg11[%get3A_52, %get3A_53] : memref<256x256xf32, #tpu.memory_space<vmem>>, vector<256x256xf32>
    %dot_general3A_55 = arith.constant dense<0.000000e+00> : vector<1000x256xf32>
    %dot_general3A_56 = tpu.matmul %add3A_29, %get3A_54, %dot_general3A_55 {dimension_numbers = #tpu.dot_dimension_numbers<[1], [0], [0], [1], [0, 0, 1, 1], [], []>, transpose_lhs_hint = false} : vector<1000x256xf32>, vector<256x256xf32>, vector<1000x256xf32> -> vector<1000x256xf32>
    %get3A_57 = arith.constant 0 : index
    %get3A_58 = arith.constant 0 : index
    %get3A_59 = vector.load %arg12[%get3A_57, %get3A_58] : memref<1x256xf32, #tpu.memory_space<vmem>>, vector<1x256xf32>
    %add3A_60 = vector.broadcast %get3A_59 : vector<1x256xf32> to vector<1000x256xf32>
    %add3A_61 = arith.addf %dot_general3A_56, %add3A_60 : vector<1000x256xf32>
    %bitcast_convert_type3A = tpu.bitcast %add3A_61 : vector<1000x256xf32> -> vector<1000x256xi32>
    %shift_right_logical3A = arith.constant 16 : i32
    %shift_right_logical3A_62 = vector.broadcast %shift_right_logical3A : i32 to vector<1000x256xi32>
    %shift_right_logical3A_63 = arith.shrui %bitcast_convert_type3A, %shift_right_logical3A_62 : vector<1000x256xi32>
    %and3A = arith.constant 1 : i32
    %and3A_64 = vector.broadcast %and3A : i32 to vector<1000x256xi32>
    %and3A_65 = arith.andi %shift_right_logical3A_63, %and3A_64 : vector<1000x256xi32>
    %add3A_66 = arith.constant 32767 : i32
    %add3A_67 = vector.broadcast %add3A_66 : i32 to vector<1000x256xi32>
    %add3A_68 = arith.addi %bitcast_convert_type3A, %add3A_67 : vector<1000x256xi32>
    %add3A_69 = arith.addi %add3A_68, %and3A_65 : vector<1000x256xi32>
    %shift_right_logical3A_70 = arith.constant 16 : i32
    %shift_right_logical3A_71 = vector.broadcast %shift_right_logical3A_70 : i32 to vector<1000x256xi32>
    %shift_right_logical3A_72 = arith.shrui %add3A_69, %shift_right_logical3A_71 : vector<1000x256xi32>
    %shift_left3A = arith.constant 16 : i32
    %shift_left3A_73 = vector.broadcast %shift_left3A : i32 to vector<1000x256xi32>
    %shift_left3A_74 = arith.shli %shift_right_logical3A_72, %shift_left3A_73 : vector<1000x256xi32>
    %bitcast_convert_type3A_75 = tpu.bitcast %add3A_51 : vector<1000x256xf32> -> vector<1000x256xi32>
    %shift_right_logical3A_76 = arith.constant 16 : i32
    %shift_right_logical3A_77 = vector.broadcast %shift_right_logical3A_76 : i32 to vector<1000x256xi32>
    %shift_right_logical3A_78 = arith.shrui %bitcast_convert_type3A_75, %shift_right_logical3A_77 : vector<1000x256xi32>
    %and3A_79 = arith.constant 1 : i32
    %and3A_80 = vector.broadcast %and3A_79 : i32 to vector<1000x256xi32>
    %and3A_81 = arith.andi %shift_right_logical3A_78, %and3A_80 : vector<1000x256xi32>
    %add3A_82 = arith.constant 32767 : i32
    %add3A_83 = vector.broadcast %add3A_82 : i32 to vector<1000x256xi32>
    %add3A_84 = arith.addi %bitcast_convert_type3A_75, %add3A_83 : vector<1000x256xi32>
    %add3A_85 = arith.addi %add3A_84, %and3A_81 : vector<1000x256xi32>
    %shift_right_logical3A_86 = arith.constant 16 : i32
    %shift_right_logical3A_87 = vector.broadcast %shift_right_logical3A_86 : i32 to vector<1000x256xi32>
    %shift_right_logical3A_88 = arith.shrui %add3A_85, %shift_right_logical3A_87 : vector<1000x256xi32>
    %or3A = arith.ori %shift_left3A_74, %shift_right_logical3A_88 : vector<1000x256xi32>
    %bitcast_convert_type3A_89 = tpu.bitcast %or3A : vector<1000x256xi32> -> vector<1000x256xi32>
    %swap3A_90 = arith.constant 0 : index
    %swap3A_91 = arith.constant 0 : index
    %swap3A_92 = vector.load %arg14[%swap3A_90, %swap3A_91] : memref<1000x256xi32, #tpu.memory_space<vmem>>, vector<1000x256xi32>
    tpu.vector_store %arg14[%swap3A_90, %swap3A_91], %bitcast_convert_type3A_89 {strides = array<i32>} : memref<1000x256xi32, #tpu.memory_space<vmem>>, vector<1000x256xi32>,
    return
  }
  func.func @transform_0(%arg0: i32) -> (i32, i32) {
    %c0_i32 = arith.constant 0 : i32
    %c0_i32_0 = arith.constant 0 : i32
    return %arg0, %c0_i32 : i32, i32
  }
  func.func @transform_1(%arg0: i32) -> (i32, i32) {
    %c0_i32 = arith.constant 0 : i32
    %c0_i32_0 = arith.constant 0 : i32
    return %arg0, %c0_i32 : i32, i32
  }
  func.func @transform_2(%arg0: i32) -> (i32, i32) {
    %c0_i32 = arith.constant 0 : i32
    %c0_i32_0 = arith.constant 0 : i32
    %c0_i32_1 = arith.constant 0 : i32
    return %c0_i32, %c0_i32_0 : i32, i32
  }
  func.func @transform_3(%arg0: i32) -> (i32, i32) {
    %c0_i32 = arith.constant 0 : i32
    %c0_i32_0 = arith.constant 0 : i32
    %c0_i32_1 = arith.constant 0 : i32
    return %c0_i32, %c0_i32_0 : i32, i32
  }
  func.func @transform_4(%arg0: i32) -> (i32, i32) {
    %c0_i32 = arith.constant 0 : i32
    %c0_i32_0 = arith.constant 0 : i32
    %c0_i32_1 = arith.constant 0 : i32
    return %c0_i32, %c0_i32_0 : i32, i32
  }
  func.func @transform_5(%arg0: i32) -> (i32, i32) {
    %c0_i32 = arith.constant 0 : i32
    %c0_i32_0 = arith.constant 0 : i32
    %c0_i32_1 = arith.constant 0 : i32
    return %c0_i32, %c0_i32_0 : i32, i32
  }
  func.func @transform_6(%arg0: i32) -> (i32, i32) {
    %c0_i32 = arith.constant 0 : i32
    %c0_i32_0 = arith.constant 0 : i32
    %c0_i32_1 = arith.constant 0 : i32
    return %c0_i32, %c0_i32_0 : i32, i32
  }
  func.func @transform_7(%arg0: i32) -> (i32, i32) {
    %c0_i32 = arith.constant 0 : i32
    %c0_i32_0 = arith.constant 0 : i32
    %c0_i32_1 = arith.constant 0 : i32
    return %c0_i32, %c0_i32_0 : i32, i32
  }
  func.func @transform_8(%arg0: i32) -> (i32, i32) {
    %c0_i32 = arith.constant 0 : i32
    %c0_i32_0 = arith.constant 0 : i32
    %c0_i32_1 = arith.constant 0 : i32
    return %c0_i32, %c0_i32_0 : i32, i32
  }
  func.func @transform_9(%arg0: i32) -> (i32, i32) {
    %c0_i32 = arith.constant 0 : i32
    %c0_i32_0 = arith.constant 0 : i32
    %c0_i32_1 = arith.constant 0 : i32
    return %c0_i32, %c0_i32_0 : i32, i32
  }
  func.func @transform_10(%arg0: i32) -> (i32, i32) {
    %c0_i32 = arith.constant 0 : i32
    %c0_i32_0 = arith.constant 0 : i32
    %c0_i32_1 = arith.constant 0 : i32
    return %c0_i32, %c0_i32_0 : i32, i32
  }
  func.func @transform_11(%arg0: i32) -> (i32, i32) {
    %c0_i32 = arith.constant 0 : i32
    %c0_i32_0 = arith.constant 0 : i32
    %c0_i32_1 = arith.constant 0 : i32
    return %c0_i32, %c0_i32_0 : i32, i32
  }
  func.func @transform_12(%arg0: i32) -> (i32, i32) {
    %c0_i32 = arith.constant 0 : i32
    %c0_i32_0 = arith.constant 0 : i32
    return %arg0, %c0_i32 : i32, i32
  }
  func.func @transform_13(%arg0: i32) -> (i32, i32) {
    %c0_i32 = arith.constant 0 : i32
    %c0_i32_0 = arith.constant 0 : i32
    return %arg0, %c0_i32 : i32, i32
  }
}

module attributes {stable_mosaic.version = 14 : i64} {
  func.func @_attn_body(%arg0: i32, %arg1: memref<400x256xf32, #tpu.memory_space<vmem>>, %arg2: memref<6400x256xi32, #tpu.memory_space<vmem>>, %arg3: memref<400x16xf32, #tpu.memory_space<vmem>>, %arg4: memref<400x256xf32, #tpu.memory_space<vmem>>, %arg5: memref<256x256xf32, #tpu.memory_space<vmem>>, %arg6: memref<1x256xf32, #tpu.memory_space<vmem>>, %arg7: memref<400x256xf32, #tpu.memory_space<vmem>>, %arg8: memref<8x256xf32, #tpu.memory_space<vmem>>) attributes {dimension_semantics = [#tpu.dimension_semantics<arbitrary>], iteration_bounds = array<i64: 25>, scalar_prefetch = 0 : i64, scratch_operands = 0 : i64, tpu.core_type = #tpu.core_type<tc>, window_params = [{transform_indices = @transform_0, window_bounds = array<i64: 400, 256>}, {transform_indices = @transform_1, window_bounds = array<i64: 6400, 256>}, {transform_indices = @transform_2, window_bounds = array<i64: 400, 16>}, {transform_indices = @transform_3, window_bounds = array<i64: 400, 256>}, {pipeline_mode = #tpu.pipeline_mode<synchronous>, transform_indices = @transform_4, window_bounds = array<i64: 256, 256>}, {pipeline_mode = #tpu.pipeline_mode<synchronous>, transform_indices = @transform_5, window_bounds = array<i64: 1, 256>}, {transform_indices = @transform_6, window_bounds = array<i64: 400, 256>}, {pipeline_mode = #tpu.pipeline_mode<synchronous>, transform_indices = @transform_7, window_bounds = array<i64: 8, 256>}]} {
    %get3A = arith.constant 0 : index
    %get3A_0 = arith.constant 0 : index
    %get3A_1 = vector.load %arg1[%get3A, %get3A_0] : memref<400x256xf32, #tpu.memory_space<vmem>>, vector<400x256xf32>
    %get3A_2 = arith.constant 0 : index
    %get3A_3 = arith.constant 0 : index
    %get3A_4 = vector.load %arg2[%get3A_2, %get3A_3] : memref<6400x256xi32, #tpu.memory_space<vmem>>, vector<6400x256xi32>
    %shift_left3A = arith.constant 16 : i32
    %shift_left3A_5 = vector.broadcast %shift_left3A : i32 to vector<6400x256xi32>
    %shift_left3A_6 = arith.shli %get3A_4, %shift_left3A_5 : vector<6400x256xi32>
    %bitcast_convert_type3A = tpu.bitcast %shift_left3A_6 : vector<6400x256xi32> -> vector<6400x256xf32>
    %and3A = arith.constant -65536 : i32
    %and3A_7 = vector.broadcast %and3A : i32 to vector<6400x256xi32>
    %and3A_8 = arith.andi %get3A_4, %and3A_7 : vector<6400x256xi32>
    %bitcast_convert_type3A_9 = tpu.bitcast %and3A_8 : vector<6400x256xi32> -> vector<6400x256xf32>
    %broadcast_in_dim3A = vector.shape_cast %get3A_1 : vector<400x256xf32> to vector<400x1x256xf32>
    %broadcast_in_dim3A_10 = vector.shape_cast %broadcast_in_dim3A : vector<400x1x256xf32> to vector<400x1x256xf32>
    %broadcast_in_dim3A_11 = vector.broadcast %broadcast_in_dim3A_10 : vector<400x1x256xf32> to vector<400x16x256xf32>
    %reshape3A = vector.shape_cast %broadcast_in_dim3A_11 : vector<400x16x256xf32> to vector<6400x256xf32>
    %mul3A = arith.mulf %reshape3A, %bitcast_convert_type3A : vector<6400x256xf32>
    %iota3A = tpu.iota {dimensions = array<i32: 0>} : vector<256x8xi32>
    %iota3A_12 = tpu.iota {dimensions = array<i32: 1>} : vector<256x8xi32>
    %jit3A = arith.constant 32 : i32
    %div3A = vector.broadcast %jit3A : i32 to vector<256x8xi32>
    %div3A_13 = arith.divsi %iota3A, %div3A : vector<256x8xi32>
    %sign3A = arith.constant 0 : i32
    %sign3A_14 = vector.broadcast %sign3A : i32 to vector<256x8xi32>
    %sign3A_15 = arith.cmpi sgt, %iota3A, %sign3A_14 : vector<256x8xi32>
    %sign3A_16 = arith.extui %sign3A_15 : vector<256x8xi1> to vector<256x8xi32>
    %sign3A_17 = arith.constant 0 : i32
    %sign3A_18 = vector.broadcast %sign3A_17 : i32 to vector<256x8xi32>
    %sign3A_19 = arith.cmpi slt, %iota3A, %sign3A_18 : vector<256x8xi32>
    %sign3A_20 = arith.extui %sign3A_19 : vector<256x8xi1> to vector<256x8xi32>
    %sign3A_21 = arith.subi %sign3A_16, %sign3A_20 : vector<256x8xi32>
    %sign3A_22 = arith.constant 0 : i32
    %sign3A_23 = arith.cmpi sgt, %jit3A, %sign3A_22 : i32
    %sign3A_24 = arith.extui %sign3A_23 : i1 to i32
    %sign3A_25 = arith.constant 0 : i32
    %sign3A_26 = arith.cmpi slt, %jit3A, %sign3A_25 : i32
    %sign3A_27 = arith.extui %sign3A_26 : i1 to i32
    %sign3A_28 = arith.subi %sign3A_24, %sign3A_27 : i32
    %ne3A = vector.broadcast %sign3A_28 : i32 to vector<256x8xi32>
    %ne3A_29 = arith.cmpi ne, %sign3A_21, %ne3A : vector<256x8xi32>
    %rem3A = vector.broadcast %jit3A : i32 to vector<256x8xi32>
    %rem3A_30 = arith.remsi %iota3A, %rem3A : vector<256x8xi32>
    %ne3A_31 = arith.constant 0 : i32
    %ne3A_32 = vector.broadcast %ne3A_31 : i32 to vector<256x8xi32>
    %ne3A_33 = arith.cmpi ne, %rem3A_30, %ne3A_32 : vector<256x8xi32>
    %and3A_34 = arith.andi %ne3A_29, %ne3A_33 : vector<256x8xi1>
    %sub3A = arith.constant 1 : i32
    %sub3A_35 = vector.broadcast %sub3A : i32 to vector<256x8xi32>
    %sub3A_36 = arith.subi %div3A_13, %sub3A_35 : vector<256x8xi32>
    %select_n3A = arith.select %and3A_34, %sub3A_36, %div3A_13 : vector<256x8xi1>, vector<256x8xi32>
    %eq3A = arith.cmpi eq, %select_n3A, %iota3A_12 : vector<256x8xi32>
    %convert_element_type3A = arith.extui %eq3A : vector<256x8xi1> to vector<256x8xi32>
    %convert_element_type3A_37 = arith.sitofp %convert_element_type3A : vector<256x8xi32> to vector<256x8xf32>
    %mul3A_38 = arith.constant 0.176776692 : f32
    %mul3A_39 = vector.broadcast %mul3A_38 : f32 to vector<256x8xf32>
    %mul3A_40 = arith.mulf %convert_element_type3A_37, %mul3A_39 : vector<256x8xf32>
    %dot_general3A = arith.constant dense<0.000000e+00> : vector<6400x8xf32>
    %dot_general3A_41 = tpu.matmul %mul3A, %mul3A_40, %dot_general3A {dimension_numbers = #tpu.dot_dimension_numbers<[1], [0], [0], [1], [0, 0, 1, 1], [], []>, transpose_lhs_hint = false} : vector<6400x256xf32>, vector<256x8xf32>, vector<6400x8xf32> -> vector<6400x8xf32>
    %reshape3A_42 = vector.shape_cast %dot_general3A_41 : vector<6400x8xf32> to vector<400x16x8xf32>
    %get3A_43 = arith.constant 0 : index
    %get3A_44 = arith.constant 0 : index
    %get3A_45 = vector.load %arg3[%get3A_43, %get3A_44] : memref<400x16xf32, #tpu.memory_space<vmem>>, vector<400x16xf32>
    %broadcast_in_dim3A_46 = vector.shape_cast %get3A_45 : vector<400x16xf32> to vector<400x16x1xf32>
    %ne3A_47 = arith.constant 0.000000e+00 : f32
    %ne3A_48 = vector.broadcast %ne3A_47 : f32 to vector<400x16x1xf32>
    %ne3A_49 = arith.cmpf one, %broadcast_in_dim3A_46, %ne3A_48 : vector<400x16x1xf32>
    %jit3A_50 = arith.constant -8.600000e+01 : f32
    %broadcast_in_dim3A_51 = vector.shape_cast %ne3A_49 : vector<400x16x1xi1> to vector<400x16x1xi1>
    %broadcast_in_dim3A_52 = vector.broadcast %broadcast_in_dim3A_51 : vector<400x16x1xi1> to vector<400x16x8xi1>
    %broadcast_in_dim3A_53 = vector.broadcast %jit3A_50 : f32 to vector<400x16x8xf32>
    %select_n3A_54 = arith.select %broadcast_in_dim3A_52, %broadcast_in_dim3A_53, %reshape3A_42 : vector<400x16x8xi1>, vector<400x16x8xf32>
    %exp3A = math.exp %select_n3A_54 : vector<400x16x8xf32>
    %reduce_sum3A = arith.constant dense<0.000000e+00> : vector<400x8xf32>
    %reduce_sum3A_55 = vector.multi_reduction <add>, %exp3A, %reduce_sum3A [1] : vector<400x16x8xf32> to vector<400x8xf32>
    %broadcast_in_dim3A_56 = vector.shape_cast %reduce_sum3A_55 : vector<400x8xf32> to vector<400x1x8xf32>
    %div3A_57 = vector.broadcast %broadcast_in_dim3A_56 : vector<400x1x8xf32> to vector<400x16x8xf32>
    %div3A_58 = arith.divf %exp3A, %div3A_57 : vector<400x16x8xf32>
    %iota3A_59 = tpu.iota {dimensions = array<i32: 0>} : vector<8x256xi32>
    %iota3A_60 = tpu.iota {dimensions = array<i32: 1>} : vector<8x256xi32>
    %jit3A_61 = arith.constant 32 : i32
    %div3A_62 = vector.broadcast %jit3A_61 : i32 to vector<8x256xi32>
    %div3A_63 = arith.divsi %iota3A_60, %div3A_62 : vector<8x256xi32>
    %sign3A_64 = arith.constant 0 : i32
    %sign3A_65 = vector.broadcast %sign3A_64 : i32 to vector<8x256xi32>
    %sign3A_66 = arith.cmpi sgt, %iota3A_60, %sign3A_65 : vector<8x256xi32>
    %sign3A_67 = arith.extui %sign3A_66 : vector<8x256xi1> to vector<8x256xi32>
    %sign3A_68 = arith.constant 0 : i32
    %sign3A_69 = vector.broadcast %sign3A_68 : i32 to vector<8x256xi32>
    %sign3A_70 = arith.cmpi slt, %iota3A_60, %sign3A_69 : vector<8x256xi32>
    %sign3A_71 = arith.extui %sign3A_70 : vector<8x256xi1> to vector<8x256xi32>
    %sign3A_72 = arith.subi %sign3A_67, %sign3A_71 : vector<8x256xi32>
    %sign3A_73 = arith.constant 0 : i32
    %sign3A_74 = arith.cmpi sgt, %jit3A_61, %sign3A_73 : i32
    %sign3A_75 = arith.extui %sign3A_74 : i1 to i32
    %sign3A_76 = arith.constant 0 : i32
    %sign3A_77 = arith.cmpi slt, %jit3A_61, %sign3A_76 : i32
    %sign3A_78 = arith.extui %sign3A_77 : i1 to i32
    %sign3A_79 = arith.subi %sign3A_75, %sign3A_78 : i32
    %ne3A_80 = vector.broadcast %sign3A_79 : i32 to vector<8x256xi32>
    %ne3A_81 = arith.cmpi ne, %sign3A_72, %ne3A_80 : vector<8x256xi32>
    %rem3A_82 = vector.broadcast %jit3A_61 : i32 to vector<8x256xi32>
    %rem3A_83 = arith.remsi %iota3A_60, %rem3A_82 : vector<8x256xi32>
    %ne3A_84 = arith.constant 0 : i32
    %ne3A_85 = vector.broadcast %ne3A_84 : i32 to vector<8x256xi32>
    %ne3A_86 = arith.cmpi ne, %rem3A_83, %ne3A_85 : vector<8x256xi32>
    %and3A_87 = arith.andi %ne3A_81, %ne3A_86 : vector<8x256xi1>
    %sub3A_88 = arith.constant 1 : i32
    %sub3A_89 = vector.broadcast %sub3A_88 : i32 to vector<8x256xi32>
    %sub3A_90 = arith.subi %div3A_63, %sub3A_89 : vector<8x256xi32>
    %select_n3A_91 = arith.select %and3A_87, %sub3A_90, %div3A_63 : vector<8x256xi1>, vector<8x256xi32>
    %eq3A_92 = arith.cmpi eq, %select_n3A_91, %iota3A_59 : vector<8x256xi32>
    %convert_element_type3A_93 = arith.extui %eq3A_92 : vector<8x256xi1> to vector<8x256xi32>
    %convert_element_type3A_94 = arith.sitofp %convert_element_type3A_93 : vector<8x256xi32> to vector<8x256xf32>
    %reshape3A_95 = vector.shape_cast %div3A_58 : vector<400x16x8xf32> to vector<6400x8xf32>
    %dot_general3A_96 = arith.constant dense<0.000000e+00> : vector<6400x256xf32>
    %dot_general3A_97 = tpu.matmul %reshape3A_95, %convert_element_type3A_94, %dot_general3A_96 {dimension_numbers = #tpu.dot_dimension_numbers<[1], [0], [0], [1], [0, 0, 1, 1], [], []>, transpose_lhs_hint = false} : vector<6400x8xf32>, vector<8x256xf32>, vector<6400x256xf32> -> vector<6400x256xf32>
    %mul3A_98 = arith.mulf %dot_general3A_97, %bitcast_convert_type3A_9 : vector<6400x256xf32>
    %reshape3A_99 = vector.shape_cast %mul3A_98 : vector<6400x256xf32> to vector<400x16x256xf32>
    %reduce_sum3A_100 = arith.constant dense<0.000000e+00> : vector<400x256xf32>
    %reduce_sum3A_101 = vector.multi_reduction <add>, %reshape3A_99, %reduce_sum3A_100 [1] : vector<400x16x256xf32> to vector<400x256xf32>
    %get3A_102 = arith.constant 0 : index
    %get3A_103 = arith.constant 0 : index
    %get3A_104 = vector.load %arg4[%get3A_102, %get3A_103] : memref<400x256xf32, #tpu.memory_space<vmem>>, vector<400x256xf32>
    %get3A_105 = arith.constant 0 : index
    %get3A_106 = arith.constant 0 : index
    %get3A_107 = vector.load %arg5[%get3A_105, %get3A_106] : memref<256x256xf32, #tpu.memory_space<vmem>>, vector<256x256xf32>
    %dot_general3A_108 = arith.constant dense<0.000000e+00> : vector<400x256xf32>
    %dot_general3A_109 = tpu.matmul %reduce_sum3A_101, %get3A_107, %dot_general3A_108 {dimension_numbers = #tpu.dot_dimension_numbers<[1], [0], [0], [1], [0, 0, 1, 1], [], []>, transpose_lhs_hint = false} : vector<400x256xf32>, vector<256x256xf32>, vector<400x256xf32> -> vector<400x256xf32>
    %add3A = arith.addf %get3A_104, %dot_general3A_109 : vector<400x256xf32>
    %get3A_110 = arith.constant 0 : index
    %get3A_111 = arith.constant 0 : index
    %get3A_112 = vector.load %arg6[%get3A_110, %get3A_111] : memref<1x256xf32, #tpu.memory_space<vmem>>, vector<1x256xf32>
    %add3A_113 = vector.broadcast %get3A_112 : vector<1x256xf32> to vector<400x256xf32>
    %add3A_114 = arith.addf %add3A, %add3A_113 : vector<400x256xf32>
    %swap3A = arith.constant 0 : index
    %swap3A_115 = arith.constant 0 : index
    %swap3A_116 = vector.load %arg7[%swap3A, %swap3A_115] : memref<400x256xf32, #tpu.memory_space<vmem>>, vector<400x256xf32>
    tpu.vector_store %arg7[%swap3A, %swap3A_115], %add3A_114 {strides = array<i32>} : memref<400x256xf32, #tpu.memory_space<vmem>>, vector<400x256xf32>,
    %eq3A_117 = arith.constant 0 : i32
    %eq3A_118 = arith.cmpi eq, %arg0, %eq3A_117 : i32
    %convert_element_type3A_119 = arith.extui %eq3A_118 : i1 to i32
    %cond3A = arith.constant 0 : i32
    %cond3A_120 = arith.cmpi ne, %convert_element_type3A_119, %cond3A : i32
    scf.if %cond3A_120 {
      %broadcast_in_dim3A_142 = arith.constant 0.000000e+00 : f32
      %broadcast_in_dim3A_143 = vector.broadcast %broadcast_in_dim3A_142 : f32 to vector<8x256xf32>
      %swap3A_144 = arith.constant 0 : index
      %swap3A_145 = arith.constant 0 : index
      %swap3A_146 = vector.load %arg8[%swap3A_144, %swap3A_145] : memref<8x256xf32, #tpu.memory_space<vmem>>, vector<8x256xf32>
      tpu.vector_store %arg8[%swap3A_144, %swap3A_145], %broadcast_in_dim3A_143 {strides = array<i32>} : memref<8x256xf32, #tpu.memory_space<vmem>>, vector<8x256xf32>,
    } else {
    }
    %get3A_121 = arith.constant 0 : index
    %get3A_122 = arith.constant 0 : index
    %get3A_123 = vector.load %arg8[%get3A_121, %get3A_122] : memref<8x256xf32, #tpu.memory_space<vmem>>, vector<1x256xf32>
    %reduce_sum3A_124 = arith.constant dense<0.000000e+00> : vector<256xf32>
    %reduce_sum3A_125 = vector.multi_reduction <add>, %add3A_114, %reduce_sum3A_124 [0] : vector<400x256xf32> to vector<256xf32>
    %broadcast_in_dim3A_126 = vector.shape_cast %reduce_sum3A_125 : vector<256xf32> to vector<1x256xf32>
    %add3A_127 = arith.addf %get3A_123, %broadcast_in_dim3A_126 : vector<1x256xf32>
    %swap3A_128 = arith.constant 0 : index
    %swap3A_129 = arith.constant 0 : index
    %swap3A_130 = vector.load %arg8[%swap3A_128, %swap3A_129] : memref<8x256xf32, #tpu.memory_space<vmem>>, vector<1x256xf32>
    tpu.vector_store %arg8[%swap3A_128, %swap3A_129], %add3A_127 {strides = array<i32>} : memref<8x256xf32, #tpu.memory_space<vmem>>, vector<1x256xf32>,
    %get3A_131 = arith.constant 1 : index
    %get3A_132 = arith.constant 0 : index
    %get3A_133 = vector.load %arg8[%get3A_131, %get3A_132] : memref<8x256xf32, #tpu.memory_space<vmem>>, vector<1x256xf32>
    %mul3A_134 = arith.mulf %add3A_114, %add3A_114 : vector<400x256xf32>
    %reduce_sum3A_135 = arith.constant dense<0.000000e+00> : vector<256xf32>
    %reduce_sum3A_136 = vector.multi_reduction <add>, %mul3A_134, %reduce_sum3A_135 [0] : vector<400x256xf32> to vector<256xf32>
    %broadcast_in_dim3A_137 = vector.shape_cast %reduce_sum3A_136 : vector<256xf32> to vector<1x256xf32>
    %add3A_138 = arith.addf %get3A_133, %broadcast_in_dim3A_137 : vector<1x256xf32>
    %swap3A_139 = arith.constant 1 : index
    %swap3A_140 = arith.constant 0 : index
    %swap3A_141 = vector.load %arg8[%swap3A_139, %swap3A_140] : memref<8x256xf32, #tpu.memory_space<vmem>>, vector<1x256xf32>
    tpu.vector_store %arg8[%swap3A_139, %swap3A_140], %add3A_138 {strides = array<i32>} : memref<8x256xf32, #tpu.memory_space<vmem>>, vector<1x256xf32>,
    return
  }
  func.func @transform_0(%arg0: i32) -> (i32, i32) {
    %add3A = arith.constant 0 : i32
    %add3A_0 = arith.addi %add3A, %arg0 : i32
    %c0_i32 = arith.constant 0 : i32
    %c0_i32_1 = arith.constant 0 : i32
    return %add3A_0, %c0_i32 : i32, i32
  }
  func.func @transform_1(%arg0: i32) -> (i32, i32) {
    %c0_i32 = arith.constant 0 : i32
    %c0_i32_0 = arith.constant 0 : i32
    return %arg0, %c0_i32 : i32, i32
  }
  func.func @transform_2(%arg0: i32) -> (i32, i32) {
    %add3A = arith.constant 0 : i32
    %add3A_0 = arith.addi %add3A, %arg0 : i32
    %c0_i32 = arith.constant 0 : i32
    %c0_i32_1 = arith.constant 0 : i32
    return %add3A_0, %c0_i32 : i32, i32
  }
  func.func @transform_3(%arg0: i32) -> (i32, i32) {
    %add3A = arith.constant 0 : i32
    %add3A_0 = arith.addi %add3A, %arg0 : i32
    %c0_i32 = arith.constant 0 : i32
    %c0_i32_1 = arith.constant 0 : i32
    return %add3A_0, %c0_i32 : i32, i32
  }
  func.func @transform_4(%arg0: i32) -> (i32, i32) {
    %c0_i32 = arith.constant 0 : i32
    %c0_i32_0 = arith.constant 0 : i32
    %c0_i32_1 = arith.constant 0 : i32
    return %c0_i32, %c0_i32_0 : i32, i32
  }
  func.func @transform_5(%arg0: i32) -> (i32, i32) {
    %c0_i32 = arith.constant 0 : i32
    %c0_i32_0 = arith.constant 0 : i32
    %c0_i32_1 = arith.constant 0 : i32
    return %c0_i32, %c0_i32_0 : i32, i32
  }
  func.func @transform_6(%arg0: i32) -> (i32, i32) {
    %c0_i32 = arith.constant 0 : i32
    %c0_i32_0 = arith.constant 0 : i32
    return %arg0, %c0_i32 : i32, i32
  }
  func.func @transform_7(%arg0: i32) -> (i32, i32) {
    %c0_i32 = arith.constant 0 : i32
    %c0_i32_0 = arith.constant 0 : i32
    %c0_i32_1 = arith.constant 0 : i32
    return %c0_i32, %c0_i32_0 : i32, i32
  }
}

module attributes {stable_mosaic.version = 14 : i64} {
  func.func @_ffn_body(%arg0: i32, %arg1: memref<1000x256xf32, #tpu.memory_space<vmem>>, %arg2: memref<8x256xf32, #tpu.memory_space<vmem>>, %arg3: memref<1x256xf32, #tpu.memory_space<vmem>>, %arg4: memref<1x256xf32, #tpu.memory_space<vmem>>, %arg5: memref<256x512xf32, #tpu.memory_space<vmem>>, %arg6: memref<1x512xf32, #tpu.memory_space<vmem>>, %arg7: memref<512x256xf32, #tpu.memory_space<vmem>>, %arg8: memref<1x256xf32, #tpu.memory_space<vmem>>, %arg9: memref<1000x256xf32, #tpu.memory_space<vmem>>, %arg10: memref<8x256xf32, #tpu.memory_space<vmem>>) attributes {dimension_semantics = [#tpu.dimension_semantics<arbitrary>], iteration_bounds = array<i64: 10>, scalar_prefetch = 0 : i64, scratch_operands = 0 : i64, tpu.core_type = #tpu.core_type<tc>, window_params = [{transform_indices = @transform_0, window_bounds = array<i64: 1000, 256>}, {pipeline_mode = #tpu.pipeline_mode<synchronous>, transform_indices = @transform_1, window_bounds = array<i64: 8, 256>}, {pipeline_mode = #tpu.pipeline_mode<synchronous>, transform_indices = @transform_2, window_bounds = array<i64: 1, 256>}, {pipeline_mode = #tpu.pipeline_mode<synchronous>, transform_indices = @transform_3, window_bounds = array<i64: 1, 256>}, {pipeline_mode = #tpu.pipeline_mode<synchronous>, transform_indices = @transform_4, window_bounds = array<i64: 256, 512>}, {pipeline_mode = #tpu.pipeline_mode<synchronous>, transform_indices = @transform_5, window_bounds = array<i64: 1, 512>}, {pipeline_mode = #tpu.pipeline_mode<synchronous>, transform_indices = @transform_6, window_bounds = array<i64: 512, 256>}, {pipeline_mode = #tpu.pipeline_mode<synchronous>, transform_indices = @transform_7, window_bounds = array<i64: 1, 256>}, {transform_indices = @transform_8, window_bounds = array<i64: 1000, 256>}, {pipeline_mode = #tpu.pipeline_mode<synchronous>, transform_indices = @transform_9, window_bounds = array<i64: 8, 256>}]} {
    %get3A = arith.constant 0 : index
    %get3A_0 = arith.constant 0 : index
    %get3A_1 = vector.load %arg2[%get3A, %get3A_0] : memref<8x256xf32, #tpu.memory_space<vmem>>, vector<1x256xf32>
    %mul3A = arith.constant 9.99999974E-5 : f32
    %mul3A_2 = vector.broadcast %mul3A : f32 to vector<1x256xf32>
    %mul3A_3 = arith.mulf %get3A_1, %mul3A_2 : vector<1x256xf32>
    %get3A_4 = arith.constant 1 : index
    %get3A_5 = arith.constant 0 : index
    %get3A_6 = vector.load %arg2[%get3A_4, %get3A_5] : memref<8x256xf32, #tpu.memory_space<vmem>>, vector<1x256xf32>
    %mul3A_7 = arith.constant 9.99999974E-5 : f32
    %mul3A_8 = vector.broadcast %mul3A_7 : f32 to vector<1x256xf32>
    %mul3A_9 = arith.mulf %get3A_6, %mul3A_8 : vector<1x256xf32>
    %mul3A_10 = arith.mulf %mul3A_3, %mul3A_3 : vector<1x256xf32>
    %sub3A = arith.subf %mul3A_9, %mul3A_10 : vector<1x256xf32>
    %add3A = arith.constant 9.99999974E-6 : f32
    %add3A_11 = vector.broadcast %add3A : f32 to vector<1x256xf32>
    %add3A_12 = arith.addf %sub3A, %add3A_11 : vector<1x256xf32>
    %rsqrt3A = math.rsqrt %add3A_12 : vector<1x256xf32>
    %get3A_13 = arith.constant 0 : index
    %get3A_14 = arith.constant 0 : index
    %get3A_15 = vector.load %arg1[%get3A_13, %get3A_14] : memref<1000x256xf32, #tpu.memory_space<vmem>>, vector<1000x256xf32>
    %sub3A_16 = vector.broadcast %mul3A_3 : vector<1x256xf32> to vector<1000x256xf32>
    %sub3A_17 = arith.subf %get3A_15, %sub3A_16 : vector<1000x256xf32>
    %mul3A_18 = vector.broadcast %rsqrt3A : vector<1x256xf32> to vector<1000x256xf32>
    %mul3A_19 = arith.mulf %sub3A_17, %mul3A_18 : vector<1000x256xf32>
    %get3A_20 = arith.constant 0 : index
    %get3A_21 = arith.constant 0 : index
    %get3A_22 = vector.load %arg3[%get3A_20, %get3A_21] : memref<1x256xf32, #tpu.memory_space<vmem>>, vector<1x256xf32>
    %mul3A_23 = vector.broadcast %get3A_22 : vector<1x256xf32> to vector<1000x256xf32>
    %mul3A_24 = arith.mulf %mul3A_19, %mul3A_23 : vector<1000x256xf32>
    %get3A_25 = arith.constant 0 : index
    %get3A_26 = arith.constant 0 : index
    %get3A_27 = vector.load %arg4[%get3A_25, %get3A_26] : memref<1x256xf32, #tpu.memory_space<vmem>>, vector<1x256xf32>
    %add3A_28 = vector.broadcast %get3A_27 : vector<1x256xf32> to vector<1000x256xf32>
    %add3A_29 = arith.addf %mul3A_24, %add3A_28 : vector<1000x256xf32>
    %get3A_30 = arith.constant 0 : index
    %get3A_31 = arith.constant 0 : index
    %get3A_32 = vector.load %arg5[%get3A_30, %get3A_31] : memref<256x512xf32, #tpu.memory_space<vmem>>, vector<256x512xf32>
    %dot_general3A = arith.constant dense<0.000000e+00> : vector<1000x512xf32>
    %dot_general3A_33 = tpu.matmul %add3A_29, %get3A_32, %dot_general3A {dimension_numbers = #tpu.dot_dimension_numbers<[1], [0], [0], [1], [0, 0, 1, 1], [], []>, transpose_lhs_hint = false} : vector<1000x256xf32>, vector<256x512xf32>, vector<1000x512xf32> -> vector<1000x512xf32>
    %get3A_34 = arith.constant 0 : index
    %get3A_35 = arith.constant 0 : index
    %get3A_36 = vector.load %arg6[%get3A_34, %get3A_35] : memref<1x512xf32, #tpu.memory_space<vmem>>, vector<1x512xf32>
    %add3A_37 = vector.broadcast %get3A_36 : vector<1x512xf32> to vector<1000x512xf32>
    %add3A_38 = arith.addf %dot_general3A_33, %add3A_37 : vector<1000x512xf32>
    %max3A = arith.constant 0.000000e+00 : f32
    %max3A_39 = vector.broadcast %max3A : f32 to vector<1000x512xf32>
    %max3A_40 = arith.maximumf %add3A_38, %max3A_39 : vector<1000x512xf32>
    %get3A_41 = arith.constant 0 : index
    %get3A_42 = arith.constant 0 : index
    %get3A_43 = vector.load %arg7[%get3A_41, %get3A_42] : memref<512x256xf32, #tpu.memory_space<vmem>>, vector<512x256xf32>
    %dot_general3A_44 = arith.constant dense<0.000000e+00> : vector<1000x256xf32>
    %dot_general3A_45 = tpu.matmul %max3A_40, %get3A_43, %dot_general3A_44 {dimension_numbers = #tpu.dot_dimension_numbers<[1], [0], [0], [1], [0, 0, 1, 1], [], []>, transpose_lhs_hint = false} : vector<1000x512xf32>, vector<512x256xf32>, vector<1000x256xf32> -> vector<1000x256xf32>
    %get3A_46 = arith.constant 0 : index
    %get3A_47 = arith.constant 0 : index
    %get3A_48 = vector.load %arg8[%get3A_46, %get3A_47] : memref<1x256xf32, #tpu.memory_space<vmem>>, vector<1x256xf32>
    %add3A_49 = vector.broadcast %get3A_48 : vector<1x256xf32> to vector<1000x256xf32>
    %add3A_50 = arith.addf %dot_general3A_45, %add3A_49 : vector<1000x256xf32>
    %add3A_51 = arith.addf %add3A_29, %add3A_50 : vector<1000x256xf32>
    %swap3A = arith.constant 0 : index
    %swap3A_52 = arith.constant 0 : index
    %swap3A_53 = vector.load %arg9[%swap3A, %swap3A_52] : memref<1000x256xf32, #tpu.memory_space<vmem>>, vector<1000x256xf32>
    tpu.vector_store %arg9[%swap3A, %swap3A_52], %add3A_51 {strides = array<i32>} : memref<1000x256xf32, #tpu.memory_space<vmem>>, vector<1000x256xf32>,
    %eq3A = arith.constant 0 : i32
    %eq3A_54 = arith.cmpi eq, %arg0, %eq3A : i32
    %convert_element_type3A = arith.extui %eq3A_54 : i1 to i32
    %cond3A = arith.constant 0 : i32
    %cond3A_55 = arith.cmpi ne, %convert_element_type3A, %cond3A : i32
    scf.if %cond3A_55 {
      %broadcast_in_dim3A_75 = arith.constant 0.000000e+00 : f32
      %broadcast_in_dim3A_76 = vector.broadcast %broadcast_in_dim3A_75 : f32 to vector<8x256xf32>
      %swap3A_77 = arith.constant 0 : index
      %swap3A_78 = arith.constant 0 : index
      %swap3A_79 = vector.load %arg10[%swap3A_77, %swap3A_78] : memref<8x256xf32, #tpu.memory_space<vmem>>, vector<8x256xf32>
      tpu.vector_store %arg10[%swap3A_77, %swap3A_78], %broadcast_in_dim3A_76 {strides = array<i32>} : memref<8x256xf32, #tpu.memory_space<vmem>>, vector<8x256xf32>,
    } else {
    }
    %get3A_56 = arith.constant 0 : index
    %get3A_57 = arith.constant 0 : index
    %get3A_58 = vector.load %arg10[%get3A_56, %get3A_57] : memref<8x256xf32, #tpu.memory_space<vmem>>, vector<1x256xf32>
    %reduce_sum3A = arith.constant dense<0.000000e+00> : vector<256xf32>
    %reduce_sum3A_59 = vector.multi_reduction <add>, %add3A_51, %reduce_sum3A [0] : vector<1000x256xf32> to vector<256xf32>
    %broadcast_in_dim3A = vector.shape_cast %reduce_sum3A_59 : vector<256xf32> to vector<1x256xf32>
    %add3A_60 = arith.addf %get3A_58, %broadcast_in_dim3A : vector<1x256xf32>
    %swap3A_61 = arith.constant 0 : index
    %swap3A_62 = arith.constant 0 : index
    %swap3A_63 = vector.load %arg10[%swap3A_61, %swap3A_62] : memref<8x256xf32, #tpu.memory_space<vmem>>, vector<1x256xf32>
    tpu.vector_store %arg10[%swap3A_61, %swap3A_62], %add3A_60 {strides = array<i32>} : memref<8x256xf32, #tpu.memory_space<vmem>>, vector<1x256xf32>,
    %get3A_64 = arith.constant 1 : index
    %get3A_65 = arith.constant 0 : index
    %get3A_66 = vector.load %arg10[%get3A_64, %get3A_65] : memref<8x256xf32, #tpu.memory_space<vmem>>, vector<1x256xf32>
    %mul3A_67 = arith.mulf %add3A_51, %add3A_51 : vector<1000x256xf32>
    %reduce_sum3A_68 = arith.constant dense<0.000000e+00> : vector<256xf32>
    %reduce_sum3A_69 = vector.multi_reduction <add>, %mul3A_67, %reduce_sum3A_68 [0] : vector<1000x256xf32> to vector<256xf32>
    %broadcast_in_dim3A_70 = vector.shape_cast %reduce_sum3A_69 : vector<256xf32> to vector<1x256xf32>
    %add3A_71 = arith.addf %get3A_66, %broadcast_in_dim3A_70 : vector<1x256xf32>
    %swap3A_72 = arith.constant 1 : index
    %swap3A_73 = arith.constant 0 : index
    %swap3A_74 = vector.load %arg10[%swap3A_72, %swap3A_73] : memref<8x256xf32, #tpu.memory_space<vmem>>, vector<1x256xf32>
    tpu.vector_store %arg10[%swap3A_72, %swap3A_73], %add3A_71 {strides = array<i32>} : memref<8x256xf32, #tpu.memory_space<vmem>>, vector<1x256xf32>,
    return
  }
  func.func @transform_0(%arg0: i32) -> (i32, i32) {
    %c0_i32 = arith.constant 0 : i32
    %c0_i32_0 = arith.constant 0 : i32
    return %arg0, %c0_i32 : i32, i32
  }
  func.func @transform_1(%arg0: i32) -> (i32, i32) {
    %c0_i32 = arith.constant 0 : i32
    %c0_i32_0 = arith.constant 0 : i32
    %c0_i32_1 = arith.constant 0 : i32
    return %c0_i32, %c0_i32_0 : i32, i32
  }
  func.func @transform_2(%arg0: i32) -> (i32, i32) {
    %c0_i32 = arith.constant 0 : i32
    %c0_i32_0 = arith.constant 0 : i32
    %c0_i32_1 = arith.constant 0 : i32
    return %c0_i32, %c0_i32_0 : i32, i32
  }
  func.func @transform_3(%arg0: i32) -> (i32, i32) {
    %c0_i32 = arith.constant 0 : i32
    %c0_i32_0 = arith.constant 0 : i32
    %c0_i32_1 = arith.constant 0 : i32
    return %c0_i32, %c0_i32_0 : i32, i32
  }
  func.func @transform_4(%arg0: i32) -> (i32, i32) {
    %c0_i32 = arith.constant 0 : i32
    %c0_i32_0 = arith.constant 0 : i32
    %c0_i32_1 = arith.constant 0 : i32
    return %c0_i32, %c0_i32_0 : i32, i32
  }
  func.func @transform_5(%arg0: i32) -> (i32, i32) {
    %c0_i32 = arith.constant 0 : i32
    %c0_i32_0 = arith.constant 0 : i32
    %c0_i32_1 = arith.constant 0 : i32
    return %c0_i32, %c0_i32_0 : i32, i32
  }
  func.func @transform_6(%arg0: i32) -> (i32, i32) {
    %c0_i32 = arith.constant 0 : i32
    %c0_i32_0 = arith.constant 0 : i32
    %c0_i32_1 = arith.constant 0 : i32
    return %c0_i32, %c0_i32_0 : i32, i32
  }
  func.func @transform_7(%arg0: i32) -> (i32, i32) {
    %c0_i32 = arith.constant 0 : i32
    %c0_i32_0 = arith.constant 0 : i32
    %c0_i32_1 = arith.constant 0 : i32
    return %c0_i32, %c0_i32_0 : i32, i32
  }
  func.func @transform_8(%arg0: i32) -> (i32, i32) {
    %c0_i32 = arith.constant 0 : i32
    %c0_i32_0 = arith.constant 0 : i32
    return %arg0, %c0_i32 : i32, i32
  }
  func.func @transform_9(%arg0: i32) -> (i32, i32) {
    %c0_i32 = arith.constant 0 : i32
    %c0_i32_0 = arith.constant 0 : i32
    %c0_i32_1 = arith.constant 0 : i32
    return %c0_i32, %c0_i32_0 : i32, i32
  }
}

module attributes {stable_mosaic.version = 14 : i64} {
  func.func @_outproj_body(%arg0: i32, %arg1: memref<1000x256xf32, #tpu.memory_space<vmem>>, %arg2: memref<8x256xf32, #tpu.memory_space<vmem>>, %arg3: memref<1x256xf32, #tpu.memory_space<vmem>>, %arg4: memref<1x256xf32, #tpu.memory_space<vmem>>, %arg5: memref<256x256xf32, #tpu.memory_space<vmem>>, %arg6: memref<1x256xf32, #tpu.memory_space<vmem>>, %arg7: memref<1000x256xf32, #tpu.memory_space<vmem>>, %arg8: memref<8x256xf32, #tpu.memory_space<vmem>>) attributes {dimension_semantics = [#tpu.dimension_semantics<arbitrary>], iteration_bounds = array<i64: 10>, scalar_prefetch = 0 : i64, scratch_operands = 0 : i64, tpu.core_type = #tpu.core_type<tc>, window_params = [{transform_indices = @transform_0, window_bounds = array<i64: 1000, 256>}, {pipeline_mode = #tpu.pipeline_mode<synchronous>, transform_indices = @transform_1, window_bounds = array<i64: 8, 256>}, {pipeline_mode = #tpu.pipeline_mode<synchronous>, transform_indices = @transform_2, window_bounds = array<i64: 1, 256>}, {pipeline_mode = #tpu.pipeline_mode<synchronous>, transform_indices = @transform_3, window_bounds = array<i64: 1, 256>}, {pipeline_mode = #tpu.pipeline_mode<synchronous>, transform_indices = @transform_4, window_bounds = array<i64: 256, 256>}, {pipeline_mode = #tpu.pipeline_mode<synchronous>, transform_indices = @transform_5, window_bounds = array<i64: 1, 256>}, {transform_indices = @transform_6, window_bounds = array<i64: 1000, 256>}, {pipeline_mode = #tpu.pipeline_mode<synchronous>, transform_indices = @transform_7, window_bounds = array<i64: 8, 256>}]} {
    %get3A = arith.constant 0 : index
    %get3A_0 = arith.constant 0 : index
    %get3A_1 = vector.load %arg2[%get3A, %get3A_0] : memref<8x256xf32, #tpu.memory_space<vmem>>, vector<1x256xf32>
    %mul3A = arith.constant 9.99999974E-5 : f32
    %mul3A_2 = vector.broadcast %mul3A : f32 to vector<1x256xf32>
    %mul3A_3 = arith.mulf %get3A_1, %mul3A_2 : vector<1x256xf32>
    %get3A_4 = arith.constant 1 : index
    %get3A_5 = arith.constant 0 : index
    %get3A_6 = vector.load %arg2[%get3A_4, %get3A_5] : memref<8x256xf32, #tpu.memory_space<vmem>>, vector<1x256xf32>
    %mul3A_7 = arith.constant 9.99999974E-5 : f32
    %mul3A_8 = vector.broadcast %mul3A_7 : f32 to vector<1x256xf32>
    %mul3A_9 = arith.mulf %get3A_6, %mul3A_8 : vector<1x256xf32>
    %mul3A_10 = arith.mulf %mul3A_3, %mul3A_3 : vector<1x256xf32>
    %sub3A = arith.subf %mul3A_9, %mul3A_10 : vector<1x256xf32>
    %add3A = arith.constant 9.99999974E-6 : f32
    %add3A_11 = vector.broadcast %add3A : f32 to vector<1x256xf32>
    %add3A_12 = arith.addf %sub3A, %add3A_11 : vector<1x256xf32>
    %rsqrt3A = math.rsqrt %add3A_12 : vector<1x256xf32>
    %get3A_13 = arith.constant 0 : index
    %get3A_14 = arith.constant 0 : index
    %get3A_15 = vector.load %arg1[%get3A_13, %get3A_14] : memref<1000x256xf32, #tpu.memory_space<vmem>>, vector<1000x256xf32>
    %sub3A_16 = vector.broadcast %mul3A_3 : vector<1x256xf32> to vector<1000x256xf32>
    %sub3A_17 = arith.subf %get3A_15, %sub3A_16 : vector<1000x256xf32>
    %mul3A_18 = vector.broadcast %rsqrt3A : vector<1x256xf32> to vector<1000x256xf32>
    %mul3A_19 = arith.mulf %sub3A_17, %mul3A_18 : vector<1000x256xf32>
    %get3A_20 = arith.constant 0 : index
    %get3A_21 = arith.constant 0 : index
    %get3A_22 = vector.load %arg3[%get3A_20, %get3A_21] : memref<1x256xf32, #tpu.memory_space<vmem>>, vector<1x256xf32>
    %mul3A_23 = vector.broadcast %get3A_22 : vector<1x256xf32> to vector<1000x256xf32>
    %mul3A_24 = arith.mulf %mul3A_19, %mul3A_23 : vector<1000x256xf32>
    %get3A_25 = arith.constant 0 : index
    %get3A_26 = arith.constant 0 : index
    %get3A_27 = vector.load %arg4[%get3A_25, %get3A_26] : memref<1x256xf32, #tpu.memory_space<vmem>>, vector<1x256xf32>
    %add3A_28 = vector.broadcast %get3A_27 : vector<1x256xf32> to vector<1000x256xf32>
    %add3A_29 = arith.addf %mul3A_24, %add3A_28 : vector<1000x256xf32>
    %get3A_30 = arith.constant 0 : index
    %get3A_31 = arith.constant 0 : index
    %get3A_32 = vector.load %arg5[%get3A_30, %get3A_31] : memref<256x256xf32, #tpu.memory_space<vmem>>, vector<256x256xf32>
    %dot_general3A = arith.constant dense<0.000000e+00> : vector<1000x256xf32>
    %dot_general3A_33 = tpu.matmul %add3A_29, %get3A_32, %dot_general3A {dimension_numbers = #tpu.dot_dimension_numbers<[1], [0], [0], [1], [0, 0, 1, 1], [], []>, transpose_lhs_hint = false} : vector<1000x256xf32>, vector<256x256xf32>, vector<1000x256xf32> -> vector<1000x256xf32>
    %get3A_34 = arith.constant 0 : index
    %get3A_35 = arith.constant 0 : index
    %get3A_36 = vector.load %arg6[%get3A_34, %get3A_35] : memref<1x256xf32, #tpu.memory_space<vmem>>, vector<1x256xf32>
    %add3A_37 = vector.broadcast %get3A_36 : vector<1x256xf32> to vector<1000x256xf32>
    %add3A_38 = arith.addf %dot_general3A_33, %add3A_37 : vector<1000x256xf32>
    %swap3A = arith.constant 0 : index
    %swap3A_39 = arith.constant 0 : index
    %swap3A_40 = vector.load %arg7[%swap3A, %swap3A_39] : memref<1000x256xf32, #tpu.memory_space<vmem>>, vector<1000x256xf32>
    tpu.vector_store %arg7[%swap3A, %swap3A_39], %add3A_38 {strides = array<i32>} : memref<1000x256xf32, #tpu.memory_space<vmem>>, vector<1000x256xf32>,
    %eq3A = arith.constant 0 : i32
    %eq3A_41 = arith.cmpi eq, %arg0, %eq3A : i32
    %convert_element_type3A = arith.extui %eq3A_41 : i1 to i32
    %cond3A = arith.constant 0 : i32
    %cond3A_42 = arith.cmpi ne, %convert_element_type3A, %cond3A : i32
    scf.if %cond3A_42 {
      %broadcast_in_dim3A_62 = arith.constant 0.000000e+00 : f32
      %broadcast_in_dim3A_63 = vector.broadcast %broadcast_in_dim3A_62 : f32 to vector<8x256xf32>
      %swap3A_64 = arith.constant 0 : index
      %swap3A_65 = arith.constant 0 : index
      %swap3A_66 = vector.load %arg8[%swap3A_64, %swap3A_65] : memref<8x256xf32, #tpu.memory_space<vmem>>, vector<8x256xf32>
      tpu.vector_store %arg8[%swap3A_64, %swap3A_65], %broadcast_in_dim3A_63 {strides = array<i32>} : memref<8x256xf32, #tpu.memory_space<vmem>>, vector<8x256xf32>,
    } else {
    }
    %get3A_43 = arith.constant 0 : index
    %get3A_44 = arith.constant 0 : index
    %get3A_45 = vector.load %arg8[%get3A_43, %get3A_44] : memref<8x256xf32, #tpu.memory_space<vmem>>, vector<1x256xf32>
    %reduce_sum3A = arith.constant dense<0.000000e+00> : vector<256xf32>
    %reduce_sum3A_46 = vector.multi_reduction <add>, %add3A_38, %reduce_sum3A [0] : vector<1000x256xf32> to vector<256xf32>
    %broadcast_in_dim3A = vector.shape_cast %reduce_sum3A_46 : vector<256xf32> to vector<1x256xf32>
    %add3A_47 = arith.addf %get3A_45, %broadcast_in_dim3A : vector<1x256xf32>
    %swap3A_48 = arith.constant 0 : index
    %swap3A_49 = arith.constant 0 : index
    %swap3A_50 = vector.load %arg8[%swap3A_48, %swap3A_49] : memref<8x256xf32, #tpu.memory_space<vmem>>, vector<1x256xf32>
    tpu.vector_store %arg8[%swap3A_48, %swap3A_49], %add3A_47 {strides = array<i32>} : memref<8x256xf32, #tpu.memory_space<vmem>>, vector<1x256xf32>,
    %get3A_51 = arith.constant 1 : index
    %get3A_52 = arith.constant 0 : index
    %get3A_53 = vector.load %arg8[%get3A_51, %get3A_52] : memref<8x256xf32, #tpu.memory_space<vmem>>, vector<1x256xf32>
    %mul3A_54 = arith.mulf %add3A_38, %add3A_38 : vector<1000x256xf32>
    %reduce_sum3A_55 = arith.constant dense<0.000000e+00> : vector<256xf32>
    %reduce_sum3A_56 = vector.multi_reduction <add>, %mul3A_54, %reduce_sum3A_55 [0] : vector<1000x256xf32> to vector<256xf32>
    %broadcast_in_dim3A_57 = vector.shape_cast %reduce_sum3A_56 : vector<256xf32> to vector<1x256xf32>
    %add3A_58 = arith.addf %get3A_53, %broadcast_in_dim3A_57 : vector<1x256xf32>
    %swap3A_59 = arith.constant 1 : index
    %swap3A_60 = arith.constant 0 : index
    %swap3A_61 = vector.load %arg8[%swap3A_59, %swap3A_60] : memref<8x256xf32, #tpu.memory_space<vmem>>, vector<1x256xf32>
    tpu.vector_store %arg8[%swap3A_59, %swap3A_60], %add3A_58 {strides = array<i32>} : memref<8x256xf32, #tpu.memory_space<vmem>>, vector<1x256xf32>,
    return
  }
  func.func @transform_0(%arg0: i32) -> (i32, i32) {
    %c0_i32 = arith.constant 0 : i32
    %c0_i32_0 = arith.constant 0 : i32
    return %arg0, %c0_i32 : i32, i32
  }
  func.func @transform_1(%arg0: i32) -> (i32, i32) {
    %c0_i32 = arith.constant 0 : i32
    %c0_i32_0 = arith.constant 0 : i32
    %c0_i32_1 = arith.constant 0 : i32
    return %c0_i32, %c0_i32_0 : i32, i32
  }
  func.func @transform_2(%arg0: i32) -> (i32, i32) {
    %c0_i32 = arith.constant 0 : i32
    %c0_i32_0 = arith.constant 0 : i32
    %c0_i32_1 = arith.constant 0 : i32
    return %c0_i32, %c0_i32_0 : i32, i32
  }
  func.func @transform_3(%arg0: i32) -> (i32, i32) {
    %c0_i32 = arith.constant 0 : i32
    %c0_i32_0 = arith.constant 0 : i32
    %c0_i32_1 = arith.constant 0 : i32
    return %c0_i32, %c0_i32_0 : i32, i32
  }
  func.func @transform_4(%arg0: i32) -> (i32, i32) {
    %c0_i32 = arith.constant 0 : i32
    %c0_i32_0 = arith.constant 0 : i32
    %c0_i32_1 = arith.constant 0 : i32
    return %c0_i32, %c0_i32_0 : i32, i32
  }
  func.func @transform_5(%arg0: i32) -> (i32, i32) {
    %c0_i32 = arith.constant 0 : i32
    %c0_i32_0 = arith.constant 0 : i32
    %c0_i32_1 = arith.constant 0 : i32
    return %c0_i32, %c0_i32_0 : i32, i32
  }
  func.func @transform_6(%arg0: i32) -> (i32, i32) {
    %c0_i32 = arith.constant 0 : i32
    %c0_i32_0 = arith.constant 0 : i32
    return %arg0, %c0_i32 : i32, i32
  }
  func.func @transform_7(%arg0: i32) -> (i32, i32) {
    %c0_i32 = arith.constant 0 : i32
    %c0_i32_0 = arith.constant 0 : i32
    %c0_i32_1 = arith.constant 0 : i32
    return %c0_i32, %c0_i32_0 : i32, i32
  }
}

module attributes {stable_mosaic.version = 14 : i64} {
  func.func @_final_body(%arg0: i32, %arg1: memref<1000x256xf32, #tpu.memory_space<vmem>>, %arg2: memref<8x256xf32, #tpu.memory_space<vmem>>, %arg3: memref<1x256xf32, #tpu.memory_space<vmem>>, %arg4: memref<1x256xf32, #tpu.memory_space<vmem>>, %arg5: memref<1000x256xf32, #tpu.memory_space<vmem>>) attributes {dimension_semantics = [#tpu.dimension_semantics<arbitrary>], iteration_bounds = array<i64: 10>, scalar_prefetch = 0 : i64, scratch_operands = 0 : i64, tpu.core_type = #tpu.core_type<tc>, window_params = [{transform_indices = @transform_0, window_bounds = array<i64: 1000, 256>}, {pipeline_mode = #tpu.pipeline_mode<synchronous>, transform_indices = @transform_1, window_bounds = array<i64: 8, 256>}, {pipeline_mode = #tpu.pipeline_mode<synchronous>, transform_indices = @transform_2, window_bounds = array<i64: 1, 256>}, {pipeline_mode = #tpu.pipeline_mode<synchronous>, transform_indices = @transform_3, window_bounds = array<i64: 1, 256>}, {transform_indices = @transform_4, window_bounds = array<i64: 1000, 256>}]} {
    %get3A = arith.constant 0 : index
    %get3A_0 = arith.constant 0 : index
    %get3A_1 = vector.load %arg2[%get3A, %get3A_0] : memref<8x256xf32, #tpu.memory_space<vmem>>, vector<1x256xf32>
    %mul3A = arith.constant 9.99999974E-5 : f32
    %mul3A_2 = vector.broadcast %mul3A : f32 to vector<1x256xf32>
    %mul3A_3 = arith.mulf %get3A_1, %mul3A_2 : vector<1x256xf32>
    %get3A_4 = arith.constant 1 : index
    %get3A_5 = arith.constant 0 : index
    %get3A_6 = vector.load %arg2[%get3A_4, %get3A_5] : memref<8x256xf32, #tpu.memory_space<vmem>>, vector<1x256xf32>
    %mul3A_7 = arith.constant 9.99999974E-5 : f32
    %mul3A_8 = vector.broadcast %mul3A_7 : f32 to vector<1x256xf32>
    %mul3A_9 = arith.mulf %get3A_6, %mul3A_8 : vector<1x256xf32>
    %mul3A_10 = arith.mulf %mul3A_3, %mul3A_3 : vector<1x256xf32>
    %sub3A = arith.subf %mul3A_9, %mul3A_10 : vector<1x256xf32>
    %add3A = arith.constant 9.99999974E-6 : f32
    %add3A_11 = vector.broadcast %add3A : f32 to vector<1x256xf32>
    %add3A_12 = arith.addf %sub3A, %add3A_11 : vector<1x256xf32>
    %rsqrt3A = math.rsqrt %add3A_12 : vector<1x256xf32>
    %get3A_13 = arith.constant 0 : index
    %get3A_14 = arith.constant 0 : index
    %get3A_15 = vector.load %arg1[%get3A_13, %get3A_14] : memref<1000x256xf32, #tpu.memory_space<vmem>>, vector<1000x256xf32>
    %sub3A_16 = vector.broadcast %mul3A_3 : vector<1x256xf32> to vector<1000x256xf32>
    %sub3A_17 = arith.subf %get3A_15, %sub3A_16 : vector<1000x256xf32>
    %mul3A_18 = vector.broadcast %rsqrt3A : vector<1x256xf32> to vector<1000x256xf32>
    %mul3A_19 = arith.mulf %sub3A_17, %mul3A_18 : vector<1000x256xf32>
    %get3A_20 = arith.constant 0 : index
    %get3A_21 = arith.constant 0 : index
    %get3A_22 = vector.load %arg3[%get3A_20, %get3A_21] : memref<1x256xf32, #tpu.memory_space<vmem>>, vector<1x256xf32>
    %mul3A_23 = vector.broadcast %get3A_22 : vector<1x256xf32> to vector<1000x256xf32>
    %mul3A_24 = arith.mulf %mul3A_19, %mul3A_23 : vector<1000x256xf32>
    %get3A_25 = arith.constant 0 : index
    %get3A_26 = arith.constant 0 : index
    %get3A_27 = vector.load %arg4[%get3A_25, %get3A_26] : memref<1x256xf32, #tpu.memory_space<vmem>>, vector<1x256xf32>
    %add3A_28 = vector.broadcast %get3A_27 : vector<1x256xf32> to vector<1000x256xf32>
    %add3A_29 = arith.addf %mul3A_24, %add3A_28 : vector<1000x256xf32>
    %max3A = arith.constant 0.000000e+00 : f32
    %max3A_30 = vector.broadcast %max3A : f32 to vector<1000x256xf32>
    %max3A_31 = arith.maximumf %add3A_29, %max3A_30 : vector<1000x256xf32>
    %swap3A = arith.constant 0 : index
    %swap3A_32 = arith.constant 0 : index
    %swap3A_33 = vector.load %arg5[%swap3A, %swap3A_32] : memref<1000x256xf32, #tpu.memory_space<vmem>>, vector<1000x256xf32>
    tpu.vector_store %arg5[%swap3A, %swap3A_32], %max3A_31 {strides = array<i32>} : memref<1000x256xf32, #tpu.memory_space<vmem>>, vector<1000x256xf32>,
    return
  }
  func.func @transform_0(%arg0: i32) -> (i32, i32) {
    %c0_i32 = arith.constant 0 : i32
    %c0_i32_0 = arith.constant 0 : i32
    return %arg0, %c0_i32 : i32, i32
  }
  func.func @transform_1(%arg0: i32) -> (i32, i32) {
    %c0_i32 = arith.constant 0 : i32
    %c0_i32_0 = arith.constant 0 : i32
    %c0_i32_1 = arith.constant 0 : i32
    return %c0_i32, %c0_i32_0 : i32, i32
  }
  func.func @transform_2(%arg0: i32) -> (i32, i32) {
    %c0_i32 = arith.constant 0 : i32
    %c0_i32_0 = arith.constant 0 : i32
    %c0_i32_1 = arith.constant 0 : i32
    return %c0_i32, %c0_i32_0 : i32, i32
  }
  func.func @transform_3(%arg0: i32) -> (i32, i32) {
    %c0_i32 = arith.constant 0 : i32
    %c0_i32_0 = arith.constant 0 : i32
    %c0_i32_1 = arith.constant 0 : i32
    return %c0_i32, %c0_i32_0 : i32, i32
  }
  func.func @transform_4(%arg0: i32) -> (i32, i32) {
    %c0_i32 = arith.constant 0 : i32
    %c0_i32_0 = arith.constant 0 : i32
    return %arg0, %c0_i32 : i32, i32
  }
}

</mosaic_0001>

<sc_bundles>
// kernel: kernel.8.cloned.1.call-start
scs
__scs_entry_jumppad:
0x0: {  	(pc) =	sbr.rel $0x88, $3  }
0x1: {  	(tag) =	ssettag $0x0;
	lr =	simm.s32 $0x1  }
0x2: {  	[smem:$0x3F85] =	sst lr;
	_ =	strace $0xD0000000  }
0x3: {  	_ = 	snop  }
0x4: {  	_ = 	snop  }
0x5: {  	_ = 	snop  }
0x6: {  	_ = 	snop  }
0x7: {  	_ = 	snop  }
__scs_overlays_trampoline_lowered:
0x8: {  	[smem:$0x3F94] =	sst s0  }
0x9: {  	[smem:$0x3F95] =	sst s1  }
0xa: {  	[smem:$0x3F96] =	sst s2  }
0xb: {  	[smem:$0x3F97] =	sst s3  }
0xc: {  	[smem:$0x3F98] =	sst s4  }
0xd: {  	[smem:$0x3F99] =	sst s5  }
0xe: {  	[smem:$0x3F9A] =	sst s6  }
0xf: {  	[smem:$0x3F9B] =	sst s7  }
0x10: {  	[smem:$0x3F9C] =	sst s8  }
0x11: {  	[smem:$0x3F9D] =	sst s9;
	s0 =	simm.s32 @!p0 $0x0  }
0x12: {  	s1 =	sld [smem:$0x3F83];
	s0 =	simm.s32 @p0 $0x1  }
0x13: {  	[smem:$0x3F9E] =	sst s0;
	s0 =	simm.s32 @!p1 $0x0  }
0x14: {  	s2 =	sld [smem:$0x3F82];
	s0 =	simm.s32 @p1 $0x1  }
0x15: {  	[smem:$0x3F9F] =	sst s0;
	s0 =	simm.s32 @!p2 $0x0  }
0x16: {  	s3 =	sld [smem:$0x3FDB];
	s0 =	simm.s32 @p2 $0x1  }
0x17: {  	s4 =	simm.s32 $0x1BF5;
	[smem:$0x3FA1] =	sst s0  }
0x18: {  	s0 =	sld [smem:$0x3F84];
	_ =	swait.ge [sflag:s4], $0x0  }
0x19: {  	s7 =	sld [smem:$0x3F85]  }
0x1a: {  	s8 =	sadd.s32 $0xFFFFE003, lr  }
0x1b: {  	s9 =	sadd.s32 $0xFFFFFEF7, lr;
	s5 =	simm.s32 $0xFFFFFFFF;
	p2 =	slt.u32 s8, $0xFFFFF086  }
0x1c: {  	p1 =	slt.u32 s9, $0xF7A;
	s5 =	simm.s32 @!p2 $0x0  }
0x1d: {  	s5 =	simm.s32 @p1 $0x1;
	p0 =	seq.s32 s7, s2  }
0x1e: {  	s7 =	smul.u32 @!p0 $0xF7A, s2;
	p2 =	seq.s32 @!p0 s5, $0x0  }
0x1f: {  	s9 =	smul.u32 $0xF7A, s1;
	s8 =	simm.s32 @!p0 $0x1BF5;
	p2 =	por !p2, p0  }
0x20: {  	[sflag:s8] =	ssyncset.s32 @!p0 $0xFFFFF086;
	s6 =	sadd.s32 @!p0 s3, s7;
	s7 =	simm.s32 @!p0 $0x108  }
0x21: {  	s3 =	sadd.s32 s3, s9;
	s6 =	sadd.s32 @!p0 $0x88, s6;
	s7 =	simm.s32 @p2 $0x1082  }
0x22: {  	[simem:s7], [sflag:s8] =	dma.local @!p0 [hbm:s6], $0xF7A  }
0x23: {  	s9 =	sor.u32 $0xD0000000, s2;
	s6 =	simm.s32 $0x108;
	_ =	swait.ge @!p0 [sflag:s8], $0x0  }
0x24: {  	s3 =	sadd.s32 $0x88, s3;
	s6 =	simm.s32 @!p1 $0x1082;
	[sflag:s4] =	ssyncset.s32 $0xFFFFF086  }
0x25: {  	[simem:s6], [sflag:s4] =	dma.local [hbm:s3], $0xF7A  }
0x26: {  	[smem:$0x3F85] =	sst s1;
	(tag) =	ssettag s2;
	_ =	strace s9  }
0x27: {  	s1 =	sld [smem:$0x3F95]  }
0x28: {  	s2 =	sld [smem:$0x3F96]  }
0x29: {  	s4 =	sld [smem:$0x3F98]  }
0x2a: {  	p0 =	seq.s32 s5, $0x0;
	s5 =	sld [smem:$0x3F99]  }
0x2b: {  	s6 =	sld [smem:$0x3F9A]  }
0x2c: {  	s7 =	sld [smem:$0x3F9B]  }
0x2d: {  	s3 =	simm.s32 $0x108;
	s8 =	sld [smem:$0x3F9C]  }
0x2e: {  	s3 =	simm.s32 @!p0 $0x1082;
	s9 =	sld [smem:$0x3F9D]  }
0x2f: {  	lr =	sadd.s32 s0, s3;
	s0 =	sld [smem:$0x3F94]  }
0x30: {  	s3 =	sld [smem:$0x3F97]  }
0x31: {  	[smem:$0x3FA0] =	sst s10  }
0x32: {  	s10 =	sld [smem:$0x3F9E];
	_ =	sdelay $0x3  }
0x33: {  	p0 =	seq.s32 s10, $0x1;
	s10 =	sld [smem:$0x3FA0];
	_ =	sdelay $0x3  }
0x34: {  	[smem:$0x3FA0] =	sst s10  }
0x35: {  	s10 =	sld [smem:$0x3F9F];
	_ =	sdelay $0x3  }
0x36: {  	p1 =	seq.s32 s10, $0x1;
	s10 =	sld [smem:$0x3FA0];
	_ =	sdelay $0x3  }
0x37: {  	[smem:$0x3FA0] =	sst s10  }
0x38: {  	s10 =	sld [smem:$0x3FA1]  }
0x39: {  	_ = 	snop;
	(pc) =	sbr.ind lr, $3  }
0x3a: {  	_ = 	snop  }
0x3b: {  	_ = 	snop  }
0x3c: {  	p2 =	seq.s32 s10, $0x1;
	s10 =	sld [smem:$0x3FA0]  }
0x3d: {  	_ =	shalt  }
0x3e: {  	_ =	shalt  }
0x3f: {  	_ =	shalt  }
0x40: {  	_ =	shalt  }
0x41: {  	_ =	shalt  }
0x42: {  	_ =	shalt  }
0x43: {  	_ =	shalt  }
0x44: {  	_ =	shalt  }
0x45: {  	_ =	shalt  }
0x46: {  	_ =	shalt  }
0x47: {  	_ =	shalt  }
0x48: {  	_ =	shalt  }
0x49: {  	_ =	shalt  }
0x4a: {  	_ =	shalt  }
0x4b: {  	_ =	shalt  }
0x4c: {  	_ =	shalt  }
0x4d: {  	_ =	shalt  }
0x4e: {  	_ =	shalt  }
0x4f: {  	_ =	shalt  }
0x50: {  	_ =	shalt  }
0x51: {  	_ =	shalt  }
0x52: {  	_ =	shalt  }
0x53: {  	_ =	shalt  }
0x54: {  	_ =	shalt  }
0x55: {  	_ =	shalt  }
0x56: {  	_ =	shalt  }
0x57: {  	_ =	shalt  }
0x58: {  	_ =	shalt  }
0x59: {  	_ =	shalt  }
0x5a: {  	_ =	shalt  }
0x5b: {  	_ =	shalt  }
0x5c: {  	_ =	shalt  }
0x5d: {  	_ =	shalt  }
0x5e: {  	_ =	shalt  }
0x5f: {  	_ =	shalt  }
0x60: {  	_ =	shalt  }
0x61: {  	_ =	shalt  }
0x62: {  	_ =	shalt  }
0x63: {  	_ =	shalt  }
0x64: {  	_ =	shalt  }
0x65: {  	_ =	shalt  }
0x66: {  	_ =	shalt  }
0x67: {  	_ =	shalt  }
0x68: {  	_ =	shalt  }
0x69: {  	_ =	shalt  }
0x6a: {  	_ =	shalt  }
0x6b: {  	_ =	shalt  }
0x6c: {  	_ =	shalt  }
0x6d: {  	_ =	shalt  }
0x6e: {  	_ =	shalt  }
0x6f: {  	_ =	shalt  }
0x70: {  	_ =	shalt  }
0x71: {  	_ =	shalt  }
0x72: {  	_ =	shalt  }
0x73: {  	_ =	shalt  }
0x74: {  	_ =	shalt  }
0x75: {  	_ =	shalt  }
0x76: {  	_ =	shalt  }
0x77: {  	_ =	shalt  }
0x78: {  	_ =	shalt  }
0x79: {  	_ =	shalt  }
0x7a: {  	_ =	shalt  }
0x7b: {  	_ =	shalt  }
0x7c: {  	_ =	shalt  }
0x7d: {  	_ =	shalt  }
0x7e: {  	_ =	shalt  }
0x7f: {  	_ =	shalt  }
0x80: {  	_ =	shalt  }
0x81: {  	_ =	shalt  }
0x82: {  	_ =	shalt  }
0x83: {  	_ =	shalt  }
0x84: {  	_ =	shalt  }
0x85: {  	_ =	shalt  }
0x86: {  	_ =	shalt  }
0x87: {  	_ =	shalt  }
.Lfunc_end0:
.L_simem_size_0:
called_computation_lowered:
.L_overlay_start_0:
0x88: {  	s2 =	sld [smem:$0x3FD9]  }
0x89: {  	s3 =	sld [smem:$0x3FFE];
	_ =	sdelay $0x1  }
0x8a: {  	s1 =	srdreg.scid  }
0x8b: {  	s0 =	sand.u32 $0x1, s1  }
0x8c: {  	s17 =	sshll.u32 s0, $0xA;
	s2 =	sadd.s32 s3, s2  }
0x8d: {  	s2 =	sadd.s32 s2, s17  }
0x8e: {  	[smem:$0x3FAC] =	sst s2  }
0x8f: {  	_ = 	snop  }
0x90: {  	s2 =	sld [smem:$0x3FD0];
	(tm) =	ssettm $0x1  }
0x91: {  	s18 =	sld [smem:$0x3FFB];
	_ =	sdelay $0x3  }
0x92: {  	_ =	strace s18  }
0x93: {  	s3 =	sld [smem:$0x3FFC];
	_ =	sdelay $0x3  }
0x94: {  	_ =	strace s3  }
0x95: {  	s3 =	sld [smem:$0x3FFD];
	_ =	sdelay $0x3  }
0x96: {  	_ =	strace s3  }
0x97: {  	_ =	strace $0x8FFFFFFF  }
0x98: {  	s19 =	sld [smem:$0x3FDB];
	_ =	sdelay $0x1  }
0x99: {  	s4 =	simm.s32 $_scs_section_size  }
0x9a: {  	s5 =	simm.s32 $_size__tile_overlayer_lowered;
	s6 =	simm.s32 $_tile_overlayer_lowered  }
0x9b: {  	s22 =	simm.s32 $0x1BFF;
	s21 =	sshll.u32 s6, $0x1;
	s3 =	sadd.s32 s4, s19  }
0x9c: {  	s7 =	simm.s32 $0x0;
	s20 =	sshll.u32 s5, $0x1;
	s5 =	sadd.s32 s21, s3  }
0x9d: {  	[timem:s7], [sflag:s22] =	dma.local [hbm:s5], s20  }
0x9e: {  	_ =	swait.ge [sflag:s22], s20  }
0x9f: {  	s4 =	ssub.s32 $0x0, s20;
	[sflag:s22] =	ssyncset.done $0x0  }
0xa0: {  	[sflag:s22] =	ssyncadd.s32 s4;
	_ =	sdelay $0x1  }
0xa1: {  	s23 =	simm.s32 $0x1B8B  }
0xa2: {  	_ =	swait.ge [sflag:s23], $0x1  }
0xa3: {  	[sflag:s23] =	ssyncset.done $0x0  }
0xa4: {  	s25 =	simm.s32 $0x1B8E;
	s24 =	sld [smem:$0x3FFE];
	[sflag:s23] =	ssyncadd.s32 $0xFFFFFFFF  }
0xa5: {  	s26 =	simm.s32 $execute0_lowered;
	[smem:$0x3FD2] =	sst s25  }
0xa6: {  	s5 =	sshll.u32 s26, $0x1;
	_ =	strace $0x80000046;
	[dreg:$0x1] =	wrdreg $0xFFFFFFFF  }
0xa7: {  	s28 =	simm.s32 $_size_execute0_lowered;
	s3 =	sadd.s32 s3, s5;
	[dreg:$0x0] =	wrdreg $0x0  }
0xa8: {  	s5 =	sshll.u32 s28, $0x1;
	[dreg:$0x2] =	wrdreg s3  }
0xa9: {  	[dreg:$0x3] =	wrdreg s5  }
0xaa: {  	[dreg:$0x4] =	wrdreg $0xC0  }
0xab: {  	_ =	task [dreg:s7], $0x5FFFF  }
0xac: {  	[dreg:$0x1] =	wrdreg $0xFFFFFFFF  }
0xad: {  	[dreg:$0x0] =	wrdreg $0x60  }
0xae: {  	[dreg:$0x2] =	wrdreg s2  }
0xaf: {  	[dreg:$0x3] =	wrdreg s24  }
0xb0: {  	[dreg:$0x4] =	wrdreg $0x9  }
0xb1: {  	_ =	task.clear_ibuf [dreg:s7], $0x5FFFF;
	_ =	strace $0x90000046  }
0xb2: {  	s29 =	simm.s32 $0x9;
	_ =	strace $0x80000048  }
0xb3: {  	_ =	swait.ge [sflag:s29], $0x1  }
0xb4: {  	[sflag:s29] =	ssyncadd.s32 $0xFFFFFFFF  }
0xb5: {  	_ =	strace $0x90000048  }
0xb6: {  	_ =	sfence  }
0xb7: {  	s30 =	sld [smem:$0x0];
	_ =	sdelay $0x2  }
0xb8: {  	s31 =	sshll.u32 s1, $0xD;
	s1 =	sshrl.u32 s1, $0x2  }
0xb9: {  	s3 =	sand.u32 $0x4000, s31;
	s1 =	sadd.s32 s1, s30  }
0xba: {  	s0 =	sor.u32 s3, s0;
	s1 =	sshll.u32 s1, $0x11  }
0xbb: {  	s0 =	sor.u32 s1, s0  }
0xbc: {  	s0 =	sadd.s32 $0x8F2B, s0  }
0xbd: {  	[sflag:s0] =	ssyncadd.remote.s32 $0x1  }
0xbe: {  	_ =	sfence.sel $0xFFFF  }
0xbf: {  	[dreg:$0x0] =	wrdreg $0xFFFFFFFF;
	(pc) =	sbr.abs _section_cstart, $3  }
0xc0: {  	[dreg:$0x1] =	wrdreg $0xFFFFFFFF  }
0xc1: {  	_ =	task.clear_ibuf [dreg:s7], $0x2FFFF;
	_ =	strace $0x9FFFFFFF  }
0xc2: {  	(tm) =	ssettm $0x7FFFFFFF  }
0xc3: {  	_ =	shalt  }
tec
execute0_lowered:
.L_overlay_start_1:
0x0: {  	(tag) =	ssettag $0x1  }
0x1: {  	s0 =	srdreg.scid;
	s1 =	stileid.u32  }
0x2: {  	s0 =	sand.u32 $0x1, s0;
	s1 =	sshll.u32 s1, $0x1  }
0x3: {  	s2 =	rddreg [dreg:$0x0];
	s1 =	sor.u32 s0, s1  }
0x4: {  	s4 =	rddreg [dreg:$0x1];
	s3 =	simm.s32 $0x0;
	s5 =	smul.u32 $0x271, s1  }
0x5: {  	[smem:$0x7FF] =	sst s3;
	s6 =	smul.u32 $0x138800, s1  }
0x6: {  	_ =	strace $0x80000047;
	s1 =	smul.u32 $0x27100, s1;
	s5 =	sadd.s32 s5, s4  }
0x7: {  	s4 =	sadd.s32 $0x57400, s4;
	s6 =	sshrl.u32 s6, $0x3;
	s5 =	sadd.s32 $0x4200, s5  }
0x8: {  	s1 =	sadd.s32 s4, s1;
	s4 =	sadd.s32 s4, s6;
	[dreg:$0x3] =	wrdreg s5  }
0x9: {  	[dreg:$0x4] =	wrdreg s1;
	s6 =	sadd.s32 $0x1900, s4  }
0xa: {  	s7 =	sadd.s32 $0x3200, s4;
	[dreg:$0x5] =	wrdreg s6  }
0xb: {  	s8 =	sadd.s32 $0x4B00, s4;
	[dreg:$0x6] =	wrdreg s7  }
0xc: {  	s9 =	sadd.s32 $0x6400, s4;
	[dreg:$0x7] =	wrdreg s8  }
0xd: {  	s10 =	sadd.s32 $0x7D00, s4;
	[dreg:$0x8] =	wrdreg s9  }
0xe: {  	s11 =	sadd.s32 $0x9600, s4;
	[dreg:$0x9] =	wrdreg s10  }
0xf: {  	s12 =	sadd.s32 $0xAF00, s4;
	[dreg:$0xa] =	wrdreg s11  }
0x10: {  	s13 =	sadd.s32 $0xC800, s4;
	[dreg:$0xb] =	wrdreg s12  }
0x11: {  	s14 =	sadd.s32 $0xE100, s4;
	[dreg:$0xc] =	wrdreg s13  }
0x12: {  	s15 =	sadd.s32 $0xFA00, s4;
	[dreg:$0xd] =	wrdreg s14  }
0x13: {  	s16 =	sadd.s32 $0x11300, s4;
	[dreg:$0xe] =	wrdreg s15  }
0x14: {  	s17 =	sadd.s32 $0x12C00, s4;
	[dreg:$0xf] =	wrdreg s16  }
0x15: {  	s18 =	sadd.s32 $0x14500, s4;
	[dreg:$0x10] =	wrdreg s17  }
0x16: {  	s19 =	sadd.s32 $0x15E00, s4;
	[dreg:$0x11] =	wrdreg s18  }
0x17: {  	s20 =	sadd.s32 $0x17700, s4;
	[dreg:$0x12] =	wrdreg s19  }
0x18: {  	s21 =	sadd.s32 $0x19000, s4;
	[dreg:$0x13] =	wrdreg s20  }
0x19: {  	s22 =	sadd.s32 $0x1A900, s4;
	[dreg:$0x14] =	wrdreg s21  }
0x1a: {  	s23 =	sadd.s32 $0x1C200, s4;
	[dreg:$0x15] =	wrdreg s22  }
0x1b: {  	s24 =	sadd.s32 $0x1DB00, s4;
	[dreg:$0x16] =	wrdreg s23  }
0x1c: {  	s25 =	sadd.s32 $0x1F400, s4;
	[dreg:$0x17] =	wrdreg s24  }
0x1d: {  	s26 =	sadd.s32 $0x20D00, s4;
	[dreg:$0x18] =	wrdreg s25  }
0x1e: {  	s0 =	ssub.s32 $0x2, s0;
	s28 =	sadd.s32 $0x22600, s4;
	[dreg:$0x19] =	wrdreg s26  }
0x1f: {  	s29 =	sshrl.u32 s0, $0x1;
	s30 =	sadd.s32 $0x23F00, s4;
	[dreg:$0x1a] =	wrdreg s28  }
0x20: {  	v2 =	vlaneseq.u32;
	s0 =	ssub.s32 s0, s29;
	s31 =	sadd.s32 $0x25800, s4;
	[dreg:$0x1b] =	wrdreg s30  }
0x21: {  	vm0 =	vmmov $0xffff;
	v1 =	vshrl.u32 v2, $0x3;
	s4 =	smax.u32 s0, $0x1;
	s1 =	simm.s32 $0x1;
	[dreg:$0x1c] =	wrdreg s31  }
0x22: {  	v0 =	vand.u32 $0x7, v2;
	v2 =	vor.u32 $0x8, v2;
	v1 =	vmul.u32 $0x8, v1;
	s17 =	simm.s32 $0x2;
	s7 =	simm.s32 $0x3;
	s8 =	simm.s32 $0x4  }
.LBB2_1:
0x23: {  	[dreg:$0x1d] =	wrdreg s4  }
0x24: {  	s9 =	rddreg [dreg:$0x3];
	s21 =	simm.s32 $0x5  }
0x25: {  	[tilespmem:s3], [sflag:$0x5] =	stream.linear.gather [hbm4b:s9+s3], $0x1388, $0x38;
	[tilespmem:$0x1A400] =	vst v63  }
0x26: {  	_ =	swait.ge [sflag:s21], $0x1388  }
0x27: {  	[sflag:s21] =	ssyncset.done $0x0  }
0x28: {  	[sflag:s21] =	ssyncadd.s32 $0xFFFFEC78  }
0x29: {  	v3 =	vld [tilespmem:$0x0];
	_ =	sdelay $0x4  }
0x2a: {  	v4 =	vshll.u32 v3, $0x1  }
0x2b: {  	v3 =	vand.u32 $0x7, v3;
	v4 =	vand.u32 $0xFFFFFFF0, v4  }
0x2c: {  	v3 =	vor.u32 v3, v4  }
0x2d: {  	v4 =	vperm.xlane v3, v0;
	_ =	sdelay $0x1  }
0x2e: {  	v3 =	vperm.xlane v3, v2;
	v4 =	vadd.s32 v1, v4;
	_ =	sdelay $0x1  }
0x2f: {  	v3 =	vadd.s32 v1, v3;
	_ =	sdelay $0x1  }
0x30: {  	s0 =	simm.s32 $0x1400  }
0x31: {  	[tilespmem:s0], [sflag:$0x1] =	stream.indirect_vreg.gather [hbm4b:s2+s3], $0x80, v4, vm0, $0xb8;
	[tilespmem:$0x1A400] =	vst v63  }
0x32: {  	s22 =	simm.s32 $0x1C00  }
0x33: {  	[tilespmem:s22], [sflag:$0x1] =	stream.indirect_vreg.gather [hbm4b:s2+s3], $0x80, v3, vm0, $0xb8;
	[tilespmem:$0x1A400] =	vst v63  }
0x34: {  	v3 =	vld [tilespmem:$0x10];
	_ =	sdelay $0x4  }
0x35: {  	v20 =	vshll.u32 v3, $0x1  }
0x36: {  	v3 =	vand.u32 $0x7, v3;
	v4 =	vand.u32 $0xFFFFFFF0, v20  }
0x37: {  	v3 =	vor.u32 v3, v4  }
0x38: {  	v4 =	vperm.xlane v3, v0;
	_ =	sdelay $0x1  }
0x39: {  	v3 =	vperm.xlane v3, v2;
	v4 =	vadd.s32 v1, v4;
	_ =	sdelay $0x1  }
0x3a: {  	v3 =	vadd.s32 v1, v3;
	_ =	sdelay $0x1  }
0x3b: {  	s23 =	simm.s32 $0x2400  }
0x3c: {  	[tilespmem:s23], [sflag:$0x1] =	stream.indirect_vreg.gather [hbm4b:s2+s3], $0x80, v4, vm0, $0xb8;
	[tilespmem:$0x1A400] =	vst v63  }
0x3d: {  	s24 =	simm.s32 $0x2C00  }
0x3e: {  	[tilespmem:s24], [sflag:$0x1] =	stream.indirect_vreg.gather [hbm4b:s2+s3], $0x80, v3, vm0, $0xb8;
	[tilespmem:$0x1A400] =	vst v63  }
0x3f: {  	v3 =	vld [tilespmem:$0x20];
	_ =	sdelay $0x4  }
0x40: {  	v21 =	vshll.u32 v3, $0x1  }
0x41: {  	v3 =	vand.u32 $0x7, v3;
	v4 =	vand.u32 $0xFFFFFFF0, v21  }
0x42: {  	v3 =	vor.u32 v3, v4  }
0x43: {  	v4 =	vperm.xlane v3, v0;
	_ =	sdelay $0x1  }
0x44: {  	v3 =	vperm.xlane v3, v2;
	v4 =	vadd.s32 v1, v4;
	_ =	sdelay $0x1  }
0x45: {  	v3 =	vadd.s32 v1, v3;
	_ =	sdelay $0x1  }
0x46: {  	s25 =	simm.s32 $0x3400  }
0x47: {  	[tilespmem:s25], [sflag:$0x1] =	stream.indirect_vreg.gather [hbm4b:s2+s3], $0x80, v4, vm0, $0xb8;
	[tilespmem:$0x1A400] =	vst v63  }
0x48: {  	s26 =	simm.s32 $0x3C00  }
0x49: {  	[tilespmem:s26], [sflag:$0x1] =	stream.indirect_vreg.gather [hbm4b:s2+s3], $0x80, v3, vm0, $0xb8;
	[tilespmem:$0x1A400] =	vst v63  }
0x4a: {  	v3 =	vld [tilespmem:$0x30];
	_ =	sdelay $0x4  }
0x4b: {  	v22 =	vshll.u32 v3, $0x1  }
0x4c: {  	v3 =	vand.u32 $0x7, v3;
	v4 =	vand.u32 $0xFFFFFFF0, v22  }
0x4d: {  	v3 =	vor.u32 v3, v4  }
0x4e: {  	v4 =	vperm.xlane v3, v0;
	_ =	sdelay $0x1  }
0x4f: {  	v3 =	vperm.xlane v3, v2;
	v4 =	vadd.s32 v1, v4;
	_ =	sdelay $0x1  }
0x50: {  	v3 =	vadd.s32 v1, v3;
	_ =	sdelay $0x1  }
0x51: {  	s28 =	simm.s32 $0x4400  }
0x52: {  	[tilespmem:s28], [sflag:$0x1] =	stream.indirect_vreg.gather [hbm4b:s2+s3], $0x80, v4, vm0, $0xb8;
	[tilespmem:$0x1A400] =	vst v63  }
0x53: {  	s29 =	simm.s32 $0x4C00  }
0x54: {  	[tilespmem:s29], [sflag:$0x1] =	stream.indirect_vreg.gather [hbm4b:s2+s3], $0x80, v3, vm0, $0xb8;
	[tilespmem:$0x1A400] =	vst v63  }
0x55: {  	v3 =	vld [tilespmem:$0x40];
	_ =	sdelay $0x4  }
0x56: {  	v23 =	vshll.u32 v3, $0x1  }
0x57: {  	v3 =	vand.u32 $0x7, v3;
	v4 =	vand.u32 $0xFFFFFFF0, v23  }
0x58: {  	v3 =	vor.u32 v3, v4  }
0x59: {  	v4 =	vperm.xlane v3, v0;
	_ =	sdelay $0x1  }
0x5a: {  	v3 =	vperm.xlane v3, v2;
	v4 =	vadd.s32 v1, v4;
	_ =	sdelay $0x1  }
0x5b: {  	v3 =	vadd.s32 v1, v3;
	_ =	sdelay $0x1  }
0x5c: {  	s30 =	simm.s32 $0x5400  }
0x5d: {  	[tilespmem:s30], [sflag:$0x1] =	stream.indirect_vreg.gather [hbm4b:s2+s3], $0x80, v4, vm0, $0xb8;
	[tilespmem:$0x1A400] =	vst v63  }
0x5e: {  	s31 =	simm.s32 $0x5C00  }
0x5f: {  	[tilespmem:s31], [sflag:$0x1] =	stream.indirect_vreg.gather [hbm4b:s2+s3], $0x80, v3, vm0, $0xb8;
	[tilespmem:$0x1A400] =	vst v63  }
0x60: {  	v3 =	vld [tilespmem:$0x50];
	_ =	sdelay $0x4  }
0x61: {  	v24 =	vshll.u32 v3, $0x1  }
0x62: {  	v3 =	vand.u32 $0x7, v3;
	v4 =	vand.u32 $0xFFFFFFF0, v24  }
0x63: {  	v3 =	vor.u32 v3, v4  }
0x64: {  	v4 =	vperm.xlane v3, v0;
	_ =	sdelay $0x1  }
0x65: {  	v3 =	vperm.xlane v3, v2;
	v4 =	vadd.s32 v1, v4;
	_ =	sdelay $0x1  }
0x66: {  	v3 =	vadd.s32 v1, v3;
	_ =	sdelay $0x1  }
0x67: {  	s0 =	simm.s32 $0x6400  }
0x68: {  	[tilespmem:s0], [sflag:$0x1] =	stream.indirect_vreg.gather [hbm4b:s2+s3], $0x80, v4, vm0, $0xb8;
	[tilespmem:$0x1A400] =	vst v63  }
0x69: {  	s5 =	simm.s32 $0x6C00  }
0x6a: {  	[tilespmem:s5], [sflag:$0x1] =	stream.indirect_vreg.gather [hbm4b:s2+s3], $0x80, v3, vm0, $0xb8;
	[tilespmem:$0x1A400] =	vst v63  }
0x6b: {  	v3 =	vld [tilespmem:$0x60];
	_ =	sdelay $0x4  }
0x6c: {  	v25 =	vshll.u32 v3, $0x1  }
0x6d: {  	v3 =	vand.u32 $0x7, v3;
	v4 =	vand.u32 $0xFFFFFFF0, v25  }
0x6e: {  	v3 =	vor.u32 v3, v4  }
0x6f: {  	v4 =	vperm.xlane v3, v0;
	_ =	sdelay $0x1  }
0x70: {  	v3 =	vperm.xlane v3, v2;
	v4 =	vadd.s32 v1, v4;
	_ =	sdelay $0x1  }
0x71: {  	v3 =	vadd.s32 v1, v3;
	_ =	sdelay $0x1  }
0x72: {  	s9 =	simm.s32 $0x7400  }
0x73: {  	[tilespmem:s9], [sflag:$0x1] =	stream.indirect_vreg.gather [hbm4b:s2+s3], $0x80, v4, vm0, $0xb8;
	[tilespmem:$0x1A400] =	vst v63  }
0x74: {  	s15 =	simm.s32 $0x7C00  }
0x75: {  	[tilespmem:s15], [sflag:$0x1] =	stream.indirect_vreg.gather [hbm4b:s2+s3], $0x80, v3, vm0, $0xb8;
	[tilespmem:$0x1A400] =	vst v63  }
0x76: {  	v3 =	vld [tilespmem:$0x70];
	_ =	sdelay $0x4  }
0x77: {  	v26 =	vshll.u32 v3, $0x1  }
0x78: {  	v3 =	vand.u32 $0x7, v3;
	v4 =	vand.u32 $0xFFFFFFF0, v26  }
0x79: {  	v3 =	vor.u32 v3, v4  }
0x7a: {  	v4 =	vperm.xlane v3, v0;
	_ =	sdelay $0x1  }
0x7b: {  	v3 =	vperm.xlane v3, v2;
	v4 =	vadd.s32 v1, v4;
	_ =	sdelay $0x1  }
0x7c: {  	v3 =	vadd.s32 v1, v3;
	_ =	sdelay $0x1  }
0x7d: {  	s16 =	simm.s32 $0x8400  }
0x7e: {  	[tilespmem:s16], [sflag:$0x1] =	stream.indirect_vreg.gather [hbm4b:s2+s3], $0x80, v4, vm0, $0xb8;
	[tilespmem:$0x1A400] =	vst v63  }
0x7f: {  	s18 =	simm.s32 $0x8C00  }
0x80: {  	[tilespmem:s18], [sflag:$0x1] =	stream.indirect_vreg.gather [hbm4b:s2+s3], $0x80, v3, vm0, $0xb8;
	[tilespmem:$0x1A400] =	vst v63  }
0x81: {  	v3 =	vld [tilespmem:$0x80];
	_ =	sdelay $0x4  }
0x82: {  	v27 =	vshll.u32 v3, $0x1  }
0x83: {  	v3 =	vand.u32 $0x7, v3;
	v4 =	vand.u32 $0xFFFFFFF0, v27  }
0x84: {  	v3 =	vor.u32 v3, v4  }
0x85: {  	v4 =	vperm.xlane v3, v0;
	_ =	sdelay $0x1  }
0x86: {  	v3 =	vperm.xlane v3, v2;
	v4 =	vadd.s32 v1, v4;
	_ =	sdelay $0x1  }
0x87: {  	v3 =	vadd.s32 v1, v3;
	_ =	sdelay $0x1  }
0x88: {  	s20 =	simm.s32 $0x9400  }
0x89: {  	[tilespmem:s20], [sflag:$0x1] =	stream.indirect_vreg.gather [hbm4b:s2+s3], $0x80, v4, vm0, $0xb8;
	[tilespmem:$0x1A400] =	vst v63  }
0x8a: {  	s21 =	simm.s32 $0x9C00  }
0x8b: {  	[tilespmem:s21], [sflag:$0x1] =	stream.indirect_vreg.gather [hbm4b:s2+s3], $0x80, v3, vm0, $0xb8;
	[tilespmem:$0x1A400] =	vst v63  }
0x8c: {  	v3 =	vld [tilespmem:$0x90];
	_ =	sdelay $0x4  }
0x8d: {  	v28 =	vshll.u32 v3, $0x1  }
0x8e: {  	v3 =	vand.u32 $0x7, v3;
	v4 =	vand.u32 $0xFFFFFFF0, v28  }
0x8f: {  	v3 =	vor.u32 v3, v4  }
0x90: {  	v4 =	vperm.xlane v3, v0;
	_ =	sdelay $0x1  }
0x91: {  	v3 =	vperm.xlane v3, v2;
	v4 =	vadd.s32 v1, v4;
	_ =	sdelay $0x1  }
0x92: {  	v3 =	vadd.s32 v1, v3;
	_ =	sdelay $0x1  }
0x93: {  	s22 =	simm.s32 $0xA400  }
0x94: {  	[tilespmem:s22], [sflag:$0x1] =	stream.indirect_vreg.gather [hbm4b:s2+s3], $0x80, v4, vm0, $0xb8;
	[tilespmem:$0x1A400] =	vst v63  }
0x95: {  	s23 =	simm.s32 $0xAC00  }
0x96: {  	[tilespmem:s23], [sflag:$0x1] =	stream.indirect_vreg.gather [hbm4b:s2+s3], $0x80, v3, vm0, $0xb8;
	[tilespmem:$0x1A400] =	vst v63  }
0x97: {  	v3 =	vld [tilespmem:$0xA0];
	_ =	sdelay $0x4  }
0x98: {  	v29 =	vshll.u32 v3, $0x1  }
0x99: {  	v3 =	vand.u32 $0x7, v3;
	v4 =	vand.u32 $0xFFFFFFF0, v29  }
0x9a: {  	v3 =	vor.u32 v3, v4  }
0x9b: {  	v4 =	vperm.xlane v3, v0;
	_ =	sdelay $0x1  }
0x9c: {  	v3 =	vperm.xlane v3, v2;
	v4 =	vadd.s32 v1, v4;
	_ =	sdelay $0x1  }
0x9d: {  	v3 =	vadd.s32 v1, v3;
	_ =	sdelay $0x1  }
0x9e: {  	s24 =	simm.s32 $0xB400  }
0x9f: {  	[tilespmem:s24], [sflag:$0x1] =	stream.indirect_vreg.gather [hbm4b:s2+s3], $0x80, v4, vm0, $0xb8;
	[tilespmem:$0x1A400] =	vst v63  }
0xa0: {  	s25 =	simm.s32 $0xBC00  }
0xa1: {  	[tilespmem:s25], [sflag:$0x1] =	stream.indirect_vreg.gather [hbm4b:s2+s3], $0x80, v3, vm0, $0xb8;
	[tilespmem:$0x1A400] =	vst v63  }
0xa2: {  	v3 =	vld [tilespmem:$0xB0];
	_ =	sdelay $0x4  }
0xa3: {  	v30 =	vshll.u32 v3, $0x1  }
0xa4: {  	v3 =	vand.u32 $0x7, v3;
	v4 =	vand.u32 $0xFFFFFFF0, v30  }
0xa5: {  	v3 =	vor.u32 v3, v4  }
0xa6: {  	v4 =	vperm.xlane v3, v0;
	_ =	sdelay $0x1  }
0xa7: {  	v3 =	vperm.xlane v3, v2;
	v4 =	vadd.s32 v1, v4;
	_ =	sdelay $0x1  }
0xa8: {  	v3 =	vadd.s32 v1, v3;
	_ =	sdelay $0x1  }
0xa9: {  	s26 =	simm.s32 $0xC400  }
0xaa: {  	[tilespmem:s26], [sflag:$0x1] =	stream.indirect_vreg.gather [hbm4b:s2+s3], $0x80, v4, vm0, $0xb8;
	[tilespmem:$0x1A400] =	vst v63  }
0xab: {  	s28 =	simm.s32 $0xCC00  }
0xac: {  	[tilespmem:s28], [sflag:$0x1] =	stream.indirect_vreg.gather [hbm4b:s2+s3], $0x80, v3, vm0, $0xb8;
	[tilespmem:$0x1A400] =	vst v63  }
0xad: {  	v3 =	vld.msk [tilespmem:$0xC0], $0xff;
	_ =	sdelay $0x4  }
0xae: {  	v31 =	vshll.u32 v3, $0x1  }
0xaf: {  	v3 =	vand.u32 $0x7, v3;
	v4 =	vand.u32 $0xFFFFFFF0, v31  }
0xb0: {  	v3 =	vor.u32 v3, v4  }
0xb1: {  	v3 =	vperm.xlane v3, v0;
	_ =	sdelay $0x1  }
0xb2: {  	v3 =	vadd.s32 v1, v3;
	_ =	sdelay $0x3  }
0xb3: {  	s29 =	simm.s32 $0xD400  }
0xb4: {  	[tilespmem:s29], [sflag:$0x1] =	stream.indirect_vreg.gather [hbm4b:s2+s3], $0x80, v3, vm0, $0xb8;
	[tilespmem:$0x1A400] =	vst v63  }
0xb5: {  	_ =	swait.ge [sflag:s1], $0xC800  }
0xb6: {  	[sflag:s1] =	ssyncset.done $0x0  }
0xb7: {  	s6 =	simm.s32 $0x1400;
	s30 =	rddreg [dreg:$0x4];
	[sflag:s1] =	ssyncadd.s32 $0xFFFF3800  }
0xb8: {  	[hbm4b:s30+s3] =	stream.linear.scatter [tilespmem:s6], [sflag:$0x3], $0xC800, $0x38;
	[tilespmem:$0x1A400] =	vst v63  }
0xb9: {  	v3 =	vld [tilespmem:$0xC8];
	_ =	sdelay $0x4  }
0xba: {  	v32 =	vshll.u32 v3, $0x1  }
0xbb: {  	v3 =	vand.u32 $0x7, v3;
	v4 =	vand.u32 $0xFFFFFFF0, v32  }
0xbc: {  	v3 =	vor.u32 v3, v4  }
0xbd: {  	v4 =	vperm.xlane v3, v0;
	_ =	sdelay $0x1  }
0xbe: {  	v3 =	vperm.xlane v3, v2;
	v4 =	vadd.s32 v1, v4;
	_ =	sdelay $0x1  }
0xbf: {  	v3 =	vadd.s32 v1, v3;
	_ =	sdelay $0x1  }
0xc0: {  	s31 =	simm.s32 $0xDC00  }
0xc1: {  	[tilespmem:s31], [sflag:$0x2] =	stream.indirect_vreg.gather [hbm4b:s2+s3], $0x80, v4, vm0, $0xb8;
	[tilespmem:$0x1A400] =	vst v63  }
0xc2: {  	s0 =	simm.s32 $0xE400  }
0xc3: {  	[tilespmem:s0], [sflag:$0x2] =	stream.indirect_vreg.gather [hbm4b:s2+s3], $0x80, v3, vm0, $0xb8;
	[tilespmem:$0x1A400] =	vst v63  }
0xc4: {  	v3 =	vld [tilespmem:$0xD8];
	_ =	sdelay $0x4  }
0xc5: {  	v33 =	vshll.u32 v3, $0x1  }
0xc6: {  	v3 =	vand.u32 $0x7, v3;
	v4 =	vand.u32 $0xFFFFFFF0, v33  }
0xc7: {  	v3 =	vor.u32 v3, v4  }
0xc8: {  	v4 =	vperm.xlane v3, v0;
	_ =	sdelay $0x1  }
0xc9: {  	v3 =	vperm.xlane v3, v2;
	v4 =	vadd.s32 v1, v4;
	_ =	sdelay $0x1  }
0xca: {  	v3 =	vadd.s32 v1, v3;
	_ =	sdelay $0x1  }
0xcb: {  	s9 =	simm.s32 $0xEC00  }
0xcc: {  	[tilespmem:s9], [sflag:$0x2] =	stream.indirect_vreg.gather [hbm4b:s2+s3], $0x80, v4, vm0, $0xb8;
	[tilespmem:$0x1A400] =	vst v63  }
0xcd: {  	s20 =	simm.s32 $0xF400  }
0xce: {  	[tilespmem:s20], [sflag:$0x2] =	stream.indirect_vreg.gather [hbm4b:s2+s3], $0x80, v3, vm0, $0xb8;
	[tilespmem:$0x1A400] =	vst v63  }
0xcf: {  	v3 =	vld [tilespmem:$0xE8];
	_ =	sdelay $0x4  }
0xd0: {  	v34 =	vshll.u32 v3, $0x1  }
0xd1: {  	v3 =	vand.u32 $0x7, v3;
	v4 =	vand.u32 $0xFFFFFFF0, v34  }
0xd2: {  	v3 =	vor.u32 v3, v4  }
0xd3: {  	v4 =	vperm.xlane v3, v0;
	_ =	sdelay $0x1  }
0xd4: {  	v3 =	vperm.xlane v3, v2;
	v4 =	vadd.s32 v1, v4;
	_ =	sdelay $0x1  }
0xd5: {  	v3 =	vadd.s32 v1, v3;
	_ =	sdelay $0x1  }
0xd6: {  	s21 =	simm.s32 $0xFC00  }
0xd7: {  	[tilespmem:s21], [sflag:$0x2] =	stream.indirect_vreg.gather [hbm4b:s2+s3], $0x80, v4, vm0, $0xb8;
	[tilespmem:$0x1A400] =	vst v63  }
0xd8: {  	s25 =	simm.s32 $0x10400  }
0xd9: {  	[tilespmem:s25], [sflag:$0x2] =	stream.indirect_vreg.gather [hbm4b:s2+s3], $0x80, v3, vm0, $0xb8;
	[tilespmem:$0x1A400] =	vst v63  }
0xda: {  	v3 =	vld [tilespmem:$0xF8];
	_ =	sdelay $0x4  }
0xdb: {  	v35 =	vshll.u32 v3, $0x1  }
0xdc: {  	v3 =	vand.u32 $0x7, v3;
	v4 =	vand.u32 $0xFFFFFFF0, v35  }
0xdd: {  	v3 =	vor.u32 v3, v4  }
0xde: {  	v4 =	vperm.xlane v3, v0;
	_ =	sdelay $0x1  }
0xdf: {  	v3 =	vperm.xlane v3, v2;
	v4 =	vadd.s32 v1, v4;
	_ =	sdelay $0x1  }
0xe0: {  	v3 =	vadd.s32 v1, v3;
	_ =	sdelay $0x1  }
0xe1: {  	s26 =	simm.s32 $0x10C00  }
0xe2: {  	[tilespmem:s26], [sflag:$0x2] =	stream.indirect_vreg.gather [hbm4b:s2+s3], $0x80, v4, vm0, $0xb8;
	[tilespmem:$0x1A400] =	vst v63  }
0xe3: {  	s28 =	simm.s32 $0x11400  }
0xe4: {  	[tilespmem:s28], [sflag:$0x2] =	stream.indirect_vreg.gather [hbm4b:s2+s3], $0x80, v3, vm0, $0xb8;
	[tilespmem:$0x1A400] =	vst v63  }
0xe5: {  	v3 =	vld [tilespmem:$0x108];
	_ =	sdelay $0x4  }
0xe6: {  	v36 =	vshll.u32 v3, $0x1  }
0xe7: {  	v3 =	vand.u32 $0x7, v3;
	v4 =	vand.u32 $0xFFFFFFF0, v36  }
0xe8: {  	v3 =	vor.u32 v3, v4  }
0xe9: {  	v4 =	vperm.xlane v3, v0;
	_ =	sdelay $0x1  }
0xea: {  	v3 =	vperm.xlane v3, v2;
	v4 =	vadd.s32 v1, v4;
	_ =	sdelay $0x1  }
0xeb: {  	v3 =	vadd.s32 v1, v3;
	_ =	sdelay $0x1  }
0xec: {  	s29 =	simm.s32 $0x11C00  }
0xed: {  	[tilespmem:s29], [sflag:$0x2] =	stream.indirect_vreg.gather [hbm4b:s2+s3], $0x80, v4, vm0, $0xb8;
	[tilespmem:$0x1A400] =	vst v63  }
0xee: {  	s30 =	simm.s32 $0x12400  }
0xef: {  	[tilespmem:s30], [sflag:$0x2] =	stream.indirect_vreg.gather [hbm4b:s2+s3], $0x80, v3, vm0, $0xb8;
	[tilespmem:$0x1A400] =	vst v63  }
0xf0: {  	v3 =	vld [tilespmem:$0x118];
	_ =	sdelay $0x4  }
0xf1: {  	v37 =	vshll.u32 v3, $0x1  }
0xf2: {  	v3 =	vand.u32 $0x7, v3;
	v4 =	vand.u32 $0xFFFFFFF0, v37  }
0xf3: {  	v3 =	vor.u32 v3, v4  }
0xf4: {  	v4 =	vperm.xlane v3, v0;
	_ =	sdelay $0x1  }
0xf5: {  	v3 =	vperm.xlane v3, v2;
	v4 =	vadd.s32 v1, v4;
	_ =	sdelay $0x1  }
0xf6: {  	v3 =	vadd.s32 v1, v3;
	_ =	sdelay $0x1  }
0xf7: {  	s31 =	simm.s32 $0x12C00  }
0xf8: {  	[tilespmem:s31], [sflag:$0x2] =	stream.indirect_vreg.gather [hbm4b:s2+s3], $0x80, v4, vm0, $0xb8;
	[tilespmem:$0x1A400] =	vst v63  }
0xf9: {  	s0 =	simm.s32 $0x13400  }
0xfa: {  	[tilespmem:s0], [sflag:$0x2] =	stream.indirect_vreg.gather [hbm4b:s2+s3], $0x80, v3, vm0, $0xb8;
	[tilespmem:$0x1A400] =	vst v63  }
0xfb: {  	v3 =	vld [tilespmem:$0x128];
	_ =	sdelay $0x4  }
0xfc: {  	v38 =	vshll.u32 v3, $0x1  }
0xfd: {  	v3 =	vand.u32 $0x7, v3;
	v4 =	vand.u32 $0xFFFFFFF0, v38  }
0xfe: {  	v3 =	vor.u32 v3, v4  }
0xff: {  	v4 =	vperm.xlane v3, v0;
	_ =	sdelay $0x1  }
0x100: {  	v3 =	vperm.xlane v3, v2;
	v4 =	vadd.s32 v1, v4;
	_ =	sdelay $0x1  }
0x101: {  	v3 =	vadd.s32 v1, v3;
	_ =	sdelay $0x1  }
0x102: {  	s9 =	simm.s32 $0x13C00  }
0x103: {  	[tilespmem:s9], [sflag:$0x2] =	stream.indirect_vreg.gather [hbm4b:s2+s3], $0x80, v4, vm0, $0xb8;
	[tilespmem:$0x1A400] =	vst v63  }
0x104: {  	s20 =	simm.s32 $0x14400  }
0x105: {  	[tilespmem:s20], [sflag:$0x2] =	stream.indirect_vreg.gather [hbm4b:s2+s3], $0x80, v3, vm0, $0xb8;
	[tilespmem:$0x1A400] =	vst v63  }
0x106: {  	v3 =	vld [tilespmem:$0x138];
	_ =	sdelay $0x4  }
0x107: {  	v39 =	vshll.u32 v3, $0x1  }
0x108: {  	v3 =	vand.u32 $0x7, v3;
	v4 =	vand.u32 $0xFFFFFFF0, v39  }
0x109: {  	v3 =	vor.u32 v3, v4  }
0x10a: {  	v4 =	vperm.xlane v3, v0;
	_ =	sdelay $0x1  }
0x10b: {  	v3 =	vperm.xlane v3, v2;
	v4 =	vadd.s32 v1, v4;
	_ =	sdelay $0x1  }
0x10c: {  	v3 =	vadd.s32 v1, v3;
	_ =	sdelay $0x1  }
0x10d: {  	s21 =	simm.s32 $0x14C00  }
0x10e: {  	[tilespmem:s21], [sflag:$0x2] =	stream.indirect_vreg.gather [hbm4b:s2+s3], $0x80, v4, vm0, $0xb8;
	[tilespmem:$0x1A400] =	vst v63  }
0x10f: {  	s31 =	simm.s32 $0x15400  }
0x110: {  	[tilespmem:s31], [sflag:$0x2] =	stream.indirect_vreg.gather [hbm4b:s2+s3], $0x80, v3, vm0, $0xb8;
	[tilespmem:$0x1A400] =	vst v63  }
0x111: {  	v3 =	vld [tilespmem:$0x148];
	_ =	sdelay $0x4  }
0x112: {  	v40 =	vshll.u32 v3, $0x1  }
0x113: {  	v3 =	vand.u32 $0x7, v3;
	v4 =	vand.u32 $0xFFFFFFF0, v40  }
0x114: {  	v3 =	vor.u32 v3, v4  }
0x115: {  	v4 =	vperm.xlane v3, v0;
	_ =	sdelay $0x1  }
0x116: {  	v3 =	vperm.xlane v3, v2;
	v4 =	vadd.s32 v1, v4;
	_ =	sdelay $0x1  }
0x117: {  	v3 =	vadd.s32 v1, v3;
	_ =	sdelay $0x1  }
0x118: {  	s0 =	simm.s32 $0x15C00  }
0x119: {  	[tilespmem:s0], [sflag:$0x2] =	stream.indirect_vreg.gather [hbm4b:s2+s3], $0x80, v4, vm0, $0xb8;
	[tilespmem:$0x1A400] =	vst v63  }
0x11a: {  	s9 =	simm.s32 $0x16400  }
0x11b: {  	[tilespmem:s9], [sflag:$0x2] =	stream.indirect_vreg.gather [hbm4b:s2+s3], $0x80, v3, vm0, $0xb8;
	[tilespmem:$0x1A400] =	vst v63  }
0x11c: {  	v3 =	vld [tilespmem:$0x158];
	_ =	sdelay $0x4  }
0x11d: {  	v41 =	vshll.u32 v3, $0x1  }
0x11e: {  	v3 =	vand.u32 $0x7, v3;
	v4 =	vand.u32 $0xFFFFFFF0, v41  }
0x11f: {  	v3 =	vor.u32 v3, v4  }
0x120: {  	v4 =	vperm.xlane v3, v0;
	_ =	sdelay $0x1  }
0x121: {  	v3 =	vperm.xlane v3, v2;
	v4 =	vadd.s32 v1, v4;
	_ =	sdelay $0x1  }
0x122: {  	v3 =	vadd.s32 v1, v3;
	_ =	sdelay $0x1  }
0x123: {  	s20 =	simm.s32 $0x16C00  }
0x124: {  	[tilespmem:s20], [sflag:$0x2] =	stream.indirect_vreg.gather [hbm4b:s2+s3], $0x80, v4, vm0, $0xb8;
	[tilespmem:$0x1A400] =	vst v63  }
0x125: {  	s21 =	simm.s32 $0x17400  }
0x126: {  	[tilespmem:s21], [sflag:$0x2] =	stream.indirect_vreg.gather [hbm4b:s2+s3], $0x80, v3, vm0, $0xb8;
	[tilespmem:$0x1A400] =	vst v63  }
0x127: {  	v3 =	vld [tilespmem:$0x168];
	_ =	sdelay $0x4  }
0x128: {  	v42 =	vshll.u32 v3, $0x1  }
0x129: {  	v3 =	vand.u32 $0x7, v3;
	v4 =	vand.u32 $0xFFFFFFF0, v42  }
0x12a: {  	v3 =	vor.u32 v3, v4  }
0x12b: {  	v4 =	vperm.xlane v3, v0;
	_ =	sdelay $0x1  }
0x12c: {  	v3 =	vperm.xlane v3, v2;
	v4 =	vadd.s32 v1, v4;
	_ =	sdelay $0x1  }
0x12d: {  	v3 =	vadd.s32 v1, v3;
	_ =	sdelay $0x1  }
0x12e: {  	s0 =	simm.s32 $0x17C00  }
0x12f: {  	[tilespmem:s0], [sflag:$0x2] =	stream.indirect_vreg.gather [hbm4b:s2+s3], $0x80, v4, vm0, $0xb8;
	[tilespmem:$0x1A400] =	vst v63  }
0x130: {  	s9 =	simm.s32 $0x18400  }
0x131: {  	[tilespmem:s9], [sflag:$0x2] =	stream.indirect_vreg.gather [hbm4b:s2+s3], $0x80, v3, vm0, $0xb8;
	[tilespmem:$0x1A400] =	vst v63  }
0x132: {  	v3 =	vld [tilespmem:$0x178];
	_ =	sdelay $0x4  }
0x133: {  	v43 =	vshll.u32 v3, $0x1  }
0x134: {  	v3 =	vand.u32 $0x7, v3;
	v4 =	vand.u32 $0xFFFFFFF0, v43  }
0x135: {  	v3 =	vor.u32 v3, v4  }
0x136: {  	v4 =	vperm.xlane v3, v0;
	_ =	sdelay $0x1  }
0x137: {  	v3 =	vperm.xlane v3, v2;
	v4 =	vadd.s32 v1, v4;
	_ =	sdelay $0x1  }
0x138: {  	v3 =	vadd.s32 v1, v3;
	_ =	sdelay $0x1  }
0x139: {  	s20 =	simm.s32 $0x18C00  }
0x13a: {  	[tilespmem:s20], [sflag:$0x2] =	stream.indirect_vreg.gather [hbm4b:s2+s3], $0x80, v4, vm0, $0xb8;
	[tilespmem:$0x1A400] =	vst v63  }
0x13b: {  	s21 =	simm.s32 $0x19400  }
0x13c: {  	[tilespmem:s21], [sflag:$0x2] =	stream.indirect_vreg.gather [hbm4b:s2+s3], $0x80, v3, vm0, $0xb8;
	[tilespmem:$0x1A400] =	vst v63  }
0x13d: {  	v3 =	vld.msk [tilespmem:$0x188], $0xff;
	_ =	sdelay $0x4  }
0x13e: {  	v44 =	vshll.u32 v3, $0x1  }
0x13f: {  	v3 =	vand.u32 $0x7, v3;
	v4 =	vand.u32 $0xFFFFFFF0, v44  }
0x140: {  	v3 =	vor.u32 v3, v4  }
0x141: {  	v3 =	vperm.xlane v3, v0;
	_ =	sdelay $0x1  }
0x142: {  	v3 =	vadd.s32 v1, v3;
	_ =	sdelay $0x3  }
0x143: {  	s0 =	simm.s32 $0x19C00  }
0x144: {  	[tilespmem:s0], [sflag:$0x2] =	stream.indirect_vreg.gather [hbm4b:s2+s3], $0x80, v3, vm0, $0xb8;
	[tilespmem:$0x1A400] =	vst v63  }
0x145: {  	_ =	swait.ge [sflag:s17], $0xC800  }
0x146: {  	[sflag:s17] =	ssyncset.done $0x0  }
0x147: {  	s6 =	simm.s32 $0xDC00;
	s4 =	rddreg [dreg:$0x5];
	[sflag:s17] =	ssyncadd.s32 $0xFFFF3800  }
0x148: {  	[hbm4b:s4+s3] =	stream.linear.scatter [tilespmem:s6], [sflag:$0x4], $0xC800, $0x38;
	[tilespmem:$0x1A400] =	vst v63  }
0x149: {  	_ =	swait.ge [sflag:s7], $0xC800  }
0x14a: {  	[sflag:s7] =	ssyncset.done $0x0  }
0x14b: {  	[sflag:s7] =	ssyncadd.s32 $0xFFFF3800  }
0x14c: {  	v3 =	vld [tilespmem:$0x190];
	_ =	sdelay $0x4  }
0x14d: {  	v45 =	vshll.u32 v3, $0x1  }
0x14e: {  	v3 =	vand.u32 $0x7, v3;
	v4 =	vand.u32 $0xFFFFFFF0, v45  }
0x14f: {  	v3 =	vor.u32 v3, v4  }
0x150: {  	v4 =	vperm.xlane v3, v0;
	_ =	sdelay $0x1  }
0x151: {  	v3 =	vperm.xlane v3, v2;
	v4 =	vadd.s32 v1, v4;
	_ =	sdelay $0x1  }
0x152: {  	v3 =	vadd.s32 v1, v3;
	_ =	sdelay $0x1  }
0x153: {  	s21 =	simm.s32 $0x1400  }
0x154: {  	[tilespmem:s21], [sflag:$0x1] =	stream.indirect_vreg.gather [hbm4b:s2+s3], $0x80, v4, vm0, $0xb8;
	[tilespmem:$0x1A400] =	vst v63  }
0x155: {  	s19 =	simm.s32 $0x1C00  }
0x156: {  	[tilespmem:s19], [sflag:$0x1] =	stream.indirect_vreg.gather [hbm4b:s2+s3], $0x80, v3, vm0, $0xb8;
	[tilespmem:$0x1A400] =	vst v63  }
0x157: {  	v3 =	vld [tilespmem:$0x1A0];
	_ =	sdelay $0x4  }
0x158: {  	v46 =	vshll.u32 v3, $0x1  }
0x159: {  	v3 =	vand.u32 $0x7, v3;
	v4 =	vand.u32 $0xFFFFFFF0, v46  }
0x15a: {  	v3 =	vor.u32 v3, v4  }
0x15b: {  	v4 =	vperm.xlane v3, v0;
	_ =	sdelay $0x1  }
0x15c: {  	v3 =	vperm.xlane v3, v2;
	v4 =	vadd.s32 v1, v4;
	_ =	sdelay $0x1  }
0x15d: {  	v3 =	vadd.s32 v1, v3;
	_ =	sdelay $0x1  }
0x15e: {  	s9 =	simm.s32 $0x2400  }
0x15f: {  	[tilespmem:s9], [sflag:$0x1] =	stream.indirect_vreg.gather [hbm4b:s2+s3], $0x80, v4, vm0, $0xb8;
	[tilespmem:$0x1A400] =	vst v63  }
0x160: {  	s10 =	simm.s32 $0x2C00  }
0x161: {  	[tilespmem:s10], [sflag:$0x1] =	stream.indirect_vreg.gather [hbm4b:s2+s3], $0x80, v3, vm0, $0xb8;
	[tilespmem:$0x1A400] =	vst v63  }
0x162: {  	v3 =	vld [tilespmem:$0x1B0];
	_ =	sdelay $0x4  }
0x163: {  	v47 =	vshll.u32 v3, $0x1  }
0x164: {  	v3 =	vand.u32 $0x7, v3;
	v4 =	vand.u32 $0xFFFFFFF0, v47  }
0x165: {  	v3 =	vor.u32 v3, v4  }
0x166: {  	v4 =	vperm.xlane v3, v0;
	_ =	sdelay $0x1  }
0x167: {  	v3 =	vperm.xlane v3, v2;
	v4 =	vadd.s32 v1, v4;
	_ =	sdelay $0x1  }
0x168: {  	v3 =	vadd.s32 v1, v3;
	_ =	sdelay $0x1  }
0x169: {  	s4 =	simm.s32 $0x3400  }
0x16a: {  	[tilespmem:s4], [sflag:$0x1] =	stream.indirect_vreg.gather [hbm4b:s2+s3], $0x80, v4, vm0, $0xb8;
	[tilespmem:$0x1A400] =	vst v63  }
0x16b: {  	s11 =	simm.s32 $0x3C00  }
0x16c: {  	[tilespmem:s11], [sflag:$0x1] =	stream.indirect_vreg.gather [hbm4b:s2+s3], $0x80, v3, vm0, $0xb8;
	[tilespmem:$0x1A400] =	vst v63  }
0x16d: {  	v3 =	vld [tilespmem:$0x1C0];
	_ =	sdelay $0x4  }
0x16e: {  	v48 =	vshll.u32 v3, $0x1  }
0x16f: {  	v3 =	vand.u32 $0x7, v3;
	v4 =	vand.u32 $0xFFFFFFF0, v48  }
0x170: {  	v3 =	vor.u32 v3, v4  }
0x171: {  	v4 =	vperm.xlane v3, v0;
	_ =	sdelay $0x1  }
0x172: {  	v3 =	vperm.xlane v3, v2;
	v4 =	vadd.s32 v1, v4;
	_ =	sdelay $0x1  }
0x173: {  	v3 =	vadd.s32 v1, v3;
	_ =	sdelay $0x1  }
0x174: {  	s10 =	simm.s32 $0x4400  }
0x175: {  	[tilespmem:s10], [sflag:$0x1] =	stream.indirect_vreg.gather [hbm4b:s2+s3], $0x80, v4, vm0, $0xb8;
	[tilespmem:$0x1A400] =	vst v63  }
0x176: {  	s12 =	simm.s32 $0x4C00  }
0x177: {  	[tilespmem:s12], [sflag:$0x1] =	stream.indirect_vreg.gather [hbm4b:s2+s3], $0x80, v3, vm0, $0xb8;
	[tilespmem:$0x1A400] =	vst v63  }
0x178: {  	v3 =	vld [tilespmem:$0x1D0];
	_ =	sdelay $0x4  }
0x179: {  	v49 =	vshll.u32 v3, $0x1  }
0x17a: {  	v3 =	vand.u32 $0x7, v3;
	v4 =	vand.u32 $0xFFFFFFF0, v49  }
0x17b: {  	v3 =	vor.u32 v3, v4  }
0x17c: {  	v4 =	vperm.xlane v3, v0;
	_ =	sdelay $0x1  }
0x17d: {  	v3 =	vperm.xlane v3, v2;
	v4 =	vadd.s32 v1, v4;
	_ =	sdelay $0x1  }
0x17e: {  	v3 =	vadd.s32 v1, v3;
	_ =	sdelay $0x1  }
0x17f: {  	s11 =	simm.s32 $0x5400  }
0x180: {  	[tilespmem:s11], [sflag:$0x1] =	stream.indirect_vreg.gather [hbm4b:s2+s3], $0x80, v4, vm0, $0xb8;
	[tilespmem:$0x1A400] =	vst v63  }
0x181: {  	s13 =	simm.s32 $0x5C00  }
0x182: {  	[tilespmem:s13], [sflag:$0x1] =	stream.indirect_vreg.gather [hbm4b:s2+s3], $0x80, v3, vm0, $0xb8;
	[tilespmem:$0x1A400] =	vst v63  }
0x183: {  	v3 =	vld [tilespmem:$0x1E0];
	_ =	sdelay $0x4  }
0x184: {  	v50 =	vshll.u32 v3, $0x1  }
0x185: {  	v3 =	vand.u32 $0x7, v3;
	v4 =	vand.u32 $0xFFFFFFF0, v50  }
0x186: {  	v3 =	vor.u32 v3, v4  }
0x187: {  	v4 =	vperm.xlane v3, v0;
	_ =	sdelay $0x1  }
0x188: {  	v3 =	vperm.xlane v3, v2;
	v4 =	vadd.s32 v1, v4;
	_ =	sdelay $0x1  }
0x189: {  	v3 =	vadd.s32 v1, v3;
	_ =	sdelay $0x1  }
0x18a: {  	s12 =	simm.s32 $0x6400  }
0x18b: {  	[tilespmem:s12], [sflag:$0x1] =	stream.indirect_vreg.gather [hbm4b:s2+s3], $0x80, v4, vm0, $0xb8;
	[tilespmem:$0x1A400] =	vst v63  }
0x18c: {  	s14 =	simm.s32 $0x6C00  }
0x18d: {  	[tilespmem:s14], [sflag:$0x1] =	stream.indirect_vreg.gather [hbm4b:s2+s3], $0x80, v3, vm0, $0xb8;
	[tilespmem:$0x1A400] =	vst v63  }
0x18e: {  	v3 =	vld [tilespmem:$0x1F0];
	_ =	sdelay $0x4  }
0x18f: {  	v51 =	vshll.u32 v3, $0x1  }
0x190: {  	v3 =	vand.u32 $0x7, v3;
	v4 =	vand.u32 $0xFFFFFFF0, v51  }
0x191: {  	v3 =	vor.u32 v3, v4  }
0x192: {  	v4 =	vperm.xlane v3, v0;
	_ =	sdelay $0x1  }
0x193: {  	v3 =	vperm.xlane v3, v2;
	v4 =	vadd.s32 v1, v4;
	_ =	sdelay $0x1  }
0x194: {  	v3 =	vadd.s32 v1, v3;
	_ =	sdelay $0x1  }
0x195: {  	s13 =	simm.s32 $0x7400  }
0x196: {  	[tilespmem:s13], [sflag:$0x1] =	stream.indirect_vreg.gather [hbm4b:s2+s3], $0x80, v4, vm0, $0xb8;
	[tilespmem:$0x1A400] =	vst v63  }
0x197: {  	s15 =	simm.s32 $0x7C00  }
0x198: {  	[tilespmem:s15], [sflag:$0x1] =	stream.indirect_vreg.gather [hbm4b:s2+s3], $0x80, v3, vm0, $0xb8;
	[tilespmem:$0x1A400] =	vst v63  }
0x199: {  	v3 =	vld [tilespmem:$0x200];
	_ =	sdelay $0x4  }
0x19a: {  	v52 =	vshll.u32 v3, $0x1  }
0x19b: {  	v3 =	vand.u32 $0x7, v3;
	v4 =	vand.u32 $0xFFFFFFF0, v52  }
0x19c: {  	v3 =	vor.u32 v3, v4  }
0x19d: {  	v4 =	vperm.xlane v3, v0;
	_ =	sdelay $0x1  }
0x19e: {  	v3 =	vperm.xlane v3, v2;
	v4 =	vadd.s32 v1, v4;
	_ =	sdelay $0x1  }
0x19f: {  	v3 =	vadd.s32 v1, v3;
	_ =	sdelay $0x1  }
0x1a0: {  	s14 =	simm.s32 $0x8400  }
0x1a1: {  	[tilespmem:s14], [sflag:$0x1] =	stream.indirect_vreg.gather [hbm4b:s2+s3], $0x80, v4, vm0, $0xb8;
	[tilespmem:$0x1A400] =	vst v63  }
0x1a2: {  	s16 =	simm.s32 $0x8C00  }
0x1a3: {  	[tilespmem:s16], [sflag:$0x1] =	stream.indirect_vreg.gather [hbm4b:s2+s3], $0x80, v3, vm0, $0xb8;
	[tilespmem:$0x1A400] =	vst v63  }
0x1a4: {  	v3 =	vld [tilespmem:$0x210];
	_ =	sdelay $0x4  }
0x1a5: {  	v53 =	vshll.u32 v3, $0x1  }
0x1a6: {  	v3 =	vand.u32 $0x7, v3;
	v4 =	vand.u32 $0xFFFFFFF0, v53  }
0x1a7: {  	v3 =	vor.u32 v3, v4  }
0x1a8: {  	v4 =	vperm.xlane v3, v0;
	_ =	sdelay $0x1  }
0x1a9: {  	v3 =	vperm.xlane v3, v2;
	v4 =	vadd.s32 v1, v4;
	_ =	sdelay $0x1  }
0x1aa: {  	v3 =	vadd.s32 v1, v3;
	_ =	sdelay $0x1  }
0x1ab: {  	s15 =	simm.s32 $0x9400  }
0x1ac: {  	[tilespmem:s15], [sflag:$0x1] =	stream.indirect_vreg.gather [hbm4b:s2+s3], $0x80, v4, vm0, $0xb8;
	[tilespmem:$0x1A400] =	vst v63  }
0x1ad: {  	s5 =	simm.s32 $0x9C00  }
0x1ae: {  	[tilespmem:s5], [sflag:$0x1] =	stream.indirect_vreg.gather [hbm4b:s2+s3], $0x80, v3, vm0, $0xb8;
	[tilespmem:$0x1A400] =	vst v63  }
0x1af: {  	v3 =	vld [tilespmem:$0x220];
	_ =	sdelay $0x4  }
0x1b0: {  	v54 =	vshll.u32 v3, $0x1  }
0x1b1: {  	v3 =	vand.u32 $0x7, v3;
	v4 =	vand.u32 $0xFFFFFFF0, v54  }
0x1b2: {  	v3 =	vor.u32 v3, v4  }
0x1b3: {  	v4 =	vperm.xlane v3, v0;
	_ =	sdelay $0x1  }
0x1b4: {  	v3 =	vperm.xlane v3, v2;
	v4 =	vadd.s32 v1, v4;
	_ =	sdelay $0x1  }
0x1b5: {  	v3 =	vadd.s32 v1, v3;
	_ =	sdelay $0x1  }
0x1b6: {  	s19 =	simm.s32 $0xA400  }
0x1b7: {  	[tilespmem:s19], [sflag:$0x1] =	stream.indirect_vreg.gather [hbm4b:s2+s3], $0x80, v4, vm0, $0xb8;
	[tilespmem:$0x1A400] =	vst v63  }
0x1b8: {  	s18 =	simm.s32 $0xAC00  }
0x1b9: {  	[tilespmem:s18], [sflag:$0x1] =	stream.indirect_vreg.gather [hbm4b:s2+s3], $0x80, v3, vm0, $0xb8;
	[tilespmem:$0x1A400] =	vst v63  }
0x1ba: {  	v3 =	vld [tilespmem:$0x230];
	_ =	sdelay $0x4  }
0x1bb: {  	v55 =	vshll.u32 v3, $0x1  }
0x1bc: {  	v3 =	vand.u32 $0x7, v3;
	v4 =	vand.u32 $0xFFFFFFF0, v55  }
0x1bd: {  	v3 =	vor.u32 v3, v4  }
0x1be: {  	v4 =	vperm.xlane v3, v0;
	_ =	sdelay $0x1  }
0x1bf: {  	v3 =	vperm.xlane v3, v2;
	v4 =	vadd.s32 v1, v4;
	_ =	sdelay $0x1  }
0x1c0: {  	v3 =	vadd.s32 v1, v3;
	_ =	sdelay $0x1  }
0x1c1: {  	s20 =	simm.s32 $0xB400  }
0x1c2: {  	[tilespmem:s20], [sflag:$0x1] =	stream.indirect_vreg.gather [hbm4b:s2+s3], $0x80, v4, vm0, $0xb8;
	[tilespmem:$0x1A400] =	vst v63  }
0x1c3: {  	s19 =	simm.s32 $0xBC00  }
0x1c4: {  	[tilespmem:s19], [sflag:$0x1] =	stream.indirect_vreg.gather [hbm4b:s2+s3], $0x80, v3, vm0, $0xb8;
	[tilespmem:$0x1A400] =	vst v63  }
0x1c5: {  	v3 =	vld [tilespmem:$0x240];
	_ =	sdelay $0x4  }
0x1c6: {  	v56 =	vshll.u32 v3, $0x1  }
0x1c7: {  	v3 =	vand.u32 $0x7, v3;
	v4 =	vand.u32 $0xFFFFFFF0, v56  }
0x1c8: {  	v3 =	vor.u32 v3, v4  }
0x1c9: {  	v4 =	vperm.xlane v3, v0;
	_ =	sdelay $0x1  }
0x1ca: {  	v3 =	vperm.xlane v3, v2;
	v4 =	vadd.s32 v1, v4;
	_ =	sdelay $0x1  }
0x1cb: {  	v3 =	vadd.s32 v1, v3;
	_ =	sdelay $0x1  }
0x1cc: {  	s18 =	simm.s32 $0xC400  }
0x1cd: {  	[tilespmem:s18], [sflag:$0x1] =	stream.indirect_vreg.gather [hbm4b:s2+s3], $0x80, v4, vm0, $0xb8;
	[tilespmem:$0x1A400] =	vst v63  }
0x1ce: {  	s20 =	simm.s32 $0xCC00  }
0x1cf: {  	[tilespmem:s20], [sflag:$0x1] =	stream.indirect_vreg.gather [hbm4b:s2+s3], $0x80, v3, vm0, $0xb8;
	[tilespmem:$0x1A400] =	vst v63  }
0x1d0: {  	v3 =	vld.msk [tilespmem:$0x250], $0xff;
	_ =	sdelay $0x4  }
0x1d1: {  	v57 =	vshll.u32 v3, $0x1  }
0x1d2: {  	v3 =	vand.u32 $0x7, v3;
	v4 =	vand.u32 $0xFFFFFFF0, v57  }
0x1d3: {  	v3 =	vor.u32 v3, v4  }
0x1d4: {  	v3 =	vperm.xlane v3, v0;
	_ =	sdelay $0x1  }
0x1d5: {  	v3 =	vadd.s32 v1, v3;
	_ =	sdelay $0x3  }
0x1d6: {  	s22 =	simm.s32 $0xD400  }
0x1d7: {  	[tilespmem:s22], [sflag:$0x1] =	stream.indirect_vreg.gather [hbm4b:s2+s3], $0x80, v3, vm0, $0xb8;
	[tilespmem:$0x1A400] =	vst v63  }
0x1d8: {  	_ =	swait.ge [sflag:s1], $0xC800  }
0x1d9: {  	[sflag:s1] =	ssyncset.done $0x0  }
0x1da: {  	s22 =	rddreg [dreg:$0x6];
	[sflag:s1] =	ssyncadd.s32 $0xFFFF3800  }
0x1db: {  	[hbm4b:s22+s3] =	stream.linear.scatter [tilespmem:s21], [sflag:$0x3], $0xC800, $0x38;
	[tilespmem:$0x1A400] =	vst v63  }
0x1dc: {  	_ =	swait.ge [sflag:s8], $0xC800  }
0x1dd: {  	[sflag:s8] =	ssyncset.done $0x0  }
0x1de: {  	[sflag:s8] =	ssyncadd.s32 $0xFFFF3800  }
0x1df: {  	v3 =	vld [tilespmem:$0x258];
	_ =	sdelay $0x4  }
0x1e0: {  	v58 =	vshll.u32 v3, $0x1  }
0x1e1: {  	v3 =	vand.u32 $0x7, v3;
	v4 =	vand.u32 $0xFFFFFFF0, v58  }
0x1e2: {  	v3 =	vor.u32 v3, v4  }
0x1e3: {  	v4 =	vperm.xlane v3, v0;
	_ =	sdelay $0x1  }
0x1e4: {  	v3 =	vperm.xlane v3, v2;
	v4 =	vadd.s32 v1, v4;
	_ =	sdelay $0x1  }
0x1e5: {  	v3 =	vadd.s32 v1, v3;
	_ =	sdelay $0x1  }
0x1e6: {  	s0 =	simm.s32 $0xDC00  }
0x1e7: {  	[tilespmem:s0], [sflag:$0x2] =	stream.indirect_vreg.gather [hbm4b:s2+s3], $0x80, v4, vm0, $0xb8;
	[tilespmem:$0x1A400] =	vst v63  }
0x1e8: {  	s23 =	simm.s32 $0xE400  }
0x1e9: {  	[tilespmem:s23], [sflag:$0x2] =	stream.indirect_vreg.gather [hbm4b:s2+s3], $0x80, v3, vm0, $0xb8;
	[tilespmem:$0x1A400] =	vst v63  }
0x1ea: {  	v3 =	vld [tilespmem:$0x268];
	_ =	sdelay $0x4  }
0x1eb: {  	v59 =	vshll.u32 v3, $0x1  }
0x1ec: {  	v3 =	vand.u32 $0x7, v3;
	v4 =	vand.u32 $0xFFFFFFF0, v59  }
0x1ed: {  	v3 =	vor.u32 v3, v4  }
0x1ee: {  	v4 =	vperm.xlane v3, v0;
	_ =	sdelay $0x1  }
0x1ef: {  	v3 =	vperm.xlane v3, v2;
	v4 =	vadd.s32 v1, v4;
	_ =	sdelay $0x1  }
0x1f0: {  	v3 =	vadd.s32 v1, v3;
	_ =	sdelay $0x1  }
0x1f1: {  	s22 =	simm.s32 $0xEC00  }
0x1f2: {  	[tilespmem:s22], [sflag:$0x2] =	stream.indirect_vreg.gather [hbm4b:s2+s3], $0x80, v4, vm0, $0xb8;
	[tilespmem:$0x1A400] =	vst v63  }
0x1f3: {  	s24 =	simm.s32 $0xF400  }
0x1f4: {  	[tilespmem:s24], [sflag:$0x2] =	stream.indirect_vreg.gather [hbm4b:s2+s3], $0x80, v3, vm0, $0xb8;
	[tilespmem:$0x1A400] =	vst v63  }
0x1f5: {  	v3 =	vld [tilespmem:$0x278];
	_ =	sdelay $0x4  }
0x1f6: {  	v60 =	vshll.u32 v3, $0x1  }
0x1f7: {  	v3 =	vand.u32 $0x7, v3;
	v4 =	vand.u32 $0xFFFFFFF0, v60  }
0x1f8: {  	v3 =	vor.u32 v3, v4  }
0x1f9: {  	v4 =	vperm.xlane v3, v0;
	_ =	sdelay $0x1  }
0x1fa: {  	v3 =	vperm.xlane v3, v2;
	v4 =	vadd.s32 v1, v4;
	_ =	sdelay $0x1  }
0x1fb: {  	v3 =	vadd.s32 v1, v3;
	_ =	sdelay $0x1  }
0x1fc: {  	s21 =	simm.s32 $0xFC00  }
0x1fd: {  	[tilespmem:s21], [sflag:$0x2] =	stream.indirect_vreg.gather [hbm4b:s2+s3], $0x80, v4, vm0, $0xb8;
	[tilespmem:$0x1A400] =	vst v63  }
0x1fe: {  	s25 =	simm.s32 $0x10400  }
0x1ff: {  	[tilespmem:s25], [sflag:$0x2] =	stream.indirect_vreg.gather [hbm4b:s2+s3], $0x80, v3, vm0, $0xb8;
	[tilespmem:$0x1A400] =	vst v63  }
0x200: {  	v3 =	vld [tilespmem:$0x288];
	_ =	sdelay $0x4  }
0x201: {  	v61 =	vshll.u32 v3, $0x1  }
0x202: {  	v3 =	vand.u32 $0x7, v3;
	v4 =	vand.u32 $0xFFFFFFF0, v61  }
0x203: {  	v3 =	vor.u32 v3, v4  }
0x204: {  	v4 =	vperm.xlane v3, v0;
	_ =	sdelay $0x1  }
0x205: {  	v3 =	vperm.xlane v3, v2;
	v4 =	vadd.s32 v1, v4;
	_ =	sdelay $0x1  }
0x206: {  	v3 =	vadd.s32 v1, v3;
	_ =	sdelay $0x1  }
0x207: {  	s23 =	simm.s32 $0x10C00  }
0x208: {  	[tilespmem:s23], [sflag:$0x2] =	stream.indirect_vreg.gather [hbm4b:s2+s3], $0x80, v4, vm0, $0xb8;
	[tilespmem:$0x1A400] =	vst v63  }
0x209: {  	s26 =	simm.s32 $0x11400  }
0x20a: {  	[tilespmem:s26], [sflag:$0x2] =	stream.indirect_vreg.gather [hbm4b:s2+s3], $0x80, v3, vm0, $0xb8;
	[tilespmem:$0x1A400] =	vst v63  }
0x20b: {  	v3 =	vld [tilespmem:$0x298];
	_ =	sdelay $0x4  }
0x20c: {  	v62 =	vshll.u32 v3, $0x1  }
0x20d: {  	v3 =	vand.u32 $0x7, v3;
	v4 =	vand.u32 $0xFFFFFFF0, v62  }
0x20e: {  	v3 =	vor.u32 v3, v4  }
0x20f: {  	v4 =	vperm.xlane v3, v0;
	_ =	sdelay $0x1  }
0x210: {  	v3 =	vperm.xlane v3, v2;
	v4 =	vadd.s32 v1, v4;
	_ =	sdelay $0x1  }
0x211: {  	v3 =	vadd.s32 v1, v3;
	_ =	sdelay $0x1  }
0x212: {  	s24 =	simm.s32 $0x11C00  }
0x213: {  	[tilespmem:s24], [sflag:$0x2] =	stream.indirect_vreg.gather [hbm4b:s2+s3], $0x80, v4, vm0, $0xb8;
	[tilespmem:$0x1A400] =	vst v63  }
0x214: {  	s28 =	simm.s32 $0x12400  }
0x215: {  	[tilespmem:s28], [sflag:$0x2] =	stream.indirect_vreg.gather [hbm4b:s2+s3], $0x80, v3, vm0, $0xb8;
	[tilespmem:$0x1A400] =	vst v63  }
0x216: {  	v3 =	vld [tilespmem:$0x2A8];
	_ =	sdelay $0x4  }
0x217: {  	v63 =	vshll.u32 v3, $0x1  }
0x218: {  	v3 =	vand.u32 $0x7, v3;
	v4 =	vand.u32 $0xFFFFFFF0, v63  }
0x219: {  	v3 =	vor.u32 v3, v4  }
0x21a: {  	v4 =	vperm.xlane v3, v0;
	_ =	sdelay $0x1  }
0x21b: {  	v3 =	vperm.xlane v3, v2;
	v4 =	vadd.s32 v1, v4;
	_ =	sdelay $0x1  }
0x21c: {  	v3 =	vadd.s32 v1, v3;
	_ =	sdelay $0x1  }
0x21d: {  	s25 =	simm.s32 $0x12C00  }
0x21e: {  	[tilespmem:s25], [sflag:$0x2] =	stream.indirect_vreg.gather [hbm4b:s2+s3], $0x80, v4, vm0, $0xb8;
	[tilespmem:$0x1A400] =	vst v63  }
0x21f: {  	s29 =	simm.s32 $0x13400  }
0x220: {  	[tilespmem:s29], [sflag:$0x2] =	stream.indirect_vreg.gather [hbm4b:s2+s3], $0x80, v3, vm0, $0xb8;
	[tilespmem:$0x1A400] =	vst v63  }
0x221: {  	v3 =	vld [tilespmem:$0x2B8];
	_ =	sdelay $0x4  }
0x222: {  	v8 =	vshll.u32 v3, $0x1  }
0x223: {  	v3 =	vand.u32 $0x7, v3;
	v4 =	vand.u32 $0xFFFFFFF0, v8  }
0x224: {  	v3 =	vor.u32 v3, v4  }
0x225: {  	v4 =	vperm.xlane v3, v0;
	_ =	sdelay $0x1  }
0x226: {  	v3 =	vperm.xlane v3, v2;
	v4 =	vadd.s32 v1, v4;
	_ =	sdelay $0x1  }
0x227: {  	v3 =	vadd.s32 v1, v3;
	_ =	sdelay $0x1  }
0x228: {  	s26 =	simm.s32 $0x13C00  }
0x229: {  	[tilespmem:s26], [sflag:$0x2] =	stream.indirect_vreg.gather [hbm4b:s2+s3], $0x80, v4, vm0, $0xb8;
	[tilespmem:$0x1A400] =	vst v63  }
0x22a: {  	s30 =	simm.s32 $0x14400  }
0x22b: {  	[tilespmem:s30], [sflag:$0x2] =	stream.indirect_vreg.gather [hbm4b:s2+s3], $0x80, v3, vm0, $0xb8;
	[tilespmem:$0x1A400] =	vst v63  }
0x22c: {  	v3 =	vld [tilespmem:$0x2C8];
	_ =	sdelay $0x4  }
0x22d: {  	v9 =	vshll.u32 v3, $0x1  }
0x22e: {  	v3 =	vand.u32 $0x7, v3;
	v4 =	vand.u32 $0xFFFFFFF0, v9  }
0x22f: {  	v3 =	vor.u32 v3, v4  }
0x230: {  	v4 =	vperm.xlane v3, v0;
	_ =	sdelay $0x1  }
0x231: {  	v3 =	vperm.xlane v3, v2;
	v4 =	vadd.s32 v1, v4;
	_ =	sdelay $0x1  }
0x232: {  	v3 =	vadd.s32 v1, v3;
	_ =	sdelay $0x1  }
0x233: {  	s28 =	simm.s32 $0x14C00  }
0x234: {  	[tilespmem:s28], [sflag:$0x2] =	stream.indirect_vreg.gather [hbm4b:s2+s3], $0x80, v4, vm0, $0xb8;
	[tilespmem:$0x1A400] =	vst v63  }
0x235: {  	s31 =	simm.s32 $0x15400  }
0x236: {  	[tilespmem:s31], [sflag:$0x2] =	stream.indirect_vreg.gather [hbm4b:s2+s3], $0x80, v3, vm0, $0xb8;
	[tilespmem:$0x1A400] =	vst v63  }
0x237: {  	v3 =	vld [tilespmem:$0x2D8];
	_ =	sdelay $0x4  }
0x238: {  	v10 =	vshll.u32 v3, $0x1  }
0x239: {  	v3 =	vand.u32 $0x7, v3;
	v4 =	vand.u32 $0xFFFFFFF0, v10  }
0x23a: {  	v3 =	vor.u32 v3, v4  }
0x23b: {  	v4 =	vperm.xlane v3, v0;
	_ =	sdelay $0x1  }
0x23c: {  	v3 =	vperm.xlane v3, v2;
	v4 =	vadd.s32 v1, v4;
	_ =	sdelay $0x1  }
0x23d: {  	v3 =	vadd.s32 v1, v3;
	_ =	sdelay $0x1  }
0x23e: {  	s29 =	simm.s32 $0x15C00  }
0x23f: {  	[tilespmem:s29], [sflag:$0x2] =	stream.indirect_vreg.gather [hbm4b:s2+s3], $0x80, v4, vm0, $0xb8;
	[tilespmem:$0x1A400] =	vst v63  }
0x240: {  	s30 =	simm.s32 $0x16400  }
0x241: {  	[tilespmem:s30], [sflag:$0x2] =	stream.indirect_vreg.gather [hbm4b:s2+s3], $0x80, v3, vm0, $0xb8;
	[tilespmem:$0x1A400] =	vst v63  }
0x242: {  	v3 =	vld [tilespmem:$0x2E8];
	_ =	sdelay $0x4  }
0x243: {  	v11 =	vshll.u32 v3, $0x1  }
0x244: {  	v3 =	vand.u32 $0x7, v3;
	v4 =	vand.u32 $0xFFFFFFF0, v11  }
0x245: {  	v3 =	vor.u32 v3, v4  }
0x246: {  	v4 =	vperm.xlane v3, v0;
	_ =	sdelay $0x1  }
0x247: {  	v3 =	vperm.xlane v3, v2;
	v4 =	vadd.s32 v1, v4;
	_ =	sdelay $0x1  }
0x248: {  	v3 =	vadd.s32 v1, v3;
	_ =	sdelay $0x1  }
0x249: {  	s30 =	simm.s32 $0x16C00  }
0x24a: {  	[tilespmem:s30], [sflag:$0x2] =	stream.indirect_vreg.gather [hbm4b:s2+s3], $0x80, v4, vm0, $0xb8;
	[tilespmem:$0x1A400] =	vst v63  }
0x24b: {  	s31 =	simm.s32 $0x17400  }
0x24c: {  	[tilespmem:s31], [sflag:$0x2] =	stream.indirect_vreg.gather [hbm4b:s2+s3], $0x80, v3, vm0, $0xb8;
	[tilespmem:$0x1A400] =	vst v63  }
0x24d: {  	v3 =	vld [tilespmem:$0x2F8];
	_ =	sdelay $0x4  }
0x24e: {  	v12 =	vshll.u32 v3, $0x1  }
0x24f: {  	v3 =	vand.u32 $0x7, v3;
	v4 =	vand.u32 $0xFFFFFFF0, v12  }
0x250: {  	v3 =	vor.u32 v3, v4  }
0x251: {  	v4 =	vperm.xlane v3, v0;
	_ =	sdelay $0x1  }
0x252: {  	v3 =	vperm.xlane v3, v2;
	v4 =	vadd.s32 v1, v4;
	_ =	sdelay $0x1  }
0x253: {  	v3 =	vadd.s32 v1, v3;
	_ =	sdelay $0x1  }
0x254: {  	s31 =	simm.s32 $0x17C00  }
0x255: {  	[tilespmem:s31], [sflag:$0x2] =	stream.indirect_vreg.gather [hbm4b:s2+s3], $0x80, v4, vm0, $0xb8;
	[tilespmem:$0x1A400] =	vst v63  }
0x256: {  	s9 =	simm.s32 $0x18400  }
0x257: {  	[tilespmem:s9], [sflag:$0x2] =	stream.indirect_vreg.gather [hbm4b:s2+s3], $0x80, v3, vm0, $0xb8;
	[tilespmem:$0x1A400] =	vst v63  }
0x258: {  	v3 =	vld [tilespmem:$0x308];
	_ =	sdelay $0x4  }
0x259: {  	v13 =	vshll.u32 v3, $0x1  }
0x25a: {  	v3 =	vand.u32 $0x7, v3;
	v4 =	vand.u32 $0xFFFFFFF0, v13  }
0x25b: {  	v3 =	vor.u32 v3, v4  }
0x25c: {  	v4 =	vperm.xlane v3, v0;
	_ =	sdelay $0x1  }
0x25d: {  	v3 =	vperm.xlane v3, v2;
	v4 =	vadd.s32 v1, v4;
	_ =	sdelay $0x1  }
0x25e: {  	v3 =	vadd.s32 v1, v3;
	_ =	sdelay $0x1  }
0x25f: {  	s16 =	simm.s32 $0x18C00  }
0x260: {  	[tilespmem:s16], [sflag:$0x2] =	stream.indirect_vreg.gather [hbm4b:s2+s3], $0x80, v4, vm0, $0xb8;
	[tilespmem:$0x1A400] =	vst v63  }
0x261: {  	s9 =	simm.s32 $0x19400  }
0x262: {  	[tilespmem:s9], [sflag:$0x2] =	stream.indirect_vreg.gather [hbm4b:s2+s3], $0x80, v3, vm0, $0xb8;
	[tilespmem:$0x1A400] =	vst v63  }
0x263: {  	v3 =	vld.msk [tilespmem:$0x318], $0xff;
	_ =	sdelay $0x4  }
0x264: {  	v14 =	vshll.u32 v3, $0x1  }
0x265: {  	v3 =	vand.u32 $0x7, v3;
	v4 =	vand.u32 $0xFFFFFFF0, v14  }
0x266: {  	v3 =	vor.u32 v3, v4  }
0x267: {  	v3 =	vperm.xlane v3, v0;
	_ =	sdelay $0x1  }
0x268: {  	v3 =	vadd.s32 v1, v3;
	_ =	sdelay $0x3  }
0x269: {  	s16 =	simm.s32 $0x19C00  }
0x26a: {  	[tilespmem:s16], [sflag:$0x2] =	stream.indirect_vreg.gather [hbm4b:s2+s3], $0x80, v3, vm0, $0xb8;
	[tilespmem:$0x1A400] =	vst v63  }
0x26b: {  	_ =	swait.ge [sflag:s17], $0xC800  }
0x26c: {  	[sflag:s17] =	ssyncset.done $0x0  }
0x26d: {  	s0 =	simm.s32 $0xDC00;
	s5 =	rddreg [dreg:$0x7];
	[sflag:s17] =	ssyncadd.s32 $0xFFFF3800  }
0x26e: {  	[hbm4b:s5+s3] =	stream.linear.scatter [tilespmem:s0], [sflag:$0x4], $0xC800, $0x38;
	[tilespmem:$0x1A400] =	vst v63  }
0x26f: {  	_ =	swait.ge [sflag:s7], $0xC800  }
0x270: {  	[sflag:s7] =	ssyncset.done $0x0  }
0x271: {  	[sflag:s7] =	ssyncadd.s32 $0xFFFF3800  }
0x272: {  	v3 =	vld [tilespmem:$0x320];
	_ =	sdelay $0x4  }
0x273: {  	v15 =	vshll.u32 v3, $0x1  }
0x274: {  	v3 =	vand.u32 $0x7, v3;
	v4 =	vand.u32 $0xFFFFFFF0, v15  }
0x275: {  	v3 =	vor.u32 v3, v4  }
0x276: {  	v4 =	vperm.xlane v3, v0;
	_ =	sdelay $0x1  }
0x277: {  	v3 =	vperm.xlane v3, v2;
	v4 =	vadd.s32 v1, v4;
	_ =	sdelay $0x1  }
0x278: {  	v3 =	vadd.s32 v1, v3;
	_ =	sdelay $0x1  }
0x279: {  	s6 =	simm.s32 $0x1400  }
0x27a: {  	[tilespmem:s6], [sflag:$0x1] =	stream.indirect_vreg.gather [hbm4b:s2+s3], $0x80, v4, vm0, $0xb8;
	[tilespmem:$0x1A400] =	vst v63  }
0x27b: {  	s16 =	simm.s32 $0x1C00  }
0x27c: {  	[tilespmem:s16], [sflag:$0x1] =	stream.indirect_vreg.gather [hbm4b:s2+s3], $0x80, v3, vm0, $0xb8;
	[tilespmem:$0x1A400] =	vst v63  }
0x27d: {  	v3 =	vld [tilespmem:$0x330];
	_ =	sdelay $0x4  }
0x27e: {  	v16 =	vshll.u32 v3, $0x1  }
0x27f: {  	v3 =	vand.u32 $0x7, v3;
	v4 =	vand.u32 $0xFFFFFFF0, v16  }
0x280: {  	v3 =	vor.u32 v3, v4  }
0x281: {  	v4 =	vperm.xlane v3, v0;
	_ =	sdelay $0x1  }
0x282: {  	v3 =	vperm.xlane v3, v2;
	v4 =	vadd.s32 v1, v4;
	_ =	sdelay $0x1  }
0x283: {  	v3 =	vadd.s32 v1, v3;
	_ =	sdelay $0x1  }
0x284: {  	s9 =	simm.s32 $0x2400  }
0x285: {  	[tilespmem:s9], [sflag:$0x1] =	stream.indirect_vreg.gather [hbm4b:s2+s3], $0x80, v4, vm0, $0xb8;
	[tilespmem:$0x1A400] =	vst v63  }
0x286: {  	s16 =	simm.s32 $0x2C00  }
0x287: {  	[tilespmem:s16], [sflag:$0x1] =	stream.indirect_vreg.gather [hbm4b:s2+s3], $0x80, v3, vm0, $0xb8;
	[tilespmem:$0x1A400] =	vst v63  }
0x288: {  	v3 =	vld [tilespmem:$0x340];
	_ =	sdelay $0x4  }
0x289: {  	v17 =	vshll.u32 v3, $0x1  }
0x28a: {  	v3 =	vand.u32 $0x7, v3;
	v4 =	vand.u32 $0xFFFFFFF0, v17  }
0x28b: {  	v3 =	vor.u32 v3, v4  }
0x28c: {  	v4 =	vperm.xlane v3, v0;
	_ =	sdelay $0x1  }
0x28d: {  	v3 =	vperm.xlane v3, v2;
	v4 =	vadd.s32 v1, v4;
	_ =	sdelay $0x1  }
0x28e: {  	v3 =	vadd.s32 v1, v3;
	_ =	sdelay $0x2  }
0x28f: {  	[tilespmem:s4], [sflag:$0x1] =	stream.indirect_vreg.gather [hbm4b:s2+s3], $0x80, v4, vm0, $0xb8;
	[tilespmem:$0x1A400] =	vst v63  }
0x290: {  	s4 =	simm.s32 $0x3C00  }
0x291: {  	[tilespmem:s4], [sflag:$0x1] =	stream.indirect_vreg.gather [hbm4b:s2+s3], $0x80, v3, vm0, $0xb8;
	[tilespmem:$0x1A400] =	vst v63  }
0x292: {  	v3 =	vld [tilespmem:$0x350];
	_ =	sdelay $0x4  }
0x293: {  	v18 =	vshll.u32 v3, $0x1  }
0x294: {  	v3 =	vand.u32 $0x7, v3;
	v4 =	vand.u32 $0xFFFFFFF0, v18  }
0x295: {  	v3 =	vor.u32 v3, v4  }
0x296: {  	v4 =	vperm.xlane v3, v0;
	_ =	sdelay $0x1  }
0x297: {  	v3 =	vperm.xlane v3, v2;
	v4 =	vadd.s32 v1, v4;
	_ =	sdelay $0x1  }
0x298: {  	v3 =	vadd.s32 v1, v3;
	_ =	sdelay $0x2  }
0x299: {  	[tilespmem:s10], [sflag:$0x1] =	stream.indirect_vreg.gather [hbm4b:s2+s3], $0x80, v4, vm0, $0xb8;
	[tilespmem:$0x1A400] =	vst v63  }
0x29a: {  	s6 =	simm.s32 $0x4C00  }
0x29b: {  	[tilespmem:s6], [sflag:$0x1] =	stream.indirect_vreg.gather [hbm4b:s2+s3], $0x80, v3, vm0, $0xb8;
	[tilespmem:$0x1A400] =	vst v63  }
0x29c: {  	v3 =	vld [tilespmem:$0x360];
	_ =	sdelay $0x4  }
0x29d: {  	v19 =	vshll.u32 v3, $0x1  }
0x29e: {  	v3 =	vand.u32 $0x7, v3;
	v4 =	vand.u32 $0xFFFFFFF0, v19  }
0x29f: {  	v3 =	vor.u32 v3, v4  }
0x2a0: {  	v4 =	vperm.xlane v3, v0;
	_ =	sdelay $0x1  }
0x2a1: {  	v3 =	vperm.xlane v3, v2;
	v4 =	vadd.s32 v1, v4;
	_ =	sdelay $0x1  }
0x2a2: {  	v3 =	vadd.s32 v1, v3;
	_ =	sdelay $0x2  }
0x2a3: {  	[tilespmem:s11], [sflag:$0x1] =	stream.indirect_vreg.gather [hbm4b:s2+s3], $0x80, v4, vm0, $0xb8;
	[tilespmem:$0x1A400] =	vst v63  }
0x2a4: {  	s10 =	simm.s32 $0x5C00  }
0x2a5: {  	[tilespmem:s10], [sflag:$0x1] =	stream.indirect_vreg.gather [hbm4b:s2+s3], $0x80, v3, vm0, $0xb8;
	[tilespmem:$0x1A400] =	vst v63  }
0x2a6: {  	v3 =	vld [tilespmem:$0x370];
	_ =	sdelay $0x4  }
0x2a7: {  	v20 =	vshll.u32 v3, $0x1  }
0x2a8: {  	v3 =	vand.u32 $0x7, v3;
	v4 =	vand.u32 $0xFFFFFFF0, v20  }
0x2a9: {  	v3 =	vor.u32 v3, v4  }
0x2aa: {  	v4 =	vperm.xlane v3, v0;
	_ =	sdelay $0x1  }
0x2ab: {  	v3 =	vperm.xlane v3, v2;
	v4 =	vadd.s32 v1, v4;
	_ =	sdelay $0x1  }
0x2ac: {  	v3 =	vadd.s32 v1, v3;
	_ =	sdelay $0x2  }
0x2ad: {  	[tilespmem:s12], [sflag:$0x1] =	stream.indirect_vreg.gather [hbm4b:s2+s3], $0x80, v4, vm0, $0xb8;
	[tilespmem:$0x1A400] =	vst v63  }
0x2ae: {  	s11 =	simm.s32 $0x6C00  }
0x2af: {  	[tilespmem:s11], [sflag:$0x1] =	stream.indirect_vreg.gather [hbm4b:s2+s3], $0x80, v3, vm0, $0xb8;
	[tilespmem:$0x1A400] =	vst v63  }
0x2b0: {  	v3 =	vld [tilespmem:$0x380];
	_ =	sdelay $0x4  }
0x2b1: {  	v21 =	vshll.u32 v3, $0x1  }
0x2b2: {  	v3 =	vand.u32 $0x7, v3;
	v4 =	vand.u32 $0xFFFFFFF0, v21  }
0x2b3: {  	v3 =	vor.u32 v3, v4  }
0x2b4: {  	v4 =	vperm.xlane v3, v0;
	_ =	sdelay $0x1  }
0x2b5: {  	v3 =	vperm.xlane v3, v2;
	v4 =	vadd.s32 v1, v4;
	_ =	sdelay $0x1  }
0x2b6: {  	v3 =	vadd.s32 v1, v3;
	_ =	sdelay $0x2  }
0x2b7: {  	[tilespmem:s13], [sflag:$0x1] =	stream.indirect_vreg.gather [hbm4b:s2+s3], $0x80, v4, vm0, $0xb8;
	[tilespmem:$0x1A400] =	vst v63  }
0x2b8: {  	s12 =	simm.s32 $0x7C00  }
0x2b9: {  	[tilespmem:s12], [sflag:$0x1] =	stream.indirect_vreg.gather [hbm4b:s2+s3], $0x80, v3, vm0, $0xb8;
	[tilespmem:$0x1A400] =	vst v63  }
0x2ba: {  	v3 =	vld [tilespmem:$0x390];
	_ =	sdelay $0x4  }
0x2bb: {  	v22 =	vshll.u32 v3, $0x1  }
0x2bc: {  	v3 =	vand.u32 $0x7, v3;
	v4 =	vand.u32 $0xFFFFFFF0, v22  }
0x2bd: {  	v3 =	vor.u32 v3, v4  }
0x2be: {  	v4 =	vperm.xlane v3, v0;
	_ =	sdelay $0x1  }
0x2bf: {  	v3 =	vperm.xlane v3, v2;
	v4 =	vadd.s32 v1, v4;
	_ =	sdelay $0x1  }
0x2c0: {  	v3 =	vadd.s32 v1, v3;
	_ =	sdelay $0x2  }
0x2c1: {  	[tilespmem:s14], [sflag:$0x1] =	stream.indirect_vreg.gather [hbm4b:s2+s3], $0x80, v4, vm0, $0xb8;
	[tilespmem:$0x1A400] =	vst v63  }
0x2c2: {  	s13 =	simm.s32 $0x8C00  }
0x2c3: {  	[tilespmem:s13], [sflag:$0x1] =	stream.indirect_vreg.gather [hbm4b:s2+s3], $0x80, v3, vm0, $0xb8;
	[tilespmem:$0x1A400] =	vst v63  }
0x2c4: {  	v3 =	vld [tilespmem:$0x3A0];
	_ =	sdelay $0x4  }
0x2c5: {  	v23 =	vshll.u32 v3, $0x1  }
0x2c6: {  	v3 =	vand.u32 $0x7, v3;
	v4 =	vand.u32 $0xFFFFFFF0, v23  }
0x2c7: {  	v3 =	vor.u32 v3, v4  }
0x2c8: {  	v4 =	vperm.xlane v3, v0;
	_ =	sdelay $0x1  }
0x2c9: {  	v3 =	vperm.xlane v3, v2;
	v4 =	vadd.s32 v1, v4;
	_ =	sdelay $0x1  }
0x2ca: {  	v3 =	vadd.s32 v1, v3;
	_ =	sdelay $0x2  }
0x2cb: {  	[tilespmem:s15], [sflag:$0x1] =	stream.indirect_vreg.gather [hbm4b:s2+s3], $0x80, v4, vm0, $0xb8;
	[tilespmem:$0x1A400] =	vst v63  }
0x2cc: {  	s14 =	simm.s32 $0x9C00  }
0x2cd: {  	[tilespmem:s14], [sflag:$0x1] =	stream.indirect_vreg.gather [hbm4b:s2+s3], $0x80, v3, vm0, $0xb8;
	[tilespmem:$0x1A400] =	vst v63  }
0x2ce: {  	v3 =	vld [tilespmem:$0x3B0];
	_ =	sdelay $0x4  }
0x2cf: {  	v24 =	vshll.u32 v3, $0x1  }
0x2d0: {  	v3 =	vand.u32 $0x7, v3;
	v4 =	vand.u32 $0xFFFFFFF0, v24  }
0x2d1: {  	v3 =	vor.u32 v3, v4  }
0x2d2: {  	v4 =	vperm.xlane v3, v0;
	_ =	sdelay $0x1  }
0x2d3: {  	v3 =	vperm.xlane v3, v2;
	v4 =	vadd.s32 v1, v4;
	_ =	sdelay $0x1  }
0x2d4: {  	v3 =	vadd.s32 v1, v3;
	_ =	sdelay $0x1  }
0x2d5: {  	s15 =	simm.s32 $0xA400  }
0x2d6: {  	[tilespmem:s15], [sflag:$0x1] =	stream.indirect_vreg.gather [hbm4b:s2+s3], $0x80, v4, vm0, $0xb8;
	[tilespmem:$0x1A400] =	vst v63  }
0x2d7: {  	s15 =	simm.s32 $0xAC00  }
0x2d8: {  	[tilespmem:s15], [sflag:$0x1] =	stream.indirect_vreg.gather [hbm4b:s2+s3], $0x80, v3, vm0, $0xb8;
	[tilespmem:$0x1A400] =	vst v63  }
0x2d9: {  	v3 =	vld [tilespmem:$0x3C0];
	_ =	sdelay $0x4  }
0x2da: {  	v25 =	vshll.u32 v3, $0x1  }
0x2db: {  	v3 =	vand.u32 $0x7, v3;
	v4 =	vand.u32 $0xFFFFFFF0, v25  }
0x2dc: {  	v3 =	vor.u32 v3, v4  }
0x2dd: {  	v4 =	vperm.xlane v3, v0;
	_ =	sdelay $0x1  }
0x2de: {  	v3 =	vperm.xlane v3, v2;
	v4 =	vadd.s32 v1, v4;
	_ =	sdelay $0x1  }
0x2df: {  	v3 =	vadd.s32 v1, v3;
	_ =	sdelay $0x1  }
0x2e0: {  	s9 =	simm.s32 $0xB400  }
0x2e1: {  	[tilespmem:s9], [sflag:$0x1] =	stream.indirect_vreg.gather [hbm4b:s2+s3], $0x80, v4, vm0, $0xb8;
	[tilespmem:$0x1A400] =	vst v63  }
0x2e2: {  	_ = 	snop  }
0x2e3: {  	[tilespmem:s19], [sflag:$0x1] =	stream.indirect_vreg.gather [hbm4b:s2+s3], $0x80, v3, vm0, $0xb8;
	[tilespmem:$0x1A400] =	vst v63  }
0x2e4: {  	v3 =	vld [tilespmem:$0x3D0];
	_ =	sdelay $0x4  }
0x2e5: {  	v26 =	vshll.u32 v3, $0x1  }
0x2e6: {  	v3 =	vand.u32 $0x7, v3;
	v4 =	vand.u32 $0xFFFFFFF0, v26  }
0x2e7: {  	v3 =	vor.u32 v3, v4  }
0x2e8: {  	v4 =	vperm.xlane v3, v0;
	_ =	sdelay $0x1  }
0x2e9: {  	v3 =	vperm.xlane v3, v2;
	v4 =	vadd.s32 v1, v4;
	_ =	sdelay $0x1  }
0x2ea: {  	v3 =	vadd.s32 v1, v3;
	_ =	sdelay $0x2  }
0x2eb: {  	[tilespmem:s18], [sflag:$0x1] =	stream.indirect_vreg.gather [hbm4b:s2+s3], $0x80, v4, vm0, $0xb8;
	[tilespmem:$0x1A400] =	vst v63  }
0x2ec: {  	_ = 	snop  }
0x2ed: {  	[tilespmem:s20], [sflag:$0x1] =	stream.indirect_vreg.gather [hbm4b:s2+s3], $0x80, v3, vm0, $0xb8;
	[tilespmem:$0x1A400] =	vst v63  }
0x2ee: {  	v3 =	vld.msk [tilespmem:$0x3E0], $0xff;
	_ =	sdelay $0x4  }
0x2ef: {  	v27 =	vshll.u32 v3, $0x1  }
0x2f0: {  	v3 =	vand.u32 $0x7, v3;
	v4 =	vand.u32 $0xFFFFFFF0, v27  }
0x2f1: {  	v3 =	vor.u32 v3, v4  }
0x2f2: {  	v3 =	vperm.xlane v3, v0;
	_ =	sdelay $0x1  }
0x2f3: {  	v3 =	vadd.s32 v1, v3;
	_ =	sdelay $0x3  }
0x2f4: {  	s18 =	simm.s32 $0xD400  }
0x2f5: {  	[tilespmem:s18], [sflag:$0x1] =	stream.indirect_vreg.gather [hbm4b:s2+s3], $0x80, v3, vm0, $0xb8;
	[tilespmem:$0x1A400] =	vst v63  }
0x2f6: {  	_ =	swait.ge [sflag:s1], $0xC800  }
0x2f7: {  	[sflag:s1] =	ssyncset.done $0x0  }
0x2f8: {  	s0 =	simm.s32 $0x1400;
	s19 =	rddreg [dreg:$0x8];
	[sflag:s1] =	ssyncadd.s32 $0xFFFF3800  }
0x2f9: {  	[hbm4b:s19+s3] =	stream.linear.scatter [tilespmem:s0], [sflag:$0x3], $0xC800, $0x38;
	[tilespmem:$0x1A400] =	vst v63  }
0x2fa: {  	_ =	swait.ge [sflag:s8], $0xC800  }
0x2fb: {  	[sflag:s8] =	ssyncset.done $0x0  }
0x2fc: {  	[sflag:s8] =	ssyncadd.s32 $0xFFFF3800  }
0x2fd: {  	v3 =	vld [tilespmem:$0x3E8];
	_ =	sdelay $0x4  }
0x2fe: {  	v28 =	vshll.u32 v3, $0x1  }
0x2ff: {  	v3 =	vand.u32 $0x7, v3;
	v4 =	vand.u32 $0xFFFFFFF0, v28  }
0x300: {  	v3 =	vor.u32 v3, v4  }
0x301: {  	v4 =	vperm.xlane v3, v0;
	_ =	sdelay $0x1  }
0x302: {  	v3 =	vperm.xlane v3, v2;
	v4 =	vadd.s32 v1, v4;
	_ =	sdelay $0x1  }
0x303: {  	v3 =	vadd.s32 v1, v3;
	_ =	sdelay $0x1  }
0x304: {  	s5 =	simm.s32 $0xDC00  }
0x305: {  	[tilespmem:s5], [sflag:$0x2] =	stream.indirect_vreg.gather [hbm4b:s2+s3], $0x80, v4, vm0, $0xb8;
	[tilespmem:$0x1A400] =	vst v63  }
0x306: {  	s9 =	simm.s32 $0xE400  }
0x307: {  	[tilespmem:s9], [sflag:$0x2] =	stream.indirect_vreg.gather [hbm4b:s2+s3], $0x80, v3, vm0, $0xb8;
	[tilespmem:$0x1A400] =	vst v63  }
0x308: {  	v3 =	vld [tilespmem:$0x3F8];
	_ =	sdelay $0x4  }
0x309: {  	v29 =	vshll.u32 v3, $0x1  }
0x30a: {  	v3 =	vand.u32 $0x7, v3;
	v4 =	vand.u32 $0xFFFFFFF0, v29  }
0x30b: {  	v3 =	vor.u32 v3, v4  }
0x30c: {  	v4 =	vperm.xlane v3, v0;
	_ =	sdelay $0x1  }
0x30d: {  	v3 =	vperm.xlane v3, v2;
	v4 =	vadd.s32 v1, v4;
	_ =	sdelay $0x1  }
0x30e: {  	v3 =	vadd.s32 v1, v3;
	_ =	sdelay $0x2  }
0x30f: {  	[tilespmem:s22], [sflag:$0x2] =	stream.indirect_vreg.gather [hbm4b:s2+s3], $0x80, v4, vm0, $0xb8;
	[tilespmem:$0x1A400] =	vst v63  }
0x310: {  	s22 =	simm.s32 $0xF400  }
0x311: {  	[tilespmem:s22], [sflag:$0x2] =	stream.indirect_vreg.gather [hbm4b:s2+s3], $0x80, v3, vm0, $0xb8;
	[tilespmem:$0x1A400] =	vst v63  }
0x312: {  	v3 =	vld [tilespmem:$0x408];
	_ =	sdelay $0x4  }
0x313: {  	v30 =	vshll.u32 v3, $0x1  }
0x314: {  	v3 =	vand.u32 $0x7, v3;
	v4 =	vand.u32 $0xFFFFFFF0, v30  }
0x315: {  	v3 =	vor.u32 v3, v4  }
0x316: {  	v4 =	vperm.xlane v3, v0;
	_ =	sdelay $0x1  }
0x317: {  	v3 =	vperm.xlane v3, v2;
	v4 =	vadd.s32 v1, v4;
	_ =	sdelay $0x1  }
0x318: {  	v3 =	vadd.s32 v1, v3;
	_ =	sdelay $0x2  }
0x319: {  	[tilespmem:s21], [sflag:$0x2] =	stream.indirect_vreg.gather [hbm4b:s2+s3], $0x80, v4, vm0, $0xb8;
	[tilespmem:$0x1A400] =	vst v63  }
0x31a: {  	s22 =	simm.s32 $0x10400  }
0x31b: {  	[tilespmem:s22], [sflag:$0x2] =	stream.indirect_vreg.gather [hbm4b:s2+s3], $0x80, v3, vm0, $0xb8;
	[tilespmem:$0x1A400] =	vst v63  }
0x31c: {  	v3 =	vld [tilespmem:$0x418];
	_ =	sdelay $0x4  }
0x31d: {  	v31 =	vshll.u32 v3, $0x1  }
0x31e: {  	v3 =	vand.u32 $0x7, v3;
	v4 =	vand.u32 $0xFFFFFFF0, v31  }
0x31f: {  	v3 =	vor.u32 v3, v4  }
0x320: {  	v4 =	vperm.xlane v3, v0;
	_ =	sdelay $0x1  }
0x321: {  	v3 =	vperm.xlane v3, v2;
	v4 =	vadd.s32 v1, v4;
	_ =	sdelay $0x1  }
0x322: {  	v3 =	vadd.s32 v1, v3;
	_ =	sdelay $0x2  }
0x323: {  	[tilespmem:s23], [sflag:$0x2] =	stream.indirect_vreg.gather [hbm4b:s2+s3], $0x80, v4, vm0, $0xb8;
	[tilespmem:$0x1A400] =	vst v63  }
0x324: {  	s23 =	simm.s32 $0x11400  }
0x325: {  	[tilespmem:s23], [sflag:$0x2] =	stream.indirect_vreg.gather [hbm4b:s2+s3], $0x80, v3, vm0, $0xb8;
	[tilespmem:$0x1A400] =	vst v63  }
0x326: {  	v3 =	vld [tilespmem:$0x428];
	_ =	sdelay $0x4  }
0x327: {  	v32 =	vshll.u32 v3, $0x1  }
0x328: {  	v3 =	vand.u32 $0x7, v3;
	v4 =	vand.u32 $0xFFFFFFF0, v32  }
0x329: {  	v3 =	vor.u32 v3, v4  }
0x32a: {  	v4 =	vperm.xlane v3, v0;
	_ =	sdelay $0x1  }
0x32b: {  	v3 =	vperm.xlane v3, v2;
	v4 =	vadd.s32 v1, v4;
	_ =	sdelay $0x1  }
0x32c: {  	v3 =	vadd.s32 v1, v3;
	_ =	sdelay $0x2  }
0x32d: {  	[tilespmem:s24], [sflag:$0x2] =	stream.indirect_vreg.gather [hbm4b:s2+s3], $0x80, v4, vm0, $0xb8;
	[tilespmem:$0x1A400] =	vst v63  }
0x32e: {  	s24 =	simm.s32 $0x12400  }
0x32f: {  	[tilespmem:s24], [sflag:$0x2] =	stream.indirect_vreg.gather [hbm4b:s2+s3], $0x80, v3, vm0, $0xb8;
	[tilespmem:$0x1A400] =	vst v63  }
0x330: {  	v3 =	vld [tilespmem:$0x438];
	_ =	sdelay $0x4  }
0x331: {  	v33 =	vshll.u32 v3, $0x1  }
0x332: {  	v3 =	vand.u32 $0x7, v3;
	v4 =	vand.u32 $0xFFFFFFF0, v33  }
0x333: {  	v3 =	vor.u32 v3, v4  }
0x334: {  	v4 =	vperm.xlane v3, v0;
	_ =	sdelay $0x1  }
0x335: {  	v3 =	vperm.xlane v3, v2;
	v4 =	vadd.s32 v1, v4;
	_ =	sdelay $0x1  }
0x336: {  	v3 =	vadd.s32 v1, v3;
	_ =	sdelay $0x2  }
0x337: {  	[tilespmem:s25], [sflag:$0x2] =	stream.indirect_vreg.gather [hbm4b:s2+s3], $0x80, v4, vm0, $0xb8;
	[tilespmem:$0x1A400] =	vst v63  }
0x338: {  	s25 =	simm.s32 $0x13400  }
0x339: {  	[tilespmem:s25], [sflag:$0x2] =	stream.indirect_vreg.gather [hbm4b:s2+s3], $0x80, v3, vm0, $0xb8;
	[tilespmem:$0x1A400] =	vst v63  }
0x33a: {  	v3 =	vld [tilespmem:$0x448];
	_ =	sdelay $0x4  }
0x33b: {  	v34 =	vshll.u32 v3, $0x1  }
0x33c: {  	v3 =	vand.u32 $0x7, v3;
	v4 =	vand.u32 $0xFFFFFFF0, v34  }
0x33d: {  	v3 =	vor.u32 v3, v4  }
0x33e: {  	v4 =	vperm.xlane v3, v0;
	_ =	sdelay $0x1  }
0x33f: {  	v3 =	vperm.xlane v3, v2;
	v4 =	vadd.s32 v1, v4;
	_ =	sdelay $0x1  }
0x340: {  	v3 =	vadd.s32 v1, v3;
	_ =	sdelay $0x2  }
0x341: {  	[tilespmem:s26], [sflag:$0x2] =	stream.indirect_vreg.gather [hbm4b:s2+s3], $0x80, v4, vm0, $0xb8;
	[tilespmem:$0x1A400] =	vst v63  }
0x342: {  	s26 =	simm.s32 $0x14400  }
0x343: {  	[tilespmem:s26], [sflag:$0x2] =	stream.indirect_vreg.gather [hbm4b:s2+s3], $0x80, v3, vm0, $0xb8;
	[tilespmem:$0x1A400] =	vst v63  }
0x344: {  	v3 =	vld [tilespmem:$0x458];
	_ =	sdelay $0x4  }
0x345: {  	v35 =	vshll.u32 v3, $0x1  }
0x346: {  	v3 =	vand.u32 $0x7, v3;
	v4 =	vand.u32 $0xFFFFFFF0, v35  }
0x347: {  	v3 =	vor.u32 v3, v4  }
0x348: {  	v4 =	vperm.xlane v3, v0;
	_ =	sdelay $0x1  }
0x349: {  	v3 =	vperm.xlane v3, v2;
	v4 =	vadd.s32 v1, v4;
	_ =	sdelay $0x1  }
0x34a: {  	v3 =	vadd.s32 v1, v3;
	_ =	sdelay $0x2  }
0x34b: {  	[tilespmem:s28], [sflag:$0x2] =	stream.indirect_vreg.gather [hbm4b:s2+s3], $0x80, v4, vm0, $0xb8;
	[tilespmem:$0x1A400] =	vst v63  }
0x34c: {  	s28 =	simm.s32 $0x15400  }
0x34d: {  	[tilespmem:s28], [sflag:$0x2] =	stream.indirect_vreg.gather [hbm4b:s2+s3], $0x80, v3, vm0, $0xb8;
	[tilespmem:$0x1A400] =	vst v63  }
0x34e: {  	v3 =	vld [tilespmem:$0x468];
	_ =	sdelay $0x4  }
0x34f: {  	v36 =	vshll.u32 v3, $0x1  }
0x350: {  	v3 =	vand.u32 $0x7, v3;
	v4 =	vand.u32 $0xFFFFFFF0, v36  }
0x351: {  	v3 =	vor.u32 v3, v4  }
0x352: {  	v4 =	vperm.xlane v3, v0;
	_ =	sdelay $0x1  }
0x353: {  	v3 =	vperm.xlane v3, v2;
	v4 =	vadd.s32 v1, v4;
	_ =	sdelay $0x1  }
0x354: {  	v3 =	vadd.s32 v1, v3;
	_ =	sdelay $0x2  }
0x355: {  	[tilespmem:s29], [sflag:$0x2] =	stream.indirect_vreg.gather [hbm4b:s2+s3], $0x80, v4, vm0, $0xb8;
	[tilespmem:$0x1A400] =	vst v63  }
0x356: {  	s29 =	simm.s32 $0x16400  }
0x357: {  	[tilespmem:s29], [sflag:$0x2] =	stream.indirect_vreg.gather [hbm4b:s2+s3], $0x80, v3, vm0, $0xb8;
	[tilespmem:$0x1A400] =	vst v63  }
0x358: {  	v3 =	vld [tilespmem:$0x478];
	_ =	sdelay $0x4  }
0x359: {  	v37 =	vshll.u32 v3, $0x1  }
0x35a: {  	v3 =	vand.u32 $0x7, v3;
	v4 =	vand.u32 $0xFFFFFFF0, v37  }
0x35b: {  	v3 =	vor.u32 v3, v4  }
0x35c: {  	v4 =	vperm.xlane v3, v0;
	_ =	sdelay $0x1  }
0x35d: {  	v3 =	vperm.xlane v3, v2;
	v4 =	vadd.s32 v1, v4;
	_ =	sdelay $0x1  }
0x35e: {  	v3 =	vadd.s32 v1, v3;
	_ =	sdelay $0x2  }
0x35f: {  	[tilespmem:s30], [sflag:$0x2] =	stream.indirect_vreg.gather [hbm4b:s2+s3], $0x80, v4, vm0, $0xb8;
	[tilespmem:$0x1A400] =	vst v63  }
0x360: {  	s30 =	simm.s32 $0x17400  }
0x361: {  	[tilespmem:s30], [sflag:$0x2] =	stream.indirect_vreg.gather [hbm4b:s2+s3], $0x80, v3, vm0, $0xb8;
	[tilespmem:$0x1A400] =	vst v63  }
0x362: {  	v3 =	vld [tilespmem:$0x488];
	_ =	sdelay $0x4  }
0x363: {  	v38 =	vshll.u32 v3, $0x1  }
0x364: {  	v3 =	vand.u32 $0x7, v3;
	v4 =	vand.u32 $0xFFFFFFF0, v38  }
0x365: {  	v3 =	vor.u32 v3, v4  }
0x366: {  	v4 =	vperm.xlane v3, v0;
	_ =	sdelay $0x1  }
0x367: {  	v3 =	vperm.xlane v3, v2;
	v4 =	vadd.s32 v1, v4;
	_ =	sdelay $0x1  }
0x368: {  	v3 =	vadd.s32 v1, v3;
	_ =	sdelay $0x2  }
0x369: {  	[tilespmem:s31], [sflag:$0x2] =	stream.indirect_vreg.gather [hbm4b:s2+s3], $0x80, v4, vm0, $0xb8;
	[tilespmem:$0x1A400] =	vst v63  }
0x36a: {  	s31 =	simm.s32 $0x18400  }
0x36b: {  	[tilespmem:s31], [sflag:$0x2] =	stream.indirect_vreg.gather [hbm4b:s2+s3], $0x80, v3, vm0, $0xb8;
	[tilespmem:$0x1A400] =	vst v63  }
0x36c: {  	v3 =	vld [tilespmem:$0x498];
	_ =	sdelay $0x4  }
0x36d: {  	v39 =	vshll.u32 v3, $0x1  }
0x36e: {  	v3 =	vand.u32 $0x7, v3;
	v4 =	vand.u32 $0xFFFFFFF0, v39  }
0x36f: {  	v3 =	vor.u32 v3, v4  }
0x370: {  	v4 =	vperm.xlane v3, v0;
	_ =	sdelay $0x1  }
0x371: {  	v3 =	vperm.xlane v3, v2;
	v4 =	vadd.s32 v1, v4;
	_ =	sdelay $0x1  }
0x372: {  	v3 =	vadd.s32 v1, v3;
	_ =	sdelay $0x1  }
0x373: {  	s31 =	simm.s32 $0x18C00  }
0x374: {  	[tilespmem:s31], [sflag:$0x2] =	stream.indirect_vreg.gather [hbm4b:s2+s3], $0x80, v4, vm0, $0xb8;
	[tilespmem:$0x1A400] =	vst v63  }
0x375: {  	s9 =	simm.s32 $0x19400  }
0x376: {  	[tilespmem:s9], [sflag:$0x2] =	stream.indirect_vreg.gather [hbm4b:s2+s3], $0x80, v3, vm0, $0xb8;
	[tilespmem:$0x1A400] =	vst v63  }
0x377: {  	v3 =	vld.msk [tilespmem:$0x4A8], $0xff;
	_ =	sdelay $0x4  }
0x378: {  	v40 =	vshll.u32 v3, $0x1  }
0x379: {  	v3 =	vand.u32 $0x7, v3;
	v4 =	vand.u32 $0xFFFFFFF0, v40  }
0x37a: {  	v3 =	vor.u32 v3, v4  }
0x37b: {  	v3 =	vperm.xlane v3, v0;
	_ =	sdelay $0x1  }
0x37c: {  	v3 =	vadd.s32 v1, v3;
	_ =	sdelay $0x3  }
0x37d: {  	s9 =	simm.s32 $0x19C00  }
0x37e: {  	[tilespmem:s9], [sflag:$0x2] =	stream.indirect_vreg.gather [hbm4b:s2+s3], $0x80, v3, vm0, $0xb8;
	[tilespmem:$0x1A400] =	vst v63  }
0x37f: {  	_ =	swait.ge [sflag:s17], $0xC800  }
0x380: {  	[sflag:s17] =	ssyncset.done $0x0  }
0x381: {  	s0 =	simm.s32 $0xDC00;
	s9 =	rddreg [dreg:$0x9];
	[sflag:s17] =	ssyncadd.s32 $0xFFFF3800  }
0x382: {  	[hbm4b:s9+s3] =	stream.linear.scatter [tilespmem:s0], [sflag:$0x4], $0xC800, $0x38;
	[tilespmem:$0x1A400] =	vst v63  }
0x383: {  	_ =	swait.ge [sflag:s7], $0xC800  }
0x384: {  	[sflag:s7] =	ssyncset.done $0x0  }
0x385: {  	[sflag:s7] =	ssyncadd.s32 $0xFFFF3800  }
0x386: {  	v3 =	vld [tilespmem:$0x4B0];
	_ =	sdelay $0x4  }
0x387: {  	v41 =	vshll.u32 v3, $0x1  }
0x388: {  	v3 =	vand.u32 $0x7, v3;
	v4 =	vand.u32 $0xFFFFFFF0, v41  }
0x389: {  	v3 =	vor.u32 v3, v4  }
0x38a: {  	v4 =	vperm.xlane v3, v0;
	_ =	sdelay $0x1  }
0x38b: {  	v3 =	vperm.xlane v3, v2;
	v4 =	vadd.s32 v1, v4;
	_ =	sdelay $0x1  }
0x38c: {  	v3 =	vadd.s32 v1, v3;
	_ =	sdelay $0x1  }
0x38d: {  	s19 =	simm.s32 $0x1400  }
0x38e: {  	[tilespmem:s19], [sflag:$0x1] =	stream.indirect_vreg.gather [hbm4b:s2+s3], $0x80, v4, vm0, $0xb8;
	[tilespmem:$0x1A400] =	vst v63  }
0x38f: {  	s9 =	simm.s32 $0x1C00  }
0x390: {  	[tilespmem:s9], [sflag:$0x1] =	stream.indirect_vreg.gather [hbm4b:s2+s3], $0x80, v3, vm0, $0xb8;
	[tilespmem:$0x1A400] =	vst v63  }
0x391: {  	v3 =	vld [tilespmem:$0x4C0];
	_ =	sdelay $0x4  }
0x392: {  	v42 =	vshll.u32 v3, $0x1  }
0x393: {  	v3 =	vand.u32 $0x7, v3;
	v4 =	vand.u32 $0xFFFFFFF0, v42  }
0x394: {  	v3 =	vor.u32 v3, v4  }
0x395: {  	v4 =	vperm.xlane v3, v0;
	_ =	sdelay $0x1  }
0x396: {  	v3 =	vperm.xlane v3, v2;
	v4 =	vadd.s32 v1, v4;
	_ =	sdelay $0x1  }
0x397: {  	v3 =	vadd.s32 v1, v3;
	_ =	sdelay $0x1  }
0x398: {  	s9 =	simm.s32 $0x2400  }
0x399: {  	[tilespmem:s9], [sflag:$0x1] =	stream.indirect_vreg.gather [hbm4b:s2+s3], $0x80, v4, vm0, $0xb8;
	[tilespmem:$0x1A400] =	vst v63  }
0x39a: {  	_ = 	snop  }
0x39b: {  	[tilespmem:s16], [sflag:$0x1] =	stream.indirect_vreg.gather [hbm4b:s2+s3], $0x80, v3, vm0, $0xb8;
	[tilespmem:$0x1A400] =	vst v63  }
0x39c: {  	v3 =	vld [tilespmem:$0x4D0];
	_ =	sdelay $0x4  }
0x39d: {  	v43 =	vshll.u32 v3, $0x1  }
0x39e: {  	v3 =	vand.u32 $0x7, v3;
	v4 =	vand.u32 $0xFFFFFFF0, v43  }
0x39f: {  	v3 =	vor.u32 v3, v4  }
0x3a0: {  	v4 =	vperm.xlane v3, v0;
	_ =	sdelay $0x1  }
0x3a1: {  	v3 =	vperm.xlane v3, v2;
	v4 =	vadd.s32 v1, v4;
	_ =	sdelay $0x1  }
0x3a2: {  	v3 =	vadd.s32 v1, v3;
	_ =	sdelay $0x1  }
0x3a3: {  	s9 =	simm.s32 $0x3400  }
0x3a4: {  	[tilespmem:s9], [sflag:$0x1] =	stream.indirect_vreg.gather [hbm4b:s2+s3], $0x80, v4, vm0, $0xb8;
	[tilespmem:$0x1A400] =	vst v63  }
0x3a5: {  	_ = 	snop  }
0x3a6: {  	[tilespmem:s4], [sflag:$0x1] =	stream.indirect_vreg.gather [hbm4b:s2+s3], $0x80, v3, vm0, $0xb8;
	[tilespmem:$0x1A400] =	vst v63  }
0x3a7: {  	v3 =	vld [tilespmem:$0x4E0];
	_ =	sdelay $0x4  }
0x3a8: {  	v44 =	vshll.u32 v3, $0x1  }
0x3a9: {  	v3 =	vand.u32 $0x7, v3;
	v4 =	vand.u32 $0xFFFFFFF0, v44  }
0x3aa: {  	v3 =	vor.u32 v3, v4  }
0x3ab: {  	v4 =	vperm.xlane v3, v0;
	_ =	sdelay $0x1  }
0x3ac: {  	v3 =	vperm.xlane v3, v2;
	v4 =	vadd.s32 v1, v4;
	_ =	sdelay $0x1  }
0x3ad: {  	v3 =	vadd.s32 v1, v3;
	_ =	sdelay $0x1  }
0x3ae: {  	s9 =	simm.s32 $0x4400  }
0x3af: {  	[tilespmem:s9], [sflag:$0x1] =	stream.indirect_vreg.gather [hbm4b:s2+s3], $0x80, v4, vm0, $0xb8;
	[tilespmem:$0x1A400] =	vst v63  }
0x3b0: {  	_ = 	snop  }
0x3b1: {  	[tilespmem:s6], [sflag:$0x1] =	stream.indirect_vreg.gather [hbm4b:s2+s3], $0x80, v3, vm0, $0xb8;
	[tilespmem:$0x1A400] =	vst v63  }
0x3b2: {  	v3 =	vld [tilespmem:$0x4F0];
	_ =	sdelay $0x4  }
0x3b3: {  	v45 =	vshll.u32 v3, $0x1  }
0x3b4: {  	v3 =	vand.u32 $0x7, v3;
	v4 =	vand.u32 $0xFFFFFFF0, v45  }
0x3b5: {  	v3 =	vor.u32 v3, v4  }
0x3b6: {  	v4 =	vperm.xlane v3, v0;
	_ =	sdelay $0x1  }
0x3b7: {  	v3 =	vperm.xlane v3, v2;
	v4 =	vadd.s32 v1, v4;
	_ =	sdelay $0x1  }
0x3b8: {  	v3 =	vadd.s32 v1, v3;
	_ =	sdelay $0x1  }
0x3b9: {  	s9 =	simm.s32 $0x5400  }
0x3ba: {  	[tilespmem:s9], [sflag:$0x1] =	stream.indirect_vreg.gather [hbm4b:s2+s3], $0x80, v4, vm0, $0xb8;
	[tilespmem:$0x1A400] =	vst v63  }
0x3bb: {  	_ = 	snop  }
0x3bc: {  	[tilespmem:s10], [sflag:$0x1] =	stream.indirect_vreg.gather [hbm4b:s2+s3], $0x80, v3, vm0, $0xb8;
	[tilespmem:$0x1A400] =	vst v63  }
0x3bd: {  	v3 =	vld [tilespmem:$0x500];
	_ =	sdelay $0x4  }
0x3be: {  	v46 =	vshll.u32 v3, $0x1  }
0x3bf: {  	v3 =	vand.u32 $0x7, v3;
	v4 =	vand.u32 $0xFFFFFFF0, v46  }
0x3c0: {  	v3 =	vor.u32 v3, v4  }
0x3c1: {  	v4 =	vperm.xlane v3, v0;
	_ =	sdelay $0x1  }
0x3c2: {  	v3 =	vperm.xlane v3, v2;
	v4 =	vadd.s32 v1, v4;
	_ =	sdelay $0x1  }
0x3c3: {  	v3 =	vadd.s32 v1, v3;
	_ =	sdelay $0x1  }
0x3c4: {  	s9 =	simm.s32 $0x6400  }
0x3c5: {  	[tilespmem:s9], [sflag:$0x1] =	stream.indirect_vreg.gather [hbm4b:s2+s3], $0x80, v4, vm0, $0xb8;
	[tilespmem:$0x1A400] =	vst v63  }
0x3c6: {  	_ = 	snop  }
0x3c7: {  	[tilespmem:s11], [sflag:$0x1] =	stream.indirect_vreg.gather [hbm4b:s2+s3], $0x80, v3, vm0, $0xb8;
	[tilespmem:$0x1A400] =	vst v63  }
0x3c8: {  	v3 =	vld [tilespmem:$0x510];
	_ =	sdelay $0x4  }
0x3c9: {  	v47 =	vshll.u32 v3, $0x1  }
0x3ca: {  	v3 =	vand.u32 $0x7, v3;
	v4 =	vand.u32 $0xFFFFFFF0, v47  }
0x3cb: {  	v3 =	vor.u32 v3, v4  }
0x3cc: {  	v4 =	vperm.xlane v3, v0;
	_ =	sdelay $0x1  }
0x3cd: {  	v3 =	vperm.xlane v3, v2;
	v4 =	vadd.s32 v1, v4;
	_ =	sdelay $0x1  }
0x3ce: {  	v3 =	vadd.s32 v1, v3;
	_ =	sdelay $0x1  }
0x3cf: {  	s9 =	simm.s32 $0x7400  }
0x3d0: {  	[tilespmem:s9], [sflag:$0x1] =	stream.indirect_vreg.gather [hbm4b:s2+s3], $0x80, v4, vm0, $0xb8;
	[tilespmem:$0x1A400] =	vst v63  }
0x3d1: {  	_ = 	snop  }
0x3d2: {  	[tilespmem:s12], [sflag:$0x1] =	stream.indirect_vreg.gather [hbm4b:s2+s3], $0x80, v3, vm0, $0xb8;
	[tilespmem:$0x1A400] =	vst v63  }
0x3d3: {  	v3 =	vld [tilespmem:$0x520];
	_ =	sdelay $0x4  }
0x3d4: {  	v48 =	vshll.u32 v3, $0x1  }
0x3d5: {  	v3 =	vand.u32 $0x7, v3;
	v4 =	vand.u32 $0xFFFFFFF0, v48  }
0x3d6: {  	v3 =	vor.u32 v3, v4  }
0x3d7: {  	v4 =	vperm.xlane v3, v0;
	_ =	sdelay $0x1  }
0x3d8: {  	v3 =	vperm.xlane v3, v2;
	v4 =	vadd.s32 v1, v4;
	_ =	sdelay $0x1  }
0x3d9: {  	v3 =	vadd.s32 v1, v3;
	_ =	sdelay $0x1  }
0x3da: {  	s9 =	simm.s32 $0x8400  }
0x3db: {  	[tilespmem:s9], [sflag:$0x1] =	stream.indirect_vreg.gather [hbm4b:s2+s3], $0x80, v4, vm0, $0xb8;
	[tilespmem:$0x1A400] =	vst v63  }
0x3dc: {  	_ = 	snop  }
0x3dd: {  	[tilespmem:s13], [sflag:$0x1] =	stream.indirect_vreg.gather [hbm4b:s2+s3], $0x80, v3, vm0, $0xb8;
	[tilespmem:$0x1A400] =	vst v63  }
0x3de: {  	v3 =	vld [tilespmem:$0x530];
	_ =	sdelay $0x4  }
0x3df: {  	v49 =	vshll.u32 v3, $0x1  }
0x3e0: {  	v3 =	vand.u32 $0x7, v3;
	v4 =	vand.u32 $0xFFFFFFF0, v49  }
0x3e1: {  	v3 =	vor.u32 v3, v4  }
0x3e2: {  	v4 =	vperm.xlane v3, v0;
	_ =	sdelay $0x1  }
0x3e3: {  	v3 =	vperm.xlane v3, v2;
	v4 =	vadd.s32 v1, v4;
	_ =	sdelay $0x1  }
0x3e4: {  	v3 =	vadd.s32 v1, v3;
	_ =	sdelay $0x1  }
0x3e5: {  	s9 =	simm.s32 $0x9400  }
0x3e6: {  	[tilespmem:s9], [sflag:$0x1] =	stream.indirect_vreg.gather [hbm4b:s2+s3], $0x80, v4, vm0, $0xb8;
	[tilespmem:$0x1A400] =	vst v63  }
0x3e7: {  	_ = 	snop  }
0x3e8: {  	[tilespmem:s14], [sflag:$0x1] =	stream.indirect_vreg.gather [hbm4b:s2+s3], $0x80, v3, vm0, $0xb8;
	[tilespmem:$0x1A400] =	vst v63  }
0x3e9: {  	v3 =	vld [tilespmem:$0x540];
	_ =	sdelay $0x4  }
0x3ea: {  	v50 =	vshll.u32 v3, $0x1  }
0x3eb: {  	v3 =	vand.u32 $0x7, v3;
	v4 =	vand.u32 $0xFFFFFFF0, v50  }
0x3ec: {  	v3 =	vor.u32 v3, v4  }
0x3ed: {  	v4 =	vperm.xlane v3, v0;
	_ =	sdelay $0x1  }
0x3ee: {  	v3 =	vperm.xlane v3, v2;
	v4 =	vadd.s32 v1, v4;
	_ =	sdelay $0x1  }
0x3ef: {  	v3 =	vadd.s32 v1, v3;
	_ =	sdelay $0x1  }
0x3f0: {  	s9 =	simm.s32 $0xA400  }
0x3f1: {  	[tilespmem:s9], [sflag:$0x1] =	stream.indirect_vreg.gather [hbm4b:s2+s3], $0x80, v4, vm0, $0xb8;
	[tilespmem:$0x1A400] =	vst v63  }
0x3f2: {  	_ = 	snop  }
0x3f3: {  	[tilespmem:s15], [sflag:$0x1] =	stream.indirect_vreg.gather [hbm4b:s2+s3], $0x80, v3, vm0, $0xb8;
	[tilespmem:$0x1A400] =	vst v63  }
0x3f4: {  	v3 =	vld [tilespmem:$0x550];
	_ =	sdelay $0x4  }
0x3f5: {  	v51 =	vshll.u32 v3, $0x1  }
0x3f6: {  	v3 =	vand.u32 $0x7, v3;
	v4 =	vand.u32 $0xFFFFFFF0, v51  }
0x3f7: {  	v3 =	vor.u32 v3, v4  }
0x3f8: {  	v4 =	vperm.xlane v3, v0;
	_ =	sdelay $0x1  }
0x3f9: {  	v3 =	vperm.xlane v3, v2;
	v4 =	vadd.s32 v1, v4;
	_ =	sdelay $0x1  }
0x3fa: {  	v3 =	vadd.s32 v1, v3;
	_ =	sdelay $0x1  }
0x3fb: {  	s9 =	simm.s32 $0xB400  }
0x3fc: {  	[tilespmem:s9], [sflag:$0x1] =	stream.indirect_vreg.gather [hbm4b:s2+s3], $0x80, v4, vm0, $0xb8;
	[tilespmem:$0x1A400] =	vst v63  }
0x3fd: {  	s9 =	simm.s32 $0xBC00  }
0x3fe: {  	[tilespmem:s9], [sflag:$0x1] =	stream.indirect_vreg.gather [hbm4b:s2+s3], $0x80, v3, vm0, $0xb8;
	[tilespmem:$0x1A400] =	vst v63  }
0x3ff: {  	v3 =	vld [tilespmem:$0x560];
	_ =	sdelay $0x4  }
0x400: {  	v52 =	vshll.u32 v3, $0x1  }
0x401: {  	v3 =	vand.u32 $0x7, v3;
	v4 =	vand.u32 $0xFFFFFFF0, v52  }
0x402: {  	v3 =	vor.u32 v3, v4  }
0x403: {  	v4 =	vperm.xlane v3, v0;
	_ =	sdelay $0x1  }
0x404: {  	v3 =	vperm.xlane v3, v2;
	v4 =	vadd.s32 v1, v4;
	_ =	sdelay $0x1  }
0x405: {  	v3 =	vadd.s32 v1, v3;
	_ =	sdelay $0x1  }
0x406: {  	s9 =	simm.s32 $0xC400  }
0x407: {  	[tilespmem:s9], [sflag:$0x1] =	stream.indirect_vreg.gather [hbm4b:s2+s3], $0x80, v4, vm0, $0xb8;
	[tilespmem:$0x1A400] =	vst v63  }
0x408: {  	s20 =	simm.s32 $0xCC00  }
0x409: {  	[tilespmem:s20], [sflag:$0x1] =	stream.indirect_vreg.gather [hbm4b:s2+s3], $0x80, v3, vm0, $0xb8;
	[tilespmem:$0x1A400] =	vst v63  }
0x40a: {  	v3 =	vld.msk [tilespmem:$0x570], $0xff;
	_ =	sdelay $0x4  }
0x40b: {  	v53 =	vshll.u32 v3, $0x1  }
0x40c: {  	v3 =	vand.u32 $0x7, v3;
	v4 =	vand.u32 $0xFFFFFFF0, v53  }
0x40d: {  	v3 =	vor.u32 v3, v4  }
0x40e: {  	v3 =	vperm.xlane v3, v0;
	_ =	sdelay $0x1  }
0x40f: {  	v3 =	vadd.s32 v1, v3;
	_ =	sdelay $0x4  }
0x410: {  	[tilespmem:s18], [sflag:$0x1] =	stream.indirect_vreg.gather [hbm4b:s2+s3], $0x80, v3, vm0, $0xb8;
	[tilespmem:$0x1A400] =	vst v63  }
0x411: {  	_ =	swait.ge [sflag:s1], $0xC800  }
0x412: {  	[sflag:s1] =	ssyncset.done $0x0  }
0x413: {  	s9 =	rddreg [dreg:$0xa];
	[sflag:s1] =	ssyncadd.s32 $0xFFFF3800  }
0x414: {  	[hbm4b:s9+s3] =	stream.linear.scatter [tilespmem:s19], [sflag:$0x3], $0xC800, $0x38;
	[tilespmem:$0x1A400] =	vst v63  }
0x415: {  	_ =	swait.ge [sflag:s8], $0xC800  }
0x416: {  	[sflag:s8] =	ssyncset.done $0x0  }
0x417: {  	[sflag:s8] =	ssyncadd.s32 $0xFFFF3800  }
0x418: {  	v3 =	vld [tilespmem:$0x578];
	_ =	sdelay $0x4  }
0x419: {  	v54 =	vshll.u32 v3, $0x1  }
0x41a: {  	v3 =	vand.u32 $0x7, v3;
	v4 =	vand.u32 $0xFFFFFFF0, v54  }
0x41b: {  	v3 =	vor.u32 v3, v4  }
0x41c: {  	v4 =	vperm.xlane v3, v0;
	_ =	sdelay $0x1  }
0x41d: {  	v3 =	vperm.xlane v3, v2;
	v4 =	vadd.s32 v1, v4;
	_ =	sdelay $0x1  }
0x41e: {  	v3 =	vadd.s32 v1, v3;
	_ =	sdelay $0x2  }
0x41f: {  	[tilespmem:s0], [sflag:$0x2] =	stream.indirect_vreg.gather [hbm4b:s2+s3], $0x80, v4, vm0, $0xb8;
	[tilespmem:$0x1A400] =	vst v63  }
0x420: {  	s9 =	simm.s32 $0xE400  }
0x421: {  	[tilespmem:s9], [sflag:$0x2] =	stream.indirect_vreg.gather [hbm4b:s2+s3], $0x80, v3, vm0, $0xb8;
	[tilespmem:$0x1A400] =	vst v63  }
0x422: {  	v3 =	vld [tilespmem:$0x588];
	_ =	sdelay $0x4  }
0x423: {  	v55 =	vshll.u32 v3, $0x1  }
0x424: {  	v3 =	vand.u32 $0x7, v3;
	v4 =	vand.u32 $0xFFFFFFF0, v55  }
0x425: {  	v3 =	vor.u32 v3, v4  }
0x426: {  	v4 =	vperm.xlane v3, v0;
	_ =	sdelay $0x1  }
0x427: {  	v3 =	vperm.xlane v3, v2;
	v4 =	vadd.s32 v1, v4;
	_ =	sdelay $0x1  }
0x428: {  	v3 =	vadd.s32 v1, v3;
	_ =	sdelay $0x1  }
0x429: {  	s5 =	simm.s32 $0xEC00  }
0x42a: {  	[tilespmem:s5], [sflag:$0x2] =	stream.indirect_vreg.gather [hbm4b:s2+s3], $0x80, v4, vm0, $0xb8;
	[tilespmem:$0x1A400] =	vst v63  }
0x42b: {  	s9 =	simm.s32 $0xF400  }
0x42c: {  	[tilespmem:s9], [sflag:$0x2] =	stream.indirect_vreg.gather [hbm4b:s2+s3], $0x80, v3, vm0, $0xb8;
	[tilespmem:$0x1A400] =	vst v63  }
0x42d: {  	v3 =	vld [tilespmem:$0x598];
	_ =	sdelay $0x4  }
0x42e: {  	v56 =	vshll.u32 v3, $0x1  }
0x42f: {  	v3 =	vand.u32 $0x7, v3;
	v4 =	vand.u32 $0xFFFFFFF0, v56  }
0x430: {  	v3 =	vor.u32 v3, v4  }
0x431: {  	v4 =	vperm.xlane v3, v0;
	_ =	sdelay $0x1  }
0x432: {  	v3 =	vperm.xlane v3, v2;
	v4 =	vadd.s32 v1, v4;
	_ =	sdelay $0x1  }
0x433: {  	v3 =	vadd.s32 v1, v3;
	_ =	sdelay $0x1  }
0x434: {  	s21 =	simm.s32 $0xFC00  }
0x435: {  	[tilespmem:s21], [sflag:$0x2] =	stream.indirect_vreg.gather [hbm4b:s2+s3], $0x80, v4, vm0, $0xb8;
	[tilespmem:$0x1A400] =	vst v63  }
0x436: {  	s9 =	simm.s32 $0x10400  }
0x437: {  	[tilespmem:s9], [sflag:$0x2] =	stream.indirect_vreg.gather [hbm4b:s2+s3], $0x80, v3, vm0, $0xb8;
	[tilespmem:$0x1A400] =	vst v63  }
0x438: {  	v3 =	vld [tilespmem:$0x5A8];
	_ =	sdelay $0x4  }
0x439: {  	v57 =	vshll.u32 v3, $0x1  }
0x43a: {  	v3 =	vand.u32 $0x7, v3;
	v4 =	vand.u32 $0xFFFFFFF0, v57  }
0x43b: {  	v3 =	vor.u32 v3, v4  }
0x43c: {  	v4 =	vperm.xlane v3, v0;
	_ =	sdelay $0x1  }
0x43d: {  	v3 =	vperm.xlane v3, v2;
	v4 =	vadd.s32 v1, v4;
	_ =	sdelay $0x1  }
0x43e: {  	v3 =	vadd.s32 v1, v3;
	_ =	sdelay $0x1  }
0x43f: {  	s22 =	simm.s32 $0x10C00  }
0x440: {  	[tilespmem:s22], [sflag:$0x2] =	stream.indirect_vreg.gather [hbm4b:s2+s3], $0x80, v4, vm0, $0xb8;
	[tilespmem:$0x1A400] =	vst v63  }
0x441: {  	s9 =	simm.s32 $0x11400  }
0x442: {  	[tilespmem:s9], [sflag:$0x2] =	stream.indirect_vreg.gather [hbm4b:s2+s3], $0x80, v3, vm0, $0xb8;
	[tilespmem:$0x1A400] =	vst v63  }
0x443: {  	v3 =	vld [tilespmem:$0x5B8];
	_ =	sdelay $0x4  }
0x444: {  	v58 =	vshll.u32 v3, $0x1  }
0x445: {  	v3 =	vand.u32 $0x7, v3;
	v4 =	vand.u32 $0xFFFFFFF0, v58  }
0x446: {  	v3 =	vor.u32 v3, v4  }
0x447: {  	v4 =	vperm.xlane v3, v0;
	_ =	sdelay $0x1  }
0x448: {  	v3 =	vperm.xlane v3, v2;
	v4 =	vadd.s32 v1, v4;
	_ =	sdelay $0x1  }
0x449: {  	v3 =	vadd.s32 v1, v3;
	_ =	sdelay $0x1  }
0x44a: {  	s23 =	simm.s32 $0x11C00  }
0x44b: {  	[tilespmem:s23], [sflag:$0x2] =	stream.indirect_vreg.gather [hbm4b:s2+s3], $0x80, v4, vm0, $0xb8;
	[tilespmem:$0x1A400] =	vst v63  }
0x44c: {  	s9 =	simm.s32 $0x12400  }
0x44d: {  	[tilespmem:s9], [sflag:$0x2] =	stream.indirect_vreg.gather [hbm4b:s2+s3], $0x80, v3, vm0, $0xb8;
	[tilespmem:$0x1A400] =	vst v63  }
0x44e: {  	v3 =	vld [tilespmem:$0x5C8];
	_ =	sdelay $0x4  }
0x44f: {  	v59 =	vshll.u32 v3, $0x1  }
0x450: {  	v3 =	vand.u32 $0x7, v3;
	v4 =	vand.u32 $0xFFFFFFF0, v59  }
0x451: {  	v3 =	vor.u32 v3, v4  }
0x452: {  	v4 =	vperm.xlane v3, v0;
	_ =	sdelay $0x1  }
0x453: {  	v3 =	vperm.xlane v3, v2;
	v4 =	vadd.s32 v1, v4;
	_ =	sdelay $0x1  }
0x454: {  	v3 =	vadd.s32 v1, v3;
	_ =	sdelay $0x1  }
0x455: {  	s24 =	simm.s32 $0x12C00  }
0x456: {  	[tilespmem:s24], [sflag:$0x2] =	stream.indirect_vreg.gather [hbm4b:s2+s3], $0x80, v4, vm0, $0xb8;
	[tilespmem:$0x1A400] =	vst v63  }
0x457: {  	s9 =	simm.s32 $0x13400  }
0x458: {  	[tilespmem:s9], [sflag:$0x2] =	stream.indirect_vreg.gather [hbm4b:s2+s3], $0x80, v3, vm0, $0xb8;
	[tilespmem:$0x1A400] =	vst v63  }
0x459: {  	v3 =	vld [tilespmem:$0x5D8];
	_ =	sdelay $0x4  }
0x45a: {  	v60 =	vshll.u32 v3, $0x1  }
0x45b: {  	v3 =	vand.u32 $0x7, v3;
	v4 =	vand.u32 $0xFFFFFFF0, v60  }
0x45c: {  	v3 =	vor.u32 v3, v4  }
0x45d: {  	v4 =	vperm.xlane v3, v0;
	_ =	sdelay $0x1  }
0x45e: {  	v3 =	vperm.xlane v3, v2;
	v4 =	vadd.s32 v1, v4;
	_ =	sdelay $0x1  }
0x45f: {  	v3 =	vadd.s32 v1, v3;
	_ =	sdelay $0x1  }
0x460: {  	s25 =	simm.s32 $0x13C00  }
0x461: {  	[tilespmem:s25], [sflag:$0x2] =	stream.indirect_vreg.gather [hbm4b:s2+s3], $0x80, v4, vm0, $0xb8;
	[tilespmem:$0x1A400] =	vst v63  }
0x462: {  	s9 =	simm.s32 $0x14400  }
0x463: {  	[tilespmem:s9], [sflag:$0x2] =	stream.indirect_vreg.gather [hbm4b:s2+s3], $0x80, v3, vm0, $0xb8;
	[tilespmem:$0x1A400] =	vst v63  }
0x464: {  	v3 =	vld [tilespmem:$0x5E8];
	_ =	sdelay $0x4  }
0x465: {  	v61 =	vshll.u32 v3, $0x1  }
0x466: {  	v3 =	vand.u32 $0x7, v3;
	v4 =	vand.u32 $0xFFFFFFF0, v61  }
0x467: {  	v3 =	vor.u32 v3, v4  }
0x468: {  	v4 =	vperm.xlane v3, v0;
	_ =	sdelay $0x1  }
0x469: {  	v3 =	vperm.xlane v3, v2;
	v4 =	vadd.s32 v1, v4;
	_ =	sdelay $0x1  }
0x46a: {  	v3 =	vadd.s32 v1, v3;
	_ =	sdelay $0x1  }
0x46b: {  	s26 =	simm.s32 $0x14C00  }
0x46c: {  	[tilespmem:s26], [sflag:$0x2] =	stream.indirect_vreg.gather [hbm4b:s2+s3], $0x80, v4, vm0, $0xb8;
	[tilespmem:$0x1A400] =	vst v63  }
0x46d: {  	s9 =	simm.s32 $0x15400  }
0x46e: {  	[tilespmem:s9], [sflag:$0x2] =	stream.indirect_vreg.gather [hbm4b:s2+s3], $0x80, v3, vm0, $0xb8;
	[tilespmem:$0x1A400] =	vst v63  }
0x46f: {  	v3 =	vld [tilespmem:$0x5F8];
	_ =	sdelay $0x4  }
0x470: {  	v62 =	vshll.u32 v3, $0x1  }
0x471: {  	v3 =	vand.u32 $0x7, v3;
	v4 =	vand.u32 $0xFFFFFFF0, v62  }
0x472: {  	v3 =	vor.u32 v3, v4  }
0x473: {  	v4 =	vperm.xlane v3, v0;
	_ =	sdelay $0x1  }
0x474: {  	v3 =	vperm.xlane v3, v2;
	v4 =	vadd.s32 v1, v4;
	_ =	sdelay $0x1  }
0x475: {  	v3 =	vadd.s32 v1, v3;
	_ =	sdelay $0x1  }
0x476: {  	s28 =	simm.s32 $0x15C00  }
0x477: {  	[tilespmem:s28], [sflag:$0x2] =	stream.indirect_vreg.gather [hbm4b:s2+s3], $0x80, v4, vm0, $0xb8;
	[tilespmem:$0x1A400] =	vst v63  }
0x478: {  	s9 =	simm.s32 $0x16400  }
0x479: {  	[tilespmem:s9], [sflag:$0x2] =	stream.indirect_vreg.gather [hbm4b:s2+s3], $0x80, v3, vm0, $0xb8;
	[tilespmem:$0x1A400] =	vst v63  }
0x47a: {  	v3 =	vld [tilespmem:$0x608];
	_ =	sdelay $0x4  }
0x47b: {  	v63 =	vshll.u32 v3, $0x1  }
0x47c: {  	v3 =	vand.u32 $0x7, v3;
	v4 =	vand.u32 $0xFFFFFFF0, v63  }
0x47d: {  	v3 =	vor.u32 v3, v4  }
0x47e: {  	v4 =	vperm.xlane v3, v0;
	_ =	sdelay $0x1  }
0x47f: {  	v3 =	vperm.xlane v3, v2;
	v4 =	vadd.s32 v1, v4;
	_ =	sdelay $0x1  }
0x480: {  	v3 =	vadd.s32 v1, v3;
	_ =	sdelay $0x1  }
0x481: {  	s29 =	simm.s32 $0x16C00  }
0x482: {  	[tilespmem:s29], [sflag:$0x2] =	stream.indirect_vreg.gather [hbm4b:s2+s3], $0x80, v4, vm0, $0xb8;
	[tilespmem:$0x1A400] =	vst v63  }
0x483: {  	s9 =	simm.s32 $0x17400  }
0x484: {  	[tilespmem:s9], [sflag:$0x2] =	stream.indirect_vreg.gather [hbm4b:s2+s3], $0x80, v3, vm0, $0xb8;
	[tilespmem:$0x1A400] =	vst v63  }
0x485: {  	v3 =	vld [tilespmem:$0x618];
	_ =	sdelay $0x4  }
0x486: {  	v8 =	vshll.u32 v3, $0x1  }
0x487: {  	v3 =	vand.u32 $0x7, v3;
	v4 =	vand.u32 $0xFFFFFFF0, v8  }
0x488: {  	v3 =	vor.u32 v3, v4  }
0x489: {  	v4 =	vperm.xlane v3, v0;
	_ =	sdelay $0x1  }
0x48a: {  	v3 =	vperm.xlane v3, v2;
	v4 =	vadd.s32 v1, v4;
	_ =	sdelay $0x1  }
0x48b: {  	v3 =	vadd.s32 v1, v3;
	_ =	sdelay $0x1  }
0x48c: {  	s30 =	simm.s32 $0x17C00  }
0x48d: {  	[tilespmem:s30], [sflag:$0x2] =	stream.indirect_vreg.gather [hbm4b:s2+s3], $0x80, v4, vm0, $0xb8;
	[tilespmem:$0x1A400] =	vst v63  }
0x48e: {  	s9 =	simm.s32 $0x18400  }
0x48f: {  	[tilespmem:s9], [sflag:$0x2] =	stream.indirect_vreg.gather [hbm4b:s2+s3], $0x80, v3, vm0, $0xb8;
	[tilespmem:$0x1A400] =	vst v63  }
0x490: {  	v3 =	vld [tilespmem:$0x628];
	_ =	sdelay $0x4  }
0x491: {  	v9 =	vshll.u32 v3, $0x1  }
0x492: {  	v3 =	vand.u32 $0x7, v3;
	v4 =	vand.u32 $0xFFFFFFF0, v9  }
0x493: {  	v3 =	vor.u32 v3, v4  }
0x494: {  	v4 =	vperm.xlane v3, v0;
	_ =	sdelay $0x1  }
0x495: {  	v3 =	vperm.xlane v3, v2;
	v4 =	vadd.s32 v1, v4;
	_ =	sdelay $0x1  }
0x496: {  	v3 =	vadd.s32 v1, v3;
	_ =	sdelay $0x1  }
0x497: {  	s31 =	simm.s32 $0x18C00  }
0x498: {  	[tilespmem:s31], [sflag:$0x2] =	stream.indirect_vreg.gather [hbm4b:s2+s3], $0x80, v4, vm0, $0xb8;
	[tilespmem:$0x1A400] =	vst v63  }
0x499: {  	s9 =	simm.s32 $0x19400  }
0x49a: {  	[tilespmem:s9], [sflag:$0x2] =	stream.indirect_vreg.gather [hbm4b:s2+s3], $0x80, v3, vm0, $0xb8;
	[tilespmem:$0x1A400] =	vst v63  }
0x49b: {  	v3 =	vld.msk [tilespmem:$0x638], $0xff;
	_ =	sdelay $0x4  }
0x49c: {  	v10 =	vshll.u32 v3, $0x1  }
0x49d: {  	v3 =	vand.u32 $0x7, v3;
	v4 =	vand.u32 $0xFFFFFFF0, v10  }
0x49e: {  	v3 =	vor.u32 v3, v4  }
0x49f: {  	v3 =	vperm.xlane v3, v0;
	_ =	sdelay $0x1  }
0x4a0: {  	v3 =	vadd.s32 v1, v3;
	_ =	sdelay $0x3  }
0x4a1: {  	s9 =	simm.s32 $0x19C00  }
0x4a2: {  	[tilespmem:s9], [sflag:$0x2] =	stream.indirect_vreg.gather [hbm4b:s2+s3], $0x80, v3, vm0, $0xb8;
	[tilespmem:$0x1A400] =	vst v63  }
0x4a3: {  	_ =	swait.ge [sflag:s17], $0xC800  }
0x4a4: {  	[sflag:s17] =	ssyncset.done $0x0  }
0x4a5: {  	s9 =	rddreg [dreg:$0xb];
	[sflag:s17] =	ssyncadd.s32 $0xFFFF3800  }
0x4a6: {  	[hbm4b:s9+s3] =	stream.linear.scatter [tilespmem:s0], [sflag:$0x4], $0xC800, $0x38;
	[tilespmem:$0x1A400] =	vst v63  }
0x4a7: {  	_ =	swait.ge [sflag:s7], $0xC800  }
0x4a8: {  	[sflag:s7] =	ssyncset.done $0x0  }
0x4a9: {  	[sflag:s7] =	ssyncadd.s32 $0xFFFF3800  }
0x4aa: {  	v3 =	vld [tilespmem:$0x640];
	_ =	sdelay $0x4  }
0x4ab: {  	v11 =	vshll.u32 v3, $0x1  }
0x4ac: {  	v3 =	vand.u32 $0x7, v3;
	v4 =	vand.u32 $0xFFFFFFF0, v11  }
0x4ad: {  	v3 =	vor.u32 v3, v4  }
0x4ae: {  	v4 =	vperm.xlane v3, v0;
	_ =	sdelay $0x1  }
0x4af: {  	v3 =	vperm.xlane v3, v2;
	v4 =	vadd.s32 v1, v4;
	_ =	sdelay $0x1  }
0x4b0: {  	v3 =	vadd.s32 v1, v3;
	_ =	sdelay $0x2  }
0x4b1: {  	[tilespmem:s19], [sflag:$0x1] =	stream.indirect_vreg.gather [hbm4b:s2+s3], $0x80, v4, vm0, $0xb8;
	[tilespmem:$0x1A400] =	vst v63  }
0x4b2: {  	s9 =	simm.s32 $0x1C00  }
0x4b3: {  	[tilespmem:s9], [sflag:$0x1] =	stream.indirect_vreg.gather [hbm4b:s2+s3], $0x80, v3, vm0, $0xb8;
	[tilespmem:$0x1A400] =	vst v63  }
0x4b4: {  	v3 =	vld [tilespmem:$0x650];
	_ =	sdelay $0x4  }
0x4b5: {  	v12 =	vshll.u32 v3, $0x1  }
0x4b6: {  	v3 =	vand.u32 $0x7, v3;
	v4 =	vand.u32 $0xFFFFFFF0, v12  }
0x4b7: {  	v3 =	vor.u32 v3, v4  }
0x4b8: {  	v4 =	vperm.xlane v3, v0;
	_ =	sdelay $0x1  }
0x4b9: {  	v3 =	vperm.xlane v3, v2;
	v4 =	vadd.s32 v1, v4;
	_ =	sdelay $0x1  }
0x4ba: {  	v3 =	vadd.s32 v1, v3;
	_ =	sdelay $0x1  }
0x4bb: {  	s9 =	simm.s32 $0x2400  }
0x4bc: {  	[tilespmem:s9], [sflag:$0x1] =	stream.indirect_vreg.gather [hbm4b:s2+s3], $0x80, v4, vm0, $0xb8;
	[tilespmem:$0x1A400] =	vst v63  }
0x4bd: {  	s16 =	simm.s32 $0x2C00  }
0x4be: {  	[tilespmem:s16], [sflag:$0x1] =	stream.indirect_vreg.gather [hbm4b:s2+s3], $0x80, v3, vm0, $0xb8;
	[tilespmem:$0x1A400] =	vst v63  }
0x4bf: {  	v3 =	vld [tilespmem:$0x660];
	_ =	sdelay $0x4  }
0x4c0: {  	v13 =	vshll.u32 v3, $0x1  }
0x4c1: {  	v3 =	vand.u32 $0x7, v3;
	v4 =	vand.u32 $0xFFFFFFF0, v13  }
0x4c2: {  	v3 =	vor.u32 v3, v4  }
0x4c3: {  	v4 =	vperm.xlane v3, v0;
	_ =	sdelay $0x1  }
0x4c4: {  	v3 =	vperm.xlane v3, v2;
	v4 =	vadd.s32 v1, v4;
	_ =	sdelay $0x1  }
0x4c5: {  	v3 =	vadd.s32 v1, v3;
	_ =	sdelay $0x1  }
0x4c6: {  	s9 =	simm.s32 $0x3400  }
0x4c7: {  	[tilespmem:s9], [sflag:$0x1] =	stream.indirect_vreg.gather [hbm4b:s2+s3], $0x80, v4, vm0, $0xb8;
	[tilespmem:$0x1A400] =	vst v63  }
0x4c8: {  	s4 =	simm.s32 $0x3C00  }
0x4c9: {  	[tilespmem:s4], [sflag:$0x1] =	stream.indirect_vreg.gather [hbm4b:s2+s3], $0x80, v3, vm0, $0xb8;
	[tilespmem:$0x1A400] =	vst v63  }
0x4ca: {  	v3 =	vld [tilespmem:$0x670];
	_ =	sdelay $0x4  }
0x4cb: {  	v14 =	vshll.u32 v3, $0x1  }
0x4cc: {  	v3 =	vand.u32 $0x7, v3;
	v4 =	vand.u32 $0xFFFFFFF0, v14  }
0x4cd: {  	v3 =	vor.u32 v3, v4  }
0x4ce: {  	v4 =	vperm.xlane v3, v0;
	_ =	sdelay $0x1  }
0x4cf: {  	v3 =	vperm.xlane v3, v2;
	v4 =	vadd.s32 v1, v4;
	_ =	sdelay $0x1  }
0x4d0: {  	v3 =	vadd.s32 v1, v3;
	_ =	sdelay $0x1  }
0x4d1: {  	s9 =	simm.s32 $0x4400  }
0x4d2: {  	[tilespmem:s9], [sflag:$0x1] =	stream.indirect_vreg.gather [hbm4b:s2+s3], $0x80, v4, vm0, $0xb8;
	[tilespmem:$0x1A400] =	vst v63  }
0x4d3: {  	s6 =	simm.s32 $0x4C00  }
0x4d4: {  	[tilespmem:s6], [sflag:$0x1] =	stream.indirect_vreg.gather [hbm4b:s2+s3], $0x80, v3, vm0, $0xb8;
	[tilespmem:$0x1A400] =	vst v63  }
0x4d5: {  	v3 =	vld [tilespmem:$0x680];
	_ =	sdelay $0x4  }
0x4d6: {  	v15 =	vshll.u32 v3, $0x1  }
0x4d7: {  	v3 =	vand.u32 $0x7, v3;
	v4 =	vand.u32 $0xFFFFFFF0, v15  }
0x4d8: {  	v3 =	vor.u32 v3, v4  }
0x4d9: {  	v4 =	vperm.xlane v3, v0;
	_ =	sdelay $0x1  }
0x4da: {  	v3 =	vperm.xlane v3, v2;
	v4 =	vadd.s32 v1, v4;
	_ =	sdelay $0x1  }
0x4db: {  	v3 =	vadd.s32 v1, v3;
	_ =	sdelay $0x1  }
0x4dc: {  	s9 =	simm.s32 $0x5400  }
0x4dd: {  	[tilespmem:s9], [sflag:$0x1] =	stream.indirect_vreg.gather [hbm4b:s2+s3], $0x80, v4, vm0, $0xb8;
	[tilespmem:$0x1A400] =	vst v63  }
0x4de: {  	s10 =	simm.s32 $0x5C00  }
0x4df: {  	[tilespmem:s10], [sflag:$0x1] =	stream.indirect_vreg.gather [hbm4b:s2+s3], $0x80, v3, vm0, $0xb8;
	[tilespmem:$0x1A400] =	vst v63  }
0x4e0: {  	v3 =	vld [tilespmem:$0x690];
	_ =	sdelay $0x4  }
0x4e1: {  	v16 =	vshll.u32 v3, $0x1  }
0x4e2: {  	v3 =	vand.u32 $0x7, v3;
	v4 =	vand.u32 $0xFFFFFFF0, v16  }
0x4e3: {  	v3 =	vor.u32 v3, v4  }
0x4e4: {  	v4 =	vperm.xlane v3, v0;
	_ =	sdelay $0x1  }
0x4e5: {  	v3 =	vperm.xlane v3, v2;
	v4 =	vadd.s32 v1, v4;
	_ =	sdelay $0x1  }
0x4e6: {  	v3 =	vadd.s32 v1, v3;
	_ =	sdelay $0x1  }
0x4e7: {  	s9 =	simm.s32 $0x6400  }
0x4e8: {  	[tilespmem:s9], [sflag:$0x1] =	stream.indirect_vreg.gather [hbm4b:s2+s3], $0x80, v4, vm0, $0xb8;
	[tilespmem:$0x1A400] =	vst v63  }
0x4e9: {  	s11 =	simm.s32 $0x6C00  }
0x4ea: {  	[tilespmem:s11], [sflag:$0x1] =	stream.indirect_vreg.gather [hbm4b:s2+s3], $0x80, v3, vm0, $0xb8;
	[tilespmem:$0x1A400] =	vst v63  }
0x4eb: {  	v3 =	vld [tilespmem:$0x6A0];
	_ =	sdelay $0x4  }
0x4ec: {  	v17 =	vshll.u32 v3, $0x1  }
0x4ed: {  	v3 =	vand.u32 $0x7, v3;
	v4 =	vand.u32 $0xFFFFFFF0, v17  }
0x4ee: {  	v3 =	vor.u32 v3, v4  }
0x4ef: {  	v4 =	vperm.xlane v3, v0;
	_ =	sdelay $0x1  }
0x4f0: {  	v3 =	vperm.xlane v3, v2;
	v4 =	vadd.s32 v1, v4;
	_ =	sdelay $0x1  }
0x4f1: {  	v3 =	vadd.s32 v1, v3;
	_ =	sdelay $0x1  }
0x4f2: {  	s9 =	simm.s32 $0x7400  }
0x4f3: {  	[tilespmem:s9], [sflag:$0x1] =	stream.indirect_vreg.gather [hbm4b:s2+s3], $0x80, v4, vm0, $0xb8;
	[tilespmem:$0x1A400] =	vst v63  }
0x4f4: {  	s12 =	simm.s32 $0x7C00  }
0x4f5: {  	[tilespmem:s12], [sflag:$0x1] =	stream.indirect_vreg.gather [hbm4b:s2+s3], $0x80, v3, vm0, $0xb8;
	[tilespmem:$0x1A400] =	vst v63  }
0x4f6: {  	v3 =	vld [tilespmem:$0x6B0];
	_ =	sdelay $0x4  }
0x4f7: {  	v18 =	vshll.u32 v3, $0x1  }
0x4f8: {  	v3 =	vand.u32 $0x7, v3;
	v4 =	vand.u32 $0xFFFFFFF0, v18  }
0x4f9: {  	v3 =	vor.u32 v3, v4  }
0x4fa: {  	v4 =	vperm.xlane v3, v0;
	_ =	sdelay $0x1  }
0x4fb: {  	v3 =	vperm.xlane v3, v2;
	v4 =	vadd.s32 v1, v4;
	_ =	sdelay $0x1  }
0x4fc: {  	v3 =	vadd.s32 v1, v3;
	_ =	sdelay $0x1  }
0x4fd: {  	s9 =	simm.s32 $0x8400  }
0x4fe: {  	[tilespmem:s9], [sflag:$0x1] =	stream.indirect_vreg.gather [hbm4b:s2+s3], $0x80, v4, vm0, $0xb8;
	[tilespmem:$0x1A400] =	vst v63  }
0x4ff: {  	s13 =	simm.s32 $0x8C00  }
0x500: {  	[tilespmem:s13], [sflag:$0x1] =	stream.indirect_vreg.gather [hbm4b:s2+s3], $0x80, v3, vm0, $0xb8;
	[tilespmem:$0x1A400] =	vst v63  }
0x501: {  	v3 =	vld [tilespmem:$0x6C0];
	_ =	sdelay $0x4  }
0x502: {  	v19 =	vshll.u32 v3, $0x1  }
0x503: {  	v3 =	vand.u32 $0x7, v3;
	v4 =	vand.u32 $0xFFFFFFF0, v19  }
0x504: {  	v3 =	vor.u32 v3, v4  }
0x505: {  	v4 =	vperm.xlane v3, v0;
	_ =	sdelay $0x1  }
0x506: {  	v3 =	vperm.xlane v3, v2;
	v4 =	vadd.s32 v1, v4;
	_ =	sdelay $0x1  }
0x507: {  	v3 =	vadd.s32 v1, v3;
	_ =	sdelay $0x1  }
0x508: {  	s9 =	simm.s32 $0x9400  }
0x509: {  	[tilespmem:s9], [sflag:$0x1] =	stream.indirect_vreg.gather [hbm4b:s2+s3], $0x80, v4, vm0, $0xb8;
	[tilespmem:$0x1A400] =	vst v63  }
0x50a: {  	s14 =	simm.s32 $0x9C00  }
0x50b: {  	[tilespmem:s14], [sflag:$0x1] =	stream.indirect_vreg.gather [hbm4b:s2+s3], $0x80, v3, vm0, $0xb8;
	[tilespmem:$0x1A400] =	vst v63  }
0x50c: {  	v3 =	vld [tilespmem:$0x6D0];
	_ =	sdelay $0x4  }
0x50d: {  	v20 =	vshll.u32 v3, $0x1  }
0x50e: {  	v3 =	vand.u32 $0x7, v3;
	v4 =	vand.u32 $0xFFFFFFF0, v20  }
0x50f: {  	v3 =	vor.u32 v3, v4  }
0x510: {  	v4 =	vperm.xlane v3, v0;
	_ =	sdelay $0x1  }
0x511: {  	v3 =	vperm.xlane v3, v2;
	v4 =	vadd.s32 v1, v4;
	_ =	sdelay $0x1  }
0x512: {  	v3 =	vadd.s32 v1, v3;
	_ =	sdelay $0x1  }
0x513: {  	s9 =	simm.s32 $0xA400  }
0x514: {  	[tilespmem:s9], [sflag:$0x1] =	stream.indirect_vreg.gather [hbm4b:s2+s3], $0x80, v4, vm0, $0xb8;
	[tilespmem:$0x1A400] =	vst v63  }
0x515: {  	s15 =	simm.s32 $0xAC00  }
0x516: {  	[tilespmem:s15], [sflag:$0x1] =	stream.indirect_vreg.gather [hbm4b:s2+s3], $0x80, v3, vm0, $0xb8;
	[tilespmem:$0x1A400] =	vst v63  }
0x517: {  	v3 =	vld [tilespmem:$0x6E0];
	_ =	sdelay $0x4  }
0x518: {  	v21 =	vshll.u32 v3, $0x1  }
0x519: {  	v3 =	vand.u32 $0x7, v3;
	v4 =	vand.u32 $0xFFFFFFF0, v21  }
0x51a: {  	v3 =	vor.u32 v3, v4  }
0x51b: {  	v4 =	vperm.xlane v3, v0;
	_ =	sdelay $0x1  }
0x51c: {  	v3 =	vperm.xlane v3, v2;
	v4 =	vadd.s32 v1, v4;
	_ =	sdelay $0x1  }
0x51d: {  	v3 =	vadd.s32 v1, v3;
	_ =	sdelay $0x1  }
0x51e: {  	s9 =	simm.s32 $0xB400  }
0x51f: {  	[tilespmem:s9], [sflag:$0x1] =	stream.indirect_vreg.gather [hbm4b:s2+s3], $0x80, v4, vm0, $0xb8;
	[tilespmem:$0x1A400] =	vst v63  }
0x520: {  	s9 =	simm.s32 $0xBC00  }
0x521: {  	[tilespmem:s9], [sflag:$0x1] =	stream.indirect_vreg.gather [hbm4b:s2+s3], $0x80, v3, vm0, $0xb8;
	[tilespmem:$0x1A400] =	vst v63  }
0x522: {  	v3 =	vld [tilespmem:$0x6F0];
	_ =	sdelay $0x4  }
0x523: {  	v22 =	vshll.u32 v3, $0x1  }
0x524: {  	v3 =	vand.u32 $0x7, v3;
	v4 =	vand.u32 $0xFFFFFFF0, v22  }
0x525: {  	v3 =	vor.u32 v3, v4  }
0x526: {  	v4 =	vperm.xlane v3, v0;
	_ =	sdelay $0x1  }
0x527: {  	v3 =	vperm.xlane v3, v2;
	v4 =	vadd.s32 v1, v4;
	_ =	sdelay $0x1  }
0x528: {  	v3 =	vadd.s32 v1, v3;
	_ =	sdelay $0x1  }
0x529: {  	s9 =	simm.s32 $0xC400  }
0x52a: {  	[tilespmem:s9], [sflag:$0x1] =	stream.indirect_vreg.gather [hbm4b:s2+s3], $0x80, v4, vm0, $0xb8;
	[tilespmem:$0x1A400] =	vst v63  }
0x52b: {  	s20 =	simm.s32 $0xCC00  }
0x52c: {  	[tilespmem:s20], [sflag:$0x1] =	stream.indirect_vreg.gather [hbm4b:s2+s3], $0x80, v3, vm0, $0xb8;
	[tilespmem:$0x1A400] =	vst v63  }
0x52d: {  	v3 =	vld.msk [tilespmem:$0x700], $0xff;
	_ =	sdelay $0x4  }
0x52e: {  	v23 =	vshll.u32 v3, $0x1  }
0x52f: {  	v3 =	vand.u32 $0x7, v3;
	v4 =	vand.u32 $0xFFFFFFF0, v23  }
0x530: {  	v3 =	vor.u32 v3, v4  }
0x531: {  	v3 =	vperm.xlane v3, v0;
	_ =	sdelay $0x1  }
0x532: {  	v3 =	vadd.s32 v1, v3;
	_ =	sdelay $0x3  }
0x533: {  	s18 =	simm.s32 $0xD400  }
0x534: {  	[tilespmem:s18], [sflag:$0x1] =	stream.indirect_vreg.gather [hbm4b:s2+s3], $0x80, v3, vm0, $0xb8;
	[tilespmem:$0x1A400] =	vst v63  }
0x535: {  	_ =	swait.ge [sflag:s1], $0xC800  }
0x536: {  	[sflag:s1] =	ssyncset.done $0x0  }
0x537: {  	s9 =	rddreg [dreg:$0xc];
	[sflag:s1] =	ssyncadd.s32 $0xFFFF3800  }
0x538: {  	[hbm4b:s9+s3] =	stream.linear.scatter [tilespmem:s19], [sflag:$0x3], $0xC800, $0x38;
	[tilespmem:$0x1A400] =	vst v63  }
0x539: {  	_ =	swait.ge [sflag:s8], $0xC800  }
0x53a: {  	[sflag:s8] =	ssyncset.done $0x0  }
0x53b: {  	[sflag:s8] =	ssyncadd.s32 $0xFFFF3800  }
0x53c: {  	v3 =	vld [tilespmem:$0x708];
	_ =	sdelay $0x4  }
0x53d: {  	v24 =	vshll.u32 v3, $0x1  }
0x53e: {  	v3 =	vand.u32 $0x7, v3;
	v4 =	vand.u32 $0xFFFFFFF0, v24  }
0x53f: {  	v3 =	vor.u32 v3, v4  }
0x540: {  	v4 =	vperm.xlane v3, v0;
	_ =	sdelay $0x1  }
0x541: {  	v3 =	vperm.xlane v3, v2;
	v4 =	vadd.s32 v1, v4;
	_ =	sdelay $0x1  }
0x542: {  	v3 =	vadd.s32 v1, v3;
	_ =	sdelay $0x2  }
0x543: {  	[tilespmem:s0], [sflag:$0x2] =	stream.indirect_vreg.gather [hbm4b:s2+s3], $0x80, v4, vm0, $0xb8;
	[tilespmem:$0x1A400] =	vst v63  }
0x544: {  	s9 =	simm.s32 $0xE400  }
0x545: {  	[tilespmem:s9], [sflag:$0x2] =	stream.indirect_vreg.gather [hbm4b:s2+s3], $0x80, v3, vm0, $0xb8;
	[tilespmem:$0x1A400] =	vst v63  }
0x546: {  	v3 =	vld [tilespmem:$0x718];
	_ =	sdelay $0x4  }
0x547: {  	v25 =	vshll.u32 v3, $0x1  }
0x548: {  	v3 =	vand.u32 $0x7, v3;
	v4 =	vand.u32 $0xFFFFFFF0, v25  }
0x549: {  	v3 =	vor.u32 v3, v4  }
0x54a: {  	v4 =	vperm.xlane v3, v0;
	_ =	sdelay $0x1  }
0x54b: {  	v3 =	vperm.xlane v3, v2;
	v4 =	vadd.s32 v1, v4;
	_ =	sdelay $0x1  }
0x54c: {  	v3 =	vadd.s32 v1, v3;
	_ =	sdelay $0x1  }
0x54d: {  	s5 =	simm.s32 $0xEC00  }
0x54e: {  	[tilespmem:s5], [sflag:$0x2] =	stream.indirect_vreg.gather [hbm4b:s2+s3], $0x80, v4, vm0, $0xb8;
	[tilespmem:$0x1A400] =	vst v63  }
0x54f: {  	s9 =	simm.s32 $0xF400  }
0x550: {  	[tilespmem:s9], [sflag:$0x2] =	stream.indirect_vreg.gather [hbm4b:s2+s3], $0x80, v3, vm0, $0xb8;
	[tilespmem:$0x1A400] =	vst v63  }
0x551: {  	v3 =	vld [tilespmem:$0x728];
	_ =	sdelay $0x4  }
0x552: {  	v26 =	vshll.u32 v3, $0x1  }
0x553: {  	v3 =	vand.u32 $0x7, v3;
	v4 =	vand.u32 $0xFFFFFFF0, v26  }
0x554: {  	v3 =	vor.u32 v3, v4  }
0x555: {  	v4 =	vperm.xlane v3, v0;
	_ =	sdelay $0x1  }
0x556: {  	v3 =	vperm.xlane v3, v2;
	v4 =	vadd.s32 v1, v4;
	_ =	sdelay $0x1  }
0x557: {  	v3 =	vadd.s32 v1, v3;
	_ =	sdelay $0x1  }
0x558: {  	s21 =	simm.s32 $0xFC00  }
0x559: {  	[tilespmem:s21], [sflag:$0x2] =	stream.indirect_vreg.gather [hbm4b:s2+s3], $0x80, v4, vm0, $0xb8;
	[tilespmem:$0x1A400] =	vst v63  }
0x55a: {  	s9 =	simm.s32 $0x10400  }
0x55b: {  	[tilespmem:s9], [sflag:$0x2] =	stream.indirect_vreg.gather [hbm4b:s2+s3], $0x80, v3, vm0, $0xb8;
	[tilespmem:$0x1A400] =	vst v63  }
0x55c: {  	v3 =	vld [tilespmem:$0x738];
	_ =	sdelay $0x4  }
0x55d: {  	v27 =	vshll.u32 v3, $0x1  }
0x55e: {  	v3 =	vand.u32 $0x7, v3;
	v4 =	vand.u32 $0xFFFFFFF0, v27  }
0x55f: {  	v3 =	vor.u32 v3, v4  }
0x560: {  	v4 =	vperm.xlane v3, v0;
	_ =	sdelay $0x1  }
0x561: {  	v3 =	vperm.xlane v3, v2;
	v4 =	vadd.s32 v1, v4;
	_ =	sdelay $0x1  }
0x562: {  	v3 =	vadd.s32 v1, v3;
	_ =	sdelay $0x1  }
0x563: {  	s22 =	simm.s32 $0x10C00  }
0x564: {  	[tilespmem:s22], [sflag:$0x2] =	stream.indirect_vreg.gather [hbm4b:s2+s3], $0x80, v4, vm0, $0xb8;
	[tilespmem:$0x1A400] =	vst v63  }
0x565: {  	s9 =	simm.s32 $0x11400  }
0x566: {  	[tilespmem:s9], [sflag:$0x2] =	stream.indirect_vreg.gather [hbm4b:s2+s3], $0x80, v3, vm0, $0xb8;
	[tilespmem:$0x1A400] =	vst v63  }
0x567: {  	v3 =	vld [tilespmem:$0x748];
	_ =	sdelay $0x4  }
0x568: {  	v28 =	vshll.u32 v3, $0x1  }
0x569: {  	v3 =	vand.u32 $0x7, v3;
	v4 =	vand.u32 $0xFFFFFFF0, v28  }
0x56a: {  	v3 =	vor.u32 v3, v4  }
0x56b: {  	v4 =	vperm.xlane v3, v0;
	_ =	sdelay $0x1  }
0x56c: {  	v3 =	vperm.xlane v3, v2;
	v4 =	vadd.s32 v1, v4;
	_ =	sdelay $0x1  }
0x56d: {  	v3 =	vadd.s32 v1, v3;
	_ =	sdelay $0x1  }
0x56e: {  	s23 =	simm.s32 $0x11C00  }
0x56f: {  	[tilespmem:s23], [sflag:$0x2] =	stream.indirect_vreg.gather [hbm4b:s2+s3], $0x80, v4, vm0, $0xb8;
	[tilespmem:$0x1A400] =	vst v63  }
0x570: {  	s9 =	simm.s32 $0x12400  }
0x571: {  	[tilespmem:s9], [sflag:$0x2] =	stream.indirect_vreg.gather [hbm4b:s2+s3], $0x80, v3, vm0, $0xb8;
	[tilespmem:$0x1A400] =	vst v63  }
0x572: {  	v3 =	vld [tilespmem:$0x758];
	_ =	sdelay $0x4  }
0x573: {  	v29 =	vshll.u32 v3, $0x1  }
0x574: {  	v3 =	vand.u32 $0x7, v3;
	v4 =	vand.u32 $0xFFFFFFF0, v29  }
0x575: {  	v3 =	vor.u32 v3, v4  }
0x576: {  	v4 =	vperm.xlane v3, v0;
	_ =	sdelay $0x1  }
0x577: {  	v3 =	vperm.xlane v3, v2;
	v4 =	vadd.s32 v1, v4;
	_ =	sdelay $0x1  }
0x578: {  	v3 =	vadd.s32 v1, v3;
	_ =	sdelay $0x1  }
0x579: {  	s24 =	simm.s32 $0x12C00  }
0x57a: {  	[tilespmem:s24], [sflag:$0x2] =	stream.indirect_vreg.gather [hbm4b:s2+s3], $0x80, v4, vm0, $0xb8;
	[tilespmem:$0x1A400] =	vst v63  }
0x57b: {  	s9 =	simm.s32 $0x13400  }
0x57c: {  	[tilespmem:s9], [sflag:$0x2] =	stream.indirect_vreg.gather [hbm4b:s2+s3], $0x80, v3, vm0, $0xb8;
	[tilespmem:$0x1A400] =	vst v63  }
0x57d: {  	v3 =	vld [tilespmem:$0x768];
	_ =	sdelay $0x4  }
0x57e: {  	v30 =	vshll.u32 v3, $0x1  }
0x57f: {  	v3 =	vand.u32 $0x7, v3;
	v4 =	vand.u32 $0xFFFFFFF0, v30  }
0x580: {  	v3 =	vor.u32 v3, v4  }
0x581: {  	v4 =	vperm.xlane v3, v0;
	_ =	sdelay $0x1  }
0x582: {  	v3 =	vperm.xlane v3, v2;
	v4 =	vadd.s32 v1, v4;
	_ =	sdelay $0x1  }
0x583: {  	v3 =	vadd.s32 v1, v3;
	_ =	sdelay $0x1  }
0x584: {  	s25 =	simm.s32 $0x13C00  }
0x585: {  	[tilespmem:s25], [sflag:$0x2] =	stream.indirect_vreg.gather [hbm4b:s2+s3], $0x80, v4, vm0, $0xb8;
	[tilespmem:$0x1A400] =	vst v63  }
0x586: {  	s9 =	simm.s32 $0x14400  }
0x587: {  	[tilespmem:s9], [sflag:$0x2] =	stream.indirect_vreg.gather [hbm4b:s2+s3], $0x80, v3, vm0, $0xb8;
	[tilespmem:$0x1A400] =	vst v63  }
0x588: {  	v3 =	vld [tilespmem:$0x778];
	_ =	sdelay $0x4  }
0x589: {  	v31 =	vshll.u32 v3, $0x1  }
0x58a: {  	v3 =	vand.u32 $0x7, v3;
	v4 =	vand.u32 $0xFFFFFFF0, v31  }
0x58b: {  	v3 =	vor.u32 v3, v4  }
0x58c: {  	v4 =	vperm.xlane v3, v0;
	_ =	sdelay $0x1  }
0x58d: {  	v3 =	vperm.xlane v3, v2;
	v4 =	vadd.s32 v1, v4;
	_ =	sdelay $0x1  }
0x58e: {  	v3 =	vadd.s32 v1, v3;
	_ =	sdelay $0x1  }
0x58f: {  	s26 =	simm.s32 $0x14C00  }
0x590: {  	[tilespmem:s26], [sflag:$0x2] =	stream.indirect_vreg.gather [hbm4b:s2+s3], $0x80, v4, vm0, $0xb8;
	[tilespmem:$0x1A400] =	vst v63  }
0x591: {  	s9 =	simm.s32 $0x15400  }
0x592: {  	[tilespmem:s9], [sflag:$0x2] =	stream.indirect_vreg.gather [hbm4b:s2+s3], $0x80, v3, vm0, $0xb8;
	[tilespmem:$0x1A400] =	vst v63  }
0x593: {  	v3 =	vld [tilespmem:$0x788];
	_ =	sdelay $0x4  }
0x594: {  	v32 =	vshll.u32 v3, $0x1  }
0x595: {  	v3 =	vand.u32 $0x7, v3;
	v4 =	vand.u32 $0xFFFFFFF0, v32  }
0x596: {  	v3 =	vor.u32 v3, v4  }
0x597: {  	v4 =	vperm.xlane v3, v0;
	_ =	sdelay $0x1  }
0x598: {  	v3 =	vperm.xlane v3, v2;
	v4 =	vadd.s32 v1, v4;
	_ =	sdelay $0x1  }
0x599: {  	v3 =	vadd.s32 v1, v3;
	_ =	sdelay $0x1  }
0x59a: {  	s28 =	simm.s32 $0x15C00  }
0x59b: {  	[tilespmem:s28], [sflag:$0x2] =	stream.indirect_vreg.gather [hbm4b:s2+s3], $0x80, v4, vm0, $0xb8;
	[tilespmem:$0x1A400] =	vst v63  }
0x59c: {  	s9 =	simm.s32 $0x16400  }
0x59d: {  	[tilespmem:s9], [sflag:$0x2] =	stream.indirect_vreg.gather [hbm4b:s2+s3], $0x80, v3, vm0, $0xb8;
	[tilespmem:$0x1A400] =	vst v63  }
0x59e: {  	v3 =	vld [tilespmem:$0x798];
	_ =	sdelay $0x4  }
0x59f: {  	v33 =	vshll.u32 v3, $0x1  }
0x5a0: {  	v3 =	vand.u32 $0x7, v3;
	v4 =	vand.u32 $0xFFFFFFF0, v33  }
0x5a1: {  	v3 =	vor.u32 v3, v4  }
0x5a2: {  	v4 =	vperm.xlane v3, v0;
	_ =	sdelay $0x1  }
0x5a3: {  	v3 =	vperm.xlane v3, v2;
	v4 =	vadd.s32 v1, v4;
	_ =	sdelay $0x1  }
0x5a4: {  	v3 =	vadd.s32 v1, v3;
	_ =	sdelay $0x1  }
0x5a5: {  	s29 =	simm.s32 $0x16C00  }
0x5a6: {  	[tilespmem:s29], [sflag:$0x2] =	stream.indirect_vreg.gather [hbm4b:s2+s3], $0x80, v4, vm0, $0xb8;
	[tilespmem:$0x1A400] =	vst v63  }
0x5a7: {  	s9 =	simm.s32 $0x17400  }
0x5a8: {  	[tilespmem:s9], [sflag:$0x2] =	stream.indirect_vreg.gather [hbm4b:s2+s3], $0x80, v3, vm0, $0xb8;
	[tilespmem:$0x1A400] =	vst v63  }
0x5a9: {  	v3 =	vld [tilespmem:$0x7A8];
	_ =	sdelay $0x4  }
0x5aa: {  	v34 =	vshll.u32 v3, $0x1  }
0x5ab: {  	v3 =	vand.u32 $0x7, v3;
	v4 =	vand.u32 $0xFFFFFFF0, v34  }
0x5ac: {  	v3 =	vor.u32 v3, v4  }
0x5ad: {  	v4 =	vperm.xlane v3, v0;
	_ =	sdelay $0x1  }
0x5ae: {  	v3 =	vperm.xlane v3, v2;
	v4 =	vadd.s32 v1, v4;
	_ =	sdelay $0x1  }
0x5af: {  	v3 =	vadd.s32 v1, v3;
	_ =	sdelay $0x1  }
0x5b0: {  	s30 =	simm.s32 $0x17C00  }
0x5b1: {  	[tilespmem:s30], [sflag:$0x2] =	stream.indirect_vreg.gather [hbm4b:s2+s3], $0x80, v4, vm0, $0xb8;
	[tilespmem:$0x1A400] =	vst v63  }
0x5b2: {  	s9 =	simm.s32 $0x18400  }
0x5b3: {  	[tilespmem:s9], [sflag:$0x2] =	stream.indirect_vreg.gather [hbm4b:s2+s3], $0x80, v3, vm0, $0xb8;
	[tilespmem:$0x1A400] =	vst v63  }
0x5b4: {  	v3 =	vld [tilespmem:$0x7B8];
	_ =	sdelay $0x4  }
0x5b5: {  	v35 =	vshll.u32 v3, $0x1  }
0x5b6: {  	v3 =	vand.u32 $0x7, v3;
	v4 =	vand.u32 $0xFFFFFFF0, v35  }
0x5b7: {  	v3 =	vor.u32 v3, v4  }
0x5b8: {  	v4 =	vperm.xlane v3, v0;
	_ =	sdelay $0x1  }
0x5b9: {  	v3 =	vperm.xlane v3, v2;
	v4 =	vadd.s32 v1, v4;
	_ =	sdelay $0x1  }
0x5ba: {  	v3 =	vadd.s32 v1, v3;
	_ =	sdelay $0x1  }
0x5bb: {  	s31 =	simm.s32 $0x18C00  }
0x5bc: {  	[tilespmem:s31], [sflag:$0x2] =	stream.indirect_vreg.gather [hbm4b:s2+s3], $0x80, v4, vm0, $0xb8;
	[tilespmem:$0x1A400] =	vst v63  }
0x5bd: {  	s9 =	simm.s32 $0x19400  }
0x5be: {  	[tilespmem:s9], [sflag:$0x2] =	stream.indirect_vreg.gather [hbm4b:s2+s3], $0x80, v3, vm0, $0xb8;
	[tilespmem:$0x1A400] =	vst v63  }
0x5bf: {  	v3 =	vld.msk [tilespmem:$0x7C8], $0xff;
	_ =	sdelay $0x4  }
0x5c0: {  	v36 =	vshll.u32 v3, $0x1  }
0x5c1: {  	v3 =	vand.u32 $0x7, v3;
	v4 =	vand.u32 $0xFFFFFFF0, v36  }
0x5c2: {  	v3 =	vor.u32 v3, v4  }
0x5c3: {  	v3 =	vperm.xlane v3, v0;
	_ =	sdelay $0x1  }
0x5c4: {  	v3 =	vadd.s32 v1, v3;
	_ =	sdelay $0x3  }
0x5c5: {  	s9 =	simm.s32 $0x19C00  }
0x5c6: {  	[tilespmem:s9], [sflag:$0x2] =	stream.indirect_vreg.gather [hbm4b:s2+s3], $0x80, v3, vm0, $0xb8;
	[tilespmem:$0x1A400] =	vst v63  }
0x5c7: {  	_ =	swait.ge [sflag:s17], $0xC800  }
0x5c8: {  	[sflag:s17] =	ssyncset.done $0x0  }
0x5c9: {  	s9 =	rddreg [dreg:$0xd];
	[sflag:s17] =	ssyncadd.s32 $0xFFFF3800  }
0x5ca: {  	[hbm4b:s9+s3] =	stream.linear.scatter [tilespmem:s0], [sflag:$0x4], $0xC800, $0x38;
	[tilespmem:$0x1A400] =	vst v63  }
0x5cb: {  	_ =	swait.ge [sflag:s7], $0xC800  }
0x5cc: {  	[sflag:s7] =	ssyncset.done $0x0  }
0x5cd: {  	[sflag:s7] =	ssyncadd.s32 $0xFFFF3800  }
0x5ce: {  	v3 =	vld [tilespmem:$0x7D0];
	_ =	sdelay $0x4  }
0x5cf: {  	v37 =	vshll.u32 v3, $0x1  }
0x5d0: {  	v3 =	vand.u32 $0x7, v3;
	v4 =	vand.u32 $0xFFFFFFF0, v37  }
0x5d1: {  	v3 =	vor.u32 v3, v4  }
0x5d2: {  	v4 =	vperm.xlane v3, v0;
	_ =	sdelay $0x1  }
0x5d3: {  	v3 =	vperm.xlane v3, v2;
	v4 =	vadd.s32 v1, v4;
	_ =	sdelay $0x1  }
0x5d4: {  	v3 =	vadd.s32 v1, v3;
	_ =	sdelay $0x2  }
0x5d5: {  	[tilespmem:s19], [sflag:$0x1] =	stream.indirect_vreg.gather [hbm4b:s2+s3], $0x80, v4, vm0, $0xb8;
	[tilespmem:$0x1A400] =	vst v63  }
0x5d6: {  	s9 =	simm.s32 $0x1C00  }
0x5d7: {  	[tilespmem:s9], [sflag:$0x1] =	stream.indirect_vreg.gather [hbm4b:s2+s3], $0x80, v3, vm0, $0xb8;
	[tilespmem:$0x1A400] =	vst v63  }
0x5d8: {  	v3 =	vld [tilespmem:$0x7E0];
	_ =	sdelay $0x4  }
0x5d9: {  	v38 =	vshll.u32 v3, $0x1  }
0x5da: {  	v3 =	vand.u32 $0x7, v3;
	v4 =	vand.u32 $0xFFFFFFF0, v38  }
0x5db: {  	v3 =	vor.u32 v3, v4  }
0x5dc: {  	v4 =	vperm.xlane v3, v0;
	_ =	sdelay $0x1  }
0x5dd: {  	v3 =	vperm.xlane v3, v2;
	v4 =	vadd.s32 v1, v4;
	_ =	sdelay $0x1  }
0x5de: {  	v3 =	vadd.s32 v1, v3;
	_ =	sdelay $0x1  }
0x5df: {  	s9 =	simm.s32 $0x2400  }
0x5e0: {  	[tilespmem:s9], [sflag:$0x1] =	stream.indirect_vreg.gather [hbm4b:s2+s3], $0x80, v4, vm0, $0xb8;
	[tilespmem:$0x1A400] =	vst v63  }
0x5e1: {  	s16 =	simm.s32 $0x2C00  }
0x5e2: {  	[tilespmem:s16], [sflag:$0x1] =	stream.indirect_vreg.gather [hbm4b:s2+s3], $0x80, v3, vm0, $0xb8;
	[tilespmem:$0x1A400] =	vst v63  }
0x5e3: {  	v3 =	vld [tilespmem:$0x7F0];
	_ =	sdelay $0x4  }
0x5e4: {  	v39 =	vshll.u32 v3, $0x1  }
0x5e5: {  	v3 =	vand.u32 $0x7, v3;
	v4 =	vand.u32 $0xFFFFFFF0, v39  }
0x5e6: {  	v3 =	vor.u32 v3, v4  }
0x5e7: {  	v4 =	vperm.xlane v3, v0;
	_ =	sdelay $0x1  }
0x5e8: {  	v3 =	vperm.xlane v3, v2;
	v4 =	vadd.s32 v1, v4;
	_ =	sdelay $0x1  }
0x5e9: {  	v3 =	vadd.s32 v1, v3;
	_ =	sdelay $0x1  }
0x5ea: {  	s9 =	simm.s32 $0x3400  }
0x5eb: {  	[tilespmem:s9], [sflag:$0x1] =	stream.indirect_vreg.gather [hbm4b:s2+s3], $0x80, v4, vm0, $0xb8;
	[tilespmem:$0x1A400] =	vst v63  }
0x5ec: {  	s4 =	simm.s32 $0x3C00  }
0x5ed: {  	[tilespmem:s4], [sflag:$0x1] =	stream.indirect_vreg.gather [hbm4b:s2+s3], $0x80, v3, vm0, $0xb8;
	[tilespmem:$0x1A400] =	vst v63  }
0x5ee: {  	v3 =	vld [tilespmem:$0x800];
	_ =	sdelay $0x4  }
0x5ef: {  	v40 =	vshll.u32 v3, $0x1  }
0x5f0: {  	v3 =	vand.u32 $0x7, v3;
	v4 =	vand.u32 $0xFFFFFFF0, v40  }
0x5f1: {  	v3 =	vor.u32 v3, v4  }
0x5f2: {  	v4 =	vperm.xlane v3, v0;
	_ =	sdelay $0x1  }
0x5f3: {  	v3 =	vperm.xlane v3, v2;
	v4 =	vadd.s32 v1, v4;
	_ =	sdelay $0x1  }
0x5f4: {  	v3 =	vadd.s32 v1, v3;
	_ =	sdelay $0x1  }
0x5f5: {  	s9 =	simm.s32 $0x4400  }
0x5f6: {  	[tilespmem:s9], [sflag:$0x1] =	stream.indirect_vreg.gather [hbm4b:s2+s3], $0x80, v4, vm0, $0xb8;
	[tilespmem:$0x1A400] =	vst v63  }
0x5f7: {  	s6 =	simm.s32 $0x4C00  }
0x5f8: {  	[tilespmem:s6], [sflag:$0x1] =	stream.indirect_vreg.gather [hbm4b:s2+s3], $0x80, v3, vm0, $0xb8;
	[tilespmem:$0x1A400] =	vst v63  }
0x5f9: {  	v3 =	vld [tilespmem:$0x810];
	_ =	sdelay $0x4  }
0x5fa: {  	v41 =	vshll.u32 v3, $0x1  }
0x5fb: {  	v3 =	vand.u32 $0x7, v3;
	v4 =	vand.u32 $0xFFFFFFF0, v41  }
0x5fc: {  	v3 =	vor.u32 v3, v4  }
0x5fd: {  	v4 =	vperm.xlane v3, v0;
	_ =	sdelay $0x1  }
0x5fe: {  	v3 =	vperm.xlane v3, v2;
	v4 =	vadd.s32 v1, v4;
	_ =	sdelay $0x1  }
0x5ff: {  	v3 =	vadd.s32 v1, v3;
	_ =	sdelay $0x1  }
0x600: {  	s9 =	simm.s32 $0x5400  }
0x601: {  	[tilespmem:s9], [sflag:$0x1] =	stream.indirect_vreg.gather [hbm4b:s2+s3], $0x80, v4, vm0, $0xb8;
	[tilespmem:$0x1A400] =	vst v63  }
0x602: {  	s10 =	simm.s32 $0x5C00  }
0x603: {  	[tilespmem:s10], [sflag:$0x1] =	stream.indirect_vreg.gather [hbm4b:s2+s3], $0x80, v3, vm0, $0xb8;
	[tilespmem:$0x1A400] =	vst v63  }
0x604: {  	v3 =	vld [tilespmem:$0x820];
	_ =	sdelay $0x4  }
0x605: {  	v42 =	vshll.u32 v3, $0x1  }
0x606: {  	v3 =	vand.u32 $0x7, v3;
	v4 =	vand.u32 $0xFFFFFFF0, v42  }
0x607: {  	v3 =	vor.u32 v3, v4  }
0x608: {  	v4 =	vperm.xlane v3, v0;
	_ =	sdelay $0x1  }
0x609: {  	v3 =	vperm.xlane v3, v2;
	v4 =	vadd.s32 v1, v4;
	_ =	sdelay $0x1  }
0x60a: {  	v3 =	vadd.s32 v1, v3;
	_ =	sdelay $0x1  }
0x60b: {  	s9 =	simm.s32 $0x6400  }
0x60c: {  	[tilespmem:s9], [sflag:$0x1] =	stream.indirect_vreg.gather [hbm4b:s2+s3], $0x80, v4, vm0, $0xb8;
	[tilespmem:$0x1A400] =	vst v63  }
0x60d: {  	s11 =	simm.s32 $0x6C00  }
0x60e: {  	[tilespmem:s11], [sflag:$0x1] =	stream.indirect_vreg.gather [hbm4b:s2+s3], $0x80, v3, vm0, $0xb8;
	[tilespmem:$0x1A400] =	vst v63  }
0x60f: {  	v3 =	vld [tilespmem:$0x830];
	_ =	sdelay $0x4  }
0x610: {  	v43 =	vshll.u32 v3, $0x1  }
0x611: {  	v3 =	vand.u32 $0x7, v3;
	v4 =	vand.u32 $0xFFFFFFF0, v43  }
0x612: {  	v3 =	vor.u32 v3, v4  }
0x613: {  	v4 =	vperm.xlane v3, v0;
	_ =	sdelay $0x1  }
0x614: {  	v3 =	vperm.xlane v3, v2;
	v4 =	vadd.s32 v1, v4;
	_ =	sdelay $0x1  }
0x615: {  	v3 =	vadd.s32 v1, v3;
	_ =	sdelay $0x1  }
0x616: {  	s9 =	simm.s32 $0x7400  }
0x617: {  	[tilespmem:s9], [sflag:$0x1] =	stream.indirect_vreg.gather [hbm4b:s2+s3], $0x80, v4, vm0, $0xb8;
	[tilespmem:$0x1A400] =	vst v63  }
0x618: {  	s12 =	simm.s32 $0x7C00  }
0x619: {  	[tilespmem:s12], [sflag:$0x1] =	stream.indirect_vreg.gather [hbm4b:s2+s3], $0x80, v3, vm0, $0xb8;
	[tilespmem:$0x1A400] =	vst v63  }
0x61a: {  	v3 =	vld [tilespmem:$0x840];
	_ =	sdelay $0x4  }
0x61b: {  	v44 =	vshll.u32 v3, $0x1  }
0x61c: {  	v3 =	vand.u32 $0x7, v3;
	v4 =	vand.u32 $0xFFFFFFF0, v44  }
0x61d: {  	v3 =	vor.u32 v3, v4  }
0x61e: {  	v4 =	vperm.xlane v3, v0;
	_ =	sdelay $0x1  }
0x61f: {  	v3 =	vperm.xlane v3, v2;
	v4 =	vadd.s32 v1, v4;
	_ =	sdelay $0x1  }
0x620: {  	v3 =	vadd.s32 v1, v3;
	_ =	sdelay $0x1  }
0x621: {  	s9 =	simm.s32 $0x8400  }
0x622: {  	[tilespmem:s9], [sflag:$0x1] =	stream.indirect_vreg.gather [hbm4b:s2+s3], $0x80, v4, vm0, $0xb8;
	[tilespmem:$0x1A400] =	vst v63  }
0x623: {  	s13 =	simm.s32 $0x8C00  }
0x624: {  	[tilespmem:s13], [sflag:$0x1] =	stream.indirect_vreg.gather [hbm4b:s2+s3], $0x80, v3, vm0, $0xb8;
	[tilespmem:$0x1A400] =	vst v63  }
0x625: {  	v3 =	vld [tilespmem:$0x850];
	_ =	sdelay $0x4  }
0x626: {  	v45 =	vshll.u32 v3, $0x1  }
0x627: {  	v3 =	vand.u32 $0x7, v3;
	v4 =	vand.u32 $0xFFFFFFF0, v45  }
0x628: {  	v3 =	vor.u32 v3, v4  }
0x629: {  	v4 =	vperm.xlane v3, v0;
	_ =	sdelay $0x1  }
0x62a: {  	v3 =	vperm.xlane v3, v2;
	v4 =	vadd.s32 v1, v4;
	_ =	sdelay $0x1  }
0x62b: {  	v3 =	vadd.s32 v1, v3;
	_ =	sdelay $0x1  }
0x62c: {  	s9 =	simm.s32 $0x9400  }
0x62d: {  	[tilespmem:s9], [sflag:$0x1] =	stream.indirect_vreg.gather [hbm4b:s2+s3], $0x80, v4, vm0, $0xb8;
	[tilespmem:$0x1A400] =	vst v63  }
0x62e: {  	s14 =	simm.s32 $0x9C00  }
0x62f: {  	[tilespmem:s14], [sflag:$0x1] =	stream.indirect_vreg.gather [hbm4b:s2+s3], $0x80, v3, vm0, $0xb8;
	[tilespmem:$0x1A400] =	vst v63  }
0x630: {  	v3 =	vld [tilespmem:$0x860];
	_ =	sdelay $0x4  }
0x631: {  	v46 =	vshll.u32 v3, $0x1  }
0x632: {  	v3 =	vand.u32 $0x7, v3;
	v4 =	vand.u32 $0xFFFFFFF0, v46  }
0x633: {  	v3 =	vor.u32 v3, v4  }
0x634: {  	v4 =	vperm.xlane v3, v0;
	_ =	sdelay $0x1  }
0x635: {  	v3 =	vperm.xlane v3, v2;
	v4 =	vadd.s32 v1, v4;
	_ =	sdelay $0x1  }
0x636: {  	v3 =	vadd.s32 v1, v3;
	_ =	sdelay $0x1  }
0x637: {  	s9 =	simm.s32 $0xA400  }
0x638: {  	[tilespmem:s9], [sflag:$0x1] =	stream.indirect_vreg.gather [hbm4b:s2+s3], $0x80, v4, vm0, $0xb8;
	[tilespmem:$0x1A400] =	vst v63  }
0x639: {  	s15 =	simm.s32 $0xAC00  }
0x63a: {  	[tilespmem:s15], [sflag:$0x1] =	stream.indirect_vreg.gather [hbm4b:s2+s3], $0x80, v3, vm0, $0xb8;
	[tilespmem:$0x1A400] =	vst v63  }
0x63b: {  	v3 =	vld [tilespmem:$0x870];
	_ =	sdelay $0x4  }
0x63c: {  	v47 =	vshll.u32 v3, $0x1  }
0x63d: {  	v3 =	vand.u32 $0x7, v3;
	v4 =	vand.u32 $0xFFFFFFF0, v47  }
0x63e: {  	v3 =	vor.u32 v3, v4  }
0x63f: {  	v4 =	vperm.xlane v3, v0;
	_ =	sdelay $0x1  }
0x640: {  	v3 =	vperm.xlane v3, v2;
	v4 =	vadd.s32 v1, v4;
	_ =	sdelay $0x1  }
0x641: {  	v3 =	vadd.s32 v1, v3;
	_ =	sdelay $0x1  }
0x642: {  	s9 =	simm.s32 $0xB400  }
0x643: {  	[tilespmem:s9], [sflag:$0x1] =	stream.indirect_vreg.gather [hbm4b:s2+s3], $0x80, v4, vm0, $0xb8;
	[tilespmem:$0x1A400] =	vst v63  }
0x644: {  	s9 =	simm.s32 $0xBC00  }
0x645: {  	[tilespmem:s9], [sflag:$0x1] =	stream.indirect_vreg.gather [hbm4b:s2+s3], $0x80, v3, vm0, $0xb8;
	[tilespmem:$0x1A400] =	vst v63  }
0x646: {  	v3 =	vld [tilespmem:$0x880];
	_ =	sdelay $0x4  }
0x647: {  	v48 =	vshll.u32 v3, $0x1  }
0x648: {  	v3 =	vand.u32 $0x7, v3;
	v4 =	vand.u32 $0xFFFFFFF0, v48  }
0x649: {  	v3 =	vor.u32 v3, v4  }
0x64a: {  	v4 =	vperm.xlane v3, v0;
	_ =	sdelay $0x1  }
0x64b: {  	v3 =	vperm.xlane v3, v2;
	v4 =	vadd.s32 v1, v4;
	_ =	sdelay $0x1  }
0x64c: {  	v3 =	vadd.s32 v1, v3;
	_ =	sdelay $0x1  }
0x64d: {  	s9 =	simm.s32 $0xC400  }
0x64e: {  	[tilespmem:s9], [sflag:$0x1] =	stream.indirect_vreg.gather [hbm4b:s2+s3], $0x80, v4, vm0, $0xb8;
	[tilespmem:$0x1A400] =	vst v63  }
0x64f: {  	s20 =	simm.s32 $0xCC00  }
0x650: {  	[tilespmem:s20], [sflag:$0x1] =	stream.indirect_vreg.gather [hbm4b:s2+s3], $0x80, v3, vm0, $0xb8;
	[tilespmem:$0x1A400] =	vst v63  }
0x651: {  	v3 =	vld.msk [tilespmem:$0x890], $0xff;
	_ =	sdelay $0x4  }
0x652: {  	v49 =	vshll.u32 v3, $0x1  }
0x653: {  	v3 =	vand.u32 $0x7, v3;
	v4 =	vand.u32 $0xFFFFFFF0, v49  }
0x654: {  	v3 =	vor.u32 v3, v4  }
0x655: {  	v3 =	vperm.xlane v3, v0;
	_ =	sdelay $0x1  }
0x656: {  	v3 =	vadd.s32 v1, v3;
	_ =	sdelay $0x3  }
0x657: {  	s18 =	simm.s32 $0xD400  }
0x658: {  	[tilespmem:s18], [sflag:$0x1] =	stream.indirect_vreg.gather [hbm4b:s2+s3], $0x80, v3, vm0, $0xb8;
	[tilespmem:$0x1A400] =	vst v63  }
0x659: {  	_ =	swait.ge [sflag:s1], $0xC800  }
0x65a: {  	[sflag:s1] =	ssyncset.done $0x0  }
0x65b: {  	s9 =	rddreg [dreg:$0xe];
	[sflag:s1] =	ssyncadd.s32 $0xFFFF3800  }
0x65c: {  	[hbm4b:s9+s3] =	stream.linear.scatter [tilespmem:s19], [sflag:$0x3], $0xC800, $0x38;
	[tilespmem:$0x1A400] =	vst v63  }
0x65d: {  	_ =	swait.ge [sflag:s8], $0xC800  }
0x65e: {  	[sflag:s8] =	ssyncset.done $0x0  }
0x65f: {  	[sflag:s8] =	ssyncadd.s32 $0xFFFF3800  }
0x660: {  	v3 =	vld [tilespmem:$0x898];
	_ =	sdelay $0x4  }
0x661: {  	v50 =	vshll.u32 v3, $0x1  }
0x662: {  	v3 =	vand.u32 $0x7, v3;
	v4 =	vand.u32 $0xFFFFFFF0, v50  }
0x663: {  	v3 =	vor.u32 v3, v4  }
0x664: {  	v4 =	vperm.xlane v3, v0;
	_ =	sdelay $0x1  }
0x665: {  	v3 =	vperm.xlane v3, v2;
	v4 =	vadd.s32 v1, v4;
	_ =	sdelay $0x1  }
0x666: {  	v3 =	vadd.s32 v1, v3;
	_ =	sdelay $0x2  }
0x667: {  	[tilespmem:s0], [sflag:$0x2] =	stream.indirect_vreg.gather [hbm4b:s2+s3], $0x80, v4, vm0, $0xb8;
	[tilespmem:$0x1A400] =	vst v63  }
0x668: {  	s9 =	simm.s32 $0xE400  }
0x669: {  	[tilespmem:s9], [sflag:$0x2] =	stream.indirect_vreg.gather [hbm4b:s2+s3], $0x80, v3, vm0, $0xb8;
	[tilespmem:$0x1A400] =	vst v63  }
0x66a: {  	v3 =	vld [tilespmem:$0x8A8];
	_ =	sdelay $0x4  }
0x66b: {  	v51 =	vshll.u32 v3, $0x1  }
0x66c: {  	v3 =	vand.u32 $0x7, v3;
	v4 =	vand.u32 $0xFFFFFFF0, v51  }
0x66d: {  	v3 =	vor.u32 v3, v4  }
0x66e: {  	v4 =	vperm.xlane v3, v0;
	_ =	sdelay $0x1  }
0x66f: {  	v3 =	vperm.xlane v3, v2;
	v4 =	vadd.s32 v1, v4;
	_ =	sdelay $0x1  }
0x670: {  	v3 =	vadd.s32 v1, v3;
	_ =	sdelay $0x1  }
0x671: {  	s5 =	simm.s32 $0xEC00  }
0x672: {  	[tilespmem:s5], [sflag:$0x2] =	stream.indirect_vreg.gather [hbm4b:s2+s3], $0x80, v4, vm0, $0xb8;
	[tilespmem:$0x1A400] =	vst v63  }
0x673: {  	s9 =	simm.s32 $0xF400  }
0x674: {  	[tilespmem:s9], [sflag:$0x2] =	stream.indirect_vreg.gather [hbm4b:s2+s3], $0x80, v3, vm0, $0xb8;
	[tilespmem:$0x1A400] =	vst v63  }
0x675: {  	v3 =	vld [tilespmem:$0x8B8];
	_ =	sdelay $0x4  }
0x676: {  	v52 =	vshll.u32 v3, $0x1  }
0x677: {  	v3 =	vand.u32 $0x7, v3;
	v4 =	vand.u32 $0xFFFFFFF0, v52  }
0x678: {  	v3 =	vor.u32 v3, v4  }
0x679: {  	v4 =	vperm.xlane v3, v0;
	_ =	sdelay $0x1  }
0x67a: {  	v3 =	vperm.xlane v3, v2;
	v4 =	vadd.s32 v1, v4;
	_ =	sdelay $0x1  }
0x67b: {  	v3 =	vadd.s32 v1, v3;
	_ =	sdelay $0x1  }
0x67c: {  	s21 =	simm.s32 $0xFC00  }
0x67d: {  	[tilespmem:s21], [sflag:$0x2] =	stream.indirect_vreg.gather [hbm4b:s2+s3], $0x80, v4, vm0, $0xb8;
	[tilespmem:$0x1A400] =	vst v63  }
0x67e: {  	s9 =	simm.s32 $0x10400  }
0x67f: {  	[tilespmem:s9], [sflag:$0x2] =	stream.indirect_vreg.gather [hbm4b:s2+s3], $0x80, v3, vm0, $0xb8;
	[tilespmem:$0x1A400] =	vst v63  }
0x680: {  	v3 =	vld [tilespmem:$0x8C8];
	_ =	sdelay $0x4  }
0x681: {  	v53 =	vshll.u32 v3, $0x1  }
0x682: {  	v3 =	vand.u32 $0x7, v3;
	v4 =	vand.u32 $0xFFFFFFF0, v53  }
0x683: {  	v3 =	vor.u32 v3, v4  }
0x684: {  	v4 =	vperm.xlane v3, v0;
	_ =	sdelay $0x1  }
0x685: {  	v3 =	vperm.xlane v3, v2;
	v4 =	vadd.s32 v1, v4;
	_ =	sdelay $0x1  }
0x686: {  	v3 =	vadd.s32 v1, v3;
	_ =	sdelay $0x1  }
0x687: {  	s22 =	simm.s32 $0x10C00  }
0x688: {  	[tilespmem:s22], [sflag:$0x2] =	stream.indirect_vreg.gather [hbm4b:s2+s3], $0x80, v4, vm0, $0xb8;
	[tilespmem:$0x1A400] =	vst v63  }
0x689: {  	s9 =	simm.s32 $0x11400  }
0x68a: {  	[tilespmem:s9], [sflag:$0x2] =	stream.indirect_vreg.gather [hbm4b:s2+s3], $0x80, v3, vm0, $0xb8;
	[tilespmem:$0x1A400] =	vst v63  }
0x68b: {  	v3 =	vld [tilespmem:$0x8D8];
	_ =	sdelay $0x4  }
0x68c: {  	v54 =	vshll.u32 v3, $0x1  }
0x68d: {  	v3 =	vand.u32 $0x7, v3;
	v4 =	vand.u32 $0xFFFFFFF0, v54  }
0x68e: {  	v3 =	vor.u32 v3, v4  }
0x68f: {  	v4 =	vperm.xlane v3, v0;
	_ =	sdelay $0x1  }
0x690: {  	v3 =	vperm.xlane v3, v2;
	v4 =	vadd.s32 v1, v4;
	_ =	sdelay $0x1  }
0x691: {  	v3 =	vadd.s32 v1, v3;
	_ =	sdelay $0x1  }
0x692: {  	s23 =	simm.s32 $0x11C00  }
0x693: {  	[tilespmem:s23], [sflag:$0x2] =	stream.indirect_vreg.gather [hbm4b:s2+s3], $0x80, v4, vm0, $0xb8;
	[tilespmem:$0x1A400] =	vst v63  }
0x694: {  	s9 =	simm.s32 $0x12400  }
0x695: {  	[tilespmem:s9], [sflag:$0x2] =	stream.indirect_vreg.gather [hbm4b:s2+s3], $0x80, v3, vm0, $0xb8;
	[tilespmem:$0x1A400] =	vst v63  }
0x696: {  	v3 =	vld [tilespmem:$0x8E8];
	_ =	sdelay $0x4  }
0x697: {  	v55 =	vshll.u32 v3, $0x1  }
0x698: {  	v3 =	vand.u32 $0x7, v3;
	v4 =	vand.u32 $0xFFFFFFF0, v55  }
0x699: {  	v3 =	vor.u32 v3, v4  }
0x69a: {  	v4 =	vperm.xlane v3, v0;
	_ =	sdelay $0x1  }
0x69b: {  	v3 =	vperm.xlane v3, v2;
	v4 =	vadd.s32 v1, v4;
	_ =	sdelay $0x1  }
0x69c: {  	v3 =	vadd.s32 v1, v3;
	_ =	sdelay $0x1  }
0x69d: {  	s24 =	simm.s32 $0x12C00  }
0x69e: {  	[tilespmem:s24], [sflag:$0x2] =	stream.indirect_vreg.gather [hbm4b:s2+s3], $0x80, v4, vm0, $0xb8;
	[tilespmem:$0x1A400] =	vst v63  }
0x69f: {  	s9 =	simm.s32 $0x13400  }
0x6a0: {  	[tilespmem:s9], [sflag:$0x2] =	stream.indirect_vreg.gather [hbm4b:s2+s3], $0x80, v3, vm0, $0xb8;
	[tilespmem:$0x1A400] =	vst v63  }
0x6a1: {  	v3 =	vld [tilespmem:$0x8F8];
	_ =	sdelay $0x4  }
0x6a2: {  	v56 =	vshll.u32 v3, $0x1  }
0x6a3: {  	v3 =	vand.u32 $0x7, v3;
	v4 =	vand.u32 $0xFFFFFFF0, v56  }
0x6a4: {  	v3 =	vor.u32 v3, v4  }
0x6a5: {  	v4 =	vperm.xlane v3, v0;
	_ =	sdelay $0x1  }
0x6a6: {  	v3 =	vperm.xlane v3, v2;
	v4 =	vadd.s32 v1, v4;
	_ =	sdelay $0x1  }
0x6a7: {  	v3 =	vadd.s32 v1, v3;
	_ =	sdelay $0x1  }
0x6a8: {  	s25 =	simm.s32 $0x13C00  }
0x6a9: {  	[tilespmem:s25], [sflag:$0x2] =	stream.indirect_vreg.gather [hbm4b:s2+s3], $0x80, v4, vm0, $0xb8;
	[tilespmem:$0x1A400] =	vst v63  }
0x6aa: {  	s9 =	simm.s32 $0x14400  }
0x6ab: {  	[tilespmem:s9], [sflag:$0x2] =	stream.indirect_vreg.gather [hbm4b:s2+s3], $0x80, v3, vm0, $0xb8;
	[tilespmem:$0x1A400] =	vst v63  }
0x6ac: {  	v3 =	vld [tilespmem:$0x908];
	_ =	sdelay $0x4  }
0x6ad: {  	v57 =	vshll.u32 v3, $0x1  }
0x6ae: {  	v3 =	vand.u32 $0x7, v3;
	v4 =	vand.u32 $0xFFFFFFF0, v57  }
0x6af: {  	v3 =	vor.u32 v3, v4  }
0x6b0: {  	v4 =	vperm.xlane v3, v0;
	_ =	sdelay $0x1  }
0x6b1: {  	v3 =	vperm.xlane v3, v2;
	v4 =	vadd.s32 v1, v4;
	_ =	sdelay $0x1  }
0x6b2: {  	v3 =	vadd.s32 v1, v3;
	_ =	sdelay $0x1  }
0x6b3: {  	s26 =	simm.s32 $0x14C00  }
0x6b4: {  	[tilespmem:s26], [sflag:$0x2] =	stream.indirect_vreg.gather [hbm4b:s2+s3], $0x80, v4, vm0, $0xb8;
	[tilespmem:$0x1A400] =	vst v63  }
0x6b5: {  	s9 =	simm.s32 $0x15400  }
0x6b6: {  	[tilespmem:s9], [sflag:$0x2] =	stream.indirect_vreg.gather [hbm4b:s2+s3], $0x80, v3, vm0, $0xb8;
	[tilespmem:$0x1A400] =	vst v63  }
0x6b7: {  	v3 =	vld [tilespmem:$0x918];
	_ =	sdelay $0x4  }
0x6b8: {  	v58 =	vshll.u32 v3, $0x1  }
0x6b9: {  	v3 =	vand.u32 $0x7, v3;
	v4 =	vand.u32 $0xFFFFFFF0, v58  }
0x6ba: {  	v3 =	vor.u32 v3, v4  }
0x6bb: {  	v4 =	vperm.xlane v3, v0;
	_ =	sdelay $0x1  }
0x6bc: {  	v3 =	vperm.xlane v3, v2;
	v4 =	vadd.s32 v1, v4;
	_ =	sdelay $0x1  }
0x6bd: {  	v3 =	vadd.s32 v1, v3;
	_ =	sdelay $0x1  }
0x6be: {  	s28 =	simm.s32 $0x15C00  }
0x6bf: {  	[tilespmem:s28], [sflag:$0x2] =	stream.indirect_vreg.gather [hbm4b:s2+s3], $0x80, v4, vm0, $0xb8;
	[tilespmem:$0x1A400] =	vst v63  }
0x6c0: {  	s9 =	simm.s32 $0x16400  }
0x6c1: {  	[tilespmem:s9], [sflag:$0x2] =	stream.indirect_vreg.gather [hbm4b:s2+s3], $0x80, v3, vm0, $0xb8;
	[tilespmem:$0x1A400] =	vst v63  }
0x6c2: {  	v3 =	vld [tilespmem:$0x928];
	_ =	sdelay $0x4  }
0x6c3: {  	v59 =	vshll.u32 v3, $0x1  }
0x6c4: {  	v3 =	vand.u32 $0x7, v3;
	v4 =	vand.u32 $0xFFFFFFF0, v59  }
0x6c5: {  	v3 =	vor.u32 v3, v4  }
0x6c6: {  	v4 =	vperm.xlane v3, v0;
	_ =	sdelay $0x1  }
0x6c7: {  	v3 =	vperm.xlane v3, v2;
	v4 =	vadd.s32 v1, v4;
	_ =	sdelay $0x1  }
0x6c8: {  	v3 =	vadd.s32 v1, v3;
	_ =	sdelay $0x1  }
0x6c9: {  	s29 =	simm.s32 $0x16C00  }
0x6ca: {  	[tilespmem:s29], [sflag:$0x2] =	stream.indirect_vreg.gather [hbm4b:s2+s3], $0x80, v4, vm0, $0xb8;
	[tilespmem:$0x1A400] =	vst v63  }
0x6cb: {  	s9 =	simm.s32 $0x17400  }
0x6cc: {  	[tilespmem:s9], [sflag:$0x2] =	stream.indirect_vreg.gather [hbm4b:s2+s3], $0x80, v3, vm0, $0xb8;
	[tilespmem:$0x1A400] =	vst v63  }
0x6cd: {  	v3 =	vld [tilespmem:$0x938];
	_ =	sdelay $0x4  }
0x6ce: {  	v60 =	vshll.u32 v3, $0x1  }
0x6cf: {  	v3 =	vand.u32 $0x7, v3;
	v4 =	vand.u32 $0xFFFFFFF0, v60  }
0x6d0: {  	v3 =	vor.u32 v3, v4  }
0x6d1: {  	v4 =	vperm.xlane v3, v0;
	_ =	sdelay $0x1  }
0x6d2: {  	v3 =	vperm.xlane v3, v2;
	v4 =	vadd.s32 v1, v4;
	_ =	sdelay $0x1  }
0x6d3: {  	v3 =	vadd.s32 v1, v3;
	_ =	sdelay $0x1  }
0x6d4: {  	s30 =	simm.s32 $0x17C00  }
0x6d5: {  	[tilespmem:s30], [sflag:$0x2] =	stream.indirect_vreg.gather [hbm4b:s2+s3], $0x80, v4, vm0, $0xb8;
	[tilespmem:$0x1A400] =	vst v63  }
0x6d6: {  	s9 =	simm.s32 $0x18400  }
0x6d7: {  	[tilespmem:s9], [sflag:$0x2] =	stream.indirect_vreg.gather [hbm4b:s2+s3], $0x80, v3, vm0, $0xb8;
	[tilespmem:$0x1A400] =	vst v63  }
0x6d8: {  	v3 =	vld [tilespmem:$0x948];
	_ =	sdelay $0x4  }
0x6d9: {  	v61 =	vshll.u32 v3, $0x1  }
0x6da: {  	v3 =	vand.u32 $0x7, v3;
	v4 =	vand.u32 $0xFFFFFFF0, v61  }
0x6db: {  	v3 =	vor.u32 v3, v4  }
0x6dc: {  	v4 =	vperm.xlane v3, v0;
	_ =	sdelay $0x1  }
0x6dd: {  	v3 =	vperm.xlane v3, v2;
	v4 =	vadd.s32 v1, v4;
	_ =	sdelay $0x1  }
0x6de: {  	v3 =	vadd.s32 v1, v3;
	_ =	sdelay $0x1  }
0x6df: {  	s31 =	simm.s32 $0x18C00  }
0x6e0: {  	[tilespmem:s31], [sflag:$0x2] =	stream.indirect_vreg.gather [hbm4b:s2+s3], $0x80, v4, vm0, $0xb8;
	[tilespmem:$0x1A400] =	vst v63  }
0x6e1: {  	s9 =	simm.s32 $0x19400  }
0x6e2: {  	[tilespmem:s9], [sflag:$0x2] =	stream.indirect_vreg.gather [hbm4b:s2+s3], $0x80, v3, vm0, $0xb8;
	[tilespmem:$0x1A400] =	vst v63  }
0x6e3: {  	v3 =	vld.msk [tilespmem:$0x958], $0xff;
	_ =	sdelay $0x4  }
0x6e4: {  	v62 =	vshll.u32 v3, $0x1  }
0x6e5: {  	v3 =	vand.u32 $0x7, v3;
	v4 =	vand.u32 $0xFFFFFFF0, v62  }
0x6e6: {  	v3 =	vor.u32 v3, v4  }
0x6e7: {  	v3 =	vperm.xlane v3, v0;
	_ =	sdelay $0x1  }
0x6e8: {  	v3 =	vadd.s32 v1, v3;
	_ =	sdelay $0x3  }
0x6e9: {  	s9 =	simm.s32 $0x19C00  }
0x6ea: {  	[tilespmem:s9], [sflag:$0x2] =	stream.indirect_vreg.gather [hbm4b:s2+s3], $0x80, v3, vm0, $0xb8;
	[tilespmem:$0x1A400] =	vst v63  }
0x6eb: {  	_ =	swait.ge [sflag:s17], $0xC800  }
0x6ec: {  	[sflag:s17] =	ssyncset.done $0x0  }
0x6ed: {  	s9 =	rddreg [dreg:$0xf];
	[sflag:s17] =	ssyncadd.s32 $0xFFFF3800  }
0x6ee: {  	[hbm4b:s9+s3] =	stream.linear.scatter [tilespmem:s0], [sflag:$0x4], $0xC800, $0x38;
	[tilespmem:$0x1A400] =	vst v63  }
0x6ef: {  	_ =	swait.ge [sflag:s7], $0xC800  }
0x6f0: {  	[sflag:s7] =	ssyncset.done $0x0  }
0x6f1: {  	[sflag:s7] =	ssyncadd.s32 $0xFFFF3800  }
0x6f2: {  	v3 =	vld [tilespmem:$0x960];
	_ =	sdelay $0x4  }
0x6f3: {  	v63 =	vshll.u32 v3, $0x1  }
0x6f4: {  	v3 =	vand.u32 $0x7, v3;
	v4 =	vand.u32 $0xFFFFFFF0, v63  }
0x6f5: {  	v3 =	vor.u32 v3, v4  }
0x6f6: {  	v4 =	vperm.xlane v3, v0;
	_ =	sdelay $0x1  }
0x6f7: {  	v3 =	vperm.xlane v3, v2;
	v4 =	vadd.s32 v1, v4;
	_ =	sdelay $0x1  }
0x6f8: {  	v3 =	vadd.s32 v1, v3;
	_ =	sdelay $0x2  }
0x6f9: {  	[tilespmem:s19], [sflag:$0x1] =	stream.indirect_vreg.gather [hbm4b:s2+s3], $0x80, v4, vm0, $0xb8;
	[tilespmem:$0x1A400] =	vst v63  }
0x6fa: {  	s9 =	simm.s32 $0x1C00  }
0x6fb: {  	[tilespmem:s9], [sflag:$0x1] =	stream.indirect_vreg.gather [hbm4b:s2+s3], $0x80, v3, vm0, $0xb8;
	[tilespmem:$0x1A400] =	vst v63  }
0x6fc: {  	v3 =	vld [tilespmem:$0x970];
	_ =	sdelay $0x4  }
0x6fd: {  	v8 =	vshll.u32 v3, $0x1  }
0x6fe: {  	v3 =	vand.u32 $0x7, v3;
	v4 =	vand.u32 $0xFFFFFFF0, v8  }
0x6ff: {  	v3 =	vor.u32 v3, v4  }
0x700: {  	v4 =	vperm.xlane v3, v0;
	_ =	sdelay $0x1  }
0x701: {  	v3 =	vperm.xlane v3, v2;
	v4 =	vadd.s32 v1, v4;
	_ =	sdelay $0x1  }
0x702: {  	v3 =	vadd.s32 v1, v3;
	_ =	sdelay $0x1  }
0x703: {  	s9 =	simm.s32 $0x2400  }
0x704: {  	[tilespmem:s9], [sflag:$0x1] =	stream.indirect_vreg.gather [hbm4b:s2+s3], $0x80, v4, vm0, $0xb8;
	[tilespmem:$0x1A400] =	vst v63  }
0x705: {  	s16 =	simm.s32 $0x2C00  }
0x706: {  	[tilespmem:s16], [sflag:$0x1] =	stream.indirect_vreg.gather [hbm4b:s2+s3], $0x80, v3, vm0, $0xb8;
	[tilespmem:$0x1A400] =	vst v63  }
0x707: {  	v3 =	vld [tilespmem:$0x980];
	_ =	sdelay $0x4  }
0x708: {  	v9 =	vshll.u32 v3, $0x1  }
0x709: {  	v3 =	vand.u32 $0x7, v3;
	v4 =	vand.u32 $0xFFFFFFF0, v9  }
0x70a: {  	v3 =	vor.u32 v3, v4  }
0x70b: {  	v4 =	vperm.xlane v3, v0;
	_ =	sdelay $0x1  }
0x70c: {  	v3 =	vperm.xlane v3, v2;
	v4 =	vadd.s32 v1, v4;
	_ =	sdelay $0x1  }
0x70d: {  	v3 =	vadd.s32 v1, v3;
	_ =	sdelay $0x1  }
0x70e: {  	s9 =	simm.s32 $0x3400  }
0x70f: {  	[tilespmem:s9], [sflag:$0x1] =	stream.indirect_vreg.gather [hbm4b:s2+s3], $0x80, v4, vm0, $0xb8;
	[tilespmem:$0x1A400] =	vst v63  }
0x710: {  	s4 =	simm.s32 $0x3C00  }
0x711: {  	[tilespmem:s4], [sflag:$0x1] =	stream.indirect_vreg.gather [hbm4b:s2+s3], $0x80, v3, vm0, $0xb8;
	[tilespmem:$0x1A400] =	vst v63  }
0x712: {  	v3 =	vld [tilespmem:$0x990];
	_ =	sdelay $0x4  }
0x713: {  	v10 =	vshll.u32 v3, $0x1  }
0x714: {  	v3 =	vand.u32 $0x7, v3;
	v4 =	vand.u32 $0xFFFFFFF0, v10  }
0x715: {  	v3 =	vor.u32 v3, v4  }
0x716: {  	v4 =	vperm.xlane v3, v0;
	_ =	sdelay $0x1  }
0x717: {  	v3 =	vperm.xlane v3, v2;
	v4 =	vadd.s32 v1, v4;
	_ =	sdelay $0x1  }
0x718: {  	v3 =	vadd.s32 v1, v3;
	_ =	sdelay $0x1  }
0x719: {  	s9 =	simm.s32 $0x4400  }
0x71a: {  	[tilespmem:s9], [sflag:$0x1] =	stream.indirect_vreg.gather [hbm4b:s2+s3], $0x80, v4, vm0, $0xb8;
	[tilespmem:$0x1A400] =	vst v63  }
0x71b: {  	s6 =	simm.s32 $0x4C00  }
0x71c: {  	[tilespmem:s6], [sflag:$0x1] =	stream.indirect_vreg.gather [hbm4b:s2+s3], $0x80, v3, vm0, $0xb8;
	[tilespmem:$0x1A400] =	vst v63  }
0x71d: {  	v3 =	vld [tilespmem:$0x9A0];
	_ =	sdelay $0x4  }
0x71e: {  	v11 =	vshll.u32 v3, $0x1  }
0x71f: {  	v3 =	vand.u32 $0x7, v3;
	v4 =	vand.u32 $0xFFFFFFF0, v11  }
0x720: {  	v3 =	vor.u32 v3, v4  }
0x721: {  	v4 =	vperm.xlane v3, v0;
	_ =	sdelay $0x1  }
0x722: {  	v3 =	vperm.xlane v3, v2;
	v4 =	vadd.s32 v1, v4;
	_ =	sdelay $0x1  }
0x723: {  	v3 =	vadd.s32 v1, v3;
	_ =	sdelay $0x1  }
0x724: {  	s9 =	simm.s32 $0x5400  }
0x725: {  	[tilespmem:s9], [sflag:$0x1] =	stream.indirect_vreg.gather [hbm4b:s2+s3], $0x80, v4, vm0, $0xb8;
	[tilespmem:$0x1A400] =	vst v63  }
0x726: {  	s10 =	simm.s32 $0x5C00  }
0x727: {  	[tilespmem:s10], [sflag:$0x1] =	stream.indirect_vreg.gather [hbm4b:s2+s3], $0x80, v3, vm0, $0xb8;
	[tilespmem:$0x1A400] =	vst v63  }
0x728: {  	v3 =	vld [tilespmem:$0x9B0];
	_ =	sdelay $0x4  }
0x729: {  	v12 =	vshll.u32 v3, $0x1  }
0x72a: {  	v3 =	vand.u32 $0x7, v3;
	v4 =	vand.u32 $0xFFFFFFF0, v12  }
0x72b: {  	v3 =	vor.u32 v3, v4  }
0x72c: {  	v4 =	vperm.xlane v3, v0;
	_ =	sdelay $0x1  }
0x72d: {  	v3 =	vperm.xlane v3, v2;
	v4 =	vadd.s32 v1, v4;
	_ =	sdelay $0x1  }
0x72e: {  	v3 =	vadd.s32 v1, v3;
	_ =	sdelay $0x1  }
0x72f: {  	s9 =	simm.s32 $0x6400  }
0x730: {  	[tilespmem:s9], [sflag:$0x1] =	stream.indirect_vreg.gather [hbm4b:s2+s3], $0x80, v4, vm0, $0xb8;
	[tilespmem:$0x1A400] =	vst v63  }
0x731: {  	s11 =	simm.s32 $0x6C00  }
0x732: {  	[tilespmem:s11], [sflag:$0x1] =	stream.indirect_vreg.gather [hbm4b:s2+s3], $0x80, v3, vm0, $0xb8;
	[tilespmem:$0x1A400] =	vst v63  }
0x733: {  	v3 =	vld [tilespmem:$0x9C0];
	_ =	sdelay $0x4  }
0x734: {  	v13 =	vshll.u32 v3, $0x1  }
0x735: {  	v3 =	vand.u32 $0x7, v3;
	v4 =	vand.u32 $0xFFFFFFF0, v13  }
0x736: {  	v3 =	vor.u32 v3, v4  }
0x737: {  	v4 =	vperm.xlane v3, v0;
	_ =	sdelay $0x1  }
0x738: {  	v3 =	vperm.xlane v3, v2;
	v4 =	vadd.s32 v1, v4;
	_ =	sdelay $0x1  }
0x739: {  	v3 =	vadd.s32 v1, v3;
	_ =	sdelay $0x1  }
0x73a: {  	s9 =	simm.s32 $0x7400  }
0x73b: {  	[tilespmem:s9], [sflag:$0x1] =	stream.indirect_vreg.gather [hbm4b:s2+s3], $0x80, v4, vm0, $0xb8;
	[tilespmem:$0x1A400] =	vst v63  }
0x73c: {  	s12 =	simm.s32 $0x7C00  }
0x73d: {  	[tilespmem:s12], [sflag:$0x1] =	stream.indirect_vreg.gather [hbm4b:s2+s3], $0x80, v3, vm0, $0xb8;
	[tilespmem:$0x1A400] =	vst v63  }
0x73e: {  	v3 =	vld [tilespmem:$0x9D0];
	_ =	sdelay $0x4  }
0x73f: {  	v14 =	vshll.u32 v3, $0x1  }
0x740: {  	v3 =	vand.u32 $0x7, v3;
	v4 =	vand.u32 $0xFFFFFFF0, v14  }
0x741: {  	v3 =	vor.u32 v3, v4  }
0x742: {  	v4 =	vperm.xlane v3, v0;
	_ =	sdelay $0x1  }
0x743: {  	v3 =	vperm.xlane v3, v2;
	v4 =	vadd.s32 v1, v4;
	_ =	sdelay $0x1  }
0x744: {  	v3 =	vadd.s32 v1, v3;
	_ =	sdelay $0x1  }
0x745: {  	s9 =	simm.s32 $0x8400  }
0x746: {  	[tilespmem:s9], [sflag:$0x1] =	stream.indirect_vreg.gather [hbm4b:s2+s3], $0x80, v4, vm0, $0xb8;
	[tilespmem:$0x1A400] =	vst v63  }
0x747: {  	s13 =	simm.s32 $0x8C00  }
0x748: {  	[tilespmem:s13], [sflag:$0x1] =	stream.indirect_vreg.gather [hbm4b:s2+s3], $0x80, v3, vm0, $0xb8;
	[tilespmem:$0x1A400] =	vst v63  }
0x749: {  	v3 =	vld [tilespmem:$0x9E0];
	_ =	sdelay $0x4  }
0x74a: {  	v15 =	vshll.u32 v3, $0x1  }
0x74b: {  	v3 =	vand.u32 $0x7, v3;
	v4 =	vand.u32 $0xFFFFFFF0, v15  }
0x74c: {  	v3 =	vor.u32 v3, v4  }
0x74d: {  	v4 =	vperm.xlane v3, v0;
	_ =	sdelay $0x1  }
0x74e: {  	v3 =	vperm.xlane v3, v2;
	v4 =	vadd.s32 v1, v4;
	_ =	sdelay $0x1  }
0x74f: {  	v3 =	vadd.s32 v1, v3;
	_ =	sdelay $0x1  }
0x750: {  	s9 =	simm.s32 $0x9400  }
0x751: {  	[tilespmem:s9], [sflag:$0x1] =	stream.indirect_vreg.gather [hbm4b:s2+s3], $0x80, v4, vm0, $0xb8;
	[tilespmem:$0x1A400] =	vst v63  }
0x752: {  	s14 =	simm.s32 $0x9C00  }
0x753: {  	[tilespmem:s14], [sflag:$0x1] =	stream.indirect_vreg.gather [hbm4b:s2+s3], $0x80, v3, vm0, $0xb8;
	[tilespmem:$0x1A400] =	vst v63  }
0x754: {  	v3 =	vld [tilespmem:$0x9F0];
	_ =	sdelay $0x4  }
0x755: {  	v16 =	vshll.u32 v3, $0x1  }
0x756: {  	v3 =	vand.u32 $0x7, v3;
	v4 =	vand.u32 $0xFFFFFFF0, v16  }
0x757: {  	v3 =	vor.u32 v3, v4  }
0x758: {  	v4 =	vperm.xlane v3, v0;
	_ =	sdelay $0x1  }
0x759: {  	v3 =	vperm.xlane v3, v2;
	v4 =	vadd.s32 v1, v4;
	_ =	sdelay $0x1  }
0x75a: {  	v3 =	vadd.s32 v1, v3;
	_ =	sdelay $0x1  }
0x75b: {  	s9 =	simm.s32 $0xA400  }
0x75c: {  	[tilespmem:s9], [sflag:$0x1] =	stream.indirect_vreg.gather [hbm4b:s2+s3], $0x80, v4, vm0, $0xb8;
	[tilespmem:$0x1A400] =	vst v63  }
0x75d: {  	s15 =	simm.s32 $0xAC00  }
0x75e: {  	[tilespmem:s15], [sflag:$0x1] =	stream.indirect_vreg.gather [hbm4b:s2+s3], $0x80, v3, vm0, $0xb8;
	[tilespmem:$0x1A400] =	vst v63  }
0x75f: {  	v3 =	vld [tilespmem:$0xA00];
	_ =	sdelay $0x4  }
0x760: {  	v17 =	vshll.u32 v3, $0x1  }
0x761: {  	v3 =	vand.u32 $0x7, v3;
	v4 =	vand.u32 $0xFFFFFFF0, v17  }
0x762: {  	v3 =	vor.u32 v3, v4  }
0x763: {  	v4 =	vperm.xlane v3, v0;
	_ =	sdelay $0x1  }
0x764: {  	v3 =	vperm.xlane v3, v2;
	v4 =	vadd.s32 v1, v4;
	_ =	sdelay $0x1  }
0x765: {  	v3 =	vadd.s32 v1, v3;
	_ =	sdelay $0x1  }
0x766: {  	s9 =	simm.s32 $0xB400  }
0x767: {  	[tilespmem:s9], [sflag:$0x1] =	stream.indirect_vreg.gather [hbm4b:s2+s3], $0x80, v4, vm0, $0xb8;
	[tilespmem:$0x1A400] =	vst v63  }
0x768: {  	s9 =	simm.s32 $0xBC00  }
0x769: {  	[tilespmem:s9], [sflag:$0x1] =	stream.indirect_vreg.gather [hbm4b:s2+s3], $0x80, v3, vm0, $0xb8;
	[tilespmem:$0x1A400] =	vst v63  }
0x76a: {  	v3 =	vld [tilespmem:$0xA10];
	_ =	sdelay $0x4  }
0x76b: {  	v18 =	vshll.u32 v3, $0x1  }
0x76c: {  	v3 =	vand.u32 $0x7, v3;
	v4 =	vand.u32 $0xFFFFFFF0, v18  }
0x76d: {  	v3 =	vor.u32 v3, v4  }
0x76e: {  	v4 =	vperm.xlane v3, v0;
	_ =	sdelay $0x1  }
0x76f: {  	v3 =	vperm.xlane v3, v2;
	v4 =	vadd.s32 v1, v4;
	_ =	sdelay $0x1  }
0x770: {  	v3 =	vadd.s32 v1, v3;
	_ =	sdelay $0x1  }
0x771: {  	s9 =	simm.s32 $0xC400  }
0x772: {  	[tilespmem:s9], [sflag:$0x1] =	stream.indirect_vreg.gather [hbm4b:s2+s3], $0x80, v4, vm0, $0xb8;
	[tilespmem:$0x1A400] =	vst v63  }
0x773: {  	s20 =	simm.s32 $0xCC00  }
0x774: {  	[tilespmem:s20], [sflag:$0x1] =	stream.indirect_vreg.gather [hbm4b:s2+s3], $0x80, v3, vm0, $0xb8;
	[tilespmem:$0x1A400] =	vst v63  }
0x775: {  	v3 =	vld.msk [tilespmem:$0xA20], $0xff;
	_ =	sdelay $0x4  }
0x776: {  	v19 =	vshll.u32 v3, $0x1  }
0x777: {  	v3 =	vand.u32 $0x7, v3;
	v4 =	vand.u32 $0xFFFFFFF0, v19  }
0x778: {  	v3 =	vor.u32 v3, v4  }
0x779: {  	v3 =	vperm.xlane v3, v0;
	_ =	sdelay $0x1  }
0x77a: {  	v3 =	vadd.s32 v1, v3;
	_ =	sdelay $0x3  }
0x77b: {  	s18 =	simm.s32 $0xD400  }
0x77c: {  	[tilespmem:s18], [sflag:$0x1] =	stream.indirect_vreg.gather [hbm4b:s2+s3], $0x80, v3, vm0, $0xb8;
	[tilespmem:$0x1A400] =	vst v63  }
0x77d: {  	_ =	swait.ge [sflag:s1], $0xC800  }
0x77e: {  	[sflag:s1] =	ssyncset.done $0x0  }
0x77f: {  	s9 =	rddreg [dreg:$0x10];
	[sflag:s1] =	ssyncadd.s32 $0xFFFF3800  }
0x780: {  	[hbm4b:s9+s3] =	stream.linear.scatter [tilespmem:s19], [sflag:$0x3], $0xC800, $0x38;
	[tilespmem:$0x1A400] =	vst v63  }
0x781: {  	_ =	swait.ge [sflag:s8], $0xC800  }
0x782: {  	[sflag:s8] =	ssyncset.done $0x0  }
0x783: {  	[sflag:s8] =	ssyncadd.s32 $0xFFFF3800  }
0x784: {  	v3 =	vld [tilespmem:$0xA28];
	_ =	sdelay $0x4  }
0x785: {  	v20 =	vshll.u32 v3, $0x1  }
0x786: {  	v3 =	vand.u32 $0x7, v3;
	v4 =	vand.u32 $0xFFFFFFF0, v20  }
0x787: {  	v3 =	vor.u32 v3, v4  }
0x788: {  	v4 =	vperm.xlane v3, v0;
	_ =	sdelay $0x1  }
0x789: {  	v3 =	vperm.xlane v3, v2;
	v4 =	vadd.s32 v1, v4;
	_ =	sdelay $0x1  }
0x78a: {  	v3 =	vadd.s32 v1, v3;
	_ =	sdelay $0x2  }
0x78b: {  	[tilespmem:s0], [sflag:$0x2] =	stream.indirect_vreg.gather [hbm4b:s2+s3], $0x80, v4, vm0, $0xb8;
	[tilespmem:$0x1A400] =	vst v63  }
0x78c: {  	s9 =	simm.s32 $0xE400  }
0x78d: {  	[tilespmem:s9], [sflag:$0x2] =	stream.indirect_vreg.gather [hbm4b:s2+s3], $0x80, v3, vm0, $0xb8;
	[tilespmem:$0x1A400] =	vst v63  }
0x78e: {  	v3 =	vld [tilespmem:$0xA38];
	_ =	sdelay $0x4  }
0x78f: {  	v21 =	vshll.u32 v3, $0x1  }
0x790: {  	v3 =	vand.u32 $0x7, v3;
	v4 =	vand.u32 $0xFFFFFFF0, v21  }
0x791: {  	v3 =	vor.u32 v3, v4  }
0x792: {  	v4 =	vperm.xlane v3, v0;
	_ =	sdelay $0x1  }
0x793: {  	v3 =	vperm.xlane v3, v2;
	v4 =	vadd.s32 v1, v4;
	_ =	sdelay $0x1  }
0x794: {  	v3 =	vadd.s32 v1, v3;
	_ =	sdelay $0x1  }
0x795: {  	s5 =	simm.s32 $0xEC00  }
0x796: {  	[tilespmem:s5], [sflag:$0x2] =	stream.indirect_vreg.gather [hbm4b:s2+s3], $0x80, v4, vm0, $0xb8;
	[tilespmem:$0x1A400] =	vst v63  }
0x797: {  	s9 =	simm.s32 $0xF400  }
0x798: {  	[tilespmem:s9], [sflag:$0x2] =	stream.indirect_vreg.gather [hbm4b:s2+s3], $0x80, v3, vm0, $0xb8;
	[tilespmem:$0x1A400] =	vst v63  }
0x799: {  	v3 =	vld [tilespmem:$0xA48];
	_ =	sdelay $0x4  }
0x79a: {  	v22 =	vshll.u32 v3, $0x1  }
0x79b: {  	v3 =	vand.u32 $0x7, v3;
	v4 =	vand.u32 $0xFFFFFFF0, v22  }
0x79c: {  	v3 =	vor.u32 v3, v4  }
0x79d: {  	v4 =	vperm.xlane v3, v0;
	_ =	sdelay $0x1  }
0x79e: {  	v3 =	vperm.xlane v3, v2;
	v4 =	vadd.s32 v1, v4;
	_ =	sdelay $0x1  }
0x79f: {  	v3 =	vadd.s32 v1, v3;
	_ =	sdelay $0x1  }
0x7a0: {  	s21 =	simm.s32 $0xFC00  }
0x7a1: {  	[tilespmem:s21], [sflag:$0x2] =	stream.indirect_vreg.gather [hbm4b:s2+s3], $0x80, v4, vm0, $0xb8;
	[tilespmem:$0x1A400] =	vst v63  }
0x7a2: {  	s9 =	simm.s32 $0x10400  }
0x7a3: {  	[tilespmem:s9], [sflag:$0x2] =	stream.indirect_vreg.gather [hbm4b:s2+s3], $0x80, v3, vm0, $0xb8;
	[tilespmem:$0x1A400] =	vst v63  }
0x7a4: {  	v3 =	vld [tilespmem:$0xA58];
	_ =	sdelay $0x4  }
0x7a5: {  	v23 =	vshll.u32 v3, $0x1  }
0x7a6: {  	v3 =	vand.u32 $0x7, v3;
	v4 =	vand.u32 $0xFFFFFFF0, v23  }
0x7a7: {  	v3 =	vor.u32 v3, v4  }
0x7a8: {  	v4 =	vperm.xlane v3, v0;
	_ =	sdelay $0x1  }
0x7a9: {  	v3 =	vperm.xlane v3, v2;
	v4 =	vadd.s32 v1, v4;
	_ =	sdelay $0x1  }
0x7aa: {  	v3 =	vadd.s32 v1, v3;
	_ =	sdelay $0x1  }
0x7ab: {  	s22 =	simm.s32 $0x10C00  }
0x7ac: {  	[tilespmem:s22], [sflag:$0x2] =	stream.indirect_vreg.gather [hbm4b:s2+s3], $0x80, v4, vm0, $0xb8;
	[tilespmem:$0x1A400] =	vst v63  }
0x7ad: {  	s9 =	simm.s32 $0x11400  }
0x7ae: {  	[tilespmem:s9], [sflag:$0x2] =	stream.indirect_vreg.gather [hbm4b:s2+s3], $0x80, v3, vm0, $0xb8;
	[tilespmem:$0x1A400] =	vst v63  }
0x7af: {  	v3 =	vld [tilespmem:$0xA68];
	_ =	sdelay $0x4  }
0x7b0: {  	v24 =	vshll.u32 v3, $0x1  }
0x7b1: {  	v3 =	vand.u32 $0x7, v3;
	v4 =	vand.u32 $0xFFFFFFF0, v24  }
0x7b2: {  	v3 =	vor.u32 v3, v4  }
0x7b3: {  	v4 =	vperm.xlane v3, v0;
	_ =	sdelay $0x1  }
0x7b4: {  	v3 =	vperm.xlane v3, v2;
	v4 =	vadd.s32 v1, v4;
	_ =	sdelay $0x1  }
0x7b5: {  	v3 =	vadd.s32 v1, v3;
	_ =	sdelay $0x1  }
0x7b6: {  	s23 =	simm.s32 $0x11C00  }
0x7b7: {  	[tilespmem:s23], [sflag:$0x2] =	stream.indirect_vreg.gather [hbm4b:s2+s3], $0x80, v4, vm0, $0xb8;
	[tilespmem:$0x1A400] =	vst v63  }
0x7b8: {  	s9 =	simm.s32 $0x12400  }
0x7b9: {  	[tilespmem:s9], [sflag:$0x2] =	stream.indirect_vreg.gather [hbm4b:s2+s3], $0x80, v3, vm0, $0xb8;
	[tilespmem:$0x1A400] =	vst v63  }
0x7ba: {  	v3 =	vld [tilespmem:$0xA78];
	_ =	sdelay $0x4  }
0x7bb: {  	v25 =	vshll.u32 v3, $0x1  }
0x7bc: {  	v3 =	vand.u32 $0x7, v3;
	v4 =	vand.u32 $0xFFFFFFF0, v25  }
0x7bd: {  	v3 =	vor.u32 v3, v4  }
0x7be: {  	v4 =	vperm.xlane v3, v0;
	_ =	sdelay $0x1  }
0x7bf: {  	v3 =	vperm.xlane v3, v2;
	v4 =	vadd.s32 v1, v4;
	_ =	sdelay $0x1  }
0x7c0: {  	v3 =	vadd.s32 v1, v3;
	_ =	sdelay $0x1  }
0x7c1: {  	s24 =	simm.s32 $0x12C00  }
0x7c2: {  	[tilespmem:s24], [sflag:$0x2] =	stream.indirect_vreg.gather [hbm4b:s2+s3], $0x80, v4, vm0, $0xb8;
	[tilespmem:$0x1A400] =	vst v63  }
0x7c3: {  	s9 =	simm.s32 $0x13400  }
0x7c4: {  	[tilespmem:s9], [sflag:$0x2] =	stream.indirect_vreg.gather [hbm4b:s2+s3], $0x80, v3, vm0, $0xb8;
	[tilespmem:$0x1A400] =	vst v63  }
0x7c5: {  	v3 =	vld [tilespmem:$0xA88];
	_ =	sdelay $0x4  }
0x7c6: {  	v26 =	vshll.u32 v3, $0x1  }
0x7c7: {  	v3 =	vand.u32 $0x7, v3;
	v4 =	vand.u32 $0xFFFFFFF0, v26  }
0x7c8: {  	v3 =	vor.u32 v3, v4  }
0x7c9: {  	v4 =	vperm.xlane v3, v0;
	_ =	sdelay $0x1  }
0x7ca: {  	v3 =	vperm.xlane v3, v2;
	v4 =	vadd.s32 v1, v4;
	_ =	sdelay $0x1  }
0x7cb: {  	v3 =	vadd.s32 v1, v3;
	_ =	sdelay $0x1  }
0x7cc: {  	s25 =	simm.s32 $0x13C00  }
0x7cd: {  	[tilespmem:s25], [sflag:$0x2] =	stream.indirect_vreg.gather [hbm4b:s2+s3], $0x80, v4, vm0, $0xb8;
	[tilespmem:$0x1A400] =	vst v63  }
0x7ce: {  	s9 =	simm.s32 $0x14400  }
0x7cf: {  	[tilespmem:s9], [sflag:$0x2] =	stream.indirect_vreg.gather [hbm4b:s2+s3], $0x80, v3, vm0, $0xb8;
	[tilespmem:$0x1A400] =	vst v63  }
0x7d0: {  	v3 =	vld [tilespmem:$0xA98];
	_ =	sdelay $0x4  }
0x7d1: {  	v27 =	vshll.u32 v3, $0x1  }
0x7d2: {  	v3 =	vand.u32 $0x7, v3;
	v4 =	vand.u32 $0xFFFFFFF0, v27  }
0x7d3: {  	v3 =	vor.u32 v3, v4  }
0x7d4: {  	v4 =	vperm.xlane v3, v0;
	_ =	sdelay $0x1  }
0x7d5: {  	v3 =	vperm.xlane v3, v2;
	v4 =	vadd.s32 v1, v4;
	_ =	sdelay $0x1  }
0x7d6: {  	v3 =	vadd.s32 v1, v3;
	_ =	sdelay $0x1  }
0x7d7: {  	s26 =	simm.s32 $0x14C00  }
0x7d8: {  	[tilespmem:s26], [sflag:$0x2] =	stream.indirect_vreg.gather [hbm4b:s2+s3], $0x80, v4, vm0, $0xb8;
	[tilespmem:$0x1A400] =	vst v63  }
0x7d9: {  	s9 =	simm.s32 $0x15400  }
0x7da: {  	[tilespmem:s9], [sflag:$0x2] =	stream.indirect_vreg.gather [hbm4b:s2+s3], $0x80, v3, vm0, $0xb8;
	[tilespmem:$0x1A400] =	vst v63  }
0x7db: {  	v3 =	vld [tilespmem:$0xAA8];
	_ =	sdelay $0x4  }
0x7dc: {  	v28 =	vshll.u32 v3, $0x1  }
0x7dd: {  	v3 =	vand.u32 $0x7, v3;
	v4 =	vand.u32 $0xFFFFFFF0, v28  }
0x7de: {  	v3 =	vor.u32 v3, v4  }
0x7df: {  	v4 =	vperm.xlane v3, v0;
	_ =	sdelay $0x1  }
0x7e0: {  	v3 =	vperm.xlane v3, v2;
	v4 =	vadd.s32 v1, v4;
	_ =	sdelay $0x1  }
0x7e1: {  	v3 =	vadd.s32 v1, v3;
	_ =	sdelay $0x1  }
0x7e2: {  	s28 =	simm.s32 $0x15C00  }
0x7e3: {  	[tilespmem:s28], [sflag:$0x2] =	stream.indirect_vreg.gather [hbm4b:s2+s3], $0x80, v4, vm0, $0xb8;
	[tilespmem:$0x1A400] =	vst v63  }
0x7e4: {  	s9 =	simm.s32 $0x16400  }
0x7e5: {  	[tilespmem:s9], [sflag:$0x2] =	stream.indirect_vreg.gather [hbm4b:s2+s3], $0x80, v3, vm0, $0xb8;
	[tilespmem:$0x1A400] =	vst v63  }
0x7e6: {  	v3 =	vld [tilespmem:$0xAB8];
	_ =	sdelay $0x4  }
0x7e7: {  	v29 =	vshll.u32 v3, $0x1  }
0x7e8: {  	v3 =	vand.u32 $0x7, v3;
	v4 =	vand.u32 $0xFFFFFFF0, v29  }
0x7e9: {  	v3 =	vor.u32 v3, v4  }
0x7ea: {  	v4 =	vperm.xlane v3, v0;
	_ =	sdelay $0x1  }
0x7eb: {  	v3 =	vperm.xlane v3, v2;
	v4 =	vadd.s32 v1, v4;
	_ =	sdelay $0x1  }
0x7ec: {  	v3 =	vadd.s32 v1, v3;
	_ =	sdelay $0x1  }
0x7ed: {  	s29 =	simm.s32 $0x16C00  }
0x7ee: {  	[tilespmem:s29], [sflag:$0x2] =	stream.indirect_vreg.gather [hbm4b:s2+s3], $0x80, v4, vm0, $0xb8;
	[tilespmem:$0x1A400] =	vst v63  }
0x7ef: {  	s9 =	simm.s32 $0x17400  }
0x7f0: {  	[tilespmem:s9], [sflag:$0x2] =	stream.indirect_vreg.gather [hbm4b:s2+s3], $0x80, v3, vm0, $0xb8;
	[tilespmem:$0x1A400] =	vst v63  }
0x7f1: {  	v3 =	vld [tilespmem:$0xAC8];
	_ =	sdelay $0x4  }
0x7f2: {  	v30 =	vshll.u32 v3, $0x1  }
0x7f3: {  	v3 =	vand.u32 $0x7, v3;
	v4 =	vand.u32 $0xFFFFFFF0, v30  }
0x7f4: {  	v3 =	vor.u32 v3, v4  }
0x7f5: {  	v4 =	vperm.xlane v3, v0;
	_ =	sdelay $0x1  }
0x7f6: {  	v3 =	vperm.xlane v3, v2;
	v4 =	vadd.s32 v1, v4;
	_ =	sdelay $0x1  }
0x7f7: {  	v3 =	vadd.s32 v1, v3;
	_ =	sdelay $0x1  }
0x7f8: {  	s30 =	simm.s32 $0x17C00  }
0x7f9: {  	[tilespmem:s30], [sflag:$0x2] =	stream.indirect_vreg.gather [hbm4b:s2+s3], $0x80, v4, vm0, $0xb8;
	[tilespmem:$0x1A400] =	vst v63  }
0x7fa: {  	s9 =	simm.s32 $0x18400  }
0x7fb: {  	[tilespmem:s9], [sflag:$0x2] =	stream.indirect_vreg.gather [hbm4b:s2+s3], $0x80, v3, vm0, $0xb8;
	[tilespmem:$0x1A400] =	vst v63  }
0x7fc: {  	v3 =	vld [tilespmem:$0xAD8];
	_ =	sdelay $0x4  }
0x7fd: {  	v31 =	vshll.u32 v3, $0x1  }
0x7fe: {  	v3 =	vand.u32 $0x7, v3;
	v4 =	vand.u32 $0xFFFFFFF0, v31  }
0x7ff: {  	v3 =	vor.u32 v3, v4  }
0x800: {  	v4 =	vperm.xlane v3, v0;
	_ =	sdelay $0x1  }
0x801: {  	v3 =	vperm.xlane v3, v2;
	v4 =	vadd.s32 v1, v4;
	_ =	sdelay $0x1  }
0x802: {  	v3 =	vadd.s32 v1, v3;
	_ =	sdelay $0x1  }
0x803: {  	s31 =	simm.s32 $0x18C00  }
0x804: {  	[tilespmem:s31], [sflag:$0x2] =	stream.indirect_vreg.gather [hbm4b:s2+s3], $0x80, v4, vm0, $0xb8;
	[tilespmem:$0x1A400] =	vst v63  }
0x805: {  	s9 =	simm.s32 $0x19400  }
0x806: {  	[tilespmem:s9], [sflag:$0x2] =	stream.indirect_vreg.gather [hbm4b:s2+s3], $0x80, v3, vm0, $0xb8;
	[tilespmem:$0x1A400] =	vst v63  }
0x807: {  	v3 =	vld.msk [tilespmem:$0xAE8], $0xff;
	_ =	sdelay $0x4  }
0x808: {  	v32 =	vshll.u32 v3, $0x1  }
0x809: {  	v3 =	vand.u32 $0x7, v3;
	v4 =	vand.u32 $0xFFFFFFF0, v32  }
0x80a: {  	v3 =	vor.u32 v3, v4  }
0x80b: {  	v3 =	vperm.xlane v3, v0;
	_ =	sdelay $0x1  }
0x80c: {  	v3 =	vadd.s32 v1, v3;
	_ =	sdelay $0x3  }
0x80d: {  	s9 =	simm.s32 $0x19C00  }
0x80e: {  	[tilespmem:s9], [sflag:$0x2] =	stream.indirect_vreg.gather [hbm4b:s2+s3], $0x80, v3, vm0, $0xb8;
	[tilespmem:$0x1A400] =	vst v63  }
0x80f: {  	_ =	swait.ge [sflag:s17], $0xC800  }
0x810: {  	[sflag:s17] =	ssyncset.done $0x0  }
0x811: {  	s9 =	rddreg [dreg:$0x11];
	[sflag:s17] =	ssyncadd.s32 $0xFFFF3800  }
0x812: {  	[hbm4b:s9+s3] =	stream.linear.scatter [tilespmem:s0], [sflag:$0x4], $0xC800, $0x38;
	[tilespmem:$0x1A400] =	vst v63  }
0x813: {  	_ =	swait.ge [sflag:s7], $0xC800  }
0x814: {  	[sflag:s7] =	ssyncset.done $0x0  }
0x815: {  	[sflag:s7] =	ssyncadd.s32 $0xFFFF3800  }
0x816: {  	v3 =	vld [tilespmem:$0xAF0];
	_ =	sdelay $0x4  }
0x817: {  	v33 =	vshll.u32 v3, $0x1  }
0x818: {  	v3 =	vand.u32 $0x7, v3;
	v4 =	vand.u32 $0xFFFFFFF0, v33  }
0x819: {  	v3 =	vor.u32 v3, v4  }
0x81a: {  	v4 =	vperm.xlane v3, v0;
	_ =	sdelay $0x1  }
0x81b: {  	v3 =	vperm.xlane v3, v2;
	v4 =	vadd.s32 v1, v4;
	_ =	sdelay $0x1  }
0x81c: {  	v3 =	vadd.s32 v1, v3;
	_ =	sdelay $0x2  }
0x81d: {  	[tilespmem:s19], [sflag:$0x1] =	stream.indirect_vreg.gather [hbm4b:s2+s3], $0x80, v4, vm0, $0xb8;
	[tilespmem:$0x1A400] =	vst v63  }
0x81e: {  	s9 =	simm.s32 $0x1C00  }
0x81f: {  	[tilespmem:s9], [sflag:$0x1] =	stream.indirect_vreg.gather [hbm4b:s2+s3], $0x80, v3, vm0, $0xb8;
	[tilespmem:$0x1A400] =	vst v63  }
0x820: {  	v3 =	vld [tilespmem:$0xB00];
	_ =	sdelay $0x4  }
0x821: {  	v34 =	vshll.u32 v3, $0x1  }
0x822: {  	v3 =	vand.u32 $0x7, v3;
	v4 =	vand.u32 $0xFFFFFFF0, v34  }
0x823: {  	v3 =	vor.u32 v3, v4  }
0x824: {  	v4 =	vperm.xlane v3, v0;
	_ =	sdelay $0x1  }
0x825: {  	v3 =	vperm.xlane v3, v2;
	v4 =	vadd.s32 v1, v4;
	_ =	sdelay $0x1  }
0x826: {  	v3 =	vadd.s32 v1, v3;
	_ =	sdelay $0x1  }
0x827: {  	s9 =	simm.s32 $0x2400  }
0x828: {  	[tilespmem:s9], [sflag:$0x1] =	stream.indirect_vreg.gather [hbm4b:s2+s3], $0x80, v4, vm0, $0xb8;
	[tilespmem:$0x1A400] =	vst v63  }
0x829: {  	s16 =	simm.s32 $0x2C00  }
0x82a: {  	[tilespmem:s16], [sflag:$0x1] =	stream.indirect_vreg.gather [hbm4b:s2+s3], $0x80, v3, vm0, $0xb8;
	[tilespmem:$0x1A400] =	vst v63  }
0x82b: {  	v3 =	vld [tilespmem:$0xB10];
	_ =	sdelay $0x4  }
0x82c: {  	v35 =	vshll.u32 v3, $0x1  }
0x82d: {  	v3 =	vand.u32 $0x7, v3;
	v4 =	vand.u32 $0xFFFFFFF0, v35  }
0x82e: {  	v3 =	vor.u32 v3, v4  }
0x82f: {  	v4 =	vperm.xlane v3, v0;
	_ =	sdelay $0x1  }
0x830: {  	v3 =	vperm.xlane v3, v2;
	v4 =	vadd.s32 v1, v4;
	_ =	sdelay $0x1  }
0x831: {  	v3 =	vadd.s32 v1, v3;
	_ =	sdelay $0x1  }
0x832: {  	s9 =	simm.s32 $0x3400  }
0x833: {  	[tilespmem:s9], [sflag:$0x1] =	stream.indirect_vreg.gather [hbm4b:s2+s3], $0x80, v4, vm0, $0xb8;
	[tilespmem:$0x1A400] =	vst v63  }
0x834: {  	s4 =	simm.s32 $0x3C00  }
0x835: {  	[tilespmem:s4], [sflag:$0x1] =	stream.indirect_vreg.gather [hbm4b:s2+s3], $0x80, v3, vm0, $0xb8;
	[tilespmem:$0x1A400] =	vst v63  }
0x836: {  	v3 =	vld [tilespmem:$0xB20];
	_ =	sdelay $0x4  }
0x837: {  	v36 =	vshll.u32 v3, $0x1  }
0x838: {  	v3 =	vand.u32 $0x7, v3;
	v4 =	vand.u32 $0xFFFFFFF0, v36  }
0x839: {  	v3 =	vor.u32 v3, v4  }
0x83a: {  	v4 =	vperm.xlane v3, v0;
	_ =	sdelay $0x1  }
0x83b: {  	v3 =	vperm.xlane v3, v2;
	v4 =	vadd.s32 v1, v4;
	_ =	sdelay $0x1  }
0x83c: {  	v3 =	vadd.s32 v1, v3;
	_ =	sdelay $0x1  }
0x83d: {  	s9 =	simm.s32 $0x4400  }
0x83e: {  	[tilespmem:s9], [sflag:$0x1] =	stream.indirect_vreg.gather [hbm4b:s2+s3], $0x80, v4, vm0, $0xb8;
	[tilespmem:$0x1A400] =	vst v63  }
0x83f: {  	s6 =	simm.s32 $0x4C00  }
0x840: {  	[tilespmem:s6], [sflag:$0x1] =	stream.indirect_vreg.gather [hbm4b:s2+s3], $0x80, v3, vm0, $0xb8;
	[tilespmem:$0x1A400] =	vst v63  }
0x841: {  	v3 =	vld [tilespmem:$0xB30];
	_ =	sdelay $0x4  }
0x842: {  	v37 =	vshll.u32 v3, $0x1  }
0x843: {  	v3 =	vand.u32 $0x7, v3;
	v4 =	vand.u32 $0xFFFFFFF0, v37  }
0x844: {  	v3 =	vor.u32 v3, v4  }
0x845: {  	v4 =	vperm.xlane v3, v0;
	_ =	sdelay $0x1  }
0x846: {  	v3 =	vperm.xlane v3, v2;
	v4 =	vadd.s32 v1, v4;
	_ =	sdelay $0x1  }
0x847: {  	v3 =	vadd.s32 v1, v3;
	_ =	sdelay $0x1  }
0x848: {  	s9 =	simm.s32 $0x5400  }
0x849: {  	[tilespmem:s9], [sflag:$0x1] =	stream.indirect_vreg.gather [hbm4b:s2+s3], $0x80, v4, vm0, $0xb8;
	[tilespmem:$0x1A400] =	vst v63  }
0x84a: {  	s10 =	simm.s32 $0x5C00  }
0x84b: {  	[tilespmem:s10], [sflag:$0x1] =	stream.indirect_vreg.gather [hbm4b:s2+s3], $0x80, v3, vm0, $0xb8;
	[tilespmem:$0x1A400] =	vst v63  }
0x84c: {  	v3 =	vld [tilespmem:$0xB40];
	_ =	sdelay $0x4  }
0x84d: {  	v38 =	vshll.u32 v3, $0x1  }
0x84e: {  	v3 =	vand.u32 $0x7, v3;
	v4 =	vand.u32 $0xFFFFFFF0, v38  }
0x84f: {  	v3 =	vor.u32 v3, v4  }
0x850: {  	v4 =	vperm.xlane v3, v0;
	_ =	sdelay $0x1  }
0x851: {  	v3 =	vperm.xlane v3, v2;
	v4 =	vadd.s32 v1, v4;
	_ =	sdelay $0x1  }
0x852: {  	v3 =	vadd.s32 v1, v3;
	_ =	sdelay $0x1  }
0x853: {  	s9 =	simm.s32 $0x6400  }
0x854: {  	[tilespmem:s9], [sflag:$0x1] =	stream.indirect_vreg.gather [hbm4b:s2+s3], $0x80, v4, vm0, $0xb8;
	[tilespmem:$0x1A400] =	vst v63  }
0x855: {  	s11 =	simm.s32 $0x6C00  }
0x856: {  	[tilespmem:s11], [sflag:$0x1] =	stream.indirect_vreg.gather [hbm4b:s2+s3], $0x80, v3, vm0, $0xb8;
	[tilespmem:$0x1A400] =	vst v63  }
0x857: {  	v3 =	vld [tilespmem:$0xB50];
	_ =	sdelay $0x4  }
0x858: {  	v39 =	vshll.u32 v3, $0x1  }
0x859: {  	v3 =	vand.u32 $0x7, v3;
	v4 =	vand.u32 $0xFFFFFFF0, v39  }
0x85a: {  	v3 =	vor.u32 v3, v4  }
0x85b: {  	v4 =	vperm.xlane v3, v0;
	_ =	sdelay $0x1  }
0x85c: {  	v3 =	vperm.xlane v3, v2;
	v4 =	vadd.s32 v1, v4;
	_ =	sdelay $0x1  }
0x85d: {  	v3 =	vadd.s32 v1, v3;
	_ =	sdelay $0x1  }
0x85e: {  	s9 =	simm.s32 $0x7400  }
0x85f: {  	[tilespmem:s9], [sflag:$0x1] =	stream.indirect_vreg.gather [hbm4b:s2+s3], $0x80, v4, vm0, $0xb8;
	[tilespmem:$0x1A400] =	vst v63  }
0x860: {  	s12 =	simm.s32 $0x7C00  }
0x861: {  	[tilespmem:s12], [sflag:$0x1] =	stream.indirect_vreg.gather [hbm4b:s2+s3], $0x80, v3, vm0, $0xb8;
	[tilespmem:$0x1A400] =	vst v63  }
0x862: {  	v3 =	vld [tilespmem:$0xB60];
	_ =	sdelay $0x4  }
0x863: {  	v40 =	vshll.u32 v3, $0x1  }
0x864: {  	v3 =	vand.u32 $0x7, v3;
	v4 =	vand.u32 $0xFFFFFFF0, v40  }
0x865: {  	v3 =	vor.u32 v3, v4  }
0x866: {  	v4 =	vperm.xlane v3, v0;
	_ =	sdelay $0x1  }
0x867: {  	v3 =	vperm.xlane v3, v2;
	v4 =	vadd.s32 v1, v4;
	_ =	sdelay $0x1  }
0x868: {  	v3 =	vadd.s32 v1, v3;
	_ =	sdelay $0x1  }
0x869: {  	s9 =	simm.s32 $0x8400  }
0x86a: {  	[tilespmem:s9], [sflag:$0x1] =	stream.indirect_vreg.gather [hbm4b:s2+s3], $0x80, v4, vm0, $0xb8;
	[tilespmem:$0x1A400] =	vst v63  }
0x86b: {  	s13 =	simm.s32 $0x8C00  }
0x86c: {  	[tilespmem:s13], [sflag:$0x1] =	stream.indirect_vreg.gather [hbm4b:s2+s3], $0x80, v3, vm0, $0xb8;
	[tilespmem:$0x1A400] =	vst v63  }
0x86d: {  	v3 =	vld [tilespmem:$0xB70];
	_ =	sdelay $0x4  }
0x86e: {  	v41 =	vshll.u32 v3, $0x1  }
0x86f: {  	v3 =	vand.u32 $0x7, v3;
	v4 =	vand.u32 $0xFFFFFFF0, v41  }
0x870: {  	v3 =	vor.u32 v3, v4  }
0x871: {  	v4 =	vperm.xlane v3, v0;
	_ =	sdelay $0x1  }
0x872: {  	v3 =	vperm.xlane v3, v2;
	v4 =	vadd.s32 v1, v4;
	_ =	sdelay $0x1  }
0x873: {  	v3 =	vadd.s32 v1, v3;
	_ =	sdelay $0x1  }
0x874: {  	s9 =	simm.s32 $0x9400  }
0x875: {  	[tilespmem:s9], [sflag:$0x1] =	stream.indirect_vreg.gather [hbm4b:s2+s3], $0x80, v4, vm0, $0xb8;
	[tilespmem:$0x1A400] =	vst v63  }
0x876: {  	s14 =	simm.s32 $0x9C00  }
0x877: {  	[tilespmem:s14], [sflag:$0x1] =	stream.indirect_vreg.gather [hbm4b:s2+s3], $0x80, v3, vm0, $0xb8;
	[tilespmem:$0x1A400] =	vst v63  }
0x878: {  	v3 =	vld [tilespmem:$0xB80];
	_ =	sdelay $0x4  }
0x879: {  	v42 =	vshll.u32 v3, $0x1  }
0x87a: {  	v3 =	vand.u32 $0x7, v3;
	v4 =	vand.u32 $0xFFFFFFF0, v42  }
0x87b: {  	v3 =	vor.u32 v3, v4  }
0x87c: {  	v4 =	vperm.xlane v3, v0;
	_ =	sdelay $0x1  }
0x87d: {  	v3 =	vperm.xlane v3, v2;
	v4 =	vadd.s32 v1, v4;
	_ =	sdelay $0x1  }
0x87e: {  	v3 =	vadd.s32 v1, v3;
	_ =	sdelay $0x1  }
0x87f: {  	s9 =	simm.s32 $0xA400  }
0x880: {  	[tilespmem:s9], [sflag:$0x1] =	stream.indirect_vreg.gather [hbm4b:s2+s3], $0x80, v4, vm0, $0xb8;
	[tilespmem:$0x1A400] =	vst v63  }
0x881: {  	s15 =	simm.s32 $0xAC00  }
0x882: {  	[tilespmem:s15], [sflag:$0x1] =	stream.indirect_vreg.gather [hbm4b:s2+s3], $0x80, v3, vm0, $0xb8;
	[tilespmem:$0x1A400] =	vst v63  }
0x883: {  	v3 =	vld [tilespmem:$0xB90];
	_ =	sdelay $0x4  }
0x884: {  	v43 =	vshll.u32 v3, $0x1  }
0x885: {  	v3 =	vand.u32 $0x7, v3;
	v4 =	vand.u32 $0xFFFFFFF0, v43  }
0x886: {  	v3 =	vor.u32 v3, v4  }
0x887: {  	v4 =	vperm.xlane v3, v0;
	_ =	sdelay $0x1  }
0x888: {  	v3 =	vperm.xlane v3, v2;
	v4 =	vadd.s32 v1, v4;
	_ =	sdelay $0x1  }
0x889: {  	v3 =	vadd.s32 v1, v3;
	_ =	sdelay $0x1  }
0x88a: {  	s9 =	simm.s32 $0xB400  }
0x88b: {  	[tilespmem:s9], [sflag:$0x1] =	stream.indirect_vreg.gather [hbm4b:s2+s3], $0x80, v4, vm0, $0xb8;
	[tilespmem:$0x1A400] =	vst v63  }
0x88c: {  	s9 =	simm.s32 $0xBC00  }
0x88d: {  	[tilespmem:s9], [sflag:$0x1] =	stream.indirect_vreg.gather [hbm4b:s2+s3], $0x80, v3, vm0, $0xb8;
	[tilespmem:$0x1A400] =	vst v63  }
0x88e: {  	v3 =	vld [tilespmem:$0xBA0];
	_ =	sdelay $0x4  }
0x88f: {  	v44 =	vshll.u32 v3, $0x1  }
0x890: {  	v3 =	vand.u32 $0x7, v3;
	v4 =	vand.u32 $0xFFFFFFF0, v44  }
0x891: {  	v3 =	vor.u32 v3, v4  }
0x892: {  	v4 =	vperm.xlane v3, v0;
	_ =	sdelay $0x1  }
0x893: {  	v3 =	vperm.xlane v3, v2;
	v4 =	vadd.s32 v1, v4;
	_ =	sdelay $0x1  }
0x894: {  	v3 =	vadd.s32 v1, v3;
	_ =	sdelay $0x1  }
0x895: {  	s9 =	simm.s32 $0xC400  }
0x896: {  	[tilespmem:s9], [sflag:$0x1] =	stream.indirect_vreg.gather [hbm4b:s2+s3], $0x80, v4, vm0, $0xb8;
	[tilespmem:$0x1A400] =	vst v63  }
0x897: {  	s20 =	simm.s32 $0xCC00  }
0x898: {  	[tilespmem:s20], [sflag:$0x1] =	stream.indirect_vreg.gather [hbm4b:s2+s3], $0x80, v3, vm0, $0xb8;
	[tilespmem:$0x1A400] =	vst v63  }
0x899: {  	v3 =	vld.msk [tilespmem:$0xBB0], $0xff;
	_ =	sdelay $0x4  }
0x89a: {  	v45 =	vshll.u32 v3, $0x1  }
0x89b: {  	v3 =	vand.u32 $0x7, v3;
	v4 =	vand.u32 $0xFFFFFFF0, v45  }
0x89c: {  	v3 =	vor.u32 v3, v4  }
0x89d: {  	v3 =	vperm.xlane v3, v0;
	_ =	sdelay $0x1  }
0x89e: {  	v3 =	vadd.s32 v1, v3;
	_ =	sdelay $0x3  }
0x89f: {  	s18 =	simm.s32 $0xD400  }
0x8a0: {  	[tilespmem:s18], [sflag:$0x1] =	stream.indirect_vreg.gather [hbm4b:s2+s3], $0x80, v3, vm0, $0xb8;
	[tilespmem:$0x1A400] =	vst v63  }
0x8a1: {  	_ =	swait.ge [sflag:s1], $0xC800  }
0x8a2: {  	[sflag:s1] =	ssyncset.done $0x0  }
0x8a3: {  	s9 =	rddreg [dreg:$0x12];
	[sflag:s1] =	ssyncadd.s32 $0xFFFF3800  }
0x8a4: {  	[hbm4b:s9+s3] =	stream.linear.scatter [tilespmem:s19], [sflag:$0x3], $0xC800, $0x38;
	[tilespmem:$0x1A400] =	vst v63  }
0x8a5: {  	_ =	swait.ge [sflag:s8], $0xC800  }
0x8a6: {  	[sflag:s8] =	ssyncset.done $0x0  }
0x8a7: {  	[sflag:s8] =	ssyncadd.s32 $0xFFFF3800  }
0x8a8: {  	v3 =	vld [tilespmem:$0xBB8];
	_ =	sdelay $0x4  }
0x8a9: {  	v46 =	vshll.u32 v3, $0x1  }
0x8aa: {  	v3 =	vand.u32 $0x7, v3;
	v4 =	vand.u32 $0xFFFFFFF0, v46  }
0x8ab: {  	v3 =	vor.u32 v3, v4  }
0x8ac: {  	v4 =	vperm.xlane v3, v0;
	_ =	sdelay $0x1  }
0x8ad: {  	v3 =	vperm.xlane v3, v2;
	v4 =	vadd.s32 v1, v4;
	_ =	sdelay $0x1  }
0x8ae: {  	v3 =	vadd.s32 v1, v3;
	_ =	sdelay $0x2  }
0x8af: {  	[tilespmem:s0], [sflag:$0x2] =	stream.indirect_vreg.gather [hbm4b:s2+s3], $0x80, v4, vm0, $0xb8;
	[tilespmem:$0x1A400] =	vst v63  }
0x8b0: {  	s9 =	simm.s32 $0xE400  }
0x8b1: {  	[tilespmem:s9], [sflag:$0x2] =	stream.indirect_vreg.gather [hbm4b:s2+s3], $0x80, v3, vm0, $0xb8;
	[tilespmem:$0x1A400] =	vst v63  }
0x8b2: {  	v3 =	vld [tilespmem:$0xBC8];
	_ =	sdelay $0x4  }
0x8b3: {  	v47 =	vshll.u32 v3, $0x1  }
0x8b4: {  	v3 =	vand.u32 $0x7, v3;
	v4 =	vand.u32 $0xFFFFFFF0, v47  }
0x8b5: {  	v3 =	vor.u32 v3, v4  }
0x8b6: {  	v4 =	vperm.xlane v3, v0;
	_ =	sdelay $0x1  }
0x8b7: {  	v3 =	vperm.xlane v3, v2;
	v4 =	vadd.s32 v1, v4;
	_ =	sdelay $0x1  }
0x8b8: {  	v3 =	vadd.s32 v1, v3;
	_ =	sdelay $0x1  }
0x8b9: {  	s5 =	simm.s32 $0xEC00  }
0x8ba: {  	[tilespmem:s5], [sflag:$0x2] =	stream.indirect_vreg.gather [hbm4b:s2+s3], $0x80, v4, vm0, $0xb8;
	[tilespmem:$0x1A400] =	vst v63  }
0x8bb: {  	s9 =	simm.s32 $0xF400  }
0x8bc: {  	[tilespmem:s9], [sflag:$0x2] =	stream.indirect_vreg.gather [hbm4b:s2+s3], $0x80, v3, vm0, $0xb8;
	[tilespmem:$0x1A400] =	vst v63  }
0x8bd: {  	v3 =	vld [tilespmem:$0xBD8];
	_ =	sdelay $0x4  }
0x8be: {  	v48 =	vshll.u32 v3, $0x1  }
0x8bf: {  	v3 =	vand.u32 $0x7, v3;
	v4 =	vand.u32 $0xFFFFFFF0, v48  }
0x8c0: {  	v3 =	vor.u32 v3, v4  }
0x8c1: {  	v4 =	vperm.xlane v3, v0;
	_ =	sdelay $0x1  }
0x8c2: {  	v3 =	vperm.xlane v3, v2;
	v4 =	vadd.s32 v1, v4;
	_ =	sdelay $0x1  }
0x8c3: {  	v3 =	vadd.s32 v1, v3;
	_ =	sdelay $0x1  }
0x8c4: {  	s21 =	simm.s32 $0xFC00  }
0x8c5: {  	[tilespmem:s21], [sflag:$0x2] =	stream.indirect_vreg.gather [hbm4b:s2+s3], $0x80, v4, vm0, $0xb8;
	[tilespmem:$0x1A400] =	vst v63  }
0x8c6: {  	s9 =	simm.s32 $0x10400  }
0x8c7: {  	[tilespmem:s9], [sflag:$0x2] =	stream.indirect_vreg.gather [hbm4b:s2+s3], $0x80, v3, vm0, $0xb8;
	[tilespmem:$0x1A400] =	vst v63  }
0x8c8: {  	v3 =	vld [tilespmem:$0xBE8];
	_ =	sdelay $0x4  }
0x8c9: {  	v49 =	vshll.u32 v3, $0x1  }
0x8ca: {  	v3 =	vand.u32 $0x7, v3;
	v4 =	vand.u32 $0xFFFFFFF0, v49  }
0x8cb: {  	v3 =	vor.u32 v3, v4  }
0x8cc: {  	v4 =	vperm.xlane v3, v0;
	_ =	sdelay $0x1  }
0x8cd: {  	v3 =	vperm.xlane v3, v2;
	v4 =	vadd.s32 v1, v4;
	_ =	sdelay $0x1  }
0x8ce: {  	v3 =	vadd.s32 v1, v3;
	_ =	sdelay $0x1  }
0x8cf: {  	s22 =	simm.s32 $0x10C00  }
0x8d0: {  	[tilespmem:s22], [sflag:$0x2] =	stream.indirect_vreg.gather [hbm4b:s2+s3], $0x80, v4, vm0, $0xb8;
	[tilespmem:$0x1A400] =	vst v63  }
0x8d1: {  	s9 =	simm.s32 $0x11400  }
0x8d2: {  	[tilespmem:s9], [sflag:$0x2] =	stream.indirect_vreg.gather [hbm4b:s2+s3], $0x80, v3, vm0, $0xb8;
	[tilespmem:$0x1A400] =	vst v63  }
0x8d3: {  	v3 =	vld [tilespmem:$0xBF8];
	_ =	sdelay $0x4  }
0x8d4: {  	v50 =	vshll.u32 v3, $0x1  }
0x8d5: {  	v3 =	vand.u32 $0x7, v3;
	v4 =	vand.u32 $0xFFFFFFF0, v50  }
0x8d6: {  	v3 =	vor.u32 v3, v4  }
0x8d7: {  	v4 =	vperm.xlane v3, v0;
	_ =	sdelay $0x1  }
0x8d8: {  	v3 =	vperm.xlane v3, v2;
	v4 =	vadd.s32 v1, v4;
	_ =	sdelay $0x1  }
0x8d9: {  	v3 =	vadd.s32 v1, v3;
	_ =	sdelay $0x1  }
0x8da: {  	s23 =	simm.s32 $0x11C00  }
0x8db: {  	[tilespmem:s23], [sflag:$0x2] =	stream.indirect_vreg.gather [hbm4b:s2+s3], $0x80, v4, vm0, $0xb8;
	[tilespmem:$0x1A400] =	vst v63  }
0x8dc: {  	s9 =	simm.s32 $0x12400  }
0x8dd: {  	[tilespmem:s9], [sflag:$0x2] =	stream.indirect_vreg.gather [hbm4b:s2+s3], $0x80, v3, vm0, $0xb8;
	[tilespmem:$0x1A400] =	vst v63  }
0x8de: {  	v3 =	vld [tilespmem:$0xC08];
	_ =	sdelay $0x4  }
0x8df: {  	v51 =	vshll.u32 v3, $0x1  }
0x8e0: {  	v3 =	vand.u32 $0x7, v3;
	v4 =	vand.u32 $0xFFFFFFF0, v51  }
0x8e1: {  	v3 =	vor.u32 v3, v4  }
0x8e2: {  	v4 =	vperm.xlane v3, v0;
	_ =	sdelay $0x1  }
0x8e3: {  	v3 =	vperm.xlane v3, v2;
	v4 =	vadd.s32 v1, v4;
	_ =	sdelay $0x1  }
0x8e4: {  	v3 =	vadd.s32 v1, v3;
	_ =	sdelay $0x1  }
0x8e5: {  	s24 =	simm.s32 $0x12C00  }
0x8e6: {  	[tilespmem:s24], [sflag:$0x2] =	stream.indirect_vreg.gather [hbm4b:s2+s3], $0x80, v4, vm0, $0xb8;
	[tilespmem:$0x1A400] =	vst v63  }
0x8e7: {  	s9 =	simm.s32 $0x13400  }
0x8e8: {  	[tilespmem:s9], [sflag:$0x2] =	stream.indirect_vreg.gather [hbm4b:s2+s3], $0x80, v3, vm0, $0xb8;
	[tilespmem:$0x1A400] =	vst v63  }
0x8e9: {  	v3 =	vld [tilespmem:$0xC18];
	_ =	sdelay $0x4  }
0x8ea: {  	v52 =	vshll.u32 v3, $0x1  }
0x8eb: {  	v3 =	vand.u32 $0x7, v3;
	v4 =	vand.u32 $0xFFFFFFF0, v52  }
0x8ec: {  	v3 =	vor.u32 v3, v4  }
0x8ed: {  	v4 =	vperm.xlane v3, v0;
	_ =	sdelay $0x1  }
0x8ee: {  	v3 =	vperm.xlane v3, v2;
	v4 =	vadd.s32 v1, v4;
	_ =	sdelay $0x1  }
0x8ef: {  	v3 =	vadd.s32 v1, v3;
	_ =	sdelay $0x1  }
0x8f0: {  	s25 =	simm.s32 $0x13C00  }
0x8f1: {  	[tilespmem:s25], [sflag:$0x2] =	stream.indirect_vreg.gather [hbm4b:s2+s3], $0x80, v4, vm0, $0xb8;
	[tilespmem:$0x1A400] =	vst v63  }
0x8f2: {  	s9 =	simm.s32 $0x14400  }
0x8f3: {  	[tilespmem:s9], [sflag:$0x2] =	stream.indirect_vreg.gather [hbm4b:s2+s3], $0x80, v3, vm0, $0xb8;
	[tilespmem:$0x1A400] =	vst v63  }
0x8f4: {  	v3 =	vld [tilespmem:$0xC28];
	_ =	sdelay $0x4  }
0x8f5: {  	v53 =	vshll.u32 v3, $0x1  }
0x8f6: {  	v3 =	vand.u32 $0x7, v3;
	v4 =	vand.u32 $0xFFFFFFF0, v53  }
0x8f7: {  	v3 =	vor.u32 v3, v4  }
0x8f8: {  	v4 =	vperm.xlane v3, v0;
	_ =	sdelay $0x1  }
0x8f9: {  	v3 =	vperm.xlane v3, v2;
	v4 =	vadd.s32 v1, v4;
	_ =	sdelay $0x1  }
0x8fa: {  	v3 =	vadd.s32 v1, v3;
	_ =	sdelay $0x1  }
0x8fb: {  	s26 =	simm.s32 $0x14C00  }
0x8fc: {  	[tilespmem:s26], [sflag:$0x2] =	stream.indirect_vreg.gather [hbm4b:s2+s3], $0x80, v4, vm0, $0xb8;
	[tilespmem:$0x1A400] =	vst v63  }
0x8fd: {  	s9 =	simm.s32 $0x15400  }
0x8fe: {  	[tilespmem:s9], [sflag:$0x2] =	stream.indirect_vreg.gather [hbm4b:s2+s3], $0x80, v3, vm0, $0xb8;
	[tilespmem:$0x1A400] =	vst v63  }
0x8ff: {  	v3 =	vld [tilespmem:$0xC38];
	_ =	sdelay $0x4  }
0x900: {  	v54 =	vshll.u32 v3, $0x1  }
0x901: {  	v3 =	vand.u32 $0x7, v3;
	v4 =	vand.u32 $0xFFFFFFF0, v54  }
0x902: {  	v3 =	vor.u32 v3, v4  }
0x903: {  	v4 =	vperm.xlane v3, v0;
	_ =	sdelay $0x1  }
0x904: {  	v3 =	vperm.xlane v3, v2;
	v4 =	vadd.s32 v1, v4;
	_ =	sdelay $0x1  }
0x905: {  	v3 =	vadd.s32 v1, v3;
	_ =	sdelay $0x1  }
0x906: {  	s28 =	simm.s32 $0x15C00  }
0x907: {  	[tilespmem:s28], [sflag:$0x2] =	stream.indirect_vreg.gather [hbm4b:s2+s3], $0x80, v4, vm0, $0xb8;
	[tilespmem:$0x1A400] =	vst v63  }
0x908: {  	s9 =	simm.s32 $0x16400  }
0x909: {  	[tilespmem:s9], [sflag:$0x2] =	stream.indirect_vreg.gather [hbm4b:s2+s3], $0x80, v3, vm0, $0xb8;
	[tilespmem:$0x1A400] =	vst v63  }
0x90a: {  	v3 =	vld [tilespmem:$0xC48];
	_ =	sdelay $0x4  }
0x90b: {  	v55 =	vshll.u32 v3, $0x1  }
0x90c: {  	v3 =	vand.u32 $0x7, v3;
	v4 =	vand.u32 $0xFFFFFFF0, v55  }
0x90d: {  	v3 =	vor.u32 v3, v4  }
0x90e: {  	v4 =	vperm.xlane v3, v0;
	_ =	sdelay $0x1  }
0x90f: {  	v3 =	vperm.xlane v3, v2;
	v4 =	vadd.s32 v1, v4;
	_ =	sdelay $0x1  }
0x910: {  	v3 =	vadd.s32 v1, v3;
	_ =	sdelay $0x1  }
0x911: {  	s29 =	simm.s32 $0x16C00  }
0x912: {  	[tilespmem:s29], [sflag:$0x2] =	stream.indirect_vreg.gather [hbm4b:s2+s3], $0x80, v4, vm0, $0xb8;
	[tilespmem:$0x1A400] =	vst v63  }
0x913: {  	s9 =	simm.s32 $0x17400  }
0x914: {  	[tilespmem:s9], [sflag:$0x2] =	stream.indirect_vreg.gather [hbm4b:s2+s3], $0x80, v3, vm0, $0xb8;
	[tilespmem:$0x1A400] =	vst v63  }
0x915: {  	v3 =	vld [tilespmem:$0xC58];
	_ =	sdelay $0x4  }
0x916: {  	v56 =	vshll.u32 v3, $0x1  }
0x917: {  	v3 =	vand.u32 $0x7, v3;
	v4 =	vand.u32 $0xFFFFFFF0, v56  }
0x918: {  	v3 =	vor.u32 v3, v4  }
0x919: {  	v4 =	vperm.xlane v3, v0;
	_ =	sdelay $0x1  }
0x91a: {  	v3 =	vperm.xlane v3, v2;
	v4 =	vadd.s32 v1, v4;
	_ =	sdelay $0x1  }
0x91b: {  	v3 =	vadd.s32 v1, v3;
	_ =	sdelay $0x1  }
0x91c: {  	s30 =	simm.s32 $0x17C00  }
0x91d: {  	[tilespmem:s30], [sflag:$0x2] =	stream.indirect_vreg.gather [hbm4b:s2+s3], $0x80, v4, vm0, $0xb8;
	[tilespmem:$0x1A400] =	vst v63  }
0x91e: {  	s9 =	simm.s32 $0x18400  }
0x91f: {  	[tilespmem:s9], [sflag:$0x2] =	stream.indirect_vreg.gather [hbm4b:s2+s3], $0x80, v3, vm0, $0xb8;
	[tilespmem:$0x1A400] =	vst v63  }
0x920: {  	v3 =	vld [tilespmem:$0xC68];
	_ =	sdelay $0x4  }
0x921: {  	v57 =	vshll.u32 v3, $0x1  }
0x922: {  	v3 =	vand.u32 $0x7, v3;
	v4 =	vand.u32 $0xFFFFFFF0, v57  }
0x923: {  	v3 =	vor.u32 v3, v4  }
0x924: {  	v4 =	vperm.xlane v3, v0;
	_ =	sdelay $0x1  }
0x925: {  	v3 =	vperm.xlane v3, v2;
	v4 =	vadd.s32 v1, v4;
	_ =	sdelay $0x1  }
0x926: {  	v3 =	vadd.s32 v1, v3;
	_ =	sdelay $0x1  }
0x927: {  	s31 =	simm.s32 $0x18C00  }
0x928: {  	[tilespmem:s31], [sflag:$0x2] =	stream.indirect_vreg.gather [hbm4b:s2+s3], $0x80, v4, vm0, $0xb8;
	[tilespmem:$0x1A400] =	vst v63  }
0x929: {  	s9 =	simm.s32 $0x19400  }
0x92a: {  	[tilespmem:s9], [sflag:$0x2] =	stream.indirect_vreg.gather [hbm4b:s2+s3], $0x80, v3, vm0, $0xb8;
	[tilespmem:$0x1A400] =	vst v63  }
0x92b: {  	v3 =	vld.msk [tilespmem:$0xC78], $0xff;
	_ =	sdelay $0x4  }
0x92c: {  	v58 =	vshll.u32 v3, $0x1  }
0x92d: {  	v3 =	vand.u32 $0x7, v3;
	v4 =	vand.u32 $0xFFFFFFF0, v58  }
0x92e: {  	v3 =	vor.u32 v3, v4  }
0x92f: {  	v3 =	vperm.xlane v3, v0;
	_ =	sdelay $0x1  }
0x930: {  	v3 =	vadd.s32 v1, v3;
	_ =	sdelay $0x3  }
0x931: {  	s9 =	simm.s32 $0x19C00  }
0x932: {  	[tilespmem:s9], [sflag:$0x2] =	stream.indirect_vreg.gather [hbm4b:s2+s3], $0x80, v3, vm0, $0xb8;
	[tilespmem:$0x1A400] =	vst v63  }
0x933: {  	_ =	swait.ge [sflag:s17], $0xC800  }
0x934: {  	[sflag:s17] =	ssyncset.done $0x0  }
0x935: {  	s9 =	rddreg [dreg:$0x13];
	[sflag:s17] =	ssyncadd.s32 $0xFFFF3800  }
0x936: {  	[hbm4b:s9+s3] =	stream.linear.scatter [tilespmem:s0], [sflag:$0x4], $0xC800, $0x38;
	[tilespmem:$0x1A400] =	vst v63  }
0x937: {  	_ =	swait.ge [sflag:s7], $0xC800  }
0x938: {  	[sflag:s7] =	ssyncset.done $0x0  }
0x939: {  	[sflag:s7] =	ssyncadd.s32 $0xFFFF3800  }
0x93a: {  	v3 =	vld [tilespmem:$0xC80];
	_ =	sdelay $0x4  }
0x93b: {  	v59 =	vshll.u32 v3, $0x1  }
0x93c: {  	v3 =	vand.u32 $0x7, v3;
	v4 =	vand.u32 $0xFFFFFFF0, v59  }
0x93d: {  	v3 =	vor.u32 v3, v4  }
0x93e: {  	v4 =	vperm.xlane v3, v0;
	_ =	sdelay $0x1  }
0x93f: {  	v3 =	vperm.xlane v3, v2;
	v4 =	vadd.s32 v1, v4;
	_ =	sdelay $0x1  }
0x940: {  	v3 =	vadd.s32 v1, v3;
	_ =	sdelay $0x2  }
0x941: {  	[tilespmem:s19], [sflag:$0x1] =	stream.indirect_vreg.gather [hbm4b:s2+s3], $0x80, v4, vm0, $0xb8;
	[tilespmem:$0x1A400] =	vst v63  }
0x942: {  	s9 =	simm.s32 $0x1C00  }
0x943: {  	[tilespmem:s9], [sflag:$0x1] =	stream.indirect_vreg.gather [hbm4b:s2+s3], $0x80, v3, vm0, $0xb8;
	[tilespmem:$0x1A400] =	vst v63  }
0x944: {  	v3 =	vld [tilespmem:$0xC90];
	_ =	sdelay $0x4  }
0x945: {  	v60 =	vshll.u32 v3, $0x1  }
0x946: {  	v3 =	vand.u32 $0x7, v3;
	v4 =	vand.u32 $0xFFFFFFF0, v60  }
0x947: {  	v3 =	vor.u32 v3, v4  }
0x948: {  	v4 =	vperm.xlane v3, v0;
	_ =	sdelay $0x1  }
0x949: {  	v3 =	vperm.xlane v3, v2;
	v4 =	vadd.s32 v1, v4;
	_ =	sdelay $0x1  }
0x94a: {  	v3 =	vadd.s32 v1, v3;
	_ =	sdelay $0x1  }
0x94b: {  	s9 =	simm.s32 $0x2400  }
0x94c: {  	[tilespmem:s9], [sflag:$0x1] =	stream.indirect_vreg.gather [hbm4b:s2+s3], $0x80, v4, vm0, $0xb8;
	[tilespmem:$0x1A400] =	vst v63  }
0x94d: {  	s16 =	simm.s32 $0x2C00  }
0x94e: {  	[tilespmem:s16], [sflag:$0x1] =	stream.indirect_vreg.gather [hbm4b:s2+s3], $0x80, v3, vm0, $0xb8;
	[tilespmem:$0x1A400] =	vst v63  }
0x94f: {  	v3 =	vld [tilespmem:$0xCA0];
	_ =	sdelay $0x4  }
0x950: {  	v61 =	vshll.u32 v3, $0x1  }
0x951: {  	v3 =	vand.u32 $0x7, v3;
	v4 =	vand.u32 $0xFFFFFFF0, v61  }
0x952: {  	v3 =	vor.u32 v3, v4  }
0x953: {  	v4 =	vperm.xlane v3, v0;
	_ =	sdelay $0x1  }
0x954: {  	v3 =	vperm.xlane v3, v2;
	v4 =	vadd.s32 v1, v4;
	_ =	sdelay $0x1  }
0x955: {  	v3 =	vadd.s32 v1, v3;
	_ =	sdelay $0x1  }
0x956: {  	s9 =	simm.s32 $0x3400  }
0x957: {  	[tilespmem:s9], [sflag:$0x1] =	stream.indirect_vreg.gather [hbm4b:s2+s3], $0x80, v4, vm0, $0xb8;
	[tilespmem:$0x1A400] =	vst v63  }
0x958: {  	s4 =	simm.s32 $0x3C00  }
0x959: {  	[tilespmem:s4], [sflag:$0x1] =	stream.indirect_vreg.gather [hbm4b:s2+s3], $0x80, v3, vm0, $0xb8;
	[tilespmem:$0x1A400] =	vst v63  }
0x95a: {  	v3 =	vld [tilespmem:$0xCB0];
	_ =	sdelay $0x4  }
0x95b: {  	v62 =	vshll.u32 v3, $0x1  }
0x95c: {  	v3 =	vand.u32 $0x7, v3;
	v4 =	vand.u32 $0xFFFFFFF0, v62  }
0x95d: {  	v3 =	vor.u32 v3, v4  }
0x95e: {  	v4 =	vperm.xlane v3, v0;
	_ =	sdelay $0x1  }
0x95f: {  	v3 =	vperm.xlane v3, v2;
	v4 =	vadd.s32 v1, v4;
	_ =	sdelay $0x1  }
0x960: {  	v3 =	vadd.s32 v1, v3;
	_ =	sdelay $0x1  }
0x961: {  	s9 =	simm.s32 $0x4400  }
0x962: {  	[tilespmem:s9], [sflag:$0x1] =	stream.indirect_vreg.gather [hbm4b:s2+s3], $0x80, v4, vm0, $0xb8;
	[tilespmem:$0x1A400] =	vst v63  }
0x963: {  	s6 =	simm.s32 $0x4C00  }
0x964: {  	[tilespmem:s6], [sflag:$0x1] =	stream.indirect_vreg.gather [hbm4b:s2+s3], $0x80, v3, vm0, $0xb8;
	[tilespmem:$0x1A400] =	vst v63  }
0x965: {  	v3 =	vld [tilespmem:$0xCC0];
	_ =	sdelay $0x4  }
0x966: {  	v63 =	vshll.u32 v3, $0x1  }
0x967: {  	v3 =	vand.u32 $0x7, v3;
	v4 =	vand.u32 $0xFFFFFFF0, v63  }
0x968: {  	v3 =	vor.u32 v3, v4  }
0x969: {  	v4 =	vperm.xlane v3, v0;
	_ =	sdelay $0x1  }
0x96a: {  	v3 =	vperm.xlane v3, v2;
	v4 =	vadd.s32 v1, v4;
	_ =	sdelay $0x1  }
0x96b: {  	v3 =	vadd.s32 v1, v3;
	_ =	sdelay $0x1  }
0x96c: {  	s9 =	simm.s32 $0x5400  }
0x96d: {  	[tilespmem:s9], [sflag:$0x1] =	stream.indirect_vreg.gather [hbm4b:s2+s3], $0x80, v4, vm0, $0xb8;
	[tilespmem:$0x1A400] =	vst v63  }
0x96e: {  	s10 =	simm.s32 $0x5C00  }
0x96f: {  	[tilespmem:s10], [sflag:$0x1] =	stream.indirect_vreg.gather [hbm4b:s2+s3], $0x80, v3, vm0, $0xb8;
	[tilespmem:$0x1A400] =	vst v63  }
0x970: {  	v3 =	vld [tilespmem:$0xCD0];
	_ =	sdelay $0x4  }
0x971: {  	v8 =	vshll.u32 v3, $0x1  }
0x972: {  	v3 =	vand.u32 $0x7, v3;
	v4 =	vand.u32 $0xFFFFFFF0, v8  }
0x973: {  	v3 =	vor.u32 v3, v4  }
0x974: {  	v4 =	vperm.xlane v3, v0;
	_ =	sdelay $0x1  }
0x975: {  	v3 =	vperm.xlane v3, v2;
	v4 =	vadd.s32 v1, v4;
	_ =	sdelay $0x1  }
0x976: {  	v3 =	vadd.s32 v1, v3;
	_ =	sdelay $0x1  }
0x977: {  	s9 =	simm.s32 $0x6400  }
0x978: {  	[tilespmem:s9], [sflag:$0x1] =	stream.indirect_vreg.gather [hbm4b:s2+s3], $0x80, v4, vm0, $0xb8;
	[tilespmem:$0x1A400] =	vst v63  }
0x979: {  	s11 =	simm.s32 $0x6C00  }
0x97a: {  	[tilespmem:s11], [sflag:$0x1] =	stream.indirect_vreg.gather [hbm4b:s2+s3], $0x80, v3, vm0, $0xb8;
	[tilespmem:$0x1A400] =	vst v63  }
0x97b: {  	v3 =	vld [tilespmem:$0xCE0];
	_ =	sdelay $0x4  }
0x97c: {  	v9 =	vshll.u32 v3, $0x1  }
0x97d: {  	v3 =	vand.u32 $0x7, v3;
	v4 =	vand.u32 $0xFFFFFFF0, v9  }
0x97e: {  	v3 =	vor.u32 v3, v4  }
0x97f: {  	v4 =	vperm.xlane v3, v0;
	_ =	sdelay $0x1  }
0x980: {  	v3 =	vperm.xlane v3, v2;
	v4 =	vadd.s32 v1, v4;
	_ =	sdelay $0x1  }
0x981: {  	v3 =	vadd.s32 v1, v3;
	_ =	sdelay $0x1  }
0x982: {  	s9 =	simm.s32 $0x7400  }
0x983: {  	[tilespmem:s9], [sflag:$0x1] =	stream.indirect_vreg.gather [hbm4b:s2+s3], $0x80, v4, vm0, $0xb8;
	[tilespmem:$0x1A400] =	vst v63  }
0x984: {  	s12 =	simm.s32 $0x7C00  }
0x985: {  	[tilespmem:s12], [sflag:$0x1] =	stream.indirect_vreg.gather [hbm4b:s2+s3], $0x80, v3, vm0, $0xb8;
	[tilespmem:$0x1A400] =	vst v63  }
0x986: {  	v3 =	vld [tilespmem:$0xCF0];
	_ =	sdelay $0x4  }
0x987: {  	v10 =	vshll.u32 v3, $0x1  }
0x988: {  	v3 =	vand.u32 $0x7, v3;
	v4 =	vand.u32 $0xFFFFFFF0, v10  }
0x989: {  	v3 =	vor.u32 v3, v4  }
0x98a: {  	v4 =	vperm.xlane v3, v0;
	_ =	sdelay $0x1  }
0x98b: {  	v3 =	vperm.xlane v3, v2;
	v4 =	vadd.s32 v1, v4;
	_ =	sdelay $0x1  }
0x98c: {  	v3 =	vadd.s32 v1, v3;
	_ =	sdelay $0x1  }
0x98d: {  	s9 =	simm.s32 $0x8400  }
0x98e: {  	[tilespmem:s9], [sflag:$0x1] =	stream.indirect_vreg.gather [hbm4b:s2+s3], $0x80, v4, vm0, $0xb8;
	[tilespmem:$0x1A400] =	vst v63  }
0x98f: {  	s13 =	simm.s32 $0x8C00  }
0x990: {  	[tilespmem:s13], [sflag:$0x1] =	stream.indirect_vreg.gather [hbm4b:s2+s3], $0x80, v3, vm0, $0xb8;
	[tilespmem:$0x1A400] =	vst v63  }
0x991: {  	v3 =	vld [tilespmem:$0xD00];
	_ =	sdelay $0x4  }
0x992: {  	v11 =	vshll.u32 v3, $0x1  }
0x993: {  	v3 =	vand.u32 $0x7, v3;
	v4 =	vand.u32 $0xFFFFFFF0, v11  }
0x994: {  	v3 =	vor.u32 v3, v4  }
0x995: {  	v4 =	vperm.xlane v3, v0;
	_ =	sdelay $0x1  }
0x996: {  	v3 =	vperm.xlane v3, v2;
	v4 =	vadd.s32 v1, v4;
	_ =	sdelay $0x1  }
0x997: {  	v3 =	vadd.s32 v1, v3;
	_ =	sdelay $0x1  }
0x998: {  	s9 =	simm.s32 $0x9400  }
0x999: {  	[tilespmem:s9], [sflag:$0x1] =	stream.indirect_vreg.gather [hbm4b:s2+s3], $0x80, v4, vm0, $0xb8;
	[tilespmem:$0x1A400] =	vst v63  }
0x99a: {  	s14 =	simm.s32 $0x9C00  }
0x99b: {  	[tilespmem:s14], [sflag:$0x1] =	stream.indirect_vreg.gather [hbm4b:s2+s3], $0x80, v3, vm0, $0xb8;
	[tilespmem:$0x1A400] =	vst v63  }
0x99c: {  	v3 =	vld [tilespmem:$0xD10];
	_ =	sdelay $0x4  }
0x99d: {  	v12 =	vshll.u32 v3, $0x1  }
0x99e: {  	v3 =	vand.u32 $0x7, v3;
	v4 =	vand.u32 $0xFFFFFFF0, v12  }
0x99f: {  	v3 =	vor.u32 v3, v4  }
0x9a0: {  	v4 =	vperm.xlane v3, v0;
	_ =	sdelay $0x1  }
0x9a1: {  	v3 =	vperm.xlane v3, v2;
	v4 =	vadd.s32 v1, v4;
	_ =	sdelay $0x1  }
0x9a2: {  	v3 =	vadd.s32 v1, v3;
	_ =	sdelay $0x1  }
0x9a3: {  	s9 =	simm.s32 $0xA400  }
0x9a4: {  	[tilespmem:s9], [sflag:$0x1] =	stream.indirect_vreg.gather [hbm4b:s2+s3], $0x80, v4, vm0, $0xb8;
	[tilespmem:$0x1A400] =	vst v63  }
0x9a5: {  	s15 =	simm.s32 $0xAC00  }
0x9a6: {  	[tilespmem:s15], [sflag:$0x1] =	stream.indirect_vreg.gather [hbm4b:s2+s3], $0x80, v3, vm0, $0xb8;
	[tilespmem:$0x1A400] =	vst v63  }
0x9a7: {  	v3 =	vld [tilespmem:$0xD20];
	_ =	sdelay $0x4  }
0x9a8: {  	v13 =	vshll.u32 v3, $0x1  }
0x9a9: {  	v3 =	vand.u32 $0x7, v3;
	v4 =	vand.u32 $0xFFFFFFF0, v13  }
0x9aa: {  	v3 =	vor.u32 v3, v4  }
0x9ab: {  	v4 =	vperm.xlane v3, v0;
	_ =	sdelay $0x1  }
0x9ac: {  	v3 =	vperm.xlane v3, v2;
	v4 =	vadd.s32 v1, v4;
	_ =	sdelay $0x1  }
0x9ad: {  	v3 =	vadd.s32 v1, v3;
	_ =	sdelay $0x1  }
0x9ae: {  	s9 =	simm.s32 $0xB400  }
0x9af: {  	[tilespmem:s9], [sflag:$0x1] =	stream.indirect_vreg.gather [hbm4b:s2+s3], $0x80, v4, vm0, $0xb8;
	[tilespmem:$0x1A400] =	vst v63  }
0x9b0: {  	s9 =	simm.s32 $0xBC00  }
0x9b1: {  	[tilespmem:s9], [sflag:$0x1] =	stream.indirect_vreg.gather [hbm4b:s2+s3], $0x80, v3, vm0, $0xb8;
	[tilespmem:$0x1A400] =	vst v63  }
0x9b2: {  	v3 =	vld [tilespmem:$0xD30];
	_ =	sdelay $0x4  }
0x9b3: {  	v14 =	vshll.u32 v3, $0x1  }
0x9b4: {  	v3 =	vand.u32 $0x7, v3;
	v4 =	vand.u32 $0xFFFFFFF0, v14  }
0x9b5: {  	v3 =	vor.u32 v3, v4  }
0x9b6: {  	v4 =	vperm.xlane v3, v0;
	_ =	sdelay $0x1  }
0x9b7: {  	v3 =	vperm.xlane v3, v2;
	v4 =	vadd.s32 v1, v4;
	_ =	sdelay $0x1  }
0x9b8: {  	v3 =	vadd.s32 v1, v3;
	_ =	sdelay $0x1  }
0x9b9: {  	s9 =	simm.s32 $0xC400  }
0x9ba: {  	[tilespmem:s9], [sflag:$0x1] =	stream.indirect_vreg.gather [hbm4b:s2+s3], $0x80, v4, vm0, $0xb8;
	[tilespmem:$0x1A400] =	vst v63  }
0x9bb: {  	s20 =	simm.s32 $0xCC00  }
0x9bc: {  	[tilespmem:s20], [sflag:$0x1] =	stream.indirect_vreg.gather [hbm4b:s2+s3], $0x80, v3, vm0, $0xb8;
	[tilespmem:$0x1A400] =	vst v63  }
0x9bd: {  	v3 =	vld.msk [tilespmem:$0xD40], $0xff;
	_ =	sdelay $0x4  }
0x9be: {  	v15 =	vshll.u32 v3, $0x1  }
0x9bf: {  	v3 =	vand.u32 $0x7, v3;
	v4 =	vand.u32 $0xFFFFFFF0, v15  }
0x9c0: {  	v3 =	vor.u32 v3, v4  }
0x9c1: {  	v3 =	vperm.xlane v3, v0;
	_ =	sdelay $0x1  }
0x9c2: {  	v3 =	vadd.s32 v1, v3;
	_ =	sdelay $0x3  }
0x9c3: {  	s18 =	simm.s32 $0xD400  }
0x9c4: {  	[tilespmem:s18], [sflag:$0x1] =	stream.indirect_vreg.gather [hbm4b:s2+s3], $0x80, v3, vm0, $0xb8;
	[tilespmem:$0x1A400] =	vst v63  }
0x9c5: {  	_ =	swait.ge [sflag:s1], $0xC800  }
0x9c6: {  	[sflag:s1] =	ssyncset.done $0x0  }
0x9c7: {  	s9 =	rddreg [dreg:$0x14];
	[sflag:s1] =	ssyncadd.s32 $0xFFFF3800  }
0x9c8: {  	[hbm4b:s9+s3] =	stream.linear.scatter [tilespmem:s19], [sflag:$0x3], $0xC800, $0x38;
	[tilespmem:$0x1A400] =	vst v63  }
0x9c9: {  	_ =	swait.ge [sflag:s8], $0xC800  }
0x9ca: {  	[sflag:s8] =	ssyncset.done $0x0  }
0x9cb: {  	[sflag:s8] =	ssyncadd.s32 $0xFFFF3800  }
0x9cc: {  	v3 =	vld [tilespmem:$0xD48];
	_ =	sdelay $0x4  }
0x9cd: {  	v16 =	vshll.u32 v3, $0x1  }
0x9ce: {  	v3 =	vand.u32 $0x7, v3;
	v4 =	vand.u32 $0xFFFFFFF0, v16  }
0x9cf: {  	v3 =	vor.u32 v3, v4  }
0x9d0: {  	v4 =	vperm.xlane v3, v0;
	_ =	sdelay $0x1  }
0x9d1: {  	v3 =	vperm.xlane v3, v2;
	v4 =	vadd.s32 v1, v4;
	_ =	sdelay $0x1  }
0x9d2: {  	v3 =	vadd.s32 v1, v3;
	_ =	sdelay $0x2  }
0x9d3: {  	[tilespmem:s0], [sflag:$0x2] =	stream.indirect_vreg.gather [hbm4b:s2+s3], $0x80, v4, vm0, $0xb8;
	[tilespmem:$0x1A400] =	vst v63  }
0x9d4: {  	s9 =	simm.s32 $0xE400  }
0x9d5: {  	[tilespmem:s9], [sflag:$0x2] =	stream.indirect_vreg.gather [hbm4b:s2+s3], $0x80, v3, vm0, $0xb8;
	[tilespmem:$0x1A400] =	vst v63  }
0x9d6: {  	v3 =	vld [tilespmem:$0xD58];
	_ =	sdelay $0x4  }
0x9d7: {  	v17 =	vshll.u32 v3, $0x1  }
0x9d8: {  	v3 =	vand.u32 $0x7, v3;
	v4 =	vand.u32 $0xFFFFFFF0, v17  }
0x9d9: {  	v3 =	vor.u32 v3, v4  }
0x9da: {  	v4 =	vperm.xlane v3, v0;
	_ =	sdelay $0x1  }
0x9db: {  	v3 =	vperm.xlane v3, v2;
	v4 =	vadd.s32 v1, v4;
	_ =	sdelay $0x1  }
0x9dc: {  	v3 =	vadd.s32 v1, v3;
	_ =	sdelay $0x1  }
0x9dd: {  	s5 =	simm.s32 $0xEC00  }
0x9de: {  	[tilespmem:s5], [sflag:$0x2] =	stream.indirect_vreg.gather [hbm4b:s2+s3], $0x80, v4, vm0, $0xb8;
	[tilespmem:$0x1A400] =	vst v63  }
0x9df: {  	s9 =	simm.s32 $0xF400  }
0x9e0: {  	[tilespmem:s9], [sflag:$0x2] =	stream.indirect_vreg.gather [hbm4b:s2+s3], $0x80, v3, vm0, $0xb8;
	[tilespmem:$0x1A400] =	vst v63  }
0x9e1: {  	v3 =	vld [tilespmem:$0xD68];
	_ =	sdelay $0x4  }
0x9e2: {  	v18 =	vshll.u32 v3, $0x1  }
0x9e3: {  	v3 =	vand.u32 $0x7, v3;
	v4 =	vand.u32 $0xFFFFFFF0, v18  }
0x9e4: {  	v3 =	vor.u32 v3, v4  }
0x9e5: {  	v4 =	vperm.xlane v3, v0;
	_ =	sdelay $0x1  }
0x9e6: {  	v3 =	vperm.xlane v3, v2;
	v4 =	vadd.s32 v1, v4;
	_ =	sdelay $0x1  }
0x9e7: {  	v3 =	vadd.s32 v1, v3;
	_ =	sdelay $0x1  }
0x9e8: {  	s21 =	simm.s32 $0xFC00  }
0x9e9: {  	[tilespmem:s21], [sflag:$0x2] =	stream.indirect_vreg.gather [hbm4b:s2+s3], $0x80, v4, vm0, $0xb8;
	[tilespmem:$0x1A400] =	vst v63  }
0x9ea: {  	s9 =	simm.s32 $0x10400  }
0x9eb: {  	[tilespmem:s9], [sflag:$0x2] =	stream.indirect_vreg.gather [hbm4b:s2+s3], $0x80, v3, vm0, $0xb8;
	[tilespmem:$0x1A400] =	vst v63  }
0x9ec: {  	v3 =	vld [tilespmem:$0xD78];
	_ =	sdelay $0x4  }
0x9ed: {  	v19 =	vshll.u32 v3, $0x1  }
0x9ee: {  	v3 =	vand.u32 $0x7, v3;
	v4 =	vand.u32 $0xFFFFFFF0, v19  }
0x9ef: {  	v3 =	vor.u32 v3, v4  }
0x9f0: {  	v4 =	vperm.xlane v3, v0;
	_ =	sdelay $0x1  }
0x9f1: {  	v3 =	vperm.xlane v3, v2;
	v4 =	vadd.s32 v1, v4;
	_ =	sdelay $0x1  }
0x9f2: {  	v3 =	vadd.s32 v1, v3;
	_ =	sdelay $0x1  }
0x9f3: {  	s22 =	simm.s32 $0x10C00  }
0x9f4: {  	[tilespmem:s22], [sflag:$0x2] =	stream.indirect_vreg.gather [hbm4b:s2+s3], $0x80, v4, vm0, $0xb8;
	[tilespmem:$0x1A400] =	vst v63  }
0x9f5: {  	s9 =	simm.s32 $0x11400  }
0x9f6: {  	[tilespmem:s9], [sflag:$0x2] =	stream.indirect_vreg.gather [hbm4b:s2+s3], $0x80, v3, vm0, $0xb8;
	[tilespmem:$0x1A400] =	vst v63  }
0x9f7: {  	v3 =	vld [tilespmem:$0xD88];
	_ =	sdelay $0x4  }
0x9f8: {  	v20 =	vshll.u32 v3, $0x1  }
0x9f9: {  	v3 =	vand.u32 $0x7, v3;
	v4 =	vand.u32 $0xFFFFFFF0, v20  }
0x9fa: {  	v3 =	vor.u32 v3, v4  }
0x9fb: {  	v4 =	vperm.xlane v3, v0;
	_ =	sdelay $0x1  }
0x9fc: {  	v3 =	vperm.xlane v3, v2;
	v4 =	vadd.s32 v1, v4;
	_ =	sdelay $0x1  }
0x9fd: {  	v3 =	vadd.s32 v1, v3;
	_ =	sdelay $0x1  }
0x9fe: {  	s23 =	simm.s32 $0x11C00  }
0x9ff: {  	[tilespmem:s23], [sflag:$0x2] =	stream.indirect_vreg.gather [hbm4b:s2+s3], $0x80, v4, vm0, $0xb8;
	[tilespmem:$0x1A400] =	vst v63  }
0xa00: {  	s9 =	simm.s32 $0x12400  }
0xa01: {  	[tilespmem:s9], [sflag:$0x2] =	stream.indirect_vreg.gather [hbm4b:s2+s3], $0x80, v3, vm0, $0xb8;
	[tilespmem:$0x1A400] =	vst v63  }
0xa02: {  	v3 =	vld [tilespmem:$0xD98];
	_ =	sdelay $0x4  }
0xa03: {  	v21 =	vshll.u32 v3, $0x1  }
0xa04: {  	v3 =	vand.u32 $0x7, v3;
	v4 =	vand.u32 $0xFFFFFFF0, v21  }
0xa05: {  	v3 =	vor.u32 v3, v4  }
0xa06: {  	v4 =	vperm.xlane v3, v0;
	_ =	sdelay $0x1  }
0xa07: {  	v3 =	vperm.xlane v3, v2;
	v4 =	vadd.s32 v1, v4;
	_ =	sdelay $0x1  }
0xa08: {  	v3 =	vadd.s32 v1, v3;
	_ =	sdelay $0x1  }
0xa09: {  	s24 =	simm.s32 $0x12C00  }
0xa0a: {  	[tilespmem:s24], [sflag:$0x2] =	stream.indirect_vreg.gather [hbm4b:s2+s3], $0x80, v4, vm0, $0xb8;
	[tilespmem:$0x1A400] =	vst v63  }
0xa0b: {  	s9 =	simm.s32 $0x13400  }
0xa0c: {  	[tilespmem:s9], [sflag:$0x2] =	stream.indirect_vreg.gather [hbm4b:s2+s3], $0x80, v3, vm0, $0xb8;
	[tilespmem:$0x1A400] =	vst v63  }
0xa0d: {  	v3 =	vld [tilespmem:$0xDA8];
	_ =	sdelay $0x4  }
0xa0e: {  	v22 =	vshll.u32 v3, $0x1  }
0xa0f: {  	v3 =	vand.u32 $0x7, v3;
	v4 =	vand.u32 $0xFFFFFFF0, v22  }
0xa10: {  	v3 =	vor.u32 v3, v4  }
0xa11: {  	v4 =	vperm.xlane v3, v0;
	_ =	sdelay $0x1  }
0xa12: {  	v3 =	vperm.xlane v3, v2;
	v4 =	vadd.s32 v1, v4;
	_ =	sdelay $0x1  }
0xa13: {  	v3 =	vadd.s32 v1, v3;
	_ =	sdelay $0x1  }
0xa14: {  	s25 =	simm.s32 $0x13C00  }
0xa15: {  	[tilespmem:s25], [sflag:$0x2] =	stream.indirect_vreg.gather [hbm4b:s2+s3], $0x80, v4, vm0, $0xb8;
	[tilespmem:$0x1A400] =	vst v63  }
0xa16: {  	s9 =	simm.s32 $0x14400  }
0xa17: {  	[tilespmem:s9], [sflag:$0x2] =	stream.indirect_vreg.gather [hbm4b:s2+s3], $0x80, v3, vm0, $0xb8;
	[tilespmem:$0x1A400] =	vst v63  }
0xa18: {  	v3 =	vld [tilespmem:$0xDB8];
	_ =	sdelay $0x4  }
0xa19: {  	v23 =	vshll.u32 v3, $0x1  }
0xa1a: {  	v3 =	vand.u32 $0x7, v3;
	v4 =	vand.u32 $0xFFFFFFF0, v23  }
0xa1b: {  	v3 =	vor.u32 v3, v4  }
0xa1c: {  	v4 =	vperm.xlane v3, v0;
	_ =	sdelay $0x1  }
0xa1d: {  	v3 =	vperm.xlane v3, v2;
	v4 =	vadd.s32 v1, v4;
	_ =	sdelay $0x1  }
0xa1e: {  	v3 =	vadd.s32 v1, v3;
	_ =	sdelay $0x1  }
0xa1f: {  	s26 =	simm.s32 $0x14C00  }
0xa20: {  	[tilespmem:s26], [sflag:$0x2] =	stream.indirect_vreg.gather [hbm4b:s2+s3], $0x80, v4, vm0, $0xb8;
	[tilespmem:$0x1A400] =	vst v63  }
0xa21: {  	s9 =	simm.s32 $0x15400  }
0xa22: {  	[tilespmem:s9], [sflag:$0x2] =	stream.indirect_vreg.gather [hbm4b:s2+s3], $0x80, v3, vm0, $0xb8;
	[tilespmem:$0x1A400] =	vst v63  }
0xa23: {  	v3 =	vld [tilespmem:$0xDC8];
	_ =	sdelay $0x4  }
0xa24: {  	v24 =	vshll.u32 v3, $0x1  }
0xa25: {  	v3 =	vand.u32 $0x7, v3;
	v4 =	vand.u32 $0xFFFFFFF0, v24  }
0xa26: {  	v3 =	vor.u32 v3, v4  }
0xa27: {  	v4 =	vperm.xlane v3, v0;
	_ =	sdelay $0x1  }
0xa28: {  	v3 =	vperm.xlane v3, v2;
	v4 =	vadd.s32 v1, v4;
	_ =	sdelay $0x1  }
0xa29: {  	v3 =	vadd.s32 v1, v3;
	_ =	sdelay $0x1  }
0xa2a: {  	s28 =	simm.s32 $0x15C00  }
0xa2b: {  	[tilespmem:s28], [sflag:$0x2] =	stream.indirect_vreg.gather [hbm4b:s2+s3], $0x80, v4, vm0, $0xb8;
	[tilespmem:$0x1A400] =	vst v63  }
0xa2c: {  	s9 =	simm.s32 $0x16400  }
0xa2d: {  	[tilespmem:s9], [sflag:$0x2] =	stream.indirect_vreg.gather [hbm4b:s2+s3], $0x80, v3, vm0, $0xb8;
	[tilespmem:$0x1A400] =	vst v63  }
0xa2e: {  	v3 =	vld [tilespmem:$0xDD8];
	_ =	sdelay $0x4  }
0xa2f: {  	v25 =	vshll.u32 v3, $0x1  }
0xa30: {  	v3 =	vand.u32 $0x7, v3;
	v4 =	vand.u32 $0xFFFFFFF0, v25  }
0xa31: {  	v3 =	vor.u32 v3, v4  }
0xa32: {  	v4 =	vperm.xlane v3, v0;
	_ =	sdelay $0x1  }
0xa33: {  	v3 =	vperm.xlane v3, v2;
	v4 =	vadd.s32 v1, v4;
	_ =	sdelay $0x1  }
0xa34: {  	v3 =	vadd.s32 v1, v3;
	_ =	sdelay $0x1  }
0xa35: {  	s29 =	simm.s32 $0x16C00  }
0xa36: {  	[tilespmem:s29], [sflag:$0x2] =	stream.indirect_vreg.gather [hbm4b:s2+s3], $0x80, v4, vm0, $0xb8;
	[tilespmem:$0x1A400] =	vst v63  }
0xa37: {  	s9 =	simm.s32 $0x17400  }
0xa38: {  	[tilespmem:s9], [sflag:$0x2] =	stream.indirect_vreg.gather [hbm4b:s2+s3], $0x80, v3, vm0, $0xb8;
	[tilespmem:$0x1A400] =	vst v63  }
0xa39: {  	v3 =	vld [tilespmem:$0xDE8];
	_ =	sdelay $0x4  }
0xa3a: {  	v26 =	vshll.u32 v3, $0x1  }
0xa3b: {  	v3 =	vand.u32 $0x7, v3;
	v4 =	vand.u32 $0xFFFFFFF0, v26  }
0xa3c: {  	v3 =	vor.u32 v3, v4  }
0xa3d: {  	v4 =	vperm.xlane v3, v0;
	_ =	sdelay $0x1  }
0xa3e: {  	v3 =	vperm.xlane v3, v2;
	v4 =	vadd.s32 v1, v4;
	_ =	sdelay $0x1  }
0xa3f: {  	v3 =	vadd.s32 v1, v3;
	_ =	sdelay $0x1  }
0xa40: {  	s30 =	simm.s32 $0x17C00  }
0xa41: {  	[tilespmem:s30], [sflag:$0x2] =	stream.indirect_vreg.gather [hbm4b:s2+s3], $0x80, v4, vm0, $0xb8;
	[tilespmem:$0x1A400] =	vst v63  }
0xa42: {  	s9 =	simm.s32 $0x18400  }
0xa43: {  	[tilespmem:s9], [sflag:$0x2] =	stream.indirect_vreg.gather [hbm4b:s2+s3], $0x80, v3, vm0, $0xb8;
	[tilespmem:$0x1A400] =	vst v63  }
0xa44: {  	v3 =	vld [tilespmem:$0xDF8];
	_ =	sdelay $0x4  }
0xa45: {  	v27 =	vshll.u32 v3, $0x1  }
0xa46: {  	v3 =	vand.u32 $0x7, v3;
	v4 =	vand.u32 $0xFFFFFFF0, v27  }
0xa47: {  	v3 =	vor.u32 v3, v4  }
0xa48: {  	v4 =	vperm.xlane v3, v0;
	_ =	sdelay $0x1  }
0xa49: {  	v3 =	vperm.xlane v3, v2;
	v4 =	vadd.s32 v1, v4;
	_ =	sdelay $0x1  }
0xa4a: {  	v3 =	vadd.s32 v1, v3;
	_ =	sdelay $0x1  }
0xa4b: {  	s31 =	simm.s32 $0x18C00  }
0xa4c: {  	[tilespmem:s31], [sflag:$0x2] =	stream.indirect_vreg.gather [hbm4b:s2+s3], $0x80, v4, vm0, $0xb8;
	[tilespmem:$0x1A400] =	vst v63  }
0xa4d: {  	s9 =	simm.s32 $0x19400  }
0xa4e: {  	[tilespmem:s9], [sflag:$0x2] =	stream.indirect_vreg.gather [hbm4b:s2+s3], $0x80, v3, vm0, $0xb8;
	[tilespmem:$0x1A400] =	vst v63  }
0xa4f: {  	v3 =	vld.msk [tilespmem:$0xE08], $0xff;
	_ =	sdelay $0x4  }
0xa50: {  	v28 =	vshll.u32 v3, $0x1  }
0xa51: {  	v3 =	vand.u32 $0x7, v3;
	v4 =	vand.u32 $0xFFFFFFF0, v28  }
0xa52: {  	v3 =	vor.u32 v3, v4  }
0xa53: {  	v3 =	vperm.xlane v3, v0;
	_ =	sdelay $0x1  }
0xa54: {  	v3 =	vadd.s32 v1, v3;
	_ =	sdelay $0x3  }
0xa55: {  	s9 =	simm.s32 $0x19C00  }
0xa56: {  	[tilespmem:s9], [sflag:$0x2] =	stream.indirect_vreg.gather [hbm4b:s2+s3], $0x80, v3, vm0, $0xb8;
	[tilespmem:$0x1A400] =	vst v63  }
0xa57: {  	_ =	swait.ge [sflag:s17], $0xC800  }
0xa58: {  	[sflag:s17] =	ssyncset.done $0x0  }
0xa59: {  	s9 =	rddreg [dreg:$0x15];
	[sflag:s17] =	ssyncadd.s32 $0xFFFF3800  }
0xa5a: {  	[hbm4b:s9+s3] =	stream.linear.scatter [tilespmem:s0], [sflag:$0x4], $0xC800, $0x38;
	[tilespmem:$0x1A400] =	vst v63  }
0xa5b: {  	_ =	swait.ge [sflag:s7], $0xC800  }
0xa5c: {  	[sflag:s7] =	ssyncset.done $0x0  }
0xa5d: {  	[sflag:s7] =	ssyncadd.s32 $0xFFFF3800  }
0xa5e: {  	v3 =	vld [tilespmem:$0xE10];
	_ =	sdelay $0x4  }
0xa5f: {  	v29 =	vshll.u32 v3, $0x1  }
0xa60: {  	v3 =	vand.u32 $0x7, v3;
	v4 =	vand.u32 $0xFFFFFFF0, v29  }
0xa61: {  	v3 =	vor.u32 v3, v4  }
0xa62: {  	v4 =	vperm.xlane v3, v0;
	_ =	sdelay $0x1  }
0xa63: {  	v3 =	vperm.xlane v3, v2;
	v4 =	vadd.s32 v1, v4;
	_ =	sdelay $0x1  }
0xa64: {  	v3 =	vadd.s32 v1, v3;
	_ =	sdelay $0x2  }
0xa65: {  	[tilespmem:s19], [sflag:$0x1] =	stream.indirect_vreg.gather [hbm4b:s2+s3], $0x80, v4, vm0, $0xb8;
	[tilespmem:$0x1A400] =	vst v63  }
0xa66: {  	s9 =	simm.s32 $0x1C00  }
0xa67: {  	[tilespmem:s9], [sflag:$0x1] =	stream.indirect_vreg.gather [hbm4b:s2+s3], $0x80, v3, vm0, $0xb8;
	[tilespmem:$0x1A400] =	vst v63  }
0xa68: {  	v3 =	vld [tilespmem:$0xE20];
	_ =	sdelay $0x4  }
0xa69: {  	v30 =	vshll.u32 v3, $0x1  }
0xa6a: {  	v3 =	vand.u32 $0x7, v3;
	v4 =	vand.u32 $0xFFFFFFF0, v30  }
0xa6b: {  	v3 =	vor.u32 v3, v4  }
0xa6c: {  	v4 =	vperm.xlane v3, v0;
	_ =	sdelay $0x1  }
0xa6d: {  	v3 =	vperm.xlane v3, v2;
	v4 =	vadd.s32 v1, v4;
	_ =	sdelay $0x1  }
0xa6e: {  	v3 =	vadd.s32 v1, v3;
	_ =	sdelay $0x1  }
0xa6f: {  	s9 =	simm.s32 $0x2400  }
0xa70: {  	[tilespmem:s9], [sflag:$0x1] =	stream.indirect_vreg.gather [hbm4b:s2+s3], $0x80, v4, vm0, $0xb8;
	[tilespmem:$0x1A400] =	vst v63  }
0xa71: {  	s16 =	simm.s32 $0x2C00  }
0xa72: {  	[tilespmem:s16], [sflag:$0x1] =	stream.indirect_vreg.gather [hbm4b:s2+s3], $0x80, v3, vm0, $0xb8;
	[tilespmem:$0x1A400] =	vst v63  }
0xa73: {  	v3 =	vld [tilespmem:$0xE30];
	_ =	sdelay $0x4  }
0xa74: {  	v31 =	vshll.u32 v3, $0x1  }
0xa75: {  	v3 =	vand.u32 $0x7, v3;
	v4 =	vand.u32 $0xFFFFFFF0, v31  }
0xa76: {  	v3 =	vor.u32 v3, v4  }
0xa77: {  	v4 =	vperm.xlane v3, v0;
	_ =	sdelay $0x1  }
0xa78: {  	v3 =	vperm.xlane v3, v2;
	v4 =	vadd.s32 v1, v4;
	_ =	sdelay $0x1  }
0xa79: {  	v3 =	vadd.s32 v1, v3;
	_ =	sdelay $0x1  }
0xa7a: {  	s9 =	simm.s32 $0x3400  }
0xa7b: {  	[tilespmem:s9], [sflag:$0x1] =	stream.indirect_vreg.gather [hbm4b:s2+s3], $0x80, v4, vm0, $0xb8;
	[tilespmem:$0x1A400] =	vst v63  }
0xa7c: {  	s4 =	simm.s32 $0x3C00  }
0xa7d: {  	[tilespmem:s4], [sflag:$0x1] =	stream.indirect_vreg.gather [hbm4b:s2+s3], $0x80, v3, vm0, $0xb8;
	[tilespmem:$0x1A400] =	vst v63  }
0xa7e: {  	v3 =	vld [tilespmem:$0xE40];
	_ =	sdelay $0x4  }
0xa7f: {  	v32 =	vshll.u32 v3, $0x1  }
0xa80: {  	v3 =	vand.u32 $0x7, v3;
	v4 =	vand.u32 $0xFFFFFFF0, v32  }
0xa81: {  	v3 =	vor.u32 v3, v4  }
0xa82: {  	v4 =	vperm.xlane v3, v0;
	_ =	sdelay $0x1  }
0xa83: {  	v3 =	vperm.xlane v3, v2;
	v4 =	vadd.s32 v1, v4;
	_ =	sdelay $0x1  }
0xa84: {  	v3 =	vadd.s32 v1, v3;
	_ =	sdelay $0x1  }
0xa85: {  	s9 =	simm.s32 $0x4400  }
0xa86: {  	[tilespmem:s9], [sflag:$0x1] =	stream.indirect_vreg.gather [hbm4b:s2+s3], $0x80, v4, vm0, $0xb8;
	[tilespmem:$0x1A400] =	vst v63  }
0xa87: {  	s6 =	simm.s32 $0x4C00  }
0xa88: {  	[tilespmem:s6], [sflag:$0x1] =	stream.indirect_vreg.gather [hbm4b:s2+s3], $0x80, v3, vm0, $0xb8;
	[tilespmem:$0x1A400] =	vst v63  }
0xa89: {  	v3 =	vld [tilespmem:$0xE50];
	_ =	sdelay $0x4  }
0xa8a: {  	v33 =	vshll.u32 v3, $0x1  }
0xa8b: {  	v3 =	vand.u32 $0x7, v3;
	v4 =	vand.u32 $0xFFFFFFF0, v33  }
0xa8c: {  	v3 =	vor.u32 v3, v4  }
0xa8d: {  	v4 =	vperm.xlane v3, v0;
	_ =	sdelay $0x1  }
0xa8e: {  	v3 =	vperm.xlane v3, v2;
	v4 =	vadd.s32 v1, v4;
	_ =	sdelay $0x1  }
0xa8f: {  	v3 =	vadd.s32 v1, v3;
	_ =	sdelay $0x1  }
0xa90: {  	s9 =	simm.s32 $0x5400  }
0xa91: {  	[tilespmem:s9], [sflag:$0x1] =	stream.indirect_vreg.gather [hbm4b:s2+s3], $0x80, v4, vm0, $0xb8;
	[tilespmem:$0x1A400] =	vst v63  }
0xa92: {  	s10 =	simm.s32 $0x5C00  }
0xa93: {  	[tilespmem:s10], [sflag:$0x1] =	stream.indirect_vreg.gather [hbm4b:s2+s3], $0x80, v3, vm0, $0xb8;
	[tilespmem:$0x1A400] =	vst v63  }
0xa94: {  	v3 =	vld [tilespmem:$0xE60];
	_ =	sdelay $0x4  }
0xa95: {  	v34 =	vshll.u32 v3, $0x1  }
0xa96: {  	v3 =	vand.u32 $0x7, v3;
	v4 =	vand.u32 $0xFFFFFFF0, v34  }
0xa97: {  	v3 =	vor.u32 v3, v4  }
0xa98: {  	v4 =	vperm.xlane v3, v0;
	_ =	sdelay $0x1  }
0xa99: {  	v3 =	vperm.xlane v3, v2;
	v4 =	vadd.s32 v1, v4;
	_ =	sdelay $0x1  }
0xa9a: {  	v3 =	vadd.s32 v1, v3;
	_ =	sdelay $0x1  }
0xa9b: {  	s9 =	simm.s32 $0x6400  }
0xa9c: {  	[tilespmem:s9], [sflag:$0x1] =	stream.indirect_vreg.gather [hbm4b:s2+s3], $0x80, v4, vm0, $0xb8;
	[tilespmem:$0x1A400] =	vst v63  }
0xa9d: {  	s11 =	simm.s32 $0x6C00  }
0xa9e: {  	[tilespmem:s11], [sflag:$0x1] =	stream.indirect_vreg.gather [hbm4b:s2+s3], $0x80, v3, vm0, $0xb8;
	[tilespmem:$0x1A400] =	vst v63  }
0xa9f: {  	v3 =	vld [tilespmem:$0xE70];
	_ =	sdelay $0x4  }
0xaa0: {  	v35 =	vshll.u32 v3, $0x1  }
0xaa1: {  	v3 =	vand.u32 $0x7, v3;
	v4 =	vand.u32 $0xFFFFFFF0, v35  }
0xaa2: {  	v3 =	vor.u32 v3, v4  }
0xaa3: {  	v4 =	vperm.xlane v3, v0;
	_ =	sdelay $0x1  }
0xaa4: {  	v3 =	vperm.xlane v3, v2;
	v4 =	vadd.s32 v1, v4;
	_ =	sdelay $0x1  }
0xaa5: {  	v3 =	vadd.s32 v1, v3;
	_ =	sdelay $0x1  }
0xaa6: {  	s9 =	simm.s32 $0x7400  }
0xaa7: {  	[tilespmem:s9], [sflag:$0x1] =	stream.indirect_vreg.gather [hbm4b:s2+s3], $0x80, v4, vm0, $0xb8;
	[tilespmem:$0x1A400] =	vst v63  }
0xaa8: {  	s12 =	simm.s32 $0x7C00  }
0xaa9: {  	[tilespmem:s12], [sflag:$0x1] =	stream.indirect_vreg.gather [hbm4b:s2+s3], $0x80, v3, vm0, $0xb8;
	[tilespmem:$0x1A400] =	vst v63  }
0xaaa: {  	v3 =	vld [tilespmem:$0xE80];
	_ =	sdelay $0x4  }
0xaab: {  	v36 =	vshll.u32 v3, $0x1  }
0xaac: {  	v3 =	vand.u32 $0x7, v3;
	v4 =	vand.u32 $0xFFFFFFF0, v36  }
0xaad: {  	v3 =	vor.u32 v3, v4  }
0xaae: {  	v4 =	vperm.xlane v3, v0;
	_ =	sdelay $0x1  }
0xaaf: {  	v3 =	vperm.xlane v3, v2;
	v4 =	vadd.s32 v1, v4;
	_ =	sdelay $0x1  }
0xab0: {  	v3 =	vadd.s32 v1, v3;
	_ =	sdelay $0x1  }
0xab1: {  	s9 =	simm.s32 $0x8400  }
0xab2: {  	[tilespmem:s9], [sflag:$0x1] =	stream.indirect_vreg.gather [hbm4b:s2+s3], $0x80, v4, vm0, $0xb8;
	[tilespmem:$0x1A400] =	vst v63  }
0xab3: {  	s13 =	simm.s32 $0x8C00  }
0xab4: {  	[tilespmem:s13], [sflag:$0x1] =	stream.indirect_vreg.gather [hbm4b:s2+s3], $0x80, v3, vm0, $0xb8;
	[tilespmem:$0x1A400] =	vst v63  }
0xab5: {  	v3 =	vld [tilespmem:$0xE90];
	_ =	sdelay $0x4  }
0xab6: {  	v37 =	vshll.u32 v3, $0x1  }
0xab7: {  	v3 =	vand.u32 $0x7, v3;
	v4 =	vand.u32 $0xFFFFFFF0, v37  }
0xab8: {  	v3 =	vor.u32 v3, v4  }
0xab9: {  	v4 =	vperm.xlane v3, v0;
	_ =	sdelay $0x1  }
0xaba: {  	v3 =	vperm.xlane v3, v2;
	v4 =	vadd.s32 v1, v4;
	_ =	sdelay $0x1  }
0xabb: {  	v3 =	vadd.s32 v1, v3;
	_ =	sdelay $0x1  }
0xabc: {  	s9 =	simm.s32 $0x9400  }
0xabd: {  	[tilespmem:s9], [sflag:$0x1] =	stream.indirect_vreg.gather [hbm4b:s2+s3], $0x80, v4, vm0, $0xb8;
	[tilespmem:$0x1A400] =	vst v63  }
0xabe: {  	s14 =	simm.s32 $0x9C00  }
0xabf: {  	[tilespmem:s14], [sflag:$0x1] =	stream.indirect_vreg.gather [hbm4b:s2+s3], $0x80, v3, vm0, $0xb8;
	[tilespmem:$0x1A400] =	vst v63  }
0xac0: {  	v3 =	vld [tilespmem:$0xEA0];
	_ =	sdelay $0x4  }
0xac1: {  	v38 =	vshll.u32 v3, $0x1  }
0xac2: {  	v3 =	vand.u32 $0x7, v3;
	v4 =	vand.u32 $0xFFFFFFF0, v38  }
0xac3: {  	v3 =	vor.u32 v3, v4  }
0xac4: {  	v4 =	vperm.xlane v3, v0;
	_ =	sdelay $0x1  }
0xac5: {  	v3 =	vperm.xlane v3, v2;
	v4 =	vadd.s32 v1, v4;
	_ =	sdelay $0x1  }
0xac6: {  	v3 =	vadd.s32 v1, v3;
	_ =	sdelay $0x1  }
0xac7: {  	s9 =	simm.s32 $0xA400  }
0xac8: {  	[tilespmem:s9], [sflag:$0x1] =	stream.indirect_vreg.gather [hbm4b:s2+s3], $0x80, v4, vm0, $0xb8;
	[tilespmem:$0x1A400] =	vst v63  }
0xac9: {  	s15 =	simm.s32 $0xAC00  }
0xaca: {  	[tilespmem:s15], [sflag:$0x1] =	stream.indirect_vreg.gather [hbm4b:s2+s3], $0x80, v3, vm0, $0xb8;
	[tilespmem:$0x1A400] =	vst v63  }
0xacb: {  	v3 =	vld [tilespmem:$0xEB0];
	_ =	sdelay $0x4  }
0xacc: {  	v39 =	vshll.u32 v3, $0x1  }
0xacd: {  	v3 =	vand.u32 $0x7, v3;
	v4 =	vand.u32 $0xFFFFFFF0, v39  }
0xace: {  	v3 =	vor.u32 v3, v4  }
0xacf: {  	v4 =	vperm.xlane v3, v0;
	_ =	sdelay $0x1  }
0xad0: {  	v3 =	vperm.xlane v3, v2;
	v4 =	vadd.s32 v1, v4;
	_ =	sdelay $0x1  }
0xad1: {  	v3 =	vadd.s32 v1, v3;
	_ =	sdelay $0x1  }
0xad2: {  	s9 =	simm.s32 $0xB400  }
0xad3: {  	[tilespmem:s9], [sflag:$0x1] =	stream.indirect_vreg.gather [hbm4b:s2+s3], $0x80, v4, vm0, $0xb8;
	[tilespmem:$0x1A400] =	vst v63  }
0xad4: {  	s9 =	simm.s32 $0xBC00  }
0xad5: {  	[tilespmem:s9], [sflag:$0x1] =	stream.indirect_vreg.gather [hbm4b:s2+s3], $0x80, v3, vm0, $0xb8;
	[tilespmem:$0x1A400] =	vst v63  }
0xad6: {  	v3 =	vld [tilespmem:$0xEC0];
	_ =	sdelay $0x4  }
0xad7: {  	v40 =	vshll.u32 v3, $0x1  }
0xad8: {  	v3 =	vand.u32 $0x7, v3;
	v4 =	vand.u32 $0xFFFFFFF0, v40  }
0xad9: {  	v3 =	vor.u32 v3, v4  }
0xada: {  	v4 =	vperm.xlane v3, v0;
	_ =	sdelay $0x1  }
0xadb: {  	v3 =	vperm.xlane v3, v2;
	v4 =	vadd.s32 v1, v4;
	_ =	sdelay $0x1  }
0xadc: {  	v3 =	vadd.s32 v1, v3;
	_ =	sdelay $0x1  }
0xadd: {  	s9 =	simm.s32 $0xC400  }
0xade: {  	[tilespmem:s9], [sflag:$0x1] =	stream.indirect_vreg.gather [hbm4b:s2+s3], $0x80, v4, vm0, $0xb8;
	[tilespmem:$0x1A400] =	vst v63  }
0xadf: {  	s20 =	simm.s32 $0xCC00  }
0xae0: {  	[tilespmem:s20], [sflag:$0x1] =	stream.indirect_vreg.gather [hbm4b:s2+s3], $0x80, v3, vm0, $0xb8;
	[tilespmem:$0x1A400] =	vst v63  }
0xae1: {  	v3 =	vld.msk [tilespmem:$0xED0], $0xff;
	_ =	sdelay $0x4  }
0xae2: {  	v41 =	vshll.u32 v3, $0x1  }
0xae3: {  	v3 =	vand.u32 $0x7, v3;
	v4 =	vand.u32 $0xFFFFFFF0, v41  }
0xae4: {  	v3 =	vor.u32 v3, v4  }
0xae5: {  	v3 =	vperm.xlane v3, v0;
	_ =	sdelay $0x1  }
0xae6: {  	v3 =	vadd.s32 v1, v3;
	_ =	sdelay $0x3  }
0xae7: {  	s18 =	simm.s32 $0xD400  }
0xae8: {  	[tilespmem:s18], [sflag:$0x1] =	stream.indirect_vreg.gather [hbm4b:s2+s3], $0x80, v3, vm0, $0xb8;
	[tilespmem:$0x1A400] =	vst v63  }
0xae9: {  	_ =	swait.ge [sflag:s1], $0xC800  }
0xaea: {  	[sflag:s1] =	ssyncset.done $0x0  }
0xaeb: {  	s9 =	rddreg [dreg:$0x16];
	[sflag:s1] =	ssyncadd.s32 $0xFFFF3800  }
0xaec: {  	[hbm4b:s9+s3] =	stream.linear.scatter [tilespmem:s19], [sflag:$0x3], $0xC800, $0x38;
	[tilespmem:$0x1A400] =	vst v63  }
0xaed: {  	_ =	swait.ge [sflag:s8], $0xC800  }
0xaee: {  	[sflag:s8] =	ssyncset.done $0x0  }
0xaef: {  	[sflag:s8] =	ssyncadd.s32 $0xFFFF3800  }
0xaf0: {  	v3 =	vld [tilespmem:$0xED8];
	_ =	sdelay $0x4  }
0xaf1: {  	v42 =	vshll.u32 v3, $0x1  }
0xaf2: {  	v3 =	vand.u32 $0x7, v3;
	v4 =	vand.u32 $0xFFFFFFF0, v42  }
0xaf3: {  	v3 =	vor.u32 v3, v4  }
0xaf4: {  	v4 =	vperm.xlane v3, v0;
	_ =	sdelay $0x1  }
0xaf5: {  	v3 =	vperm.xlane v3, v2;
	v4 =	vadd.s32 v1, v4;
	_ =	sdelay $0x1  }
0xaf6: {  	v3 =	vadd.s32 v1, v3;
	_ =	sdelay $0x2  }
0xaf7: {  	[tilespmem:s0], [sflag:$0x2] =	stream.indirect_vreg.gather [hbm4b:s2+s3], $0x80, v4, vm0, $0xb8;
	[tilespmem:$0x1A400] =	vst v63  }
0xaf8: {  	s9 =	simm.s32 $0xE400  }
0xaf9: {  	[tilespmem:s9], [sflag:$0x2] =	stream.indirect_vreg.gather [hbm4b:s2+s3], $0x80, v3, vm0, $0xb8;
	[tilespmem:$0x1A400] =	vst v63  }
0xafa: {  	v3 =	vld [tilespmem:$0xEE8];
	_ =	sdelay $0x4  }
0xafb: {  	v43 =	vshll.u32 v3, $0x1  }
0xafc: {  	v3 =	vand.u32 $0x7, v3;
	v4 =	vand.u32 $0xFFFFFFF0, v43  }
0xafd: {  	v3 =	vor.u32 v3, v4  }
0xafe: {  	v4 =	vperm.xlane v3, v0;
	_ =	sdelay $0x1  }
0xaff: {  	v3 =	vperm.xlane v3, v2;
	v4 =	vadd.s32 v1, v4;
	_ =	sdelay $0x1  }
0xb00: {  	v3 =	vadd.s32 v1, v3;
	_ =	sdelay $0x1  }
0xb01: {  	s5 =	simm.s32 $0xEC00  }
0xb02: {  	[tilespmem:s5], [sflag:$0x2] =	stream.indirect_vreg.gather [hbm4b:s2+s3], $0x80, v4, vm0, $0xb8;
	[tilespmem:$0x1A400] =	vst v63  }
0xb03: {  	s9 =	simm.s32 $0xF400  }
0xb04: {  	[tilespmem:s9], [sflag:$0x2] =	stream.indirect_vreg.gather [hbm4b:s2+s3], $0x80, v3, vm0, $0xb8;
	[tilespmem:$0x1A400] =	vst v63  }
0xb05: {  	v3 =	vld [tilespmem:$0xEF8];
	_ =	sdelay $0x4  }
0xb06: {  	v44 =	vshll.u32 v3, $0x1  }
0xb07: {  	v3 =	vand.u32 $0x7, v3;
	v4 =	vand.u32 $0xFFFFFFF0, v44  }
0xb08: {  	v3 =	vor.u32 v3, v4  }
0xb09: {  	v4 =	vperm.xlane v3, v0;
	_ =	sdelay $0x1  }
0xb0a: {  	v3 =	vperm.xlane v3, v2;
	v4 =	vadd.s32 v1, v4;
	_ =	sdelay $0x1  }
0xb0b: {  	v3 =	vadd.s32 v1, v3;
	_ =	sdelay $0x1  }
0xb0c: {  	s21 =	simm.s32 $0xFC00  }
0xb0d: {  	[tilespmem:s21], [sflag:$0x2] =	stream.indirect_vreg.gather [hbm4b:s2+s3], $0x80, v4, vm0, $0xb8;
	[tilespmem:$0x1A400] =	vst v63  }
0xb0e: {  	s9 =	simm.s32 $0x10400  }
0xb0f: {  	[tilespmem:s9], [sflag:$0x2] =	stream.indirect_vreg.gather [hbm4b:s2+s3], $0x80, v3, vm0, $0xb8;
	[tilespmem:$0x1A400] =	vst v63  }
0xb10: {  	v3 =	vld [tilespmem:$0xF08];
	_ =	sdelay $0x4  }
0xb11: {  	v45 =	vshll.u32 v3, $0x1  }
0xb12: {  	v3 =	vand.u32 $0x7, v3;
	v4 =	vand.u32 $0xFFFFFFF0, v45  }
0xb13: {  	v3 =	vor.u32 v3, v4  }
0xb14: {  	v4 =	vperm.xlane v3, v0;
	_ =	sdelay $0x1  }
0xb15: {  	v3 =	vperm.xlane v3, v2;
	v4 =	vadd.s32 v1, v4;
	_ =	sdelay $0x1  }
0xb16: {  	v3 =	vadd.s32 v1, v3;
	_ =	sdelay $0x1  }
0xb17: {  	s22 =	simm.s32 $0x10C00  }
0xb18: {  	[tilespmem:s22], [sflag:$0x2] =	stream.indirect_vreg.gather [hbm4b:s2+s3], $0x80, v4, vm0, $0xb8;
	[tilespmem:$0x1A400] =	vst v63  }
0xb19: {  	s9 =	simm.s32 $0x11400  }
0xb1a: {  	[tilespmem:s9], [sflag:$0x2] =	stream.indirect_vreg.gather [hbm4b:s2+s3], $0x80, v3, vm0, $0xb8;
	[tilespmem:$0x1A400] =	vst v63  }
0xb1b: {  	v3 =	vld [tilespmem:$0xF18];
	_ =	sdelay $0x4  }
0xb1c: {  	v46 =	vshll.u32 v3, $0x1  }
0xb1d: {  	v3 =	vand.u32 $0x7, v3;
	v4 =	vand.u32 $0xFFFFFFF0, v46  }
0xb1e: {  	v3 =	vor.u32 v3, v4  }
0xb1f: {  	v4 =	vperm.xlane v3, v0;
	_ =	sdelay $0x1  }
0xb20: {  	v3 =	vperm.xlane v3, v2;
	v4 =	vadd.s32 v1, v4;
	_ =	sdelay $0x1  }
0xb21: {  	v3 =	vadd.s32 v1, v3;
	_ =	sdelay $0x1  }
0xb22: {  	s23 =	simm.s32 $0x11C00  }
0xb23: {  	[tilespmem:s23], [sflag:$0x2] =	stream.indirect_vreg.gather [hbm4b:s2+s3], $0x80, v4, vm0, $0xb8;
	[tilespmem:$0x1A400] =	vst v63  }
0xb24: {  	s9 =	simm.s32 $0x12400  }
0xb25: {  	[tilespmem:s9], [sflag:$0x2] =	stream.indirect_vreg.gather [hbm4b:s2+s3], $0x80, v3, vm0, $0xb8;
	[tilespmem:$0x1A400] =	vst v63  }
0xb26: {  	v3 =	vld [tilespmem:$0xF28];
	_ =	sdelay $0x4  }
0xb27: {  	v47 =	vshll.u32 v3, $0x1  }
0xb28: {  	v3 =	vand.u32 $0x7, v3;
	v4 =	vand.u32 $0xFFFFFFF0, v47  }
0xb29: {  	v3 =	vor.u32 v3, v4  }
0xb2a: {  	v4 =	vperm.xlane v3, v0;
	_ =	sdelay $0x1  }
0xb2b: {  	v3 =	vperm.xlane v3, v2;
	v4 =	vadd.s32 v1, v4;
	_ =	sdelay $0x1  }
0xb2c: {  	v3 =	vadd.s32 v1, v3;
	_ =	sdelay $0x1  }
0xb2d: {  	s24 =	simm.s32 $0x12C00  }
0xb2e: {  	[tilespmem:s24], [sflag:$0x2] =	stream.indirect_vreg.gather [hbm4b:s2+s3], $0x80, v4, vm0, $0xb8;
	[tilespmem:$0x1A400] =	vst v63  }
0xb2f: {  	s9 =	simm.s32 $0x13400  }
0xb30: {  	[tilespmem:s9], [sflag:$0x2] =	stream.indirect_vreg.gather [hbm4b:s2+s3], $0x80, v3, vm0, $0xb8;
	[tilespmem:$0x1A400] =	vst v63  }
0xb31: {  	v3 =	vld [tilespmem:$0xF38];
	_ =	sdelay $0x4  }
0xb32: {  	v48 =	vshll.u32 v3, $0x1  }
0xb33: {  	v3 =	vand.u32 $0x7, v3;
	v4 =	vand.u32 $0xFFFFFFF0, v48  }
0xb34: {  	v3 =	vor.u32 v3, v4  }
0xb35: {  	v4 =	vperm.xlane v3, v0;
	_ =	sdelay $0x1  }
0xb36: {  	v3 =	vperm.xlane v3, v2;
	v4 =	vadd.s32 v1, v4;
	_ =	sdelay $0x1  }
0xb37: {  	v3 =	vadd.s32 v1, v3;
	_ =	sdelay $0x1  }
0xb38: {  	s25 =	simm.s32 $0x13C00  }
0xb39: {  	[tilespmem:s25], [sflag:$0x2] =	stream.indirect_vreg.gather [hbm4b:s2+s3], $0x80, v4, vm0, $0xb8;
	[tilespmem:$0x1A400] =	vst v63  }
0xb3a: {  	s9 =	simm.s32 $0x14400  }
0xb3b: {  	[tilespmem:s9], [sflag:$0x2] =	stream.indirect_vreg.gather [hbm4b:s2+s3], $0x80, v3, vm0, $0xb8;
	[tilespmem:$0x1A400] =	vst v63  }
0xb3c: {  	v3 =	vld [tilespmem:$0xF48];
	_ =	sdelay $0x4  }
0xb3d: {  	v49 =	vshll.u32 v3, $0x1  }
0xb3e: {  	v3 =	vand.u32 $0x7, v3;
	v4 =	vand.u32 $0xFFFFFFF0, v49  }
0xb3f: {  	v3 =	vor.u32 v3, v4  }
0xb40: {  	v4 =	vperm.xlane v3, v0;
	_ =	sdelay $0x1  }
0xb41: {  	v3 =	vperm.xlane v3, v2;
	v4 =	vadd.s32 v1, v4;
	_ =	sdelay $0x1  }
0xb42: {  	v3 =	vadd.s32 v1, v3;
	_ =	sdelay $0x1  }
0xb43: {  	s26 =	simm.s32 $0x14C00  }
0xb44: {  	[tilespmem:s26], [sflag:$0x2] =	stream.indirect_vreg.gather [hbm4b:s2+s3], $0x80, v4, vm0, $0xb8;
	[tilespmem:$0x1A400] =	vst v63  }
0xb45: {  	s9 =	simm.s32 $0x15400  }
0xb46: {  	[tilespmem:s9], [sflag:$0x2] =	stream.indirect_vreg.gather [hbm4b:s2+s3], $0x80, v3, vm0, $0xb8;
	[tilespmem:$0x1A400] =	vst v63  }
0xb47: {  	v3 =	vld [tilespmem:$0xF58];
	_ =	sdelay $0x4  }
0xb48: {  	v50 =	vshll.u32 v3, $0x1  }
0xb49: {  	v3 =	vand.u32 $0x7, v3;
	v4 =	vand.u32 $0xFFFFFFF0, v50  }
0xb4a: {  	v3 =	vor.u32 v3, v4  }
0xb4b: {  	v4 =	vperm.xlane v3, v0;
	_ =	sdelay $0x1  }
0xb4c: {  	v3 =	vperm.xlane v3, v2;
	v4 =	vadd.s32 v1, v4;
	_ =	sdelay $0x1  }
0xb4d: {  	v3 =	vadd.s32 v1, v3;
	_ =	sdelay $0x1  }
0xb4e: {  	s28 =	simm.s32 $0x15C00  }
0xb4f: {  	[tilespmem:s28], [sflag:$0x2] =	stream.indirect_vreg.gather [hbm4b:s2+s3], $0x80, v4, vm0, $0xb8;
	[tilespmem:$0x1A400] =	vst v63  }
0xb50: {  	s9 =	simm.s32 $0x16400  }
0xb51: {  	[tilespmem:s9], [sflag:$0x2] =	stream.indirect_vreg.gather [hbm4b:s2+s3], $0x80, v3, vm0, $0xb8;
	[tilespmem:$0x1A400] =	vst v63  }
0xb52: {  	v3 =	vld [tilespmem:$0xF68];
	_ =	sdelay $0x4  }
0xb53: {  	v51 =	vshll.u32 v3, $0x1  }
0xb54: {  	v3 =	vand.u32 $0x7, v3;
	v4 =	vand.u32 $0xFFFFFFF0, v51  }
0xb55: {  	v3 =	vor.u32 v3, v4  }
0xb56: {  	v4 =	vperm.xlane v3, v0;
	_ =	sdelay $0x1  }
0xb57: {  	v3 =	vperm.xlane v3, v2;
	v4 =	vadd.s32 v1, v4;
	_ =	sdelay $0x1  }
0xb58: {  	v3 =	vadd.s32 v1, v3;
	_ =	sdelay $0x1  }
0xb59: {  	s29 =	simm.s32 $0x16C00  }
0xb5a: {  	[tilespmem:s29], [sflag:$0x2] =	stream.indirect_vreg.gather [hbm4b:s2+s3], $0x80, v4, vm0, $0xb8;
	[tilespmem:$0x1A400] =	vst v63  }
0xb5b: {  	s9 =	simm.s32 $0x17400  }
0xb5c: {  	[tilespmem:s9], [sflag:$0x2] =	stream.indirect_vreg.gather [hbm4b:s2+s3], $0x80, v3, vm0, $0xb8;
	[tilespmem:$0x1A400] =	vst v63  }
0xb5d: {  	v3 =	vld [tilespmem:$0xF78];
	_ =	sdelay $0x4  }
0xb5e: {  	v52 =	vshll.u32 v3, $0x1  }
0xb5f: {  	v3 =	vand.u32 $0x7, v3;
	v4 =	vand.u32 $0xFFFFFFF0, v52  }
0xb60: {  	v3 =	vor.u32 v3, v4  }
0xb61: {  	v4 =	vperm.xlane v3, v0;
	_ =	sdelay $0x1  }
0xb62: {  	v3 =	vperm.xlane v3, v2;
	v4 =	vadd.s32 v1, v4;
	_ =	sdelay $0x1  }
0xb63: {  	v3 =	vadd.s32 v1, v3;
	_ =	sdelay $0x1  }
0xb64: {  	s30 =	simm.s32 $0x17C00  }
0xb65: {  	[tilespmem:s30], [sflag:$0x2] =	stream.indirect_vreg.gather [hbm4b:s2+s3], $0x80, v4, vm0, $0xb8;
	[tilespmem:$0x1A400] =	vst v63  }
0xb66: {  	s9 =	simm.s32 $0x18400  }
0xb67: {  	[tilespmem:s9], [sflag:$0x2] =	stream.indirect_vreg.gather [hbm4b:s2+s3], $0x80, v3, vm0, $0xb8;
	[tilespmem:$0x1A400] =	vst v63  }
0xb68: {  	v3 =	vld [tilespmem:$0xF88];
	_ =	sdelay $0x4  }
0xb69: {  	v53 =	vshll.u32 v3, $0x1  }
0xb6a: {  	v3 =	vand.u32 $0x7, v3;
	v4 =	vand.u32 $0xFFFFFFF0, v53  }
0xb6b: {  	v3 =	vor.u32 v3, v4  }
0xb6c: {  	v4 =	vperm.xlane v3, v0;
	_ =	sdelay $0x1  }
0xb6d: {  	v3 =	vperm.xlane v3, v2;
	v4 =	vadd.s32 v1, v4;
	_ =	sdelay $0x1  }
0xb6e: {  	v3 =	vadd.s32 v1, v3;
	_ =	sdelay $0x1  }
0xb6f: {  	s31 =	simm.s32 $0x18C00  }
0xb70: {  	[tilespmem:s31], [sflag:$0x2] =	stream.indirect_vreg.gather [hbm4b:s2+s3], $0x80, v4, vm0, $0xb8;
	[tilespmem:$0x1A400] =	vst v63  }
0xb71: {  	s9 =	simm.s32 $0x19400  }
0xb72: {  	[tilespmem:s9], [sflag:$0x2] =	stream.indirect_vreg.gather [hbm4b:s2+s3], $0x80, v3, vm0, $0xb8;
	[tilespmem:$0x1A400] =	vst v63  }
0xb73: {  	v3 =	vld.msk [tilespmem:$0xF98], $0xff;
	_ =	sdelay $0x4  }
0xb74: {  	v54 =	vshll.u32 v3, $0x1  }
0xb75: {  	v3 =	vand.u32 $0x7, v3;
	v4 =	vand.u32 $0xFFFFFFF0, v54  }
0xb76: {  	v3 =	vor.u32 v3, v4  }
0xb77: {  	v3 =	vperm.xlane v3, v0;
	_ =	sdelay $0x1  }
0xb78: {  	v3 =	vadd.s32 v1, v3;
	_ =	sdelay $0x3  }
0xb79: {  	s9 =	simm.s32 $0x19C00  }
0xb7a: {  	[tilespmem:s9], [sflag:$0x2] =	stream.indirect_vreg.gather [hbm4b:s2+s3], $0x80, v3, vm0, $0xb8;
	[tilespmem:$0x1A400] =	vst v63  }
0xb7b: {  	_ =	swait.ge [sflag:s17], $0xC800  }
0xb7c: {  	[sflag:s17] =	ssyncset.done $0x0  }
0xb7d: {  	s9 =	rddreg [dreg:$0x17];
	[sflag:s17] =	ssyncadd.s32 $0xFFFF3800  }
0xb7e: {  	[hbm4b:s9+s3] =	stream.linear.scatter [tilespmem:s0], [sflag:$0x4], $0xC800, $0x38;
	[tilespmem:$0x1A400] =	vst v63  }
0xb7f: {  	_ =	swait.ge [sflag:s7], $0xC800  }
0xb80: {  	[sflag:s7] =	ssyncset.done $0x0  }
0xb81: {  	[sflag:s7] =	ssyncadd.s32 $0xFFFF3800  }
0xb82: {  	v3 =	vld [tilespmem:$0xFA0];
	_ =	sdelay $0x4  }
0xb83: {  	v55 =	vshll.u32 v3, $0x1  }
0xb84: {  	v3 =	vand.u32 $0x7, v3;
	v4 =	vand.u32 $0xFFFFFFF0, v55  }
0xb85: {  	v3 =	vor.u32 v3, v4  }
0xb86: {  	v4 =	vperm.xlane v3, v0;
	_ =	sdelay $0x1  }
0xb87: {  	v3 =	vperm.xlane v3, v2;
	v4 =	vadd.s32 v1, v4;
	_ =	sdelay $0x1  }
0xb88: {  	v3 =	vadd.s32 v1, v3;
	_ =	sdelay $0x2  }
0xb89: {  	[tilespmem:s19], [sflag:$0x1] =	stream.indirect_vreg.gather [hbm4b:s2+s3], $0x80, v4, vm0, $0xb8;
	[tilespmem:$0x1A400] =	vst v63  }
0xb8a: {  	s9 =	simm.s32 $0x1C00  }
0xb8b: {  	[tilespmem:s9], [sflag:$0x1] =	stream.indirect_vreg.gather [hbm4b:s2+s3], $0x80, v3, vm0, $0xb8;
	[tilespmem:$0x1A400] =	vst v63  }
0xb8c: {  	v3 =	vld [tilespmem:$0xFB0];
	_ =	sdelay $0x4  }
0xb8d: {  	v56 =	vshll.u32 v3, $0x1  }
0xb8e: {  	v3 =	vand.u32 $0x7, v3;
	v4 =	vand.u32 $0xFFFFFFF0, v56  }
0xb8f: {  	v3 =	vor.u32 v3, v4  }
0xb90: {  	v4 =	vperm.xlane v3, v0;
	_ =	sdelay $0x1  }
0xb91: {  	v3 =	vperm.xlane v3, v2;
	v4 =	vadd.s32 v1, v4;
	_ =	sdelay $0x1  }
0xb92: {  	v3 =	vadd.s32 v1, v3;
	_ =	sdelay $0x1  }
0xb93: {  	s9 =	simm.s32 $0x2400  }
0xb94: {  	[tilespmem:s9], [sflag:$0x1] =	stream.indirect_vreg.gather [hbm4b:s2+s3], $0x80, v4, vm0, $0xb8;
	[tilespmem:$0x1A400] =	vst v63  }
0xb95: {  	s16 =	simm.s32 $0x2C00  }
0xb96: {  	[tilespmem:s16], [sflag:$0x1] =	stream.indirect_vreg.gather [hbm4b:s2+s3], $0x80, v3, vm0, $0xb8;
	[tilespmem:$0x1A400] =	vst v63  }
0xb97: {  	v3 =	vld [tilespmem:$0xFC0];
	_ =	sdelay $0x4  }
0xb98: {  	v57 =	vshll.u32 v3, $0x1  }
0xb99: {  	v3 =	vand.u32 $0x7, v3;
	v4 =	vand.u32 $0xFFFFFFF0, v57  }
0xb9a: {  	v3 =	vor.u32 v3, v4  }
0xb9b: {  	v4 =	vperm.xlane v3, v0;
	_ =	sdelay $0x1  }
0xb9c: {  	v3 =	vperm.xlane v3, v2;
	v4 =	vadd.s32 v1, v4;
	_ =	sdelay $0x1  }
0xb9d: {  	v3 =	vadd.s32 v1, v3;
	_ =	sdelay $0x1  }
0xb9e: {  	s9 =	simm.s32 $0x3400  }
0xb9f: {  	[tilespmem:s9], [sflag:$0x1] =	stream.indirect_vreg.gather [hbm4b:s2+s3], $0x80, v4, vm0, $0xb8;
	[tilespmem:$0x1A400] =	vst v63  }
0xba0: {  	s4 =	simm.s32 $0x3C00  }
0xba1: {  	[tilespmem:s4], [sflag:$0x1] =	stream.indirect_vreg.gather [hbm4b:s2+s3], $0x80, v3, vm0, $0xb8;
	[tilespmem:$0x1A400] =	vst v63  }
0xba2: {  	v3 =	vld [tilespmem:$0xFD0];
	_ =	sdelay $0x4  }
0xba3: {  	v58 =	vshll.u32 v3, $0x1  }
0xba4: {  	v3 =	vand.u32 $0x7, v3;
	v4 =	vand.u32 $0xFFFFFFF0, v58  }
0xba5: {  	v3 =	vor.u32 v3, v4  }
0xba6: {  	v4 =	vperm.xlane v3, v0;
	_ =	sdelay $0x1  }
0xba7: {  	v3 =	vperm.xlane v3, v2;
	v4 =	vadd.s32 v1, v4;
	_ =	sdelay $0x1  }
0xba8: {  	v3 =	vadd.s32 v1, v3;
	_ =	sdelay $0x1  }
0xba9: {  	s9 =	simm.s32 $0x4400  }
0xbaa: {  	[tilespmem:s9], [sflag:$0x1] =	stream.indirect_vreg.gather [hbm4b:s2+s3], $0x80, v4, vm0, $0xb8;
	[tilespmem:$0x1A400] =	vst v63  }
0xbab: {  	s6 =	simm.s32 $0x4C00  }
0xbac: {  	[tilespmem:s6], [sflag:$0x1] =	stream.indirect_vreg.gather [hbm4b:s2+s3], $0x80, v3, vm0, $0xb8;
	[tilespmem:$0x1A400] =	vst v63  }
0xbad: {  	v3 =	vld [tilespmem:$0xFE0];
	_ =	sdelay $0x4  }
0xbae: {  	v59 =	vshll.u32 v3, $0x1  }
0xbaf: {  	v3 =	vand.u32 $0x7, v3;
	v4 =	vand.u32 $0xFFFFFFF0, v59  }
0xbb0: {  	v3 =	vor.u32 v3, v4  }
0xbb1: {  	v4 =	vperm.xlane v3, v0;
	_ =	sdelay $0x1  }
0xbb2: {  	v3 =	vperm.xlane v3, v2;
	v4 =	vadd.s32 v1, v4;
	_ =	sdelay $0x1  }
0xbb3: {  	v3 =	vadd.s32 v1, v3;
	_ =	sdelay $0x1  }
0xbb4: {  	s9 =	simm.s32 $0x5400  }
0xbb5: {  	[tilespmem:s9], [sflag:$0x1] =	stream.indirect_vreg.gather [hbm4b:s2+s3], $0x80, v4, vm0, $0xb8;
	[tilespmem:$0x1A400] =	vst v63  }
0xbb6: {  	s10 =	simm.s32 $0x5C00  }
0xbb7: {  	[tilespmem:s10], [sflag:$0x1] =	stream.indirect_vreg.gather [hbm4b:s2+s3], $0x80, v3, vm0, $0xb8;
	[tilespmem:$0x1A400] =	vst v63  }
0xbb8: {  	v3 =	vld [tilespmem:$0xFF0];
	_ =	sdelay $0x4  }
0xbb9: {  	v60 =	vshll.u32 v3, $0x1  }
0xbba: {  	v3 =	vand.u32 $0x7, v3;
	v4 =	vand.u32 $0xFFFFFFF0, v60  }
0xbbb: {  	v3 =	vor.u32 v3, v4  }
0xbbc: {  	v4 =	vperm.xlane v3, v0;
	_ =	sdelay $0x1  }
0xbbd: {  	v3 =	vperm.xlane v3, v2;
	v4 =	vadd.s32 v1, v4;
	_ =	sdelay $0x1  }
0xbbe: {  	v3 =	vadd.s32 v1, v3;
	_ =	sdelay $0x1  }
0xbbf: {  	s9 =	simm.s32 $0x6400  }
0xbc0: {  	[tilespmem:s9], [sflag:$0x1] =	stream.indirect_vreg.gather [hbm4b:s2+s3], $0x80, v4, vm0, $0xb8;
	[tilespmem:$0x1A400] =	vst v63  }
0xbc1: {  	s11 =	simm.s32 $0x6C00  }
0xbc2: {  	[tilespmem:s11], [sflag:$0x1] =	stream.indirect_vreg.gather [hbm4b:s2+s3], $0x80, v3, vm0, $0xb8;
	[tilespmem:$0x1A400] =	vst v63  }
0xbc3: {  	v3 =	vld [tilespmem:$0x1000];
	_ =	sdelay $0x4  }
0xbc4: {  	v61 =	vshll.u32 v3, $0x1  }
0xbc5: {  	v3 =	vand.u32 $0x7, v3;
	v4 =	vand.u32 $0xFFFFFFF0, v61  }
0xbc6: {  	v3 =	vor.u32 v3, v4  }
0xbc7: {  	v4 =	vperm.xlane v3, v0;
	_ =	sdelay $0x1  }
0xbc8: {  	v3 =	vperm.xlane v3, v2;
	v4 =	vadd.s32 v1, v4;
	_ =	sdelay $0x1  }
0xbc9: {  	v3 =	vadd.s32 v1, v3;
	_ =	sdelay $0x1  }
0xbca: {  	s9 =	simm.s32 $0x7400  }
0xbcb: {  	[tilespmem:s9], [sflag:$0x1] =	stream.indirect_vreg.gather [hbm4b:s2+s3], $0x80, v4, vm0, $0xb8;
	[tilespmem:$0x1A400] =	vst v63  }
0xbcc: {  	s12 =	simm.s32 $0x7C00  }
0xbcd: {  	[tilespmem:s12], [sflag:$0x1] =	stream.indirect_vreg.gather [hbm4b:s2+s3], $0x80, v3, vm0, $0xb8;
	[tilespmem:$0x1A400] =	vst v63  }
0xbce: {  	v3 =	vld [tilespmem:$0x1010];
	_ =	sdelay $0x4  }
0xbcf: {  	v62 =	vshll.u32 v3, $0x1  }
0xbd0: {  	v3 =	vand.u32 $0x7, v3;
	v4 =	vand.u32 $0xFFFFFFF0, v62  }
0xbd1: {  	v3 =	vor.u32 v3, v4  }
0xbd2: {  	v4 =	vperm.xlane v3, v0;
	_ =	sdelay $0x1  }
0xbd3: {  	v3 =	vperm.xlane v3, v2;
	v4 =	vadd.s32 v1, v4;
	_ =	sdelay $0x1  }
0xbd4: {  	v3 =	vadd.s32 v1, v3;
	_ =	sdelay $0x1  }
0xbd5: {  	s9 =	simm.s32 $0x8400  }
0xbd6: {  	[tilespmem:s9], [sflag:$0x1] =	stream.indirect_vreg.gather [hbm4b:s2+s3], $0x80, v4, vm0, $0xb8;
	[tilespmem:$0x1A400] =	vst v63  }
0xbd7: {  	s13 =	simm.s32 $0x8C00  }
0xbd8: {  	[tilespmem:s13], [sflag:$0x1] =	stream.indirect_vreg.gather [hbm4b:s2+s3], $0x80, v3, vm0, $0xb8;
	[tilespmem:$0x1A400] =	vst v63  }
0xbd9: {  	v3 =	vld [tilespmem:$0x1020];
	_ =	sdelay $0x4  }
0xbda: {  	v63 =	vshll.u32 v3, $0x1  }
0xbdb: {  	v3 =	vand.u32 $0x7, v3;
	v4 =	vand.u32 $0xFFFFFFF0, v63  }
0xbdc: {  	v3 =	vor.u32 v3, v4  }
0xbdd: {  	v4 =	vperm.xlane v3, v0;
	_ =	sdelay $0x1  }
0xbde: {  	v3 =	vperm.xlane v3, v2;
	v4 =	vadd.s32 v1, v4;
	_ =	sdelay $0x1  }
0xbdf: {  	v3 =	vadd.s32 v1, v3;
	_ =	sdelay $0x1  }
0xbe0: {  	s9 =	simm.s32 $0x9400  }
0xbe1: {  	[tilespmem:s9], [sflag:$0x1] =	stream.indirect_vreg.gather [hbm4b:s2+s3], $0x80, v4, vm0, $0xb8;
	[tilespmem:$0x1A400] =	vst v63  }
0xbe2: {  	s14 =	simm.s32 $0x9C00  }
0xbe3: {  	[tilespmem:s14], [sflag:$0x1] =	stream.indirect_vreg.gather [hbm4b:s2+s3], $0x80, v3, vm0, $0xb8;
	[tilespmem:$0x1A400] =	vst v63  }
0xbe4: {  	v3 =	vld [tilespmem:$0x1030];
	_ =	sdelay $0x4  }
0xbe5: {  	v8 =	vshll.u32 v3, $0x1  }
0xbe6: {  	v3 =	vand.u32 $0x7, v3;
	v4 =	vand.u32 $0xFFFFFFF0, v8  }
0xbe7: {  	v3 =	vor.u32 v3, v4  }
0xbe8: {  	v4 =	vperm.xlane v3, v0;
	_ =	sdelay $0x1  }
0xbe9: {  	v3 =	vperm.xlane v3, v2;
	v4 =	vadd.s32 v1, v4;
	_ =	sdelay $0x1  }
0xbea: {  	v3 =	vadd.s32 v1, v3;
	_ =	sdelay $0x1  }
0xbeb: {  	s9 =	simm.s32 $0xA400  }
0xbec: {  	[tilespmem:s9], [sflag:$0x1] =	stream.indirect_vreg.gather [hbm4b:s2+s3], $0x80, v4, vm0, $0xb8;
	[tilespmem:$0x1A400] =	vst v63  }
0xbed: {  	s15 =	simm.s32 $0xAC00  }
0xbee: {  	[tilespmem:s15], [sflag:$0x1] =	stream.indirect_vreg.gather [hbm4b:s2+s3], $0x80, v3, vm0, $0xb8;
	[tilespmem:$0x1A400] =	vst v63  }
0xbef: {  	v3 =	vld [tilespmem:$0x1040];
	_ =	sdelay $0x4  }
0xbf0: {  	v9 =	vshll.u32 v3, $0x1  }
0xbf1: {  	v3 =	vand.u32 $0x7, v3;
	v4 =	vand.u32 $0xFFFFFFF0, v9  }
0xbf2: {  	v3 =	vor.u32 v3, v4  }
0xbf3: {  	v4 =	vperm.xlane v3, v0;
	_ =	sdelay $0x1  }
0xbf4: {  	v3 =	vperm.xlane v3, v2;
	v4 =	vadd.s32 v1, v4;
	_ =	sdelay $0x1  }
0xbf5: {  	v3 =	vadd.s32 v1, v3;
	_ =	sdelay $0x1  }
0xbf6: {  	s9 =	simm.s32 $0xB400  }
0xbf7: {  	[tilespmem:s9], [sflag:$0x1] =	stream.indirect_vreg.gather [hbm4b:s2+s3], $0x80, v4, vm0, $0xb8;
	[tilespmem:$0x1A400] =	vst v63  }
0xbf8: {  	s9 =	simm.s32 $0xBC00  }
0xbf9: {  	[tilespmem:s9], [sflag:$0x1] =	stream.indirect_vreg.gather [hbm4b:s2+s3], $0x80, v3, vm0, $0xb8;
	[tilespmem:$0x1A400] =	vst v63  }
0xbfa: {  	v3 =	vld [tilespmem:$0x1050];
	_ =	sdelay $0x4  }
0xbfb: {  	v10 =	vshll.u32 v3, $0x1  }
0xbfc: {  	v3 =	vand.u32 $0x7, v3;
	v4 =	vand.u32 $0xFFFFFFF0, v10  }
0xbfd: {  	v3 =	vor.u32 v3, v4  }
0xbfe: {  	v4 =	vperm.xlane v3, v0;
	_ =	sdelay $0x1  }
0xbff: {  	v3 =	vperm.xlane v3, v2;
	v4 =	vadd.s32 v1, v4;
	_ =	sdelay $0x1  }
0xc00: {  	v3 =	vadd.s32 v1, v3;
	_ =	sdelay $0x1  }
0xc01: {  	s9 =	simm.s32 $0xC400  }
0xc02: {  	[tilespmem:s9], [sflag:$0x1] =	stream.indirect_vreg.gather [hbm4b:s2+s3], $0x80, v4, vm0, $0xb8;
	[tilespmem:$0x1A400] =	vst v63  }
0xc03: {  	s20 =	simm.s32 $0xCC00  }
0xc04: {  	[tilespmem:s20], [sflag:$0x1] =	stream.indirect_vreg.gather [hbm4b:s2+s3], $0x80, v3, vm0, $0xb8;
	[tilespmem:$0x1A400] =	vst v63  }
0xc05: {  	v3 =	vld.msk [tilespmem:$0x1060], $0xff;
	_ =	sdelay $0x4  }
0xc06: {  	v11 =	vshll.u32 v3, $0x1  }
0xc07: {  	v3 =	vand.u32 $0x7, v3;
	v4 =	vand.u32 $0xFFFFFFF0, v11  }
0xc08: {  	v3 =	vor.u32 v3, v4  }
0xc09: {  	v3 =	vperm.xlane v3, v0;
	_ =	sdelay $0x1  }
0xc0a: {  	v3 =	vadd.s32 v1, v3;
	_ =	sdelay $0x3  }
0xc0b: {  	s18 =	simm.s32 $0xD400  }
0xc0c: {  	[tilespmem:s18], [sflag:$0x1] =	stream.indirect_vreg.gather [hbm4b:s2+s3], $0x80, v3, vm0, $0xb8;
	[tilespmem:$0x1A400] =	vst v63  }
0xc0d: {  	_ =	swait.ge [sflag:s1], $0xC800  }
0xc0e: {  	[sflag:s1] =	ssyncset.done $0x0  }
0xc0f: {  	s4 =	rddreg [dreg:$0x18];
	[sflag:s1] =	ssyncadd.s32 $0xFFFF3800  }
0xc10: {  	[hbm4b:s4+s3] =	stream.linear.scatter [tilespmem:s19], [sflag:$0x3], $0xC800, $0x38;
	[tilespmem:$0x1A400] =	vst v63  }
0xc11: {  	_ =	swait.ge [sflag:s8], $0xC800  }
0xc12: {  	[sflag:s8] =	ssyncset.done $0x0  }
0xc13: {  	[sflag:s8] =	ssyncadd.s32 $0xFFFF3800  }
0xc14: {  	v3 =	vld [tilespmem:$0x1068];
	_ =	sdelay $0x4  }
0xc15: {  	v12 =	vshll.u32 v3, $0x1  }
0xc16: {  	v3 =	vand.u32 $0x7, v3;
	v4 =	vand.u32 $0xFFFFFFF0, v12  }
0xc17: {  	v3 =	vor.u32 v3, v4  }
0xc18: {  	v4 =	vperm.xlane v3, v0;
	_ =	sdelay $0x1  }
0xc19: {  	v3 =	vperm.xlane v3, v2;
	v4 =	vadd.s32 v1, v4;
	_ =	sdelay $0x1  }
0xc1a: {  	v3 =	vadd.s32 v1, v3;
	_ =	sdelay $0x2  }
0xc1b: {  	[tilespmem:s0], [sflag:$0x2] =	stream.indirect_vreg.gather [hbm4b:s2+s3], $0x80, v4, vm0, $0xb8;
	[tilespmem:$0x1A400] =	vst v63  }
0xc1c: {  	s18 =	simm.s32 $0xE400  }
0xc1d: {  	[tilespmem:s18], [sflag:$0x2] =	stream.indirect_vreg.gather [hbm4b:s2+s3], $0x80, v3, vm0, $0xb8;
	[tilespmem:$0x1A400] =	vst v63  }
0xc1e: {  	v3 =	vld [tilespmem:$0x1078];
	_ =	sdelay $0x4  }
0xc1f: {  	v13 =	vshll.u32 v3, $0x1  }
0xc20: {  	v3 =	vand.u32 $0x7, v3;
	v4 =	vand.u32 $0xFFFFFFF0, v13  }
0xc21: {  	v3 =	vor.u32 v3, v4  }
0xc22: {  	v4 =	vperm.xlane v3, v0;
	_ =	sdelay $0x1  }
0xc23: {  	v3 =	vperm.xlane v3, v2;
	v4 =	vadd.s32 v1, v4;
	_ =	sdelay $0x1  }
0xc24: {  	v3 =	vadd.s32 v1, v3;
	_ =	sdelay $0x1  }
0xc25: {  	s5 =	simm.s32 $0xEC00  }
0xc26: {  	[tilespmem:s5], [sflag:$0x2] =	stream.indirect_vreg.gather [hbm4b:s2+s3], $0x80, v4, vm0, $0xb8;
	[tilespmem:$0x1A400] =	vst v63  }
0xc27: {  	s20 =	simm.s32 $0xF400  }
0xc28: {  	[tilespmem:s20], [sflag:$0x2] =	stream.indirect_vreg.gather [hbm4b:s2+s3], $0x80, v3, vm0, $0xb8;
	[tilespmem:$0x1A400] =	vst v63  }
0xc29: {  	v3 =	vld [tilespmem:$0x1088];
	_ =	sdelay $0x4  }
0xc2a: {  	v14 =	vshll.u32 v3, $0x1  }
0xc2b: {  	v3 =	vand.u32 $0x7, v3;
	v4 =	vand.u32 $0xFFFFFFF0, v14  }
0xc2c: {  	v3 =	vor.u32 v3, v4  }
0xc2d: {  	v4 =	vperm.xlane v3, v0;
	_ =	sdelay $0x1  }
0xc2e: {  	v3 =	vperm.xlane v3, v2;
	v4 =	vadd.s32 v1, v4;
	_ =	sdelay $0x1  }
0xc2f: {  	v3 =	vadd.s32 v1, v3;
	_ =	sdelay $0x1  }
0xc30: {  	s21 =	simm.s32 $0xFC00  }
0xc31: {  	[tilespmem:s21], [sflag:$0x2] =	stream.indirect_vreg.gather [hbm4b:s2+s3], $0x80, v4, vm0, $0xb8;
	[tilespmem:$0x1A400] =	vst v63  }
0xc32: {  	s21 =	simm.s32 $0x10400  }
0xc33: {  	[tilespmem:s21], [sflag:$0x2] =	stream.indirect_vreg.gather [hbm4b:s2+s3], $0x80, v3, vm0, $0xb8;
	[tilespmem:$0x1A400] =	vst v63  }
0xc34: {  	v3 =	vld [tilespmem:$0x1098];
	_ =	sdelay $0x4  }
0xc35: {  	v15 =	vshll.u32 v3, $0x1  }
0xc36: {  	v3 =	vand.u32 $0x7, v3;
	v4 =	vand.u32 $0xFFFFFFF0, v15  }
0xc37: {  	v3 =	vor.u32 v3, v4  }
0xc38: {  	v4 =	vperm.xlane v3, v0;
	_ =	sdelay $0x1  }
0xc39: {  	v3 =	vperm.xlane v3, v2;
	v4 =	vadd.s32 v1, v4;
	_ =	sdelay $0x1  }
0xc3a: {  	v3 =	vadd.s32 v1, v3;
	_ =	sdelay $0x1  }
0xc3b: {  	s22 =	simm.s32 $0x10C00  }
0xc3c: {  	[tilespmem:s22], [sflag:$0x2] =	stream.indirect_vreg.gather [hbm4b:s2+s3], $0x80, v4, vm0, $0xb8;
	[tilespmem:$0x1A400] =	vst v63  }
0xc3d: {  	s22 =	simm.s32 $0x11400  }
0xc3e: {  	[tilespmem:s22], [sflag:$0x2] =	stream.indirect_vreg.gather [hbm4b:s2+s3], $0x80, v3, vm0, $0xb8;
	[tilespmem:$0x1A400] =	vst v63  }
0xc3f: {  	v3 =	vld [tilespmem:$0x10A8];
	_ =	sdelay $0x4  }
0xc40: {  	v16 =	vshll.u32 v3, $0x1  }
0xc41: {  	v3 =	vand.u32 $0x7, v3;
	v4 =	vand.u32 $0xFFFFFFF0, v16  }
0xc42: {  	v3 =	vor.u32 v3, v4  }
0xc43: {  	v4 =	vperm.xlane v3, v0;
	_ =	sdelay $0x1  }
0xc44: {  	v3 =	vperm.xlane v3, v2;
	v4 =	vadd.s32 v1, v4;
	_ =	sdelay $0x1  }
0xc45: {  	v3 =	vadd.s32 v1, v3;
	_ =	sdelay $0x1  }
0xc46: {  	s23 =	simm.s32 $0x11C00  }
0xc47: {  	[tilespmem:s23], [sflag:$0x2] =	stream.indirect_vreg.gather [hbm4b:s2+s3], $0x80, v4, vm0, $0xb8;
	[tilespmem:$0x1A400] =	vst v63  }
0xc48: {  	s23 =	simm.s32 $0x12400  }
0xc49: {  	[tilespmem:s23], [sflag:$0x2] =	stream.indirect_vreg.gather [hbm4b:s2+s3], $0x80, v3, vm0, $0xb8;
	[tilespmem:$0x1A400] =	vst v63  }
0xc4a: {  	v3 =	vld [tilespmem:$0x10B8];
	_ =	sdelay $0x4  }
0xc4b: {  	v17 =	vshll.u32 v3, $0x1  }
0xc4c: {  	v3 =	vand.u32 $0x7, v3;
	v4 =	vand.u32 $0xFFFFFFF0, v17  }
0xc4d: {  	v3 =	vor.u32 v3, v4  }
0xc4e: {  	v4 =	vperm.xlane v3, v0;
	_ =	sdelay $0x1  }
0xc4f: {  	v3 =	vperm.xlane v3, v2;
	v4 =	vadd.s32 v1, v4;
	_ =	sdelay $0x1  }
0xc50: {  	v3 =	vadd.s32 v1, v3;
	_ =	sdelay $0x1  }
0xc51: {  	s24 =	simm.s32 $0x12C00  }
0xc52: {  	[tilespmem:s24], [sflag:$0x2] =	stream.indirect_vreg.gather [hbm4b:s2+s3], $0x80, v4, vm0, $0xb8;
	[tilespmem:$0x1A400] =	vst v63  }
0xc53: {  	s24 =	simm.s32 $0x13400  }
0xc54: {  	[tilespmem:s24], [sflag:$0x2] =	stream.indirect_vreg.gather [hbm4b:s2+s3], $0x80, v3, vm0, $0xb8;
	[tilespmem:$0x1A400] =	vst v63  }
0xc55: {  	v3 =	vld [tilespmem:$0x10C8];
	_ =	sdelay $0x4  }
0xc56: {  	v18 =	vshll.u32 v3, $0x1  }
0xc57: {  	v3 =	vand.u32 $0x7, v3;
	v4 =	vand.u32 $0xFFFFFFF0, v18  }
0xc58: {  	v3 =	vor.u32 v3, v4  }
0xc59: {  	v4 =	vperm.xlane v3, v0;
	_ =	sdelay $0x1  }
0xc5a: {  	v3 =	vperm.xlane v3, v2;
	v4 =	vadd.s32 v1, v4;
	_ =	sdelay $0x1  }
0xc5b: {  	v3 =	vadd.s32 v1, v3;
	_ =	sdelay $0x1  }
0xc5c: {  	s25 =	simm.s32 $0x13C00  }
0xc5d: {  	[tilespmem:s25], [sflag:$0x2] =	stream.indirect_vreg.gather [hbm4b:s2+s3], $0x80, v4, vm0, $0xb8;
	[tilespmem:$0x1A400] =	vst v63  }
0xc5e: {  	s25 =	simm.s32 $0x14400  }
0xc5f: {  	[tilespmem:s25], [sflag:$0x2] =	stream.indirect_vreg.gather [hbm4b:s2+s3], $0x80, v3, vm0, $0xb8;
	[tilespmem:$0x1A400] =	vst v63  }
0xc60: {  	v3 =	vld [tilespmem:$0x10D8];
	_ =	sdelay $0x4  }
0xc61: {  	v19 =	vshll.u32 v3, $0x1  }
0xc62: {  	v3 =	vand.u32 $0x7, v3;
	v4 =	vand.u32 $0xFFFFFFF0, v19  }
0xc63: {  	v3 =	vor.u32 v3, v4  }
0xc64: {  	v4 =	vperm.xlane v3, v0;
	_ =	sdelay $0x1  }
0xc65: {  	v3 =	vperm.xlane v3, v2;
	v4 =	vadd.s32 v1, v4;
	_ =	sdelay $0x1  }
0xc66: {  	v3 =	vadd.s32 v1, v3;
	_ =	sdelay $0x1  }
0xc67: {  	s26 =	simm.s32 $0x14C00  }
0xc68: {  	[tilespmem:s26], [sflag:$0x2] =	stream.indirect_vreg.gather [hbm4b:s2+s3], $0x80, v4, vm0, $0xb8;
	[tilespmem:$0x1A400] =	vst v63  }
0xc69: {  	s26 =	simm.s32 $0x15400  }
0xc6a: {  	[tilespmem:s26], [sflag:$0x2] =	stream.indirect_vreg.gather [hbm4b:s2+s3], $0x80, v3, vm0, $0xb8;
	[tilespmem:$0x1A400] =	vst v63  }
0xc6b: {  	v3 =	vld [tilespmem:$0x10E8];
	_ =	sdelay $0x4  }
0xc6c: {  	v20 =	vshll.u32 v3, $0x1  }
0xc6d: {  	v3 =	vand.u32 $0x7, v3;
	v4 =	vand.u32 $0xFFFFFFF0, v20  }
0xc6e: {  	v3 =	vor.u32 v3, v4  }
0xc6f: {  	v4 =	vperm.xlane v3, v0;
	_ =	sdelay $0x1  }
0xc70: {  	v3 =	vperm.xlane v3, v2;
	v4 =	vadd.s32 v1, v4;
	_ =	sdelay $0x1  }
0xc71: {  	v3 =	vadd.s32 v1, v3;
	_ =	sdelay $0x1  }
0xc72: {  	s28 =	simm.s32 $0x15C00  }
0xc73: {  	[tilespmem:s28], [sflag:$0x2] =	stream.indirect_vreg.gather [hbm4b:s2+s3], $0x80, v4, vm0, $0xb8;
	[tilespmem:$0x1A400] =	vst v63  }
0xc74: {  	s28 =	simm.s32 $0x16400  }
0xc75: {  	[tilespmem:s28], [sflag:$0x2] =	stream.indirect_vreg.gather [hbm4b:s2+s3], $0x80, v3, vm0, $0xb8;
	[tilespmem:$0x1A400] =	vst v63  }
0xc76: {  	v3 =	vld [tilespmem:$0x10F8];
	_ =	sdelay $0x4  }
0xc77: {  	v21 =	vshll.u32 v3, $0x1  }
0xc78: {  	v3 =	vand.u32 $0x7, v3;
	v4 =	vand.u32 $0xFFFFFFF0, v21  }
0xc79: {  	v3 =	vor.u32 v3, v4  }
0xc7a: {  	v4 =	vperm.xlane v3, v0;
	_ =	sdelay $0x1  }
0xc7b: {  	v3 =	vperm.xlane v3, v2;
	v4 =	vadd.s32 v1, v4;
	_ =	sdelay $0x1  }
0xc7c: {  	v3 =	vadd.s32 v1, v3;
	_ =	sdelay $0x1  }
0xc7d: {  	s29 =	simm.s32 $0x16C00  }
0xc7e: {  	[tilespmem:s29], [sflag:$0x2] =	stream.indirect_vreg.gather [hbm4b:s2+s3], $0x80, v4, vm0, $0xb8;
	[tilespmem:$0x1A400] =	vst v63  }
0xc7f: {  	s29 =	simm.s32 $0x17400  }
0xc80: {  	[tilespmem:s29], [sflag:$0x2] =	stream.indirect_vreg.gather [hbm4b:s2+s3], $0x80, v3, vm0, $0xb8;
	[tilespmem:$0x1A400] =	vst v63  }
0xc81: {  	v3 =	vld [tilespmem:$0x1108];
	_ =	sdelay $0x4  }
0xc82: {  	v22 =	vshll.u32 v3, $0x1  }
0xc83: {  	v3 =	vand.u32 $0x7, v3;
	v4 =	vand.u32 $0xFFFFFFF0, v22  }
0xc84: {  	v3 =	vor.u32 v3, v4  }
0xc85: {  	v4 =	vperm.xlane v3, v0;
	_ =	sdelay $0x1  }
0xc86: {  	v3 =	vperm.xlane v3, v2;
	v4 =	vadd.s32 v1, v4;
	_ =	sdelay $0x1  }
0xc87: {  	v3 =	vadd.s32 v1, v3;
	_ =	sdelay $0x1  }
0xc88: {  	s30 =	simm.s32 $0x17C00  }
0xc89: {  	[tilespmem:s30], [sflag:$0x2] =	stream.indirect_vreg.gather [hbm4b:s2+s3], $0x80, v4, vm0, $0xb8;
	[tilespmem:$0x1A400] =	vst v63  }
0xc8a: {  	s30 =	simm.s32 $0x18400  }
0xc8b: {  	[tilespmem:s30], [sflag:$0x2] =	stream.indirect_vreg.gather [hbm4b:s2+s3], $0x80, v3, vm0, $0xb8;
	[tilespmem:$0x1A400] =	vst v63  }
0xc8c: {  	v3 =	vld [tilespmem:$0x1118];
	_ =	sdelay $0x4  }
0xc8d: {  	v23 =	vshll.u32 v3, $0x1  }
0xc8e: {  	v3 =	vand.u32 $0x7, v3;
	v4 =	vand.u32 $0xFFFFFFF0, v23  }
0xc8f: {  	v3 =	vor.u32 v3, v4  }
0xc90: {  	v4 =	vperm.xlane v3, v0;
	_ =	sdelay $0x1  }
0xc91: {  	v3 =	vperm.xlane v3, v2;
	v4 =	vadd.s32 v1, v4;
	_ =	sdelay $0x1  }
0xc92: {  	v3 =	vadd.s32 v1, v3;
	_ =	sdelay $0x1  }
0xc93: {  	s31 =	simm.s32 $0x18C00  }
0xc94: {  	[tilespmem:s31], [sflag:$0x2] =	stream.indirect_vreg.gather [hbm4b:s2+s3], $0x80, v4, vm0, $0xb8;
	[tilespmem:$0x1A400] =	vst v63  }
0xc95: {  	s5 =	simm.s32 $0x19400  }
0xc96: {  	[tilespmem:s5], [sflag:$0x2] =	stream.indirect_vreg.gather [hbm4b:s2+s3], $0x80, v3, vm0, $0xb8;
	[tilespmem:$0x1A400] =	vst v63  }
0xc97: {  	v3 =	vld.msk [tilespmem:$0x1128], $0xff;
	_ =	sdelay $0x4  }
0xc98: {  	v24 =	vshll.u32 v3, $0x1  }
0xc99: {  	v3 =	vand.u32 $0x7, v3;
	v4 =	vand.u32 $0xFFFFFFF0, v24  }
0xc9a: {  	v3 =	vor.u32 v3, v4  }
0xc9b: {  	v3 =	vperm.xlane v3, v0;
	_ =	sdelay $0x1  }
0xc9c: {  	v3 =	vadd.s32 v1, v3;
	_ =	sdelay $0x3  }
0xc9d: {  	s9 =	simm.s32 $0x19C00  }
0xc9e: {  	[tilespmem:s9], [sflag:$0x2] =	stream.indirect_vreg.gather [hbm4b:s2+s3], $0x80, v3, vm0, $0xb8;
	[tilespmem:$0x1A400] =	vst v63  }
0xc9f: {  	_ =	swait.ge [sflag:s17], $0xC800  }
0xca0: {  	[sflag:s17] =	ssyncset.done $0x0  }
0xca1: {  	s31 =	rddreg [dreg:$0x19];
	[sflag:s17] =	ssyncadd.s32 $0xFFFF3800  }
0xca2: {  	[hbm4b:s31+s3] =	stream.linear.scatter [tilespmem:s0], [sflag:$0x4], $0xC800, $0x38;
	[tilespmem:$0x1A400] =	vst v63  }
0xca3: {  	_ =	swait.ge [sflag:s7], $0xC800  }
0xca4: {  	[sflag:s7] =	ssyncset.done $0x0  }
0xca5: {  	[sflag:s7] =	ssyncadd.s32 $0xFFFF3800  }
0xca6: {  	v3 =	vld [tilespmem:$0x1130];
	_ =	sdelay $0x4  }
0xca7: {  	v25 =	vshll.u32 v3, $0x1  }
0xca8: {  	v3 =	vand.u32 $0x7, v3;
	v4 =	vand.u32 $0xFFFFFFF0, v25  }
0xca9: {  	v3 =	vor.u32 v3, v4  }
0xcaa: {  	v4 =	vperm.xlane v3, v0;
	_ =	sdelay $0x1  }
0xcab: {  	v3 =	vperm.xlane v3, v2;
	v4 =	vadd.s32 v1, v4;
	_ =	sdelay $0x1  }
0xcac: {  	v3 =	vadd.s32 v1, v3;
	_ =	sdelay $0x2  }
0xcad: {  	[tilespmem:s19], [sflag:$0x1] =	stream.indirect_vreg.gather [hbm4b:s2+s3], $0x80, v4, vm0, $0xb8;
	[tilespmem:$0x1A400] =	vst v63  }
0xcae: {  	s4 =	simm.s32 $0x1C00  }
0xcaf: {  	[tilespmem:s4], [sflag:$0x1] =	stream.indirect_vreg.gather [hbm4b:s2+s3], $0x80, v3, vm0, $0xb8;
	[tilespmem:$0x1A400] =	vst v63  }
0xcb0: {  	v3 =	vld [tilespmem:$0x1140];
	_ =	sdelay $0x4  }
0xcb1: {  	v26 =	vshll.u32 v3, $0x1  }
0xcb2: {  	v3 =	vand.u32 $0x7, v3;
	v4 =	vand.u32 $0xFFFFFFF0, v26  }
0xcb3: {  	v3 =	vor.u32 v3, v4  }
0xcb4: {  	v4 =	vperm.xlane v3, v0;
	_ =	sdelay $0x1  }
0xcb5: {  	v3 =	vperm.xlane v3, v2;
	v4 =	vadd.s32 v1, v4;
	_ =	sdelay $0x1  }
0xcb6: {  	v3 =	vadd.s32 v1, v3;
	_ =	sdelay $0x1  }
0xcb7: {  	s9 =	simm.s32 $0x2400  }
0xcb8: {  	[tilespmem:s9], [sflag:$0x1] =	stream.indirect_vreg.gather [hbm4b:s2+s3], $0x80, v4, vm0, $0xb8;
	[tilespmem:$0x1A400] =	vst v63  }
0xcb9: {  	s16 =	simm.s32 $0x2C00  }
0xcba: {  	[tilespmem:s16], [sflag:$0x1] =	stream.indirect_vreg.gather [hbm4b:s2+s3], $0x80, v3, vm0, $0xb8;
	[tilespmem:$0x1A400] =	vst v63  }
0xcbb: {  	v3 =	vld [tilespmem:$0x1150];
	_ =	sdelay $0x4  }
0xcbc: {  	v27 =	vshll.u32 v3, $0x1  }
0xcbd: {  	v3 =	vand.u32 $0x7, v3;
	v4 =	vand.u32 $0xFFFFFFF0, v27  }
0xcbe: {  	v3 =	vor.u32 v3, v4  }
0xcbf: {  	v4 =	vperm.xlane v3, v0;
	_ =	sdelay $0x1  }
0xcc0: {  	v3 =	vperm.xlane v3, v2;
	v4 =	vadd.s32 v1, v4;
	_ =	sdelay $0x1  }
0xcc1: {  	v3 =	vadd.s32 v1, v3;
	_ =	sdelay $0x1  }
0xcc2: {  	s16 =	simm.s32 $0x3400  }
0xcc3: {  	[tilespmem:s16], [sflag:$0x1] =	stream.indirect_vreg.gather [hbm4b:s2+s3], $0x80, v4, vm0, $0xb8;
	[tilespmem:$0x1A400] =	vst v63  }
0xcc4: {  	s16 =	simm.s32 $0x3C00  }
0xcc5: {  	[tilespmem:s16], [sflag:$0x1] =	stream.indirect_vreg.gather [hbm4b:s2+s3], $0x80, v3, vm0, $0xb8;
	[tilespmem:$0x1A400] =	vst v63  }
0xcc6: {  	v3 =	vld [tilespmem:$0x1160];
	_ =	sdelay $0x4  }
0xcc7: {  	v28 =	vshll.u32 v3, $0x1  }
0xcc8: {  	v3 =	vand.u32 $0x7, v3;
	v4 =	vand.u32 $0xFFFFFFF0, v28  }
0xcc9: {  	v3 =	vor.u32 v3, v4  }
0xcca: {  	v4 =	vperm.xlane v3, v0;
	_ =	sdelay $0x1  }
0xccb: {  	v3 =	vperm.xlane v3, v2;
	v4 =	vadd.s32 v1, v4;
	_ =	sdelay $0x1  }
0xccc: {  	v3 =	vadd.s32 v1, v3;
	_ =	sdelay $0x1  }
0xccd: {  	s9 =	simm.s32 $0x4400  }
0xcce: {  	[tilespmem:s9], [sflag:$0x1] =	stream.indirect_vreg.gather [hbm4b:s2+s3], $0x80, v4, vm0, $0xb8;
	[tilespmem:$0x1A400] =	vst v63  }
0xccf: {  	s6 =	simm.s32 $0x4C00  }
0xcd0: {  	[tilespmem:s6], [sflag:$0x1] =	stream.indirect_vreg.gather [hbm4b:s2+s3], $0x80, v3, vm0, $0xb8;
	[tilespmem:$0x1A400] =	vst v63  }
0xcd1: {  	v3 =	vld [tilespmem:$0x1170];
	_ =	sdelay $0x4  }
0xcd2: {  	v29 =	vshll.u32 v3, $0x1  }
0xcd3: {  	v3 =	vand.u32 $0x7, v3;
	v4 =	vand.u32 $0xFFFFFFF0, v29  }
0xcd4: {  	v3 =	vor.u32 v3, v4  }
0xcd5: {  	v4 =	vperm.xlane v3, v0;
	_ =	sdelay $0x1  }
0xcd6: {  	v3 =	vperm.xlane v3, v2;
	v4 =	vadd.s32 v1, v4;
	_ =	sdelay $0x1  }
0xcd7: {  	v3 =	vadd.s32 v1, v3;
	_ =	sdelay $0x1  }
0xcd8: {  	s9 =	simm.s32 $0x5400  }
0xcd9: {  	[tilespmem:s9], [sflag:$0x1] =	stream.indirect_vreg.gather [hbm4b:s2+s3], $0x80, v4, vm0, $0xb8;
	[tilespmem:$0x1A400] =	vst v63  }
0xcda: {  	s10 =	simm.s32 $0x5C00  }
0xcdb: {  	[tilespmem:s10], [sflag:$0x1] =	stream.indirect_vreg.gather [hbm4b:s2+s3], $0x80, v3, vm0, $0xb8;
	[tilespmem:$0x1A400] =	vst v63  }
0xcdc: {  	v3 =	vld [tilespmem:$0x1180];
	_ =	sdelay $0x4  }
0xcdd: {  	v30 =	vshll.u32 v3, $0x1  }
0xcde: {  	v3 =	vand.u32 $0x7, v3;
	v4 =	vand.u32 $0xFFFFFFF0, v30  }
0xcdf: {  	v3 =	vor.u32 v3, v4  }
0xce0: {  	v4 =	vperm.xlane v3, v0;
	_ =	sdelay $0x1  }
0xce1: {  	v3 =	vperm.xlane v3, v2;
	v4 =	vadd.s32 v1, v4;
	_ =	sdelay $0x1  }
0xce2: {  	v3 =	vadd.s32 v1, v3;
	_ =	sdelay $0x1  }
0xce3: {  	s9 =	simm.s32 $0x6400  }
0xce4: {  	[tilespmem:s9], [sflag:$0x1] =	stream.indirect_vreg.gather [hbm4b:s2+s3], $0x80, v4, vm0, $0xb8;
	[tilespmem:$0x1A400] =	vst v63  }
0xce5: {  	s11 =	simm.s32 $0x6C00  }
0xce6: {  	[tilespmem:s11], [sflag:$0x1] =	stream.indirect_vreg.gather [hbm4b:s2+s3], $0x80, v3, vm0, $0xb8;
	[tilespmem:$0x1A400] =	vst v63  }
0xce7: {  	v3 =	vld [tilespmem:$0x1190];
	_ =	sdelay $0x4  }
0xce8: {  	v31 =	vshll.u32 v3, $0x1  }
0xce9: {  	v3 =	vand.u32 $0x7, v3;
	v4 =	vand.u32 $0xFFFFFFF0, v31  }
0xcea: {  	v3 =	vor.u32 v3, v4  }
0xceb: {  	v4 =	vperm.xlane v3, v0;
	_ =	sdelay $0x1  }
0xcec: {  	v3 =	vperm.xlane v3, v2;
	v4 =	vadd.s32 v1, v4;
	_ =	sdelay $0x1  }
0xced: {  	v3 =	vadd.s32 v1, v3;
	_ =	sdelay $0x1  }
0xcee: {  	s9 =	simm.s32 $0x7400  }
0xcef: {  	[tilespmem:s9], [sflag:$0x1] =	stream.indirect_vreg.gather [hbm4b:s2+s3], $0x80, v4, vm0, $0xb8;
	[tilespmem:$0x1A400] =	vst v63  }
0xcf0: {  	s12 =	simm.s32 $0x7C00  }
0xcf1: {  	[tilespmem:s12], [sflag:$0x1] =	stream.indirect_vreg.gather [hbm4b:s2+s3], $0x80, v3, vm0, $0xb8;
	[tilespmem:$0x1A400] =	vst v63  }
0xcf2: {  	v3 =	vld [tilespmem:$0x11A0];
	_ =	sdelay $0x4  }
0xcf3: {  	v32 =	vshll.u32 v3, $0x1  }
0xcf4: {  	v3 =	vand.u32 $0x7, v3;
	v4 =	vand.u32 $0xFFFFFFF0, v32  }
0xcf5: {  	v3 =	vor.u32 v3, v4  }
0xcf6: {  	v4 =	vperm.xlane v3, v0;
	_ =	sdelay $0x1  }
0xcf7: {  	v3 =	vperm.xlane v3, v2;
	v4 =	vadd.s32 v1, v4;
	_ =	sdelay $0x1  }
0xcf8: {  	v3 =	vadd.s32 v1, v3;
	_ =	sdelay $0x1  }
0xcf9: {  	s9 =	simm.s32 $0x8400  }
0xcfa: {  	[tilespmem:s9], [sflag:$0x1] =	stream.indirect_vreg.gather [hbm4b:s2+s3], $0x80, v4, vm0, $0xb8;
	[tilespmem:$0x1A400] =	vst v63  }
0xcfb: {  	s13 =	simm.s32 $0x8C00  }
0xcfc: {  	[tilespmem:s13], [sflag:$0x1] =	stream.indirect_vreg.gather [hbm4b:s2+s3], $0x80, v3, vm0, $0xb8;
	[tilespmem:$0x1A400] =	vst v63  }
0xcfd: {  	v3 =	vld [tilespmem:$0x11B0];
	_ =	sdelay $0x4  }
0xcfe: {  	v33 =	vshll.u32 v3, $0x1  }
0xcff: {  	v3 =	vand.u32 $0x7, v3;
	v4 =	vand.u32 $0xFFFFFFF0, v33  }
0xd00: {  	v3 =	vor.u32 v3, v4  }
0xd01: {  	v4 =	vperm.xlane v3, v0;
	_ =	sdelay $0x1  }
0xd02: {  	v3 =	vperm.xlane v3, v2;
	v4 =	vadd.s32 v1, v4;
	_ =	sdelay $0x1  }
0xd03: {  	v3 =	vadd.s32 v1, v3;
	_ =	sdelay $0x1  }
0xd04: {  	s9 =	simm.s32 $0x9400  }
0xd05: {  	[tilespmem:s9], [sflag:$0x1] =	stream.indirect_vreg.gather [hbm4b:s2+s3], $0x80, v4, vm0, $0xb8;
	[tilespmem:$0x1A400] =	vst v63  }
0xd06: {  	s14 =	simm.s32 $0x9C00  }
0xd07: {  	[tilespmem:s14], [sflag:$0x1] =	stream.indirect_vreg.gather [hbm4b:s2+s3], $0x80, v3, vm0, $0xb8;
	[tilespmem:$0x1A400] =	vst v63  }
0xd08: {  	v3 =	vld [tilespmem:$0x11C0];
	_ =	sdelay $0x4  }
0xd09: {  	v34 =	vshll.u32 v3, $0x1  }
0xd0a: {  	v3 =	vand.u32 $0x7, v3;
	v4 =	vand.u32 $0xFFFFFFF0, v34  }
0xd0b: {  	v3 =	vor.u32 v3, v4  }
0xd0c: {  	v4 =	vperm.xlane v3, v0;
	_ =	sdelay $0x1  }
0xd0d: {  	v3 =	vperm.xlane v3, v2;
	v4 =	vadd.s32 v1, v4;
	_ =	sdelay $0x1  }
0xd0e: {  	v3 =	vadd.s32 v1, v3;
	_ =	sdelay $0x1  }
0xd0f: {  	s9 =	simm.s32 $0xA400  }
0xd10: {  	[tilespmem:s9], [sflag:$0x1] =	stream.indirect_vreg.gather [hbm4b:s2+s3], $0x80, v4, vm0, $0xb8;
	[tilespmem:$0x1A400] =	vst v63  }
0xd11: {  	s15 =	simm.s32 $0xAC00  }
0xd12: {  	[tilespmem:s15], [sflag:$0x1] =	stream.indirect_vreg.gather [hbm4b:s2+s3], $0x80, v3, vm0, $0xb8;
	[tilespmem:$0x1A400] =	vst v63  }
0xd13: {  	v3 =	vld [tilespmem:$0x11D0];
	_ =	sdelay $0x4  }
0xd14: {  	v35 =	vshll.u32 v3, $0x1  }
0xd15: {  	v3 =	vand.u32 $0x7, v3;
	v4 =	vand.u32 $0xFFFFFFF0, v35  }
0xd16: {  	v3 =	vor.u32 v3, v4  }
0xd17: {  	v4 =	vperm.xlane v3, v0;
	_ =	sdelay $0x1  }
0xd18: {  	v3 =	vperm.xlane v3, v2;
	v4 =	vadd.s32 v1, v4;
	_ =	sdelay $0x1  }
0xd19: {  	v3 =	vadd.s32 v1, v3;
	_ =	sdelay $0x1  }
0xd1a: {  	s9 =	simm.s32 $0xB400  }
0xd1b: {  	[tilespmem:s9], [sflag:$0x1] =	stream.indirect_vreg.gather [hbm4b:s2+s3], $0x80, v4, vm0, $0xb8;
	[tilespmem:$0x1A400] =	vst v63  }
0xd1c: {  	s9 =	simm.s32 $0xBC00  }
0xd1d: {  	[tilespmem:s9], [sflag:$0x1] =	stream.indirect_vreg.gather [hbm4b:s2+s3], $0x80, v3, vm0, $0xb8;
	[tilespmem:$0x1A400] =	vst v63  }
0xd1e: {  	v3 =	vld [tilespmem:$0x11E0];
	_ =	sdelay $0x4  }
0xd1f: {  	v36 =	vshll.u32 v3, $0x1  }
0xd20: {  	v3 =	vand.u32 $0x7, v3;
	v4 =	vand.u32 $0xFFFFFFF0, v36  }
0xd21: {  	v3 =	vor.u32 v3, v4  }
0xd22: {  	v4 =	vperm.xlane v3, v0;
	_ =	sdelay $0x1  }
0xd23: {  	v3 =	vperm.xlane v3, v2;
	v4 =	vadd.s32 v1, v4;
	_ =	sdelay $0x1  }
0xd24: {  	v3 =	vadd.s32 v1, v3;
	_ =	sdelay $0x1  }
0xd25: {  	s9 =	simm.s32 $0xC400  }
0xd26: {  	[tilespmem:s9], [sflag:$0x1] =	stream.indirect_vreg.gather [hbm4b:s2+s3], $0x80, v4, vm0, $0xb8;
	[tilespmem:$0x1A400] =	vst v63  }
0xd27: {  	s9 =	simm.s32 $0xCC00  }
0xd28: {  	[tilespmem:s9], [sflag:$0x1] =	stream.indirect_vreg.gather [hbm4b:s2+s3], $0x80, v3, vm0, $0xb8;
	[tilespmem:$0x1A400] =	vst v63  }
0xd29: {  	v3 =	vld.msk [tilespmem:$0x11F0], $0xff;
	_ =	sdelay $0x4  }
0xd2a: {  	v37 =	vshll.u32 v3, $0x1  }
0xd2b: {  	v3 =	vand.u32 $0x7, v3;
	v4 =	vand.u32 $0xFFFFFFF0, v37  }
0xd2c: {  	v3 =	vor.u32 v3, v4  }
0xd2d: {  	v3 =	vperm.xlane v3, v0;
	_ =	sdelay $0x1  }
0xd2e: {  	v3 =	vadd.s32 v1, v3;
	_ =	sdelay $0x3  }
0xd2f: {  	s9 =	simm.s32 $0xD400  }
0xd30: {  	[tilespmem:s9], [sflag:$0x1] =	stream.indirect_vreg.gather [hbm4b:s2+s3], $0x80, v3, vm0, $0xb8;
	[tilespmem:$0x1A400] =	vst v63  }
0xd31: {  	_ =	swait.ge [sflag:s1], $0xC800  }
0xd32: {  	[sflag:s1] =	ssyncset.done $0x0  }
0xd33: {  	s9 =	rddreg [dreg:$0x1a];
	[sflag:s1] =	ssyncadd.s32 $0xFFFF3800  }
0xd34: {  	[hbm4b:s9+s3] =	stream.linear.scatter [tilespmem:s19], [sflag:$0x3], $0xC800, $0x38;
	[tilespmem:$0x1A400] =	vst v63  }
0xd35: {  	_ =	swait.ge [sflag:s8], $0xC800  }
0xd36: {  	[sflag:s8] =	ssyncset.done $0x0  }
0xd37: {  	[sflag:s8] =	ssyncadd.s32 $0xFFFF3800  }
0xd38: {  	v3 =	vld [tilespmem:$0x11F8];
	_ =	sdelay $0x4  }
0xd39: {  	v38 =	vshll.u32 v3, $0x1  }
0xd3a: {  	v3 =	vand.u32 $0x7, v3;
	v4 =	vand.u32 $0xFFFFFFF0, v38  }
0xd3b: {  	v3 =	vor.u32 v3, v4  }
0xd3c: {  	v4 =	vperm.xlane v3, v0;
	_ =	sdelay $0x1  }
0xd3d: {  	v3 =	vperm.xlane v3, v2;
	v4 =	vadd.s32 v1, v4;
	_ =	sdelay $0x1  }
0xd3e: {  	v3 =	vadd.s32 v1, v3;
	_ =	sdelay $0x2  }
0xd3f: {  	[tilespmem:s0], [sflag:$0x2] =	stream.indirect_vreg.gather [hbm4b:s2+s3], $0x80, v4, vm0, $0xb8;
	[tilespmem:$0x1A400] =	vst v63  }
0xd40: {  	s9 =	simm.s32 $0xE400  }
0xd41: {  	[tilespmem:s9], [sflag:$0x2] =	stream.indirect_vreg.gather [hbm4b:s2+s3], $0x80, v3, vm0, $0xb8;
	[tilespmem:$0x1A400] =	vst v63  }
0xd42: {  	v3 =	vld [tilespmem:$0x1208];
	_ =	sdelay $0x4  }
0xd43: {  	v39 =	vshll.u32 v3, $0x1  }
0xd44: {  	v3 =	vand.u32 $0x7, v3;
	v4 =	vand.u32 $0xFFFFFFF0, v39  }
0xd45: {  	v3 =	vor.u32 v3, v4  }
0xd46: {  	v4 =	vperm.xlane v3, v0;
	_ =	sdelay $0x1  }
0xd47: {  	v3 =	vperm.xlane v3, v2;
	v4 =	vadd.s32 v1, v4;
	_ =	sdelay $0x1  }
0xd48: {  	v3 =	vadd.s32 v1, v3;
	_ =	sdelay $0x1  }
0xd49: {  	s18 =	simm.s32 $0xEC00  }
0xd4a: {  	[tilespmem:s18], [sflag:$0x2] =	stream.indirect_vreg.gather [hbm4b:s2+s3], $0x80, v4, vm0, $0xb8;
	[tilespmem:$0x1A400] =	vst v63  }
0xd4b: {  	s18 =	simm.s32 $0xF400  }
0xd4c: {  	[tilespmem:s18], [sflag:$0x2] =	stream.indirect_vreg.gather [hbm4b:s2+s3], $0x80, v3, vm0, $0xb8;
	[tilespmem:$0x1A400] =	vst v63  }
0xd4d: {  	v3 =	vld [tilespmem:$0x1218];
	_ =	sdelay $0x4  }
0xd4e: {  	v40 =	vshll.u32 v3, $0x1  }
0xd4f: {  	v3 =	vand.u32 $0x7, v3;
	v4 =	vand.u32 $0xFFFFFFF0, v40  }
0xd50: {  	v3 =	vor.u32 v3, v4  }
0xd51: {  	v4 =	vperm.xlane v3, v0;
	_ =	sdelay $0x1  }
0xd52: {  	v3 =	vperm.xlane v3, v2;
	v4 =	vadd.s32 v1, v4;
	_ =	sdelay $0x1  }
0xd53: {  	v3 =	vadd.s32 v1, v3;
	_ =	sdelay $0x1  }
0xd54: {  	s20 =	simm.s32 $0xFC00  }
0xd55: {  	[tilespmem:s20], [sflag:$0x2] =	stream.indirect_vreg.gather [hbm4b:s2+s3], $0x80, v4, vm0, $0xb8;
	[tilespmem:$0x1A400] =	vst v63  }
0xd56: {  	s20 =	simm.s32 $0x10400  }
0xd57: {  	[tilespmem:s20], [sflag:$0x2] =	stream.indirect_vreg.gather [hbm4b:s2+s3], $0x80, v3, vm0, $0xb8;
	[tilespmem:$0x1A400] =	vst v63  }
0xd58: {  	v3 =	vld [tilespmem:$0x1228];
	_ =	sdelay $0x4  }
0xd59: {  	v41 =	vshll.u32 v3, $0x1  }
0xd5a: {  	v3 =	vand.u32 $0x7, v3;
	v4 =	vand.u32 $0xFFFFFFF0, v41  }
0xd5b: {  	v3 =	vor.u32 v3, v4  }
0xd5c: {  	v4 =	vperm.xlane v3, v0;
	_ =	sdelay $0x1  }
0xd5d: {  	v3 =	vperm.xlane v3, v2;
	v4 =	vadd.s32 v1, v4;
	_ =	sdelay $0x1  }
0xd5e: {  	v3 =	vadd.s32 v1, v3;
	_ =	sdelay $0x1  }
0xd5f: {  	s21 =	simm.s32 $0x10C00  }
0xd60: {  	[tilespmem:s21], [sflag:$0x2] =	stream.indirect_vreg.gather [hbm4b:s2+s3], $0x80, v4, vm0, $0xb8;
	[tilespmem:$0x1A400] =	vst v63  }
0xd61: {  	s18 =	simm.s32 $0x11400  }
0xd62: {  	[tilespmem:s18], [sflag:$0x2] =	stream.indirect_vreg.gather [hbm4b:s2+s3], $0x80, v3, vm0, $0xb8;
	[tilespmem:$0x1A400] =	vst v63  }
0xd63: {  	v3 =	vld [tilespmem:$0x1238];
	_ =	sdelay $0x4  }
0xd64: {  	v42 =	vshll.u32 v3, $0x1  }
0xd65: {  	v3 =	vand.u32 $0x7, v3;
	v4 =	vand.u32 $0xFFFFFFF0, v42  }
0xd66: {  	v3 =	vor.u32 v3, v4  }
0xd67: {  	v4 =	vperm.xlane v3, v0;
	_ =	sdelay $0x1  }
0xd68: {  	v3 =	vperm.xlane v3, v2;
	v4 =	vadd.s32 v1, v4;
	_ =	sdelay $0x1  }
0xd69: {  	v3 =	vadd.s32 v1, v3;
	_ =	sdelay $0x1  }
0xd6a: {  	s22 =	simm.s32 $0x11C00  }
0xd6b: {  	[tilespmem:s22], [sflag:$0x2] =	stream.indirect_vreg.gather [hbm4b:s2+s3], $0x80, v4, vm0, $0xb8;
	[tilespmem:$0x1A400] =	vst v63  }
0xd6c: {  	s20 =	simm.s32 $0x12400  }
0xd6d: {  	[tilespmem:s20], [sflag:$0x2] =	stream.indirect_vreg.gather [hbm4b:s2+s3], $0x80, v3, vm0, $0xb8;
	[tilespmem:$0x1A400] =	vst v63  }
0xd6e: {  	v3 =	vld [tilespmem:$0x1248];
	_ =	sdelay $0x4  }
0xd6f: {  	v43 =	vshll.u32 v3, $0x1  }
0xd70: {  	v3 =	vand.u32 $0x7, v3;
	v4 =	vand.u32 $0xFFFFFFF0, v43  }
0xd71: {  	v3 =	vor.u32 v3, v4  }
0xd72: {  	v4 =	vperm.xlane v3, v0;
	_ =	sdelay $0x1  }
0xd73: {  	v3 =	vperm.xlane v3, v2;
	v4 =	vadd.s32 v1, v4;
	_ =	sdelay $0x1  }
0xd74: {  	v3 =	vadd.s32 v1, v3;
	_ =	sdelay $0x1  }
0xd75: {  	s23 =	simm.s32 $0x12C00  }
0xd76: {  	[tilespmem:s23], [sflag:$0x2] =	stream.indirect_vreg.gather [hbm4b:s2+s3], $0x80, v4, vm0, $0xb8;
	[tilespmem:$0x1A400] =	vst v63  }
0xd77: {  	s21 =	simm.s32 $0x13400  }
0xd78: {  	[tilespmem:s21], [sflag:$0x2] =	stream.indirect_vreg.gather [hbm4b:s2+s3], $0x80, v3, vm0, $0xb8;
	[tilespmem:$0x1A400] =	vst v63  }
0xd79: {  	v3 =	vld [tilespmem:$0x1258];
	_ =	sdelay $0x4  }
0xd7a: {  	v44 =	vshll.u32 v3, $0x1  }
0xd7b: {  	v3 =	vand.u32 $0x7, v3;
	v4 =	vand.u32 $0xFFFFFFF0, v44  }
0xd7c: {  	v3 =	vor.u32 v3, v4  }
0xd7d: {  	v4 =	vperm.xlane v3, v0;
	_ =	sdelay $0x1  }
0xd7e: {  	v3 =	vperm.xlane v3, v2;
	v4 =	vadd.s32 v1, v4;
	_ =	sdelay $0x1  }
0xd7f: {  	v3 =	vadd.s32 v1, v3;
	_ =	sdelay $0x1  }
0xd80: {  	s24 =	simm.s32 $0x13C00  }
0xd81: {  	[tilespmem:s24], [sflag:$0x2] =	stream.indirect_vreg.gather [hbm4b:s2+s3], $0x80, v4, vm0, $0xb8;
	[tilespmem:$0x1A400] =	vst v63  }
0xd82: {  	s22 =	simm.s32 $0x14400  }
0xd83: {  	[tilespmem:s22], [sflag:$0x2] =	stream.indirect_vreg.gather [hbm4b:s2+s3], $0x80, v3, vm0, $0xb8;
	[tilespmem:$0x1A400] =	vst v63  }
0xd84: {  	v3 =	vld [tilespmem:$0x1268];
	_ =	sdelay $0x4  }
0xd85: {  	v45 =	vshll.u32 v3, $0x1  }
0xd86: {  	v3 =	vand.u32 $0x7, v3;
	v4 =	vand.u32 $0xFFFFFFF0, v45  }
0xd87: {  	v3 =	vor.u32 v3, v4  }
0xd88: {  	v4 =	vperm.xlane v3, v0;
	_ =	sdelay $0x1  }
0xd89: {  	v3 =	vperm.xlane v3, v2;
	v4 =	vadd.s32 v1, v4;
	_ =	sdelay $0x1  }
0xd8a: {  	v3 =	vadd.s32 v1, v3;
	_ =	sdelay $0x1  }
0xd8b: {  	s25 =	simm.s32 $0x14C00  }
0xd8c: {  	[tilespmem:s25], [sflag:$0x2] =	stream.indirect_vreg.gather [hbm4b:s2+s3], $0x80, v4, vm0, $0xb8;
	[tilespmem:$0x1A400] =	vst v63  }
0xd8d: {  	s23 =	simm.s32 $0x15400  }
0xd8e: {  	[tilespmem:s23], [sflag:$0x2] =	stream.indirect_vreg.gather [hbm4b:s2+s3], $0x80, v3, vm0, $0xb8;
	[tilespmem:$0x1A400] =	vst v63  }
0xd8f: {  	v3 =	vld [tilespmem:$0x1278];
	_ =	sdelay $0x4  }
0xd90: {  	v46 =	vshll.u32 v3, $0x1  }
0xd91: {  	v3 =	vand.u32 $0x7, v3;
	v4 =	vand.u32 $0xFFFFFFF0, v46  }
0xd92: {  	v3 =	vor.u32 v3, v4  }
0xd93: {  	v4 =	vperm.xlane v3, v0;
	_ =	sdelay $0x1  }
0xd94: {  	v3 =	vperm.xlane v3, v2;
	v4 =	vadd.s32 v1, v4;
	_ =	sdelay $0x1  }
0xd95: {  	v3 =	vadd.s32 v1, v3;
	_ =	sdelay $0x1  }
0xd96: {  	s26 =	simm.s32 $0x15C00  }
0xd97: {  	[tilespmem:s26], [sflag:$0x2] =	stream.indirect_vreg.gather [hbm4b:s2+s3], $0x80, v4, vm0, $0xb8;
	[tilespmem:$0x1A400] =	vst v63  }
0xd98: {  	s24 =	simm.s32 $0x16400  }
0xd99: {  	[tilespmem:s24], [sflag:$0x2] =	stream.indirect_vreg.gather [hbm4b:s2+s3], $0x80, v3, vm0, $0xb8;
	[tilespmem:$0x1A400] =	vst v63  }
0xd9a: {  	v3 =	vld [tilespmem:$0x1288];
	_ =	sdelay $0x4  }
0xd9b: {  	v47 =	vshll.u32 v3, $0x1  }
0xd9c: {  	v3 =	vand.u32 $0x7, v3;
	v4 =	vand.u32 $0xFFFFFFF0, v47  }
0xd9d: {  	v3 =	vor.u32 v3, v4  }
0xd9e: {  	v4 =	vperm.xlane v3, v0;
	_ =	sdelay $0x1  }
0xd9f: {  	v3 =	vperm.xlane v3, v2;
	v4 =	vadd.s32 v1, v4;
	_ =	sdelay $0x1  }
0xda0: {  	v3 =	vadd.s32 v1, v3;
	_ =	sdelay $0x1  }
0xda1: {  	s28 =	simm.s32 $0x16C00  }
0xda2: {  	[tilespmem:s28], [sflag:$0x2] =	stream.indirect_vreg.gather [hbm4b:s2+s3], $0x80, v4, vm0, $0xb8;
	[tilespmem:$0x1A400] =	vst v63  }
0xda3: {  	s25 =	simm.s32 $0x17400  }
0xda4: {  	[tilespmem:s25], [sflag:$0x2] =	stream.indirect_vreg.gather [hbm4b:s2+s3], $0x80, v3, vm0, $0xb8;
	[tilespmem:$0x1A400] =	vst v63  }
0xda5: {  	v3 =	vld [tilespmem:$0x1298];
	_ =	sdelay $0x4  }
0xda6: {  	v48 =	vshll.u32 v3, $0x1  }
0xda7: {  	v3 =	vand.u32 $0x7, v3;
	v4 =	vand.u32 $0xFFFFFFF0, v48  }
0xda8: {  	v3 =	vor.u32 v3, v4  }
0xda9: {  	v4 =	vperm.xlane v3, v0;
	_ =	sdelay $0x1  }
0xdaa: {  	v3 =	vperm.xlane v3, v2;
	v4 =	vadd.s32 v1, v4;
	_ =	sdelay $0x1  }
0xdab: {  	v3 =	vadd.s32 v1, v3;
	_ =	sdelay $0x1  }
0xdac: {  	s29 =	simm.s32 $0x17C00  }
0xdad: {  	[tilespmem:s29], [sflag:$0x2] =	stream.indirect_vreg.gather [hbm4b:s2+s3], $0x80, v4, vm0, $0xb8;
	[tilespmem:$0x1A400] =	vst v63  }
0xdae: {  	s26 =	simm.s32 $0x18400  }
0xdaf: {  	[tilespmem:s26], [sflag:$0x2] =	stream.indirect_vreg.gather [hbm4b:s2+s3], $0x80, v3, vm0, $0xb8;
	[tilespmem:$0x1A400] =	vst v63  }
0xdb0: {  	v3 =	vld [tilespmem:$0x12A8];
	_ =	sdelay $0x4  }
0xdb1: {  	v49 =	vshll.u32 v3, $0x1  }
0xdb2: {  	v3 =	vand.u32 $0x7, v3;
	v4 =	vand.u32 $0xFFFFFFF0, v49  }
0xdb3: {  	v3 =	vor.u32 v3, v4  }
0xdb4: {  	v4 =	vperm.xlane v3, v0;
	_ =	sdelay $0x1  }
0xdb5: {  	v3 =	vperm.xlane v3, v2;
	v4 =	vadd.s32 v1, v4;
	_ =	sdelay $0x1  }
0xdb6: {  	v3 =	vadd.s32 v1, v3;
	_ =	sdelay $0x1  }
0xdb7: {  	s30 =	simm.s32 $0x18C00  }
0xdb8: {  	[tilespmem:s30], [sflag:$0x2] =	stream.indirect_vreg.gather [hbm4b:s2+s3], $0x80, v4, vm0, $0xb8;
	[tilespmem:$0x1A400] =	vst v63  }
0xdb9: {  	s28 =	simm.s32 $0x19400  }
0xdba: {  	[tilespmem:s28], [sflag:$0x2] =	stream.indirect_vreg.gather [hbm4b:s2+s3], $0x80, v3, vm0, $0xb8;
	[tilespmem:$0x1A400] =	vst v63  }
0xdbb: {  	v3 =	vld.msk [tilespmem:$0x12B8], $0xff;
	_ =	sdelay $0x4  }
0xdbc: {  	v50 =	vshll.u32 v3, $0x1  }
0xdbd: {  	v3 =	vand.u32 $0x7, v3;
	v4 =	vand.u32 $0xFFFFFFF0, v50  }
0xdbe: {  	v3 =	vor.u32 v3, v4  }
0xdbf: {  	v3 =	vperm.xlane v3, v0;
	_ =	sdelay $0x1  }
0xdc0: {  	v3 =	vadd.s32 v1, v3;
	_ =	sdelay $0x3  }
0xdc1: {  	s29 =	simm.s32 $0x19C00  }
0xdc2: {  	[tilespmem:s29], [sflag:$0x2] =	stream.indirect_vreg.gather [hbm4b:s2+s3], $0x80, v3, vm0, $0xb8;
	[tilespmem:$0x1A400] =	vst v63  }
0xdc3: {  	_ =	swait.ge [sflag:s17], $0xC800  }
0xdc4: {  	[sflag:s17] =	ssyncset.done $0x0  }
0xdc5: {  	s30 =	rddreg [dreg:$0x1b];
	[sflag:s17] =	ssyncadd.s32 $0xFFFF3800  }
0xdc6: {  	[hbm4b:s30+s3] =	stream.linear.scatter [tilespmem:s0], [sflag:$0x4], $0xC800, $0x38;
	[tilespmem:$0x1A400] =	vst v63  }
0xdc7: {  	_ =	swait.ge [sflag:s7], $0xC800  }
0xdc8: {  	[sflag:s7] =	ssyncset.done $0x0  }
0xdc9: {  	[sflag:s7] =	ssyncadd.s32 $0xFFFF3800  }
0xdca: {  	v3 =	vld [tilespmem:$0x12C0];
	_ =	sdelay $0x4  }
0xdcb: {  	v51 =	vshll.u32 v3, $0x1  }
0xdcc: {  	v3 =	vand.u32 $0x7, v3;
	v4 =	vand.u32 $0xFFFFFFF0, v51  }
0xdcd: {  	v3 =	vor.u32 v3, v4  }
0xdce: {  	v4 =	vperm.xlane v3, v0;
	_ =	sdelay $0x1  }
0xdcf: {  	v3 =	vperm.xlane v3, v2;
	v4 =	vadd.s32 v1, v4;
	_ =	sdelay $0x1  }
0xdd0: {  	v3 =	vadd.s32 v1, v3;
	_ =	sdelay $0x2  }
0xdd1: {  	[tilespmem:s19], [sflag:$0x1] =	stream.indirect_vreg.gather [hbm4b:s2+s3], $0x80, v4, vm0, $0xb8;
	[tilespmem:$0x1A400] =	vst v63  }
0xdd2: {  	s31 =	simm.s32 $0x1C00  }
0xdd3: {  	[tilespmem:s31], [sflag:$0x1] =	stream.indirect_vreg.gather [hbm4b:s2+s3], $0x80, v3, vm0, $0xb8;
	[tilespmem:$0x1A400] =	vst v63  }
0xdd4: {  	v3 =	vld [tilespmem:$0x12D0];
	_ =	sdelay $0x4  }
0xdd5: {  	v52 =	vshll.u32 v3, $0x1  }
0xdd6: {  	v3 =	vand.u32 $0x7, v3;
	v4 =	vand.u32 $0xFFFFFFF0, v52  }
0xdd7: {  	v3 =	vor.u32 v3, v4  }
0xdd8: {  	v4 =	vperm.xlane v3, v0;
	_ =	sdelay $0x1  }
0xdd9: {  	v3 =	vperm.xlane v3, v2;
	v4 =	vadd.s32 v1, v4;
	_ =	sdelay $0x1  }
0xdda: {  	v3 =	vadd.s32 v1, v3;
	_ =	sdelay $0x1  }
0xddb: {  	s5 =	simm.s32 $0x2400  }
0xddc: {  	[tilespmem:s5], [sflag:$0x1] =	stream.indirect_vreg.gather [hbm4b:s2+s3], $0x80, v4, vm0, $0xb8;
	[tilespmem:$0x1A400] =	vst v63  }
0xddd: {  	s4 =	simm.s32 $0x2C00  }
0xdde: {  	[tilespmem:s4], [sflag:$0x1] =	stream.indirect_vreg.gather [hbm4b:s2+s3], $0x80, v3, vm0, $0xb8;
	[tilespmem:$0x1A400] =	vst v63  }
0xddf: {  	v3 =	vld [tilespmem:$0x12E0];
	_ =	sdelay $0x4  }
0xde0: {  	v53 =	vshll.u32 v3, $0x1  }
0xde1: {  	v3 =	vand.u32 $0x7, v3;
	v4 =	vand.u32 $0xFFFFFFF0, v53  }
0xde2: {  	v3 =	vor.u32 v3, v4  }
0xde3: {  	v4 =	vperm.xlane v3, v0;
	_ =	sdelay $0x1  }
0xde4: {  	v3 =	vperm.xlane v3, v2;
	v4 =	vadd.s32 v1, v4;
	_ =	sdelay $0x1  }
0xde5: {  	v3 =	vadd.s32 v1, v3;
	_ =	sdelay $0x1  }
0xde6: {  	s5 =	simm.s32 $0x3400  }
0xde7: {  	[tilespmem:s5], [sflag:$0x1] =	stream.indirect_vreg.gather [hbm4b:s2+s3], $0x80, v4, vm0, $0xb8;
	[tilespmem:$0x1A400] =	vst v63  }
0xde8: {  	s16 =	simm.s32 $0x3C00  }
0xde9: {  	[tilespmem:s16], [sflag:$0x1] =	stream.indirect_vreg.gather [hbm4b:s2+s3], $0x80, v3, vm0, $0xb8;
	[tilespmem:$0x1A400] =	vst v63  }
0xdea: {  	v3 =	vld [tilespmem:$0x12F0];
	_ =	sdelay $0x4  }
0xdeb: {  	v54 =	vshll.u32 v3, $0x1  }
0xdec: {  	v3 =	vand.u32 $0x7, v3;
	v4 =	vand.u32 $0xFFFFFFF0, v54  }
0xded: {  	v3 =	vor.u32 v3, v4  }
0xdee: {  	v4 =	vperm.xlane v3, v0;
	_ =	sdelay $0x1  }
0xdef: {  	v3 =	vperm.xlane v3, v2;
	v4 =	vadd.s32 v1, v4;
	_ =	sdelay $0x1  }
0xdf0: {  	v3 =	vadd.s32 v1, v3;
	_ =	sdelay $0x1  }
0xdf1: {  	s9 =	simm.s32 $0x4400  }
0xdf2: {  	[tilespmem:s9], [sflag:$0x1] =	stream.indirect_vreg.gather [hbm4b:s2+s3], $0x80, v4, vm0, $0xb8;
	[tilespmem:$0x1A400] =	vst v63  }
0xdf3: {  	s6 =	simm.s32 $0x4C00  }
0xdf4: {  	[tilespmem:s6], [sflag:$0x1] =	stream.indirect_vreg.gather [hbm4b:s2+s3], $0x80, v3, vm0, $0xb8;
	[tilespmem:$0x1A400] =	vst v63  }
0xdf5: {  	v3 =	vld [tilespmem:$0x1300];
	_ =	sdelay $0x4  }
0xdf6: {  	v55 =	vshll.u32 v3, $0x1  }
0xdf7: {  	v3 =	vand.u32 $0x7, v3;
	v4 =	vand.u32 $0xFFFFFFF0, v55  }
0xdf8: {  	v3 =	vor.u32 v3, v4  }
0xdf9: {  	v4 =	vperm.xlane v3, v0;
	_ =	sdelay $0x1  }
0xdfa: {  	v3 =	vperm.xlane v3, v2;
	v4 =	vadd.s32 v1, v4;
	_ =	sdelay $0x1  }
0xdfb: {  	v3 =	vadd.s32 v1, v3;
	_ =	sdelay $0x1  }
0xdfc: {  	s16 =	simm.s32 $0x5400  }
0xdfd: {  	[tilespmem:s16], [sflag:$0x1] =	stream.indirect_vreg.gather [hbm4b:s2+s3], $0x80, v4, vm0, $0xb8;
	[tilespmem:$0x1A400] =	vst v63  }
0xdfe: {  	s10 =	simm.s32 $0x5C00  }
0xdff: {  	[tilespmem:s10], [sflag:$0x1] =	stream.indirect_vreg.gather [hbm4b:s2+s3], $0x80, v3, vm0, $0xb8;
	[tilespmem:$0x1A400] =	vst v63  }
0xe00: {  	v3 =	vld [tilespmem:$0x1310];
	_ =	sdelay $0x4  }
0xe01: {  	v56 =	vshll.u32 v3, $0x1  }
0xe02: {  	v3 =	vand.u32 $0x7, v3;
	v4 =	vand.u32 $0xFFFFFFF0, v56  }
0xe03: {  	v3 =	vor.u32 v3, v4  }
0xe04: {  	v4 =	vperm.xlane v3, v0;
	_ =	sdelay $0x1  }
0xe05: {  	v3 =	vperm.xlane v3, v2;
	v4 =	vadd.s32 v1, v4;
	_ =	sdelay $0x1  }
0xe06: {  	v3 =	vadd.s32 v1, v3;
	_ =	sdelay $0x1  }
0xe07: {  	s18 =	simm.s32 $0x6400  }
0xe08: {  	[tilespmem:s18], [sflag:$0x1] =	stream.indirect_vreg.gather [hbm4b:s2+s3], $0x80, v4, vm0, $0xb8;
	[tilespmem:$0x1A400] =	vst v63  }
0xe09: {  	s11 =	simm.s32 $0x6C00  }
0xe0a: {  	[tilespmem:s11], [sflag:$0x1] =	stream.indirect_vreg.gather [hbm4b:s2+s3], $0x80, v3, vm0, $0xb8;
	[tilespmem:$0x1A400] =	vst v63  }
0xe0b: {  	v3 =	vld [tilespmem:$0x1320];
	_ =	sdelay $0x4  }
0xe0c: {  	v57 =	vshll.u32 v3, $0x1  }
0xe0d: {  	v3 =	vand.u32 $0x7, v3;
	v4 =	vand.u32 $0xFFFFFFF0, v57  }
0xe0e: {  	v3 =	vor.u32 v3, v4  }
0xe0f: {  	v4 =	vperm.xlane v3, v0;
	_ =	sdelay $0x1  }
0xe10: {  	v3 =	vperm.xlane v3, v2;
	v4 =	vadd.s32 v1, v4;
	_ =	sdelay $0x1  }
0xe11: {  	v3 =	vadd.s32 v1, v3;
	_ =	sdelay $0x1  }
0xe12: {  	s20 =	simm.s32 $0x7400  }
0xe13: {  	[tilespmem:s20], [sflag:$0x1] =	stream.indirect_vreg.gather [hbm4b:s2+s3], $0x80, v4, vm0, $0xb8;
	[tilespmem:$0x1A400] =	vst v63  }
0xe14: {  	s12 =	simm.s32 $0x7C00  }
0xe15: {  	[tilespmem:s12], [sflag:$0x1] =	stream.indirect_vreg.gather [hbm4b:s2+s3], $0x80, v3, vm0, $0xb8;
	[tilespmem:$0x1A400] =	vst v63  }
0xe16: {  	v3 =	vld [tilespmem:$0x1330];
	_ =	sdelay $0x4  }
0xe17: {  	v58 =	vshll.u32 v3, $0x1  }
0xe18: {  	v3 =	vand.u32 $0x7, v3;
	v4 =	vand.u32 $0xFFFFFFF0, v58  }
0xe19: {  	v3 =	vor.u32 v3, v4  }
0xe1a: {  	v4 =	vperm.xlane v3, v0;
	_ =	sdelay $0x1  }
0xe1b: {  	v3 =	vperm.xlane v3, v2;
	v4 =	vadd.s32 v1, v4;
	_ =	sdelay $0x1  }
0xe1c: {  	v3 =	vadd.s32 v1, v3;
	_ =	sdelay $0x1  }
0xe1d: {  	s21 =	simm.s32 $0x8400  }
0xe1e: {  	[tilespmem:s21], [sflag:$0x1] =	stream.indirect_vreg.gather [hbm4b:s2+s3], $0x80, v4, vm0, $0xb8;
	[tilespmem:$0x1A400] =	vst v63  }
0xe1f: {  	s13 =	simm.s32 $0x8C00  }
0xe20: {  	[tilespmem:s13], [sflag:$0x1] =	stream.indirect_vreg.gather [hbm4b:s2+s3], $0x80, v3, vm0, $0xb8;
	[tilespmem:$0x1A400] =	vst v63  }
0xe21: {  	v3 =	vld [tilespmem:$0x1340];
	_ =	sdelay $0x4  }
0xe22: {  	v59 =	vshll.u32 v3, $0x1  }
0xe23: {  	v3 =	vand.u32 $0x7, v3;
	v4 =	vand.u32 $0xFFFFFFF0, v59  }
0xe24: {  	v3 =	vor.u32 v3, v4  }
0xe25: {  	v4 =	vperm.xlane v3, v0;
	_ =	sdelay $0x1  }
0xe26: {  	v3 =	vperm.xlane v3, v2;
	v4 =	vadd.s32 v1, v4;
	_ =	sdelay $0x1  }
0xe27: {  	v3 =	vadd.s32 v1, v3;
	_ =	sdelay $0x1  }
0xe28: {  	s22 =	simm.s32 $0x9400  }
0xe29: {  	[tilespmem:s22], [sflag:$0x1] =	stream.indirect_vreg.gather [hbm4b:s2+s3], $0x80, v4, vm0, $0xb8;
	[tilespmem:$0x1A400] =	vst v63  }
0xe2a: {  	s14 =	simm.s32 $0x9C00  }
0xe2b: {  	[tilespmem:s14], [sflag:$0x1] =	stream.indirect_vreg.gather [hbm4b:s2+s3], $0x80, v3, vm0, $0xb8;
	[tilespmem:$0x1A400] =	vst v63  }
0xe2c: {  	v3 =	vld [tilespmem:$0x1350];
	_ =	sdelay $0x4  }
0xe2d: {  	v60 =	vshll.u32 v3, $0x1  }
0xe2e: {  	v3 =	vand.u32 $0x7, v3;
	v4 =	vand.u32 $0xFFFFFFF0, v60  }
0xe2f: {  	v3 =	vor.u32 v3, v4  }
0xe30: {  	v4 =	vperm.xlane v3, v0;
	_ =	sdelay $0x1  }
0xe31: {  	v3 =	vperm.xlane v3, v2;
	v4 =	vadd.s32 v1, v4;
	_ =	sdelay $0x1  }
0xe32: {  	v3 =	vadd.s32 v1, v3;
	_ =	sdelay $0x1  }
0xe33: {  	s23 =	simm.s32 $0xA400  }
0xe34: {  	[tilespmem:s23], [sflag:$0x1] =	stream.indirect_vreg.gather [hbm4b:s2+s3], $0x80, v4, vm0, $0xb8;
	[tilespmem:$0x1A400] =	vst v63  }
0xe35: {  	s15 =	simm.s32 $0xAC00  }
0xe36: {  	[tilespmem:s15], [sflag:$0x1] =	stream.indirect_vreg.gather [hbm4b:s2+s3], $0x80, v3, vm0, $0xb8;
	[tilespmem:$0x1A400] =	vst v63  }
0xe37: {  	v3 =	vld [tilespmem:$0x1360];
	_ =	sdelay $0x4  }
0xe38: {  	v61 =	vshll.u32 v3, $0x1  }
0xe39: {  	v3 =	vand.u32 $0x7, v3;
	v4 =	vand.u32 $0xFFFFFFF0, v61  }
0xe3a: {  	v3 =	vor.u32 v3, v4  }
0xe3b: {  	v4 =	vperm.xlane v3, v0;
	_ =	sdelay $0x1  }
0xe3c: {  	v3 =	vperm.xlane v3, v2;
	v4 =	vadd.s32 v1, v4;
	_ =	sdelay $0x1  }
0xe3d: {  	v3 =	vadd.s32 v1, v3;
	_ =	sdelay $0x1  }
0xe3e: {  	s24 =	simm.s32 $0xB400  }
0xe3f: {  	[tilespmem:s24], [sflag:$0x1] =	stream.indirect_vreg.gather [hbm4b:s2+s3], $0x80, v4, vm0, $0xb8;
	[tilespmem:$0x1A400] =	vst v63  }
0xe40: {  	s25 =	simm.s32 $0xBC00  }
0xe41: {  	[tilespmem:s25], [sflag:$0x1] =	stream.indirect_vreg.gather [hbm4b:s2+s3], $0x80, v3, vm0, $0xb8;
	[tilespmem:$0x1A400] =	vst v63  }
0xe42: {  	v3 =	vld [tilespmem:$0x1370];
	_ =	sdelay $0x4  }
0xe43: {  	v62 =	vshll.u32 v3, $0x1  }
0xe44: {  	v3 =	vand.u32 $0x7, v3;
	v4 =	vand.u32 $0xFFFFFFF0, v62  }
0xe45: {  	v3 =	vor.u32 v3, v4  }
0xe46: {  	v4 =	vperm.xlane v3, v0;
	_ =	sdelay $0x1  }
0xe47: {  	v3 =	vperm.xlane v3, v2;
	v4 =	vadd.s32 v1, v4;
	_ =	sdelay $0x1  }
0xe48: {  	v3 =	vadd.s32 v1, v3;
	_ =	sdelay $0x1  }
0xe49: {  	s26 =	simm.s32 $0xC400  }
0xe4a: {  	[tilespmem:s26], [sflag:$0x1] =	stream.indirect_vreg.gather [hbm4b:s2+s3], $0x80, v4, vm0, $0xb8;
	[tilespmem:$0x1A400] =	vst v63  }
0xe4b: {  	s29 =	simm.s32 $0xCC00  }
0xe4c: {  	[tilespmem:s29], [sflag:$0x1] =	stream.indirect_vreg.gather [hbm4b:s2+s3], $0x80, v3, vm0, $0xb8;
	[tilespmem:$0x1A400] =	vst v63  }
0xe4d: {  	v3 =	vld.msk [tilespmem:$0x1380], $0xff;
	_ =	sdelay $0x4  }
0xe4e: {  	v63 =	vshll.u32 v3, $0x1  }
0xe4f: {  	v3 =	vand.u32 $0x7, v3;
	v4 =	vand.u32 $0xFFFFFFF0, v63  }
0xe50: {  	v3 =	vor.u32 v3, v4  }
0xe51: {  	v3 =	vperm.xlane v3, v0;
	_ =	sdelay $0x1  }
0xe52: {  	v3 =	vadd.s32 v1, v3;
	_ =	sdelay $0x3  }
0xe53: {  	s30 =	simm.s32 $0xD400  }
0xe54: {  	[tilespmem:s30], [sflag:$0x1] =	stream.indirect_vreg.gather [hbm4b:s2+s3], $0x80, v3, vm0, $0xb8;
	[tilespmem:$0x1A400] =	vst v63  }
0xe55: {  	s28 =	rddreg [dreg:$0x1d];
	_ =	swait.ge [sflag:s1], $0xC800  }
0xe56: {  	[sflag:s1] =	ssyncset.done $0x0  }
0xe57: {  	s31 =	rddreg [dreg:$0x1c];
	[sflag:s1] =	ssyncadd.s32 $0xFFFF3800  }
0xe58: {  	[hbm4b:s31+s3] =	stream.linear.scatter [tilespmem:s19], [sflag:$0x3], $0xC800, $0x38;
	[tilespmem:$0x1A400] =	vst v63  }
0xe59: {  	p0 =	sne.s32 s28, $0x1;
	_ =	swait.ge [sflag:s7], $0xC800  }
.Ltmp0:
0xe5a: {  	[sflag:s7] =	ssyncset.done $0x0;
	(pc) =	sbr.rel @p0 .LBB2_1-.Ltmp0, $4  }
0xe5b: {  	[sflag:s7] =	ssyncadd.s32 $0xFFFF3800  }
0xe5c: {  	_ =	swait.ge [sflag:s8], $0xC800  }
0xe5d: {  	[sflag:s8] =	ssyncset.done $0x0  }
0xe5e: {  	s4 =	sadd.s32 $0xFFFFFFFF, s28;
	[sflag:s8] =	ssyncadd.s32 $0xFFFF3800  }
0xe5f: {  	_ =	sfence.sel $0x180000  }
0xe60: {  	[bflag:$0x0] =	sbarrier.arrive $0xFFFF  }
0xe61: {  	_ =	strace $0x90000047  }
0xe62: {  	s0 =	stileid.u32;
	[bflag:$0x2] =	sbarrier.arrive $0xFFFF  }
0xe63: {  	p0 =	sne.s32 s0, $0x0;
	s0 =	rddreg [dreg:$0x2]  }
0xe64: {  	s0 =	sadd.s32 @!p0 $0x100000, s0  }
0xe65: {  	[sflag:s0] =	ssyncadd.tile.s32 @!p0 $0x1;
	_ =	shalt  }
.Lfunc_end2:
_tile_overlayer_lowered:
.L_overlay_start_2:
0xe66: {  	(tag) =	ssettag $0x2  }
0xe67: {  	s0 =	rddreg [dreg:$0x0];
	s2 =	stileid.u32  }
0xe68: {  	s1 =	rddreg [dreg:$0x1];
	p0 =	sne.s32 s2, $0x0  }
0xe69: {  	s3 =	rddreg [dreg:$0x2];
	[bflag:$0x3] =	sbarrier.arrive $0xFFFF;
	s2 =	simm.s32 @!p0 $0x1C05  }
0xe6a: {  	[timem:s3], [sflag:s2] =	dma.local @!p0 [hbm:s0], s1  }
0xe6b: {  	s0 =	simm.s32 @!p0 $0x5  }
0xe6c: {  	_ =	swait.ge @!p0 [sflag:s0], s1  }
0xe6d: {  	s1 =	ssub.s32 @!p0 $0x0, s1;
	[sflag:s0] =	ssyncset.done @!p0 $0x0  }
0xe6e: {  	[sflag:s0] =	ssyncadd.s32 @!p0 s1  }
0xe6f: {  	[bflag:$0x3] =	sbarrier.arrive $0xFFFF  }
0xe70: {  	_ =	shalt  }

</sc_bundles>
